<compile_context>
chip_gen: v7x
topology: tpu7x:2x2x1
jax: 0.10.2.dev20260603
libtpu: 0.0.44.dev20260713+nightly
codegen_flags: <defaults>
</compile_context>

<pallas_src>
import functools

import numpy as np
import jax
import jax.numpy as jnp
from jax import lax
from jax.experimental import pallas as pl
from jax.experimental.pallas import tpu as pltpu
from jax.experimental.pallas import tpu_sc as plsc

N = 10000
E = 320000
D = 128

_BN = 2000
_NB_N = N // _BN
_BE = 3200
_NB_E = E // _BE

_NC = 2
_NS = 16
_NW = _NC * _NS
_EPW = E // _NW
_C = 80
_JPW = _EPW // _C
_PAIRS = (_JPW - 1) // 2

_RBASE = 624
_RZC = 104

_LOG1E4 = float(np.log(10000.0))


def _sincos_t(vals_row):
    i = lax.broadcasted_iota(jnp.int32, (D // 2, 1), 0).astype(jnp.float32)
    freqs = jnp.exp(-_LOG1E4 * i / (D // 2))
    x = freqs * vals_row
    y = x * x
    s = x * (1.0 + y * (-1.0 / 6.0 + y * (1.0 / 120.0 + y * (-1.0 / 5040.0))))
    c = 1.0 + y * (-0.5 + y * (1.0 / 24.0 + y * (-1.0 / 720.0)))
    return s, c


def _dot0(a_t, b):
    return lax.dot_general(a_t, b, (((0,), (0,)), ((), ())),
                           preferred_element_type=jnp.float32)


def _node_pre_body(x_ref, x0_ref, win_ref, bin_ref, wmsg_ref, bmsg_ref,
                   h_ref, p_ref):
    xb = x_ref[...]
    sb = xb + x0_ref[...]
    win = win_ref[...]
    h_ref[...] = jnp.dot(xb, win, preferred_element_type=jnp.float32) + bin_ref[...]
    g = jnp.dot(sb, win, preferred_element_type=jnp.float32) + 2.0 * bin_ref[...]
    p_ref[...] = jnp.dot(g, wmsg_ref[...], preferred_element_type=jnp.float32) + bmsg_ref[...]


def _edge_q_body(el_ref, wtop_ref, wbot_ref, q_ref):
    s, c = _sincos_t(el_ref[0])
    q_ref[...] = _dot0(s, wtop_ref[...]) + _dot0(c, wbot_ref[...])


def _final_body(h_ref, a0_ref, a1_ref, t_ref, wself_ref, wtt_ref, wtb_ref,
                bt_ref, wout_ref, bout_ref, o_ref):
    s, c = _sincos_t(t_ref[0])
    s = s / (1.0 + jnp.exp(-s))
    c = c / (1.0 + jnp.exp(-c))
    mod = _dot0(s, wtt_ref[...]) + _dot0(c, wtb_ref[...]) + bt_ref[...]
    scale = mod[:, :D]
    shift = mod[:, D:]
    agg = a0_ref[...] + a1_ref[...]
    y = h_ref[...] + jnp.dot(agg, wself_ref[...], preferred_element_type=jnp.float32)
    y = y * (1.0 + scale) + shift
    o_ref[...] = jnp.dot(y, wout_ref[...], preferred_element_type=jnp.float32) + bout_ref[...]


def _sc_gather_silu_scatter(p_hbm, q_hbm, src_hbm, dst_hbm, out_hbm,
                            srcv0, srcv1, dstv0, dstv1,
                            rows0, rows1, qv0, qv1,
                            aggsh, gsem0, gsem1, qsem0, qsem1, ssem0, ssem1,
                            sisem0, sisem1, disem0, disem1):
    cid = lax.axis_index("c")
    sid = lax.axis_index("s")
    wid = cid * _NS + sid
    srcv = (srcv0, srcv1)
    dstv = (dstv0, dstv1)
    rows = (rows0, rows1)
    qv = (qv0, qv1)
    gsem = (gsem0, gsem1)
    qsem = (qsem0, qsem1)
    ssem = (ssem0, ssem1)
    sisem = (sisem0, sisem1)
    disem = (disem0, disem1)

    def _zrow(r, carry):
        for g in range(D // 16):
            qv0[r, pl.ds(g * 16, 16)] = jnp.zeros((16,), jnp.float32)
        return carry

    lax.fori_loop(0, _C, _zrow, 0)
    r0 = sid * _RBASE + 8 * jnp.minimum(sid, 2)
    for k in range(7):
        pltpu.sync_copy(qv0.at[pl.ds(0, _C)],
                        aggsh.at[pl.ds(r0 + k * _C, _C)])
    pltpu.sync_copy(qv0.at[pl.ds(0, 64)],
                    aggsh.at[pl.ds(r0 + 7 * _C, 64)])

    @pl.when(sid < 2)
    def _zero_tail():
        pltpu.sync_copy(qv0.at[pl.ds(0, 8)],
                        aggsh.at[pl.ds(r0 + _RBASE, 8)])

    plsc.subcore_barrier()

    ebase = wid * _EPW

    def issue_src_idx(j, par):
        pltpu.async_copy(src_hbm.at[pl.ds(ebase + j * _C, _C)], srcv[par],
                         sisem[par])

    def wait_src_idx(par):
        pltpu.make_async_copy(src_hbm.at[pl.ds(0, _C)], srcv[par],
                              sisem[par]).wait()

    def issue_dst_idx(j, par):
        pltpu.async_copy(dst_hbm.at[pl.ds(ebase + j * _C, _C)], dstv[par],
                         disem[par])

    def wait_dst_idx(par):
        pltpu.make_async_copy(dst_hbm.at[pl.ds(0, _C)], dstv[par],
                              disem[par]).wait()

    def issue(j, par):
        pltpu.async_copy(p_hbm.at[srcv[par]], rows[par], gsem[par])
        pltpu.async_copy(q_hbm.at[pl.ds(ebase + j * _C, _C)], qv[par], qsem[par])

    def wait_in(par):
        pltpu.make_async_copy(p_hbm.at[srcv[par]], rows[par], gsem[par]).wait()
        pltpu.make_async_copy(q_hbm.at[pl.ds(0, _C)], qv[par], qsem[par]).wait()

    def compute(par):
        rb = rows[par]
        qb = qv[par]

        @plsc.parallel_loop(0, _C, unroll=2)
        def _row(r):
            for g in range(D // 16):
                sl = pl.ds(g * 16, 16)
                m = rb[r, sl] + qb[r, sl]
                qb[r, sl] = m / (1.0 + jnp.exp(-m))

    def scatter(par):
        pltpu.async_copy(qv[par], aggsh.at[dstv[par]], ssem[par], add=True)

    def wait_scatter(par):
        pltpu.make_async_copy(qv[par], aggsh.at[dstv[par]], ssem[par]).wait()

    issue_src_idx(0, 0)
    issue_dst_idx(0, 0)
    issue_src_idx(1, 1)
    issue_dst_idx(1, 1)
    wait_src_idx(0)
    issue(0, 0)
    wait_src_idx(1)
    issue(1, 1)

    def pair(jj, carry):
        c0 = jj * 2
        wait_in(0)

        @pl.when(c0 + 2 < _JPW)
        def _si0():
            issue_src_idx(c0 + 2, 0)

        compute(0)
        wait_dst_idx(0)
        scatter(0)
        wait_in(1)

        @pl.when(c0 + 3 < _JPW)
        def _si1():
            issue_src_idx(c0 + 3, 1)

        compute(1)
        wait_scatter(0)

        @pl.when(c0 + 2 < _JPW)
        def _pf0():
            issue_dst_idx(c0 + 2, 0)
            wait_src_idx(0)
            issue(c0 + 2, 0)

        wait_dst_idx(1)
        scatter(1)
        wait_scatter(1)

        @pl.when(c0 + 3 < _JPW)
        def _pf1():
            issue_dst_idx(c0 + 3, 1)
            wait_src_idx(1)
            issue(c0 + 3, 1)

        return carry

    lax.fori_loop(0, _PAIRS, pair, 0)

    wait_in(0)
    compute(0)
    wait_dst_idx(0)
    scatter(0)
    wait_scatter(0)
    plsc.subcore_barrier()

    pltpu.sync_copy(aggsh.at[pl.ds(r0, _RBASE)],
                    out_hbm.at[cid, pl.ds(r0, _RBASE)])

    @pl.when(sid < 2)
    def _write_tail():
        pltpu.sync_copy(aggsh.at[pl.ds(r0 + _RBASE, 8)],
                        out_hbm.at[cid, pl.ds(r0 + _RBASE, 8)])


def kernel(x, x_0, edge_index, edge_length, t, W_in, b_in, W_msg, b_msg,
           W_self, W_t, b_t, W_out, b_out):
    src = edge_index[0]
    dst = edge_index[1]
    el2 = edge_length.reshape(_NB_E, 1, _BE)
    t2 = t.reshape(_NB_N, 1, _BN)
    b_in2 = b_in.reshape(1, D)
    b_msg2 = b_msg.reshape(1, D)
    b_t2 = b_t.reshape(1, 2 * D)
    b_out2 = b_out.reshape(1, D)
    w_msg_top = W_msg[:D // 2]
    w_msg_bot = W_msg[D // 2:]
    w_t_top = W_t[:D // 2]
    w_t_bot = W_t[D // 2:]

    h, p = pl.pallas_call(
        _node_pre_body,
        grid=(_NB_N,),
        in_specs=[
            pl.BlockSpec((_BN, D), lambda i: (i, 0)),
            pl.BlockSpec((_BN, D), lambda i: (i, 0)),
            pl.BlockSpec((D, D), lambda i: (0, 0)),
            pl.BlockSpec((1, D), lambda i: (0, 0)),
            pl.BlockSpec((D, D), lambda i: (0, 0)),
            pl.BlockSpec((1, D), lambda i: (0, 0)),
        ],
        out_specs=[
            pl.BlockSpec((_BN, D), lambda i: (i, 0)),
            pl.BlockSpec((_BN, D), lambda i: (i, 0)),
        ],
        out_shape=[
            jax.ShapeDtypeStruct((N, D), jnp.float32),
            jax.ShapeDtypeStruct((N, D), jnp.float32),
        ],
    )(x, x_0, W_in, b_in2, W_msg, b_msg2)

    q = pl.pallas_call(
        _edge_q_body,
        grid=(_NB_E,),
        in_specs=[
            pl.BlockSpec((1, 1, _BE), lambda i: (i, 0, 0)),
            pl.BlockSpec((D // 2, D), lambda i: (0, 0)),
            pl.BlockSpec((D // 2, D), lambda i: (0, 0)),
        ],
        out_specs=pl.BlockSpec((_BE, D), lambda i: (i, 0)),
        out_shape=jax.ShapeDtypeStruct((E, D), jnp.float32),
    )(el2, w_msg_top, w_msg_bot)

    sc_call = functools.partial(
        pl.kernel,
        mesh=plsc.VectorSubcoreMesh(core_axis_name="c", subcore_axis_name="s"),
        out_type=jax.ShapeDtypeStruct((_NC, N, D), jnp.float32),
        scratch_types=[
            pltpu.VMEM((_C,), jnp.int32),
            pltpu.VMEM((_C,), jnp.int32),
            pltpu.VMEM((_C,), jnp.int32),
            pltpu.VMEM((_C,), jnp.int32),
            pltpu.VMEM((_C, D), jnp.float32),
            pltpu.VMEM((_C, D), jnp.float32),
            pltpu.VMEM((_C, D), jnp.float32),
            pltpu.VMEM((_C, D), jnp.float32),
            pltpu.VMEM_SHARED((N, D), jnp.float32),
        ] + [pltpu.SemaphoreType.DMA] * 10,
    )(_sc_gather_silu_scatter)
    agg2 = sc_call(p, q, src, dst)

    out = pl.pallas_call(
        _final_body,
        grid=(_NB_N,),
        in_specs=[
            pl.BlockSpec((_BN, D), lambda i: (i, 0)),
            pl.BlockSpec((_BN, D), lambda i: (i, 0)),
            pl.BlockSpec((_BN, D), lambda i: (i, 0)),
            pl.BlockSpec((1, 1, _BN), lambda i: (i, 0, 0)),
            pl.BlockSpec((D, D), lambda i: (0, 0)),
            pl.BlockSpec((D // 2, 2 * D), lambda i: (0, 0)),
            pl.BlockSpec((D // 2, 2 * D), lambda i: (0, 0)),
            pl.BlockSpec((1, 2 * D), lambda i: (0, 0)),
            pl.BlockSpec((D, D), lambda i: (0, 0)),
            pl.BlockSpec((1, D), lambda i: (0, 0)),
        ],
        out_specs=pl.BlockSpec((_BN, D), lambda i: (i, 0)),
        out_shape=jax.ShapeDtypeStruct((N, D), jnp.float32),
    )(h, agg2[0], agg2[1], t2, W_self, w_t_top, w_t_bot, b_t2, W_out, b_out2)

    return out

# --- scband reference (transcript-rebuilt; emitter-appended) ---
"""Pipeline reference for scband-eda-27427661152383 (READ-ONLY COPY).

The authoritative reference and input builder live on the scoring server;
editing this copy changes nothing except your own understanding.
"""

import jax, jax.numpy as jnp
import numpy as np

N = 10000
E = 320000
D = 128


def sinusoidal_embedding(vals, dim, max_val=1.0):
    half = dim // 2
    freqs = jnp.exp(-np.log(10000.0) * jnp.arange(half, dtype=jnp.float32) / half)
    args = (vals / max_val)[:, None] * freqs[None, :]
    return jnp.concatenate([jnp.sin(args), jnp.cos(args)], axis=-1)


def setup_inputs(seed: int = 0):
    key = jax.random.key(seed)
    ks = jax.random.split(key, 12)
    s = 1.0 / np.sqrt(D)
    x = jax.random.normal(ks[0], (N, D), dtype=jnp.float32)
    x_0 = jax.random.normal(ks[1], (N, D), dtype=jnp.float32)
    edge_index = jax.random.randint(ks[2], (2, E), 0, N, dtype=jnp.int32)
    edge_length = jax.random.uniform(ks[3], (E,), dtype=jnp.float32)
    t = jax.random.uniform(ks[4], (N,), dtype=jnp.float32)
    W_in = jax.random.normal(ks[5], (D, D), dtype=jnp.float32) * s
    b_in = jnp.zeros((D,), dtype=jnp.float32)
    W_msg = jax.random.normal(ks[6], (D, D), dtype=jnp.float32) * s
    b_msg = jnp.zeros((D,), dtype=jnp.float32)
    W_self = jax.random.normal(ks[7], (D, D), dtype=jnp.float32) * s
    W_t = jax.random.normal(ks[8], (D, 2 * D), dtype=jnp.float32) * s
    b_t = jnp.zeros((2 * D,), dtype=jnp.float32)
    W_out = jax.random.normal(ks[9], (D, D), dtype=jnp.float32) * s
    b_out = jnp.zeros((D,), dtype=jnp.float32)
    return {"x": x, "x_0": x_0, "edge_index": edge_index, "edge_length": edge_length, "t": t,
            "W_in": W_in, "b_in": b_in, "W_msg": W_msg, "b_msg": b_msg, "W_self": W_self,
            "W_t": W_t, "b_t": b_t, "W_out": W_out, "b_out": b_out}


def reference(x, x_0, edge_index, edge_length, t, W_in, b_in, W_msg, b_msg, W_self, W_t, b_t, W_out, b_out):
    # Eda-style dataflow: input embedding, timestep embedding -> adaLN modulation,
    # edge sinusoidal embedding, gather src features along edges, message MLP,
    # scatter-add aggregation onto dst nodes, residual + final projection.
    src = edge_index[0]
    dst = edge_index[1]
    h = x @ W_in + b_in            # input_emb (Linear_p)
    h0 = x_0 @ W_in + b_in
    # TimestepEmbedder: sinusoidal + MLP -> adaLN (scale, shift)
    t_emb = sinusoidal_embedding(t, D)
    mod = jax.nn.silu(t_emb) @ W_t + b_t
    scale, shift = jnp.split(mod, 2, axis=-1)
    # SinusoidalPositionEmbeddings on edge lengths
    edge_emb = sinusoidal_embedding(edge_length, D, max_val=1.0)
    # propagate: gather source node features to edges (memory-bound gather)
    msg = jax.nn.silu((h[src] + h0[src] + edge_emb) @ W_msg + b_msg)
    # aggregate messages at destination nodes (memory-bound scatter-add)
    agg = jax.ops.segment_sum(msg, dst, num_segments=N)
    y = h + agg @ W_self
    y = y * (1.0 + scale) + shift   # adaLN modulation
    out = y @ W_out + b_out         # final_layer
    return out

if __name__ == "__main__":
    import jax
    _d = setup_inputs()
    print(jax.jit(kernel)(*tuple(_d.values())))

</pallas_src>

<mosaic_0001>
#map = affine_map<(d0, d1) -> (0, 0)>
#map1 = affine_map<(d0, d1) -> (0)>
#map2 = affine_map<(d0, d1) -> (0, 0, 0)>
module attributes {stable_mosaic.version = 14 : i64} {
  func.func @_sc_gather_silu_scatter(%arg0: i32, %arg1: i32, %arg2: memref<10000x128xf32, #tpu.memory_space<hbm>>, %arg3: memref<320000x128xf32, #tpu.memory_space<hbm>>, %arg4: memref<320000xi32, #tpu.memory_space<hbm>>, %arg5: memref<320000xi32, #tpu.memory_space<hbm>>, %arg6: memref<2x10000x128xf32, #tpu.memory_space<hbm>>, %arg7: memref<80xi32, #tpu.memory_space<vmem>>, %arg8: memref<80xi32, #tpu.memory_space<vmem>>, %arg9: memref<80xi32, #tpu.memory_space<vmem>>, %arg10: memref<80xi32, #tpu.memory_space<vmem>>, %arg11: memref<80x128xf32, #tpu.memory_space<vmem>>, %arg12: memref<80x128xf32, #tpu.memory_space<vmem>>, %arg13: memref<80x128xf32, #tpu.memory_space<vmem>>, %arg14: memref<80x128xf32, #tpu.memory_space<vmem>>, %arg15: memref<10000x128xf32, #tpu.memory_space<vmem_shared>>, %arg16: memref<!tpu.dma_semaphore, #tpu.memory_space<semaphore_mem>>, %arg17: memref<!tpu.dma_semaphore, #tpu.memory_space<semaphore_mem>>, %arg18: memref<!tpu.dma_semaphore, #tpu.memory_space<semaphore_mem>>, %arg19: memref<!tpu.dma_semaphore, #tpu.memory_space<semaphore_mem>>, %arg20: memref<!tpu.dma_semaphore, #tpu.memory_space<semaphore_mem>>, %arg21: memref<!tpu.dma_semaphore, #tpu.memory_space<semaphore_mem>>, %arg22: memref<!tpu.dma_semaphore, #tpu.memory_space<semaphore_mem>>, %arg23: memref<!tpu.dma_semaphore, #tpu.memory_space<semaphore_mem>>, %arg24: memref<!tpu.dma_semaphore, #tpu.memory_space<semaphore_mem>>, %arg25: memref<!tpu.dma_semaphore, #tpu.memory_space<semaphore_mem>>) attributes {dimension_semantics = [#tpu.dimension_semantics<core_parallel>, #tpu.dimension_semantics<subcore_parallel>], iteration_bounds = array<i64: 2, 16>, scalar_prefetch = 0 : i64, scratch_operands = 19 : i64, tpu.core_type = #tpu.core_type<sc_vector_subcore>, window_params = [{transform_indices = #map}, {transform_indices = #map}, {transform_indices = #map1}, {transform_indices = #map1}, {transform_indices = #map2}]} {
    %mul3A = arith.constant 16 : i32
    %mul3A_0 = arith.muli %arg0, %mul3A : i32
    %add3A = arith.addi %mul3A_0, %arg1 : i32
    %scan3A = arith.constant 0 : i32
    %scan3A_1 = arith.constant 0 : i32
    %scan3A_2 = arith.constant 80 : i32
    %scan3A_3 = arith.addi %scan3A_1, %scan3A_2 : i32
    %scan3A_4 = arith.constant 1 : i32
    scf.for %scan3A_105 = %scan3A_1 to %scan3A_3 step %scan3A_4  : i32 {
      %broadcast_in_dim3A = arith.constant 0.000000e+00 : f32
      %broadcast_in_dim3A_106 = vector.broadcast %broadcast_in_dim3A : f32 to vector<16xf32>
      %swap3A = arith.index_cast %scan3A_105 : i32 to index
      %swap3A_107 = arith.constant 0 : index
      %swap3A_108 = tpu.vector_load %arg13[%swap3A, %swap3A_107] {strides = array<i32>} : memref<80x128xf32, #tpu.memory_space<vmem>>, vector<1x16xf32>,
      %swap3A_109 = vector.shape_cast %swap3A_108 : vector<1x16xf32> to vector<16xf32>
      %swap3A_110 = vector.shape_cast %broadcast_in_dim3A_106 : vector<16xf32> to vector<1x16xf32>
      tpu.vector_store %arg13[%swap3A, %swap3A_107], %swap3A_110 {strides = array<i32>} : memref<80x128xf32, #tpu.memory_space<vmem>>, vector<1x16xf32>,
      %broadcast_in_dim3A_111 = arith.constant 0.000000e+00 : f32
      %broadcast_in_dim3A_112 = vector.broadcast %broadcast_in_dim3A_111 : f32 to vector<16xf32>
      %swap3A_113 = arith.index_cast %scan3A_105 : i32 to index
      %swap3A_114 = arith.constant 16 : index
      %swap3A_115 = tpu.vector_load %arg13[%swap3A_113, %swap3A_114] {strides = array<i32>} : memref<80x128xf32, #tpu.memory_space<vmem>>, vector<1x16xf32>,
      %swap3A_116 = vector.shape_cast %swap3A_115 : vector<1x16xf32> to vector<16xf32>
      %swap3A_117 = vector.shape_cast %broadcast_in_dim3A_112 : vector<16xf32> to vector<1x16xf32>
      tpu.vector_store %arg13[%swap3A_113, %swap3A_114], %swap3A_117 {strides = array<i32>} : memref<80x128xf32, #tpu.memory_space<vmem>>, vector<1x16xf32>,
      %broadcast_in_dim3A_118 = arith.constant 0.000000e+00 : f32
      %broadcast_in_dim3A_119 = vector.broadcast %broadcast_in_dim3A_118 : f32 to vector<16xf32>
      %swap3A_120 = arith.index_cast %scan3A_105 : i32 to index
      %swap3A_121 = arith.constant 32 : index
      %swap3A_122 = tpu.vector_load %arg13[%swap3A_120, %swap3A_121] {strides = array<i32>} : memref<80x128xf32, #tpu.memory_space<vmem>>, vector<1x16xf32>,
      %swap3A_123 = vector.shape_cast %swap3A_122 : vector<1x16xf32> to vector<16xf32>
      %swap3A_124 = vector.shape_cast %broadcast_in_dim3A_119 : vector<16xf32> to vector<1x16xf32>
      tpu.vector_store %arg13[%swap3A_120, %swap3A_121], %swap3A_124 {strides = array<i32>} : memref<80x128xf32, #tpu.memory_space<vmem>>, vector<1x16xf32>,
      %broadcast_in_dim3A_125 = arith.constant 0.000000e+00 : f32
      %broadcast_in_dim3A_126 = vector.broadcast %broadcast_in_dim3A_125 : f32 to vector<16xf32>
      %swap3A_127 = arith.index_cast %scan3A_105 : i32 to index
      %swap3A_128 = arith.constant 48 : index
      %swap3A_129 = tpu.vector_load %arg13[%swap3A_127, %swap3A_128] {strides = array<i32>} : memref<80x128xf32, #tpu.memory_space<vmem>>, vector<1x16xf32>,
      %swap3A_130 = vector.shape_cast %swap3A_129 : vector<1x16xf32> to vector<16xf32>
      %swap3A_131 = vector.shape_cast %broadcast_in_dim3A_126 : vector<16xf32> to vector<1x16xf32>
      tpu.vector_store %arg13[%swap3A_127, %swap3A_128], %swap3A_131 {strides = array<i32>} : memref<80x128xf32, #tpu.memory_space<vmem>>, vector<1x16xf32>,
      %broadcast_in_dim3A_132 = arith.constant 0.000000e+00 : f32
      %broadcast_in_dim3A_133 = vector.broadcast %broadcast_in_dim3A_132 : f32 to vector<16xf32>
      %swap3A_134 = arith.index_cast %scan3A_105 : i32 to index
      %swap3A_135 = arith.constant 64 : index
      %swap3A_136 = tpu.vector_load %arg13[%swap3A_134, %swap3A_135] {strides = array<i32>} : memref<80x128xf32, #tpu.memory_space<vmem>>, vector<1x16xf32>,
      %swap3A_137 = vector.shape_cast %swap3A_136 : vector<1x16xf32> to vector<16xf32>
      %swap3A_138 = vector.shape_cast %broadcast_in_dim3A_133 : vector<16xf32> to vector<1x16xf32>
      tpu.vector_store %arg13[%swap3A_134, %swap3A_135], %swap3A_138 {strides = array<i32>} : memref<80x128xf32, #tpu.memory_space<vmem>>, vector<1x16xf32>,
      %broadcast_in_dim3A_139 = arith.constant 0.000000e+00 : f32
      %broadcast_in_dim3A_140 = vector.broadcast %broadcast_in_dim3A_139 : f32 to vector<16xf32>
      %swap3A_141 = arith.index_cast %scan3A_105 : i32 to index
      %swap3A_142 = arith.constant 80 : index
      %swap3A_143 = tpu.vector_load %arg13[%swap3A_141, %swap3A_142] {strides = array<i32>} : memref<80x128xf32, #tpu.memory_space<vmem>>, vector<1x16xf32>,
      %swap3A_144 = vector.shape_cast %swap3A_143 : vector<1x16xf32> to vector<16xf32>
      %swap3A_145 = vector.shape_cast %broadcast_in_dim3A_140 : vector<16xf32> to vector<1x16xf32>
      tpu.vector_store %arg13[%swap3A_141, %swap3A_142], %swap3A_145 {strides = array<i32>} : memref<80x128xf32, #tpu.memory_space<vmem>>, vector<1x16xf32>,
      %broadcast_in_dim3A_146 = arith.constant 0.000000e+00 : f32
      %broadcast_in_dim3A_147 = vector.broadcast %broadcast_in_dim3A_146 : f32 to vector<16xf32>
      %swap3A_148 = arith.index_cast %scan3A_105 : i32 to index
      %swap3A_149 = arith.constant 96 : index
      %swap3A_150 = tpu.vector_load %arg13[%swap3A_148, %swap3A_149] {strides = array<i32>} : memref<80x128xf32, #tpu.memory_space<vmem>>, vector<1x16xf32>,
      %swap3A_151 = vector.shape_cast %swap3A_150 : vector<1x16xf32> to vector<16xf32>
      %swap3A_152 = vector.shape_cast %broadcast_in_dim3A_147 : vector<16xf32> to vector<1x16xf32>
      tpu.vector_store %arg13[%swap3A_148, %swap3A_149], %swap3A_152 {strides = array<i32>} : memref<80x128xf32, #tpu.memory_space<vmem>>, vector<1x16xf32>,
      %broadcast_in_dim3A_153 = arith.constant 0.000000e+00 : f32
      %broadcast_in_dim3A_154 = vector.broadcast %broadcast_in_dim3A_153 : f32 to vector<16xf32>
      %swap3A_155 = arith.index_cast %scan3A_105 : i32 to index
      %swap3A_156 = arith.constant 112 : index
      %swap3A_157 = tpu.vector_load %arg13[%swap3A_155, %swap3A_156] {strides = array<i32>} : memref<80x128xf32, #tpu.memory_space<vmem>>, vector<1x16xf32>,
      %swap3A_158 = vector.shape_cast %swap3A_157 : vector<1x16xf32> to vector<16xf32>
      %swap3A_159 = vector.shape_cast %broadcast_in_dim3A_154 : vector<16xf32> to vector<1x16xf32>
      tpu.vector_store %arg13[%swap3A_155, %swap3A_156], %swap3A_159 {strides = array<i32>} : memref<80x128xf32, #tpu.memory_space<vmem>>, vector<1x16xf32>,
    }
    %scan3A_5 = arith.constant 80 : i32
    %mul3A_6 = arith.constant 624 : i32
    %mul3A_7 = arith.muli %arg1, %mul3A_6 : i32
    %min3A = arith.constant 2 : i32
    %min3A_8 = arith.minsi %arg1, %min3A : i32
    %mul3A_9 = arith.constant 8 : i32
    %mul3A_10 = arith.muli %mul3A_9, %min3A_8 : i32
    %add3A_11 = arith.addi %mul3A_7, %mul3A_10 : i32
    %add3A_12 = arith.constant 0 : i32
    %add3A_13 = arith.addi %add3A_11, %add3A_12 : i32
    "tpu.region"() ({
      %run_scoped3A = tpu.sem_alloc : memref<!tpu.dma_semaphore, #tpu.memory_space<semaphore_mem>>
      %dma_start3A_105 = arith.constant 0 : i32
      %dma_start3A_106 = arith.constant 0 : i32
      %dma_start3A_107 = tpu.memref_slice %arg13[%dma_start3A_105, %dma_start3A_106] : memref<80x128xf32, #tpu.memory_space<vmem>> -> memref<80x128xf32, #tpu.memory_space<vmem>>
      %dma_start3A_108 = arith.constant 0 : i32
      %dma_start3A_109 = tpu.memref_slice %arg15[%add3A_13, %dma_start3A_108] : memref<10000x128xf32, #tpu.memory_space<vmem_shared>> -> memref<80x128xf32, #tpu.memory_space<vmem_shared>>
      %dma_start3A_110 = arith.constant 0 : i32
      %dma_start3A_111 = tpu.memref_slice %arg15[%add3A_13, %dma_start3A_110] : memref<10000x128xf32, #tpu.memory_space<vmem_shared>> -> memref<80x128xf32, #tpu.memory_space<vmem_shared>>
      %dma_start3A_112 = arith.constant 0 : i32
      %dma_start3A_113 = arith.constant 0 : i32
      %dma_start3A_114 = tpu.memref_slice %arg13[%dma_start3A_112, %dma_start3A_113] : memref<80x128xf32, #tpu.memory_space<vmem>> -> memref<80x128xf32, #tpu.memory_space<vmem>>
      tpu.enqueue_dma source(%dma_start3A_114 : memref<80x128xf32, #tpu.memory_space<vmem>>) target(%dma_start3A_111 : memref<80x128xf32, #tpu.memory_space<vmem_shared>>) target_semaphore(%run_scoped3A : memref<!tpu.dma_semaphore, #tpu.memory_space<semaphore_mem>>)
      %dma_wait3A_115 = arith.constant 0 : i32
      %dma_wait3A_116 = arith.constant 0 : i32
      %dma_wait3A_117 = tpu.memref_slice %arg13[%dma_wait3A_115, %dma_wait3A_116] : memref<80x128xf32, #tpu.memory_space<vmem>> -> memref<80x128xf32, #tpu.memory_space<vmem>>
      %dma_wait3A_118 = arith.constant 0 : i32
      %dma_wait3A_119 = tpu.memref_slice %arg15[%add3A_13, %dma_wait3A_118] : memref<10000x128xf32, #tpu.memory_space<vmem_shared>> -> memref<80x128xf32, #tpu.memory_space<vmem_shared>>
      %dma_wait3A_120 = arith.constant 0 : i32
      %dma_wait3A_121 = tpu.memref_slice %arg15[%add3A_13, %dma_wait3A_120] : memref<10000x128xf32, #tpu.memory_space<vmem_shared>> -> memref<80x128xf32, #tpu.memory_space<vmem_shared>>
      %dma_wait3A_122 = arith.constant 0 : i32
      %dma_wait3A_123 = arith.constant 0 : i32
      %dma_wait3A_124 = tpu.memref_slice %arg13[%dma_wait3A_122, %dma_wait3A_123] : memref<80x128xf32, #tpu.memory_space<vmem>> -> memref<80x128xf32, #tpu.memory_space<vmem>>
      tpu.wait_dma2 semaphore(%run_scoped3A : memref<!tpu.dma_semaphore, #tpu.memory_space<semaphore_mem>>) src(%dma_wait3A_124 : memref<80x128xf32, #tpu.memory_space<vmem>>) dst(%dma_wait3A_121 : memref<80x128xf32, #tpu.memory_space<vmem_shared>>)
      tpu.yield
    }) : () -> ()
    %add3A_14 = arith.constant 80 : i32
    %add3A_15 = arith.addi %add3A_11, %add3A_14 : i32
    "tpu.region"() ({
      %run_scoped3A = tpu.sem_alloc : memref<!tpu.dma_semaphore, #tpu.memory_space<semaphore_mem>>
      %dma_start3A_105 = arith.constant 0 : i32
      %dma_start3A_106 = arith.constant 0 : i32
      %dma_start3A_107 = tpu.memref_slice %arg13[%dma_start3A_105, %dma_start3A_106] : memref<80x128xf32, #tpu.memory_space<vmem>> -> memref<80x128xf32, #tpu.memory_space<vmem>>
      %dma_start3A_108 = arith.constant 0 : i32
      %dma_start3A_109 = tpu.memref_slice %arg15[%add3A_15, %dma_start3A_108] : memref<10000x128xf32, #tpu.memory_space<vmem_shared>> -> memref<80x128xf32, #tpu.memory_space<vmem_shared>>
      %dma_start3A_110 = arith.constant 0 : i32
      %dma_start3A_111 = tpu.memref_slice %arg15[%add3A_15, %dma_start3A_110] : memref<10000x128xf32, #tpu.memory_space<vmem_shared>> -> memref<80x128xf32, #tpu.memory_space<vmem_shared>>
      %dma_start3A_112 = arith.constant 0 : i32
      %dma_start3A_113 = arith.constant 0 : i32
      %dma_start3A_114 = tpu.memref_slice %arg13[%dma_start3A_112, %dma_start3A_113] : memref<80x128xf32, #tpu.memory_space<vmem>> -> memref<80x128xf32, #tpu.memory_space<vmem>>
      tpu.enqueue_dma source(%dma_start3A_114 : memref<80x128xf32, #tpu.memory_space<vmem>>) target(%dma_start3A_111 : memref<80x128xf32, #tpu.memory_space<vmem_shared>>) target_semaphore(%run_scoped3A : memref<!tpu.dma_semaphore, #tpu.memory_space<semaphore_mem>>)
      %dma_wait3A_115 = arith.constant 0 : i32
      %dma_wait3A_116 = arith.constant 0 : i32
      %dma_wait3A_117 = tpu.memref_slice %arg13[%dma_wait3A_115, %dma_wait3A_116] : memref<80x128xf32, #tpu.memory_space<vmem>> -> memref<80x128xf32, #tpu.memory_space<vmem>>
      %dma_wait3A_118 = arith.constant 0 : i32
      %dma_wait3A_119 = tpu.memref_slice %arg15[%add3A_15, %dma_wait3A_118] : memref<10000x128xf32, #tpu.memory_space<vmem_shared>> -> memref<80x128xf32, #tpu.memory_space<vmem_shared>>
      %dma_wait3A_120 = arith.constant 0 : i32
      %dma_wait3A_121 = tpu.memref_slice %arg15[%add3A_15, %dma_wait3A_120] : memref<10000x128xf32, #tpu.memory_space<vmem_shared>> -> memref<80x128xf32, #tpu.memory_space<vmem_shared>>
      %dma_wait3A_122 = arith.constant 0 : i32
      %dma_wait3A_123 = arith.constant 0 : i32
      %dma_wait3A_124 = tpu.memref_slice %arg13[%dma_wait3A_122, %dma_wait3A_123] : memref<80x128xf32, #tpu.memory_space<vmem>> -> memref<80x128xf32, #tpu.memory_space<vmem>>
      tpu.wait_dma2 semaphore(%run_scoped3A : memref<!tpu.dma_semaphore, #tpu.memory_space<semaphore_mem>>) src(%dma_wait3A_124 : memref<80x128xf32, #tpu.memory_space<vmem>>) dst(%dma_wait3A_121 : memref<80x128xf32, #tpu.memory_space<vmem_shared>>)
      tpu.yield
    }) : () -> ()
    %add3A_16 = arith.constant 160 : i32
    %add3A_17 = arith.addi %add3A_11, %add3A_16 : i32
    "tpu.region"() ({
      %run_scoped3A = tpu.sem_alloc : memref<!tpu.dma_semaphore, #tpu.memory_space<semaphore_mem>>
      %dma_start3A_105 = arith.constant 0 : i32
      %dma_start3A_106 = arith.constant 0 : i32
      %dma_start3A_107 = tpu.memref_slice %arg13[%dma_start3A_105, %dma_start3A_106] : memref<80x128xf32, #tpu.memory_space<vmem>> -> memref<80x128xf32, #tpu.memory_space<vmem>>
      %dma_start3A_108 = arith.constant 0 : i32
      %dma_start3A_109 = tpu.memref_slice %arg15[%add3A_17, %dma_start3A_108] : memref<10000x128xf32, #tpu.memory_space<vmem_shared>> -> memref<80x128xf32, #tpu.memory_space<vmem_shared>>
      %dma_start3A_110 = arith.constant 0 : i32
      %dma_start3A_111 = tpu.memref_slice %arg15[%add3A_17, %dma_start3A_110] : memref<10000x128xf32, #tpu.memory_space<vmem_shared>> -> memref<80x128xf32, #tpu.memory_space<vmem_shared>>
      %dma_start3A_112 = arith.constant 0 : i32
      %dma_start3A_113 = arith.constant 0 : i32
      %dma_start3A_114 = tpu.memref_slice %arg13[%dma_start3A_112, %dma_start3A_113] : memref<80x128xf32, #tpu.memory_space<vmem>> -> memref<80x128xf32, #tpu.memory_space<vmem>>
      tpu.enqueue_dma source(%dma_start3A_114 : memref<80x128xf32, #tpu.memory_space<vmem>>) target(%dma_start3A_111 : memref<80x128xf32, #tpu.memory_space<vmem_shared>>) target_semaphore(%run_scoped3A : memref<!tpu.dma_semaphore, #tpu.memory_space<semaphore_mem>>)
      %dma_wait3A_115 = arith.constant 0 : i32
      %dma_wait3A_116 = arith.constant 0 : i32
      %dma_wait3A_117 = tpu.memref_slice %arg13[%dma_wait3A_115, %dma_wait3A_116] : memref<80x128xf32, #tpu.memory_space<vmem>> -> memref<80x128xf32, #tpu.memory_space<vmem>>
      %dma_wait3A_118 = arith.constant 0 : i32
      %dma_wait3A_119 = tpu.memref_slice %arg15[%add3A_17, %dma_wait3A_118] : memref<10000x128xf32, #tpu.memory_space<vmem_shared>> -> memref<80x128xf32, #tpu.memory_space<vmem_shared>>
      %dma_wait3A_120 = arith.constant 0 : i32
      %dma_wait3A_121 = tpu.memref_slice %arg15[%add3A_17, %dma_wait3A_120] : memref<10000x128xf32, #tpu.memory_space<vmem_shared>> -> memref<80x128xf32, #tpu.memory_space<vmem_shared>>
      %dma_wait3A_122 = arith.constant 0 : i32
      %dma_wait3A_123 = arith.constant 0 : i32
      %dma_wait3A_124 = tpu.memref_slice %arg13[%dma_wait3A_122, %dma_wait3A_123] : memref<80x128xf32, #tpu.memory_space<vmem>> -> memref<80x128xf32, #tpu.memory_space<vmem>>
      tpu.wait_dma2 semaphore(%run_scoped3A : memref<!tpu.dma_semaphore, #tpu.memory_space<semaphore_mem>>) src(%dma_wait3A_124 : memref<80x128xf32, #tpu.memory_space<vmem>>) dst(%dma_wait3A_121 : memref<80x128xf32, #tpu.memory_space<vmem_shared>>)
      tpu.yield
    }) : () -> ()
    %add3A_18 = arith.constant 240 : i32
    %add3A_19 = arith.addi %add3A_11, %add3A_18 : i32
    "tpu.region"() ({
      %run_scoped3A = tpu.sem_alloc : memref<!tpu.dma_semaphore, #tpu.memory_space<semaphore_mem>>
      %dma_start3A_105 = arith.constant 0 : i32
      %dma_start3A_106 = arith.constant 0 : i32
      %dma_start3A_107 = tpu.memref_slice %arg13[%dma_start3A_105, %dma_start3A_106] : memref<80x128xf32, #tpu.memory_space<vmem>> -> memref<80x128xf32, #tpu.memory_space<vmem>>
      %dma_start3A_108 = arith.constant 0 : i32
      %dma_start3A_109 = tpu.memref_slice %arg15[%add3A_19, %dma_start3A_108] : memref<10000x128xf32, #tpu.memory_space<vmem_shared>> -> memref<80x128xf32, #tpu.memory_space<vmem_shared>>
      %dma_start3A_110 = arith.constant 0 : i32
      %dma_start3A_111 = tpu.memref_slice %arg15[%add3A_19, %dma_start3A_110] : memref<10000x128xf32, #tpu.memory_space<vmem_shared>> -> memref<80x128xf32, #tpu.memory_space<vmem_shared>>
      %dma_start3A_112 = arith.constant 0 : i32
      %dma_start3A_113 = arith.constant 0 : i32
      %dma_start3A_114 = tpu.memref_slice %arg13[%dma_start3A_112, %dma_start3A_113] : memref<80x128xf32, #tpu.memory_space<vmem>> -> memref<80x128xf32, #tpu.memory_space<vmem>>
      tpu.enqueue_dma source(%dma_start3A_114 : memref<80x128xf32, #tpu.memory_space<vmem>>) target(%dma_start3A_111 : memref<80x128xf32, #tpu.memory_space<vmem_shared>>) target_semaphore(%run_scoped3A : memref<!tpu.dma_semaphore, #tpu.memory_space<semaphore_mem>>)
      %dma_wait3A_115 = arith.constant 0 : i32
      %dma_wait3A_116 = arith.constant 0 : i32
      %dma_wait3A_117 = tpu.memref_slice %arg13[%dma_wait3A_115, %dma_wait3A_116] : memref<80x128xf32, #tpu.memory_space<vmem>> -> memref<80x128xf32, #tpu.memory_space<vmem>>
      %dma_wait3A_118 = arith.constant 0 : i32
      %dma_wait3A_119 = tpu.memref_slice %arg15[%add3A_19, %dma_wait3A_118] : memref<10000x128xf32, #tpu.memory_space<vmem_shared>> -> memref<80x128xf32, #tpu.memory_space<vmem_shared>>
      %dma_wait3A_120 = arith.constant 0 : i32
      %dma_wait3A_121 = tpu.memref_slice %arg15[%add3A_19, %dma_wait3A_120] : memref<10000x128xf32, #tpu.memory_space<vmem_shared>> -> memref<80x128xf32, #tpu.memory_space<vmem_shared>>
      %dma_wait3A_122 = arith.constant 0 : i32
      %dma_wait3A_123 = arith.constant 0 : i32
      %dma_wait3A_124 = tpu.memref_slice %arg13[%dma_wait3A_122, %dma_wait3A_123] : memref<80x128xf32, #tpu.memory_space<vmem>> -> memref<80x128xf32, #tpu.memory_space<vmem>>
      tpu.wait_dma2 semaphore(%run_scoped3A : memref<!tpu.dma_semaphore, #tpu.memory_space<semaphore_mem>>) src(%dma_wait3A_124 : memref<80x128xf32, #tpu.memory_space<vmem>>) dst(%dma_wait3A_121 : memref<80x128xf32, #tpu.memory_space<vmem_shared>>)
      tpu.yield
    }) : () -> ()
    %add3A_20 = arith.constant 320 : i32
    %add3A_21 = arith.addi %add3A_11, %add3A_20 : i32
    "tpu.region"() ({
      %run_scoped3A = tpu.sem_alloc : memref<!tpu.dma_semaphore, #tpu.memory_space<semaphore_mem>>
      %dma_start3A_105 = arith.constant 0 : i32
      %dma_start3A_106 = arith.constant 0 : i32
      %dma_start3A_107 = tpu.memref_slice %arg13[%dma_start3A_105, %dma_start3A_106] : memref<80x128xf32, #tpu.memory_space<vmem>> -> memref<80x128xf32, #tpu.memory_space<vmem>>
      %dma_start3A_108 = arith.constant 0 : i32
      %dma_start3A_109 = tpu.memref_slice %arg15[%add3A_21, %dma_start3A_108] : memref<10000x128xf32, #tpu.memory_space<vmem_shared>> -> memref<80x128xf32, #tpu.memory_space<vmem_shared>>
      %dma_start3A_110 = arith.constant 0 : i32
      %dma_start3A_111 = tpu.memref_slice %arg15[%add3A_21, %dma_start3A_110] : memref<10000x128xf32, #tpu.memory_space<vmem_shared>> -> memref<80x128xf32, #tpu.memory_space<vmem_shared>>
      %dma_start3A_112 = arith.constant 0 : i32
      %dma_start3A_113 = arith.constant 0 : i32
      %dma_start3A_114 = tpu.memref_slice %arg13[%dma_start3A_112, %dma_start3A_113] : memref<80x128xf32, #tpu.memory_space<vmem>> -> memref<80x128xf32, #tpu.memory_space<vmem>>
      tpu.enqueue_dma source(%dma_start3A_114 : memref<80x128xf32, #tpu.memory_space<vmem>>) target(%dma_start3A_111 : memref<80x128xf32, #tpu.memory_space<vmem_shared>>) target_semaphore(%run_scoped3A : memref<!tpu.dma_semaphore, #tpu.memory_space<semaphore_mem>>)
      %dma_wait3A_115 = arith.constant 0 : i32
      %dma_wait3A_116 = arith.constant 0 : i32
      %dma_wait3A_117 = tpu.memref_slice %arg13[%dma_wait3A_115, %dma_wait3A_116] : memref<80x128xf32, #tpu.memory_space<vmem>> -> memref<80x128xf32, #tpu.memory_space<vmem>>
      %dma_wait3A_118 = arith.constant 0 : i32
      %dma_wait3A_119 = tpu.memref_slice %arg15[%add3A_21, %dma_wait3A_118] : memref<10000x128xf32, #tpu.memory_space<vmem_shared>> -> memref<80x128xf32, #tpu.memory_space<vmem_shared>>
      %dma_wait3A_120 = arith.constant 0 : i32
      %dma_wait3A_121 = tpu.memref_slice %arg15[%add3A_21, %dma_wait3A_120] : memref<10000x128xf32, #tpu.memory_space<vmem_shared>> -> memref<80x128xf32, #tpu.memory_space<vmem_shared>>
      %dma_wait3A_122 = arith.constant 0 : i32
      %dma_wait3A_123 = arith.constant 0 : i32
      %dma_wait3A_124 = tpu.memref_slice %arg13[%dma_wait3A_122, %dma_wait3A_123] : memref<80x128xf32, #tpu.memory_space<vmem>> -> memref<80x128xf32, #tpu.memory_space<vmem>>
      tpu.wait_dma2 semaphore(%run_scoped3A : memref<!tpu.dma_semaphore, #tpu.memory_space<semaphore_mem>>) src(%dma_wait3A_124 : memref<80x128xf32, #tpu.memory_space<vmem>>) dst(%dma_wait3A_121 : memref<80x128xf32, #tpu.memory_space<vmem_shared>>)
      tpu.yield
    }) : () -> ()
    %add3A_22 = arith.constant 400 : i32
    %add3A_23 = arith.addi %add3A_11, %add3A_22 : i32
    "tpu.region"() ({
      %run_scoped3A = tpu.sem_alloc : memref<!tpu.dma_semaphore, #tpu.memory_space<semaphore_mem>>
      %dma_start3A_105 = arith.constant 0 : i32
      %dma_start3A_106 = arith.constant 0 : i32
      %dma_start3A_107 = tpu.memref_slice %arg13[%dma_start3A_105, %dma_start3A_106] : memref<80x128xf32, #tpu.memory_space<vmem>> -> memref<80x128xf32, #tpu.memory_space<vmem>>
      %dma_start3A_108 = arith.constant 0 : i32
      %dma_start3A_109 = tpu.memref_slice %arg15[%add3A_23, %dma_start3A_108] : memref<10000x128xf32, #tpu.memory_space<vmem_shared>> -> memref<80x128xf32, #tpu.memory_space<vmem_shared>>
      %dma_start3A_110 = arith.constant 0 : i32
      %dma_start3A_111 = tpu.memref_slice %arg15[%add3A_23, %dma_start3A_110] : memref<10000x128xf32, #tpu.memory_space<vmem_shared>> -> memref<80x128xf32, #tpu.memory_space<vmem_shared>>
      %dma_start3A_112 = arith.constant 0 : i32
      %dma_start3A_113 = arith.constant 0 : i32
      %dma_start3A_114 = tpu.memref_slice %arg13[%dma_start3A_112, %dma_start3A_113] : memref<80x128xf32, #tpu.memory_space<vmem>> -> memref<80x128xf32, #tpu.memory_space<vmem>>
      tpu.enqueue_dma source(%dma_start3A_114 : memref<80x128xf32, #tpu.memory_space<vmem>>) target(%dma_start3A_111 : memref<80x128xf32, #tpu.memory_space<vmem_shared>>) target_semaphore(%run_scoped3A : memref<!tpu.dma_semaphore, #tpu.memory_space<semaphore_mem>>)
      %dma_wait3A_115 = arith.constant 0 : i32
      %dma_wait3A_116 = arith.constant 0 : i32
      %dma_wait3A_117 = tpu.memref_slice %arg13[%dma_wait3A_115, %dma_wait3A_116] : memref<80x128xf32, #tpu.memory_space<vmem>> -> memref<80x128xf32, #tpu.memory_space<vmem>>
      %dma_wait3A_118 = arith.constant 0 : i32
      %dma_wait3A_119 = tpu.memref_slice %arg15[%add3A_23, %dma_wait3A_118] : memref<10000x128xf32, #tpu.memory_space<vmem_shared>> -> memref<80x128xf32, #tpu.memory_space<vmem_shared>>
      %dma_wait3A_120 = arith.constant 0 : i32
      %dma_wait3A_121 = tpu.memref_slice %arg15[%add3A_23, %dma_wait3A_120] : memref<10000x128xf32, #tpu.memory_space<vmem_shared>> -> memref<80x128xf32, #tpu.memory_space<vmem_shared>>
      %dma_wait3A_122 = arith.constant 0 : i32
      %dma_wait3A_123 = arith.constant 0 : i32
      %dma_wait3A_124 = tpu.memref_slice %arg13[%dma_wait3A_122, %dma_wait3A_123] : memref<80x128xf32, #tpu.memory_space<vmem>> -> memref<80x128xf32, #tpu.memory_space<vmem>>
      tpu.wait_dma2 semaphore(%run_scoped3A : memref<!tpu.dma_semaphore, #tpu.memory_space<semaphore_mem>>) src(%dma_wait3A_124 : memref<80x128xf32, #tpu.memory_space<vmem>>) dst(%dma_wait3A_121 : memref<80x128xf32, #tpu.memory_space<vmem_shared>>)
      tpu.yield
    }) : () -> ()
    %add3A_24 = arith.constant 480 : i32
    %add3A_25 = arith.addi %add3A_11, %add3A_24 : i32
    "tpu.region"() ({
      %run_scoped3A = tpu.sem_alloc : memref<!tpu.dma_semaphore, #tpu.memory_space<semaphore_mem>>
      %dma_start3A_105 = arith.constant 0 : i32
      %dma_start3A_106 = arith.constant 0 : i32
      %dma_start3A_107 = tpu.memref_slice %arg13[%dma_start3A_105, %dma_start3A_106] : memref<80x128xf32, #tpu.memory_space<vmem>> -> memref<80x128xf32, #tpu.memory_space<vmem>>
      %dma_start3A_108 = arith.constant 0 : i32
      %dma_start3A_109 = tpu.memref_slice %arg15[%add3A_25, %dma_start3A_108] : memref<10000x128xf32, #tpu.memory_space<vmem_shared>> -> memref<80x128xf32, #tpu.memory_space<vmem_shared>>
      %dma_start3A_110 = arith.constant 0 : i32
      %dma_start3A_111 = tpu.memref_slice %arg15[%add3A_25, %dma_start3A_110] : memref<10000x128xf32, #tpu.memory_space<vmem_shared>> -> memref<80x128xf32, #tpu.memory_space<vmem_shared>>
      %dma_start3A_112 = arith.constant 0 : i32
      %dma_start3A_113 = arith.constant 0 : i32
      %dma_start3A_114 = tpu.memref_slice %arg13[%dma_start3A_112, %dma_start3A_113] : memref<80x128xf32, #tpu.memory_space<vmem>> -> memref<80x128xf32, #tpu.memory_space<vmem>>
      tpu.enqueue_dma source(%dma_start3A_114 : memref<80x128xf32, #tpu.memory_space<vmem>>) target(%dma_start3A_111 : memref<80x128xf32, #tpu.memory_space<vmem_shared>>) target_semaphore(%run_scoped3A : memref<!tpu.dma_semaphore, #tpu.memory_space<semaphore_mem>>)
      %dma_wait3A_115 = arith.constant 0 : i32
      %dma_wait3A_116 = arith.constant 0 : i32
      %dma_wait3A_117 = tpu.memref_slice %arg13[%dma_wait3A_115, %dma_wait3A_116] : memref<80x128xf32, #tpu.memory_space<vmem>> -> memref<80x128xf32, #tpu.memory_space<vmem>>
      %dma_wait3A_118 = arith.constant 0 : i32
      %dma_wait3A_119 = tpu.memref_slice %arg15[%add3A_25, %dma_wait3A_118] : memref<10000x128xf32, #tpu.memory_space<vmem_shared>> -> memref<80x128xf32, #tpu.memory_space<vmem_shared>>
      %dma_wait3A_120 = arith.constant 0 : i32
      %dma_wait3A_121 = tpu.memref_slice %arg15[%add3A_25, %dma_wait3A_120] : memref<10000x128xf32, #tpu.memory_space<vmem_shared>> -> memref<80x128xf32, #tpu.memory_space<vmem_shared>>
      %dma_wait3A_122 = arith.constant 0 : i32
      %dma_wait3A_123 = arith.constant 0 : i32
      %dma_wait3A_124 = tpu.memref_slice %arg13[%dma_wait3A_122, %dma_wait3A_123] : memref<80x128xf32, #tpu.memory_space<vmem>> -> memref<80x128xf32, #tpu.memory_space<vmem>>
      tpu.wait_dma2 semaphore(%run_scoped3A : memref<!tpu.dma_semaphore, #tpu.memory_space<semaphore_mem>>) src(%dma_wait3A_124 : memref<80x128xf32, #tpu.memory_space<vmem>>) dst(%dma_wait3A_121 : memref<80x128xf32, #tpu.memory_space<vmem_shared>>)
      tpu.yield
    }) : () -> ()
    %add3A_26 = arith.constant 560 : i32
    %add3A_27 = arith.addi %add3A_11, %add3A_26 : i32
    "tpu.region"() ({
      %run_scoped3A = tpu.sem_alloc : memref<!tpu.dma_semaphore, #tpu.memory_space<semaphore_mem>>
      %dma_start3A_105 = arith.constant 0 : i32
      %dma_start3A_106 = arith.constant 0 : i32
      %dma_start3A_107 = tpu.memref_slice %arg13[%dma_start3A_105, %dma_start3A_106] : memref<80x128xf32, #tpu.memory_space<vmem>> -> memref<64x128xf32, #tpu.memory_space<vmem>>
      %dma_start3A_108 = arith.constant 0 : i32
      %dma_start3A_109 = tpu.memref_slice %arg15[%add3A_27, %dma_start3A_108] : memref<10000x128xf32, #tpu.memory_space<vmem_shared>> -> memref<64x128xf32, #tpu.memory_space<vmem_shared>>
      %dma_start3A_110 = arith.constant 0 : i32
      %dma_start3A_111 = tpu.memref_slice %arg15[%add3A_27, %dma_start3A_110] : memref<10000x128xf32, #tpu.memory_space<vmem_shared>> -> memref<64x128xf32, #tpu.memory_space<vmem_shared>>
      %dma_start3A_112 = arith.constant 0 : i32
      %dma_start3A_113 = arith.constant 0 : i32
      %dma_start3A_114 = tpu.memref_slice %arg13[%dma_start3A_112, %dma_start3A_113] : memref<80x128xf32, #tpu.memory_space<vmem>> -> memref<64x128xf32, #tpu.memory_space<vmem>>
      tpu.enqueue_dma source(%dma_start3A_114 : memref<64x128xf32, #tpu.memory_space<vmem>>) target(%dma_start3A_111 : memref<64x128xf32, #tpu.memory_space<vmem_shared>>) target_semaphore(%run_scoped3A : memref<!tpu.dma_semaphore, #tpu.memory_space<semaphore_mem>>)
      %dma_wait3A_115 = arith.constant 0 : i32
      %dma_wait3A_116 = arith.constant 0 : i32
      %dma_wait3A_117 = tpu.memref_slice %arg13[%dma_wait3A_115, %dma_wait3A_116] : memref<80x128xf32, #tpu.memory_space<vmem>> -> memref<64x128xf32, #tpu.memory_space<vmem>>
      %dma_wait3A_118 = arith.constant 0 : i32
      %dma_wait3A_119 = tpu.memref_slice %arg15[%add3A_27, %dma_wait3A_118] : memref<10000x128xf32, #tpu.memory_space<vmem_shared>> -> memref<64x128xf32, #tpu.memory_space<vmem_shared>>
      %dma_wait3A_120 = arith.constant 0 : i32
      %dma_wait3A_121 = tpu.memref_slice %arg15[%add3A_27, %dma_wait3A_120] : memref<10000x128xf32, #tpu.memory_space<vmem_shared>> -> memref<64x128xf32, #tpu.memory_space<vmem_shared>>
      %dma_wait3A_122 = arith.constant 0 : i32
      %dma_wait3A_123 = arith.constant 0 : i32
      %dma_wait3A_124 = tpu.memref_slice %arg13[%dma_wait3A_122, %dma_wait3A_123] : memref<80x128xf32, #tpu.memory_space<vmem>> -> memref<64x128xf32, #tpu.memory_space<vmem>>
      tpu.wait_dma2 semaphore(%run_scoped3A : memref<!tpu.dma_semaphore, #tpu.memory_space<semaphore_mem>>) src(%dma_wait3A_124 : memref<64x128xf32, #tpu.memory_space<vmem>>) dst(%dma_wait3A_121 : memref<64x128xf32, #tpu.memory_space<vmem_shared>>)
      tpu.yield
    }) : () -> ()
    %lt3A = arith.constant 2 : i32
    %lt3A_28 = arith.cmpi slt, %arg1, %lt3A : i32
    %convert_element_type3A = arith.extui %lt3A_28 : i1 to i32
    %cond3A = arith.constant 0 : i32
    %cond3A_29 = arith.cmpi ne, %convert_element_type3A, %cond3A : i32
    scf.if %cond3A_29 {
      %add3A_105 = arith.constant 624 : i32
      %add3A_106 = arith.addi %add3A_11, %add3A_105 : i32
      "tpu.region"() ({
        %run_scoped3A = tpu.sem_alloc : memref<!tpu.dma_semaphore, #tpu.memory_space<semaphore_mem>>
        %dma_start3A_107 = arith.constant 0 : i32
        %dma_start3A_108 = arith.constant 0 : i32
        %dma_start3A_109 = tpu.memref_slice %arg13[%dma_start3A_107, %dma_start3A_108] : memref<80x128xf32, #tpu.memory_space<vmem>> -> memref<8x128xf32, #tpu.memory_space<vmem>>
        %dma_start3A_110 = arith.constant 0 : i32
        %dma_start3A_111 = tpu.memref_slice %arg15[%add3A_106, %dma_start3A_110] : memref<10000x128xf32, #tpu.memory_space<vmem_shared>> -> memref<8x128xf32, #tpu.memory_space<vmem_shared>>
        %dma_start3A_112 = arith.constant 0 : i32
        %dma_start3A_113 = tpu.memref_slice %arg15[%add3A_106, %dma_start3A_112] : memref<10000x128xf32, #tpu.memory_space<vmem_shared>> -> memref<8x128xf32, #tpu.memory_space<vmem_shared>>
        %dma_start3A_114 = arith.constant 0 : i32
        %dma_start3A_115 = arith.constant 0 : i32
        %dma_start3A_116 = tpu.memref_slice %arg13[%dma_start3A_114, %dma_start3A_115] : memref<80x128xf32, #tpu.memory_space<vmem>> -> memref<8x128xf32, #tpu.memory_space<vmem>>
        tpu.enqueue_dma source(%dma_start3A_116 : memref<8x128xf32, #tpu.memory_space<vmem>>) target(%dma_start3A_113 : memref<8x128xf32, #tpu.memory_space<vmem_shared>>) target_semaphore(%run_scoped3A : memref<!tpu.dma_semaphore, #tpu.memory_space<semaphore_mem>>)
        %dma_wait3A_117 = arith.constant 0 : i32
        %dma_wait3A_118 = arith.constant 0 : i32
        %dma_wait3A_119 = tpu.memref_slice %arg13[%dma_wait3A_117, %dma_wait3A_118] : memref<80x128xf32, #tpu.memory_space<vmem>> -> memref<8x128xf32, #tpu.memory_space<vmem>>
        %dma_wait3A_120 = arith.constant 0 : i32
        %dma_wait3A_121 = tpu.memref_slice %arg15[%add3A_106, %dma_wait3A_120] : memref<10000x128xf32, #tpu.memory_space<vmem_shared>> -> memref<8x128xf32, #tpu.memory_space<vmem_shared>>
        %dma_wait3A_122 = arith.constant 0 : i32
        %dma_wait3A_123 = tpu.memref_slice %arg15[%add3A_106, %dma_wait3A_122] : memref<10000x128xf32, #tpu.memory_space<vmem_shared>> -> memref<8x128xf32, #tpu.memory_space<vmem_shared>>
        %dma_wait3A_124 = arith.constant 0 : i32
        %dma_wait3A_125 = arith.constant 0 : i32
        %dma_wait3A_126 = tpu.memref_slice %arg13[%dma_wait3A_124, %dma_wait3A_125] : memref<80x128xf32, #tpu.memory_space<vmem>> -> memref<8x128xf32, #tpu.memory_space<vmem>>
        tpu.wait_dma2 semaphore(%run_scoped3A : memref<!tpu.dma_semaphore, #tpu.memory_space<semaphore_mem>>) src(%dma_wait3A_126 : memref<8x128xf32, #tpu.memory_space<vmem>>) dst(%dma_wait3A_123 : memref<8x128xf32, #tpu.memory_space<vmem_shared>>)
        tpu.yield
      }) : () -> ()
    } else {
    }
    %barrier3A = arith.constant 0 : index
    tpu.barrier barrier_id(%barrier3A)
    %mul3A_30 = arith.constant 10000 : i32
    %mul3A_31 = arith.muli %add3A, %mul3A_30 : i32
    %add3A_32 = arith.constant 0 : i32
    %add3A_33 = arith.addi %mul3A_31, %add3A_32 : i32
    %dma_start3A = tpu.memref_slice %arg4[%add3A_33] : memref<320000xi32, #tpu.memory_space<hbm>> -> memref<80xi32, #tpu.memory_space<hbm>>
    %dma_start3A_34 = tpu.memref_slice %arg4[%add3A_33] : memref<320000xi32, #tpu.memory_space<hbm>> -> memref<80xi32, #tpu.memory_space<hbm>>
    tpu.enqueue_dma source(%dma_start3A_34 : memref<80xi32, #tpu.memory_space<hbm>>) target(%arg7 : memref<80xi32, #tpu.memory_space<vmem>>) target_semaphore(%arg22 : memref<!tpu.dma_semaphore, #tpu.memory_space<semaphore_mem>>)
    %add3A_35 = arith.constant 0 : i32
    %add3A_36 = arith.addi %mul3A_31, %add3A_35 : i32
    %dma_start3A_37 = tpu.memref_slice %arg5[%add3A_36] : memref<320000xi32, #tpu.memory_space<hbm>> -> memref<80xi32, #tpu.memory_space<hbm>>
    %dma_start3A_38 = tpu.memref_slice %arg5[%add3A_36] : memref<320000xi32, #tpu.memory_space<hbm>> -> memref<80xi32, #tpu.memory_space<hbm>>
    tpu.enqueue_dma source(%dma_start3A_38 : memref<80xi32, #tpu.memory_space<hbm>>) target(%arg9 : memref<80xi32, #tpu.memory_space<vmem>>) target_semaphore(%arg24 : memref<!tpu.dma_semaphore, #tpu.memory_space<semaphore_mem>>)
    %add3A_39 = arith.constant 80 : i32
    %add3A_40 = arith.addi %mul3A_31, %add3A_39 : i32
    %dma_start3A_41 = tpu.memref_slice %arg4[%add3A_40] : memref<320000xi32, #tpu.memory_space<hbm>> -> memref<80xi32, #tpu.memory_space<hbm>>
    %dma_start3A_42 = tpu.memref_slice %arg4[%add3A_40] : memref<320000xi32, #tpu.memory_space<hbm>> -> memref<80xi32, #tpu.memory_space<hbm>>
    tpu.enqueue_dma source(%dma_start3A_42 : memref<80xi32, #tpu.memory_space<hbm>>) target(%arg8 : memref<80xi32, #tpu.memory_space<vmem>>) target_semaphore(%arg23 : memref<!tpu.dma_semaphore, #tpu.memory_space<semaphore_mem>>)
    %add3A_43 = arith.constant 80 : i32
    %add3A_44 = arith.addi %mul3A_31, %add3A_43 : i32
    %dma_start3A_45 = tpu.memref_slice %arg5[%add3A_44] : memref<320000xi32, #tpu.memory_space<hbm>> -> memref<80xi32, #tpu.memory_space<hbm>>
    %dma_start3A_46 = tpu.memref_slice %arg5[%add3A_44] : memref<320000xi32, #tpu.memory_space<hbm>> -> memref<80xi32, #tpu.memory_space<hbm>>
    tpu.enqueue_dma source(%dma_start3A_46 : memref<80xi32, #tpu.memory_space<hbm>>) target(%arg10 : memref<80xi32, #tpu.memory_space<vmem>>) target_semaphore(%arg25 : memref<!tpu.dma_semaphore, #tpu.memory_space<semaphore_mem>>)
    %dma_wait3A = arith.constant 0 : i32
    %dma_wait3A_47 = tpu.memref_slice %arg4[%dma_wait3A] : memref<320000xi32, #tpu.memory_space<hbm>> -> memref<80xi32, #tpu.memory_space<hbm>>
    %dma_wait3A_48 = arith.constant 0 : i32
    %dma_wait3A_49 = tpu.memref_slice %arg4[%dma_wait3A_48] : memref<320000xi32, #tpu.memory_space<hbm>> -> memref<80xi32, #tpu.memory_space<hbm>>
    tpu.wait_dma2 semaphore(%arg22 : memref<!tpu.dma_semaphore, #tpu.memory_space<semaphore_mem>>) src(%dma_wait3A_49 : memref<80xi32, #tpu.memory_space<hbm>>) dst(%arg7 : memref<80xi32, #tpu.memory_space<vmem>>)
    %dma_start3A_50 = arith.constant 0 : i32
    %dma_start3A_51 = arith.constant 0 : i32
    %dma_start3A_52 = tpu.memref_slice %arg2[%dma_start3A_50, %dma_start3A_51] : memref<10000x128xf32, #tpu.memory_space<hbm>> -> memref<10000x128xf32, #tpu.memory_space<hbm>>
    tpu.enqueue_indirect_dma source(%dma_start3A_52 : memref<10000x128xf32, #tpu.memory_space<hbm>>) target(%arg11 : memref<80x128xf32, #tpu.memory_space<vmem>>) offsets(%arg7 : memref<80xi32, #tpu.memory_space<vmem>>) semaphore(%arg16 : memref<!tpu.dma_semaphore, #tpu.memory_space<semaphore_mem>>)
    %add3A_53 = arith.constant 0 : i32
    %add3A_54 = arith.addi %mul3A_31, %add3A_53 : i32
    %dma_start3A_55 = arith.constant 0 : i32
    %dma_start3A_56 = tpu.memref_slice %arg3[%add3A_54, %dma_start3A_55] : memref<320000x128xf32, #tpu.memory_space<hbm>> -> memref<80x128xf32, #tpu.memory_space<hbm>>
    %dma_start3A_57 = arith.constant 0 : i32
    %dma_start3A_58 = tpu.memref_slice %arg3[%add3A_54, %dma_start3A_57] : memref<320000x128xf32, #tpu.memory_space<hbm>> -> memref<80x128xf32, #tpu.memory_space<hbm>>
    tpu.enqueue_dma source(%dma_start3A_58 : memref<80x128xf32, #tpu.memory_space<hbm>>) target(%arg13 : memref<80x128xf32, #tpu.memory_space<vmem>>) target_semaphore(%arg18 : memref<!tpu.dma_semaphore, #tpu.memory_space<semaphore_mem>>)
    %dma_wait3A_59 = arith.constant 0 : i32
    %dma_wait3A_60 = tpu.memref_slice %arg4[%dma_wait3A_59] : memref<320000xi32, #tpu.memory_space<hbm>> -> memref<80xi32, #tpu.memory_space<hbm>>
    %dma_wait3A_61 = arith.constant 0 : i32
    %dma_wait3A_62 = tpu.memref_slice %arg4[%dma_wait3A_61] : memref<320000xi32, #tpu.memory_space<hbm>> -> memref<80xi32, #tpu.memory_space<hbm>>
    tpu.wait_dma2 semaphore(%arg23 : memref<!tpu.dma_semaphore, #tpu.memory_space<semaphore_mem>>) src(%dma_wait3A_62 : memref<80xi32, #tpu.memory_space<hbm>>) dst(%arg8 : memref<80xi32, #tpu.memory_space<vmem>>)
    %dma_start3A_63 = arith.constant 0 : i32
    %dma_start3A_64 = arith.constant 0 : i32
    %dma_start3A_65 = tpu.memref_slice %arg2[%dma_start3A_63, %dma_start3A_64] : memref<10000x128xf32, #tpu.memory_space<hbm>> -> memref<10000x128xf32, #tpu.memory_space<hbm>>
    tpu.enqueue_indirect_dma source(%dma_start3A_65 : memref<10000x128xf32, #tpu.memory_space<hbm>>) target(%arg12 : memref<80x128xf32, #tpu.memory_space<vmem>>) offsets(%arg8 : memref<80xi32, #tpu.memory_space<vmem>>) semaphore(%arg17 : memref<!tpu.dma_semaphore, #tpu.memory_space<semaphore_mem>>)
    %add3A_66 = arith.constant 80 : i32
    %add3A_67 = arith.addi %mul3A_31, %add3A_66 : i32
    %dma_start3A_68 = arith.constant 0 : i32
    %dma_start3A_69 = tpu.memref_slice %arg3[%add3A_67, %dma_start3A_68] : memref<320000x128xf32, #tpu.memory_space<hbm>> -> memref<80x128xf32, #tpu.memory_space<hbm>>
    %dma_start3A_70 = arith.constant 0 : i32
    %dma_start3A_71 = tpu.memref_slice %arg3[%add3A_67, %dma_start3A_70] : memref<320000x128xf32, #tpu.memory_space<hbm>> -> memref<80x128xf32, #tpu.memory_space<hbm>>
    tpu.enqueue_dma source(%dma_start3A_71 : memref<80x128xf32, #tpu.memory_space<hbm>>) target(%arg14 : memref<80x128xf32, #tpu.memory_space<vmem>>) target_semaphore(%arg19 : memref<!tpu.dma_semaphore, #tpu.memory_space<semaphore_mem>>)
    %scan3A_72 = arith.constant 0 : i32
    %scan3A_73 = arith.constant 0 : i32
    %scan3A_74 = arith.constant 62 : i32
    %scan3A_75 = arith.addi %scan3A_73, %scan3A_74 : i32
    %scan3A_76 = arith.constant 1 : i32
    scf.for %scan3A_105 = %scan3A_73 to %scan3A_75 step %scan3A_76  : i32 {
      %mul3A_106 = arith.constant 2 : i32
      %mul3A_107 = arith.muli %scan3A_105, %mul3A_106 : i32
      %dma_wait3A_108 = arith.constant 0 : i32
      %dma_wait3A_109 = arith.constant 0 : i32
      %dma_wait3A_110 = tpu.memref_slice %arg2[%dma_wait3A_108, %dma_wait3A_109] : memref<10000x128xf32, #tpu.memory_space<hbm>> -> memref<10000x128xf32, #tpu.memory_space<hbm>>
      tpu.wait_indirect_dma semaphore(%arg16 : memref<!tpu.dma_semaphore, #tpu.memory_space<semaphore_mem>>) src(%dma_wait3A_110 : memref<10000x128xf32, #tpu.memory_space<hbm>>) dst(%arg11 : memref<80x128xf32, #tpu.memory_space<vmem>>)
      %dma_wait3A_111 = arith.constant 0 : i32
      %dma_wait3A_112 = arith.constant 0 : i32
      %dma_wait3A_113 = tpu.memref_slice %arg3[%dma_wait3A_111, %dma_wait3A_112] : memref<320000x128xf32, #tpu.memory_space<hbm>> -> memref<80x128xf32, #tpu.memory_space<hbm>>
      %dma_wait3A_114 = arith.constant 0 : i32
      %dma_wait3A_115 = arith.constant 0 : i32
      %dma_wait3A_116 = tpu.memref_slice %arg3[%dma_wait3A_114, %dma_wait3A_115] : memref<320000x128xf32, #tpu.memory_space<hbm>> -> memref<80x128xf32, #tpu.memory_space<hbm>>
      tpu.wait_dma2 semaphore(%arg18 : memref<!tpu.dma_semaphore, #tpu.memory_space<semaphore_mem>>) src(%dma_wait3A_116 : memref<80x128xf32, #tpu.memory_space<hbm>>) dst(%arg13 : memref<80x128xf32, #tpu.memory_space<vmem>>)
      %add3A_117 = arith.constant 2 : i32
      %add3A_118 = arith.addi %mul3A_107, %add3A_117 : i32
      %lt3A_119 = arith.constant 125 : i32
      %lt3A_120 = arith.cmpi slt, %add3A_118, %lt3A_119 : i32
      %convert_element_type3A_121 = arith.extui %lt3A_120 : i1 to i32
      %cond3A_122 = arith.constant 0 : i32
      %cond3A_123 = arith.cmpi ne, %convert_element_type3A_121, %cond3A_122 : i32
      scf.if %cond3A_123 {
        %add3A_180 = arith.constant 2 : i32
        %add3A_181 = arith.addi %mul3A_107, %add3A_180 : i32
        %mul3A_182 = arith.constant 80 : i32
        %mul3A_183 = arith.muli %add3A_181, %mul3A_182 : i32
        %add3A_184 = arith.addi %mul3A_31, %mul3A_183 : i32
        %dma_start3A_185 = tpu.memref_slice %arg4[%add3A_184] : memref<320000xi32, #tpu.memory_space<hbm>> -> memref<80xi32, #tpu.memory_space<hbm>>
        %dma_start3A_186 = tpu.memref_slice %arg4[%add3A_184] : memref<320000xi32, #tpu.memory_space<hbm>> -> memref<80xi32, #tpu.memory_space<hbm>>
        tpu.enqueue_dma source(%dma_start3A_186 : memref<80xi32, #tpu.memory_space<hbm>>) target(%arg7 : memref<80xi32, #tpu.memory_space<vmem>>) target_semaphore(%arg22 : memref<!tpu.dma_semaphore, #tpu.memory_space<semaphore_mem>>)
      } else {
      }
      %parallel_loop3A_124 = arith.constant 0 : i32
      %parallel_loop3A_125 = arith.constant 80 : i32
      %parallel_loop3A_126 = arith.constant 1 : i32
      scf.for %parallel_loop3A_180 = %parallel_loop3A_124 to %parallel_loop3A_125 step %parallel_loop3A_126  : i32 {
        %parallel_loop3A_181 = arith.index_cast %parallel_loop3A_180 : i32 to index
        %parallel_loop3A_182 = arith.constant 0 : index
        %parallel_loop3A_183 = tpu.vector_load %arg11[%parallel_loop3A_181, %parallel_loop3A_182] {strides = array<i32>} : memref<80x128xf32, #tpu.memory_space<vmem>>, vector<1x16xf32>,
        %parallel_loop3A_184 = vector.shape_cast %parallel_loop3A_183 : vector<1x16xf32> to vector<16xf32>
        %parallel_loop3A_185 = arith.index_cast %parallel_loop3A_180 : i32 to index
        %parallel_loop3A_186 = arith.constant 0 : index
        %parallel_loop3A_187 = tpu.vector_load %arg13[%parallel_loop3A_185, %parallel_loop3A_186] {strides = array<i32>} : memref<80x128xf32, #tpu.memory_space<vmem>>, vector<1x16xf32>,
        %parallel_loop3A_188 = vector.shape_cast %parallel_loop3A_187 : vector<1x16xf32> to vector<16xf32>
        %parallel_loop3A_189 = arith.addf %parallel_loop3A_184, %parallel_loop3A_188 : vector<16xf32>
        %parallel_loop3A_190 = arith.constant 0.000000e+00 : f32
        %parallel_loop3A_191 = vector.broadcast %parallel_loop3A_190 : f32 to vector<16xf32>
        %parallel_loop3A_192 = arith.subf %parallel_loop3A_191, %parallel_loop3A_189 : vector<16xf32>
        %parallel_loop3A_193 = math.exp %parallel_loop3A_192 : vector<16xf32>
        %parallel_loop3A_194 = arith.constant 1.000000e+00 : f32
        %parallel_loop3A_195 = vector.broadcast %parallel_loop3A_194 : f32 to vector<16xf32>
        %parallel_loop3A_196 = arith.addf %parallel_loop3A_195, %parallel_loop3A_193 : vector<16xf32>
        %parallel_loop3A_197 = arith.divf %parallel_loop3A_189, %parallel_loop3A_196 : vector<16xf32>
        %parallel_loop3A_198 = arith.index_cast %parallel_loop3A_180 : i32 to index
        %parallel_loop3A_199 = arith.constant 0 : index
        %parallel_loop3A_200 = tpu.vector_load %arg13[%parallel_loop3A_198, %parallel_loop3A_199] {strides = array<i32>} : memref<80x128xf32, #tpu.memory_space<vmem>>, vector<1x16xf32>,
        %parallel_loop3A_201 = vector.shape_cast %parallel_loop3A_200 : vector<1x16xf32> to vector<16xf32>
        %parallel_loop3A_202 = vector.shape_cast %parallel_loop3A_197 : vector<16xf32> to vector<1x16xf32>
        tpu.vector_store %arg13[%parallel_loop3A_198, %parallel_loop3A_199], %parallel_loop3A_202 {strides = array<i32>} : memref<80x128xf32, #tpu.memory_space<vmem>>, vector<1x16xf32>,
        %parallel_loop3A_203 = arith.index_cast %parallel_loop3A_180 : i32 to index
        %parallel_loop3A_204 = arith.constant 16 : index
        %parallel_loop3A_205 = tpu.vector_load %arg11[%parallel_loop3A_203, %parallel_loop3A_204] {strides = array<i32>} : memref<80x128xf32, #tpu.memory_space<vmem>>, vector<1x16xf32>,
        %parallel_loop3A_206 = vector.shape_cast %parallel_loop3A_205 : vector<1x16xf32> to vector<16xf32>
        %parallel_loop3A_207 = arith.index_cast %parallel_loop3A_180 : i32 to index
        %parallel_loop3A_208 = arith.constant 16 : index
        %parallel_loop3A_209 = tpu.vector_load %arg13[%parallel_loop3A_207, %parallel_loop3A_208] {strides = array<i32>} : memref<80x128xf32, #tpu.memory_space<vmem>>, vector<1x16xf32>,
        %parallel_loop3A_210 = vector.shape_cast %parallel_loop3A_209 : vector<1x16xf32> to vector<16xf32>
        %parallel_loop3A_211 = arith.addf %parallel_loop3A_206, %parallel_loop3A_210 : vector<16xf32>
        %parallel_loop3A_212 = arith.constant 0.000000e+00 : f32
        %parallel_loop3A_213 = vector.broadcast %parallel_loop3A_212 : f32 to vector<16xf32>
        %parallel_loop3A_214 = arith.subf %parallel_loop3A_213, %parallel_loop3A_211 : vector<16xf32>
        %parallel_loop3A_215 = math.exp %parallel_loop3A_214 : vector<16xf32>
        %parallel_loop3A_216 = arith.constant 1.000000e+00 : f32
        %parallel_loop3A_217 = vector.broadcast %parallel_loop3A_216 : f32 to vector<16xf32>
        %parallel_loop3A_218 = arith.addf %parallel_loop3A_217, %parallel_loop3A_215 : vector<16xf32>
        %parallel_loop3A_219 = arith.divf %parallel_loop3A_211, %parallel_loop3A_218 : vector<16xf32>
        %parallel_loop3A_220 = arith.index_cast %parallel_loop3A_180 : i32 to index
        %parallel_loop3A_221 = arith.constant 16 : index
        %parallel_loop3A_222 = tpu.vector_load %arg13[%parallel_loop3A_220, %parallel_loop3A_221] {strides = array<i32>} : memref<80x128xf32, #tpu.memory_space<vmem>>, vector<1x16xf32>,
        %parallel_loop3A_223 = vector.shape_cast %parallel_loop3A_222 : vector<1x16xf32> to vector<16xf32>
        %parallel_loop3A_224 = vector.shape_cast %parallel_loop3A_219 : vector<16xf32> to vector<1x16xf32>
        tpu.vector_store %arg13[%parallel_loop3A_220, %parallel_loop3A_221], %parallel_loop3A_224 {strides = array<i32>} : memref<80x128xf32, #tpu.memory_space<vmem>>, vector<1x16xf32>,
        %parallel_loop3A_225 = arith.index_cast %parallel_loop3A_180 : i32 to index
        %parallel_loop3A_226 = arith.constant 32 : index
        %parallel_loop3A_227 = tpu.vector_load %arg11[%parallel_loop3A_225, %parallel_loop3A_226] {strides = array<i32>} : memref<80x128xf32, #tpu.memory_space<vmem>>, vector<1x16xf32>,
        %parallel_loop3A_228 = vector.shape_cast %parallel_loop3A_227 : vector<1x16xf32> to vector<16xf32>
        %parallel_loop3A_229 = arith.index_cast %parallel_loop3A_180 : i32 to index
        %parallel_loop3A_230 = arith.constant 32 : index
        %parallel_loop3A_231 = tpu.vector_load %arg13[%parallel_loop3A_229, %parallel_loop3A_230] {strides = array<i32>} : memref<80x128xf32, #tpu.memory_space<vmem>>, vector<1x16xf32>,
        %parallel_loop3A_232 = vector.shape_cast %parallel_loop3A_231 : vector<1x16xf32> to vector<16xf32>
        %parallel_loop3A_233 = arith.addf %parallel_loop3A_228, %parallel_loop3A_232 : vector<16xf32>
        %parallel_loop3A_234 = arith.constant 0.000000e+00 : f32
        %parallel_loop3A_235 = vector.broadcast %parallel_loop3A_234 : f32 to vector<16xf32>
        %parallel_loop3A_236 = arith.subf %parallel_loop3A_235, %parallel_loop3A_233 : vector<16xf32>
        %parallel_loop3A_237 = math.exp %parallel_loop3A_236 : vector<16xf32>
        %parallel_loop3A_238 = arith.constant 1.000000e+00 : f32
        %parallel_loop3A_239 = vector.broadcast %parallel_loop3A_238 : f32 to vector<16xf32>
        %parallel_loop3A_240 = arith.addf %parallel_loop3A_239, %parallel_loop3A_237 : vector<16xf32>
        %parallel_loop3A_241 = arith.divf %parallel_loop3A_233, %parallel_loop3A_240 : vector<16xf32>
        %parallel_loop3A_242 = arith.index_cast %parallel_loop3A_180 : i32 to index
        %parallel_loop3A_243 = arith.constant 32 : index
        %parallel_loop3A_244 = tpu.vector_load %arg13[%parallel_loop3A_242, %parallel_loop3A_243] {strides = array<i32>} : memref<80x128xf32, #tpu.memory_space<vmem>>, vector<1x16xf32>,
        %parallel_loop3A_245 = vector.shape_cast %parallel_loop3A_244 : vector<1x16xf32> to vector<16xf32>
        %parallel_loop3A_246 = vector.shape_cast %parallel_loop3A_241 : vector<16xf32> to vector<1x16xf32>
        tpu.vector_store %arg13[%parallel_loop3A_242, %parallel_loop3A_243], %parallel_loop3A_246 {strides = array<i32>} : memref<80x128xf32, #tpu.memory_space<vmem>>, vector<1x16xf32>,
        %parallel_loop3A_247 = arith.index_cast %parallel_loop3A_180 : i32 to index
        %parallel_loop3A_248 = arith.constant 48 : index
        %parallel_loop3A_249 = tpu.vector_load %arg11[%parallel_loop3A_247, %parallel_loop3A_248] {strides = array<i32>} : memref<80x128xf32, #tpu.memory_space<vmem>>, vector<1x16xf32>,
        %parallel_loop3A_250 = vector.shape_cast %parallel_loop3A_249 : vector<1x16xf32> to vector<16xf32>
        %parallel_loop3A_251 = arith.index_cast %parallel_loop3A_180 : i32 to index
        %parallel_loop3A_252 = arith.constant 48 : index
        %parallel_loop3A_253 = tpu.vector_load %arg13[%parallel_loop3A_251, %parallel_loop3A_252] {strides = array<i32>} : memref<80x128xf32, #tpu.memory_space<vmem>>, vector<1x16xf32>,
        %parallel_loop3A_254 = vector.shape_cast %parallel_loop3A_253 : vector<1x16xf32> to vector<16xf32>
        %parallel_loop3A_255 = arith.addf %parallel_loop3A_250, %parallel_loop3A_254 : vector<16xf32>
        %parallel_loop3A_256 = arith.constant 0.000000e+00 : f32
        %parallel_loop3A_257 = vector.broadcast %parallel_loop3A_256 : f32 to vector<16xf32>
        %parallel_loop3A_258 = arith.subf %parallel_loop3A_257, %parallel_loop3A_255 : vector<16xf32>
        %parallel_loop3A_259 = math.exp %parallel_loop3A_258 : vector<16xf32>
        %parallel_loop3A_260 = arith.constant 1.000000e+00 : f32
        %parallel_loop3A_261 = vector.broadcast %parallel_loop3A_260 : f32 to vector<16xf32>
        %parallel_loop3A_262 = arith.addf %parallel_loop3A_261, %parallel_loop3A_259 : vector<16xf32>
        %parallel_loop3A_263 = arith.divf %parallel_loop3A_255, %parallel_loop3A_262 : vector<16xf32>
        %parallel_loop3A_264 = arith.index_cast %parallel_loop3A_180 : i32 to index
        %parallel_loop3A_265 = arith.constant 48 : index
        %parallel_loop3A_266 = tpu.vector_load %arg13[%parallel_loop3A_264, %parallel_loop3A_265] {strides = array<i32>} : memref<80x128xf32, #tpu.memory_space<vmem>>, vector<1x16xf32>,
        %parallel_loop3A_267 = vector.shape_cast %parallel_loop3A_266 : vector<1x16xf32> to vector<16xf32>
        %parallel_loop3A_268 = vector.shape_cast %parallel_loop3A_263 : vector<16xf32> to vector<1x16xf32>
        tpu.vector_store %arg13[%parallel_loop3A_264, %parallel_loop3A_265], %parallel_loop3A_268 {strides = array<i32>} : memref<80x128xf32, #tpu.memory_space<vmem>>, vector<1x16xf32>,
        %parallel_loop3A_269 = arith.index_cast %parallel_loop3A_180 : i32 to index
        %parallel_loop3A_270 = arith.constant 64 : index
        %parallel_loop3A_271 = tpu.vector_load %arg11[%parallel_loop3A_269, %parallel_loop3A_270] {strides = array<i32>} : memref<80x128xf32, #tpu.memory_space<vmem>>, vector<1x16xf32>,
        %parallel_loop3A_272 = vector.shape_cast %parallel_loop3A_271 : vector<1x16xf32> to vector<16xf32>
        %parallel_loop3A_273 = arith.index_cast %parallel_loop3A_180 : i32 to index
        %parallel_loop3A_274 = arith.constant 64 : index
        %parallel_loop3A_275 = tpu.vector_load %arg13[%parallel_loop3A_273, %parallel_loop3A_274] {strides = array<i32>} : memref<80x128xf32, #tpu.memory_space<vmem>>, vector<1x16xf32>,
        %parallel_loop3A_276 = vector.shape_cast %parallel_loop3A_275 : vector<1x16xf32> to vector<16xf32>
        %parallel_loop3A_277 = arith.addf %parallel_loop3A_272, %parallel_loop3A_276 : vector<16xf32>
        %parallel_loop3A_278 = arith.constant 0.000000e+00 : f32
        %parallel_loop3A_279 = vector.broadcast %parallel_loop3A_278 : f32 to vector<16xf32>
        %parallel_loop3A_280 = arith.subf %parallel_loop3A_279, %parallel_loop3A_277 : vector<16xf32>
        %parallel_loop3A_281 = math.exp %parallel_loop3A_280 : vector<16xf32>
        %parallel_loop3A_282 = arith.constant 1.000000e+00 : f32
        %parallel_loop3A_283 = vector.broadcast %parallel_loop3A_282 : f32 to vector<16xf32>
        %parallel_loop3A_284 = arith.addf %parallel_loop3A_283, %parallel_loop3A_281 : vector<16xf32>
        %parallel_loop3A_285 = arith.divf %parallel_loop3A_277, %parallel_loop3A_284 : vector<16xf32>
        %parallel_loop3A_286 = arith.index_cast %parallel_loop3A_180 : i32 to index
        %parallel_loop3A_287 = arith.constant 64 : index
        %parallel_loop3A_288 = tpu.vector_load %arg13[%parallel_loop3A_286, %parallel_loop3A_287] {strides = array<i32>} : memref<80x128xf32, #tpu.memory_space<vmem>>, vector<1x16xf32>,
        %parallel_loop3A_289 = vector.shape_cast %parallel_loop3A_288 : vector<1x16xf32> to vector<16xf32>
        %parallel_loop3A_290 = vector.shape_cast %parallel_loop3A_285 : vector<16xf32> to vector<1x16xf32>
        tpu.vector_store %arg13[%parallel_loop3A_286, %parallel_loop3A_287], %parallel_loop3A_290 {strides = array<i32>} : memref<80x128xf32, #tpu.memory_space<vmem>>, vector<1x16xf32>,
        %parallel_loop3A_291 = arith.index_cast %parallel_loop3A_180 : i32 to index
        %parallel_loop3A_292 = arith.constant 80 : index
        %parallel_loop3A_293 = tpu.vector_load %arg11[%parallel_loop3A_291, %parallel_loop3A_292] {strides = array<i32>} : memref<80x128xf32, #tpu.memory_space<vmem>>, vector<1x16xf32>,
        %parallel_loop3A_294 = vector.shape_cast %parallel_loop3A_293 : vector<1x16xf32> to vector<16xf32>
        %parallel_loop3A_295 = arith.index_cast %parallel_loop3A_180 : i32 to index
        %parallel_loop3A_296 = arith.constant 80 : index
        %parallel_loop3A_297 = tpu.vector_load %arg13[%parallel_loop3A_295, %parallel_loop3A_296] {strides = array<i32>} : memref<80x128xf32, #tpu.memory_space<vmem>>, vector<1x16xf32>,
        %parallel_loop3A_298 = vector.shape_cast %parallel_loop3A_297 : vector<1x16xf32> to vector<16xf32>
        %parallel_loop3A_299 = arith.addf %parallel_loop3A_294, %parallel_loop3A_298 : vector<16xf32>
        %parallel_loop3A_300 = arith.constant 0.000000e+00 : f32
        %parallel_loop3A_301 = vector.broadcast %parallel_loop3A_300 : f32 to vector<16xf32>
        %parallel_loop3A_302 = arith.subf %parallel_loop3A_301, %parallel_loop3A_299 : vector<16xf32>
        %parallel_loop3A_303 = math.exp %parallel_loop3A_302 : vector<16xf32>
        %parallel_loop3A_304 = arith.constant 1.000000e+00 : f32
        %parallel_loop3A_305 = vector.broadcast %parallel_loop3A_304 : f32 to vector<16xf32>
        %parallel_loop3A_306 = arith.addf %parallel_loop3A_305, %parallel_loop3A_303 : vector<16xf32>
        %parallel_loop3A_307 = arith.divf %parallel_loop3A_299, %parallel_loop3A_306 : vector<16xf32>
        %parallel_loop3A_308 = arith.index_cast %parallel_loop3A_180 : i32 to index
        %parallel_loop3A_309 = arith.constant 80 : index
        %parallel_loop3A_310 = tpu.vector_load %arg13[%parallel_loop3A_308, %parallel_loop3A_309] {strides = array<i32>} : memref<80x128xf32, #tpu.memory_space<vmem>>, vector<1x16xf32>,
        %parallel_loop3A_311 = vector.shape_cast %parallel_loop3A_310 : vector<1x16xf32> to vector<16xf32>
        %parallel_loop3A_312 = vector.shape_cast %parallel_loop3A_307 : vector<16xf32> to vector<1x16xf32>
        tpu.vector_store %arg13[%parallel_loop3A_308, %parallel_loop3A_309], %parallel_loop3A_312 {strides = array<i32>} : memref<80x128xf32, #tpu.memory_space<vmem>>, vector<1x16xf32>,
        %parallel_loop3A_313 = arith.index_cast %parallel_loop3A_180 : i32 to index
        %parallel_loop3A_314 = arith.constant 96 : index
        %parallel_loop3A_315 = tpu.vector_load %arg11[%parallel_loop3A_313, %parallel_loop3A_314] {strides = array<i32>} : memref<80x128xf32, #tpu.memory_space<vmem>>, vector<1x16xf32>,
        %parallel_loop3A_316 = vector.shape_cast %parallel_loop3A_315 : vector<1x16xf32> to vector<16xf32>
        %parallel_loop3A_317 = arith.index_cast %parallel_loop3A_180 : i32 to index
        %parallel_loop3A_318 = arith.constant 96 : index
        %parallel_loop3A_319 = tpu.vector_load %arg13[%parallel_loop3A_317, %parallel_loop3A_318] {strides = array<i32>} : memref<80x128xf32, #tpu.memory_space<vmem>>, vector<1x16xf32>,
        %parallel_loop3A_320 = vector.shape_cast %parallel_loop3A_319 : vector<1x16xf32> to vector<16xf32>
        %parallel_loop3A_321 = arith.addf %parallel_loop3A_316, %parallel_loop3A_320 : vector<16xf32>
        %parallel_loop3A_322 = arith.constant 0.000000e+00 : f32
        %parallel_loop3A_323 = vector.broadcast %parallel_loop3A_322 : f32 to vector<16xf32>
        %parallel_loop3A_324 = arith.subf %parallel_loop3A_323, %parallel_loop3A_321 : vector<16xf32>
        %parallel_loop3A_325 = math.exp %parallel_loop3A_324 : vector<16xf32>
        %parallel_loop3A_326 = arith.constant 1.000000e+00 : f32
        %parallel_loop3A_327 = vector.broadcast %parallel_loop3A_326 : f32 to vector<16xf32>
        %parallel_loop3A_328 = arith.addf %parallel_loop3A_327, %parallel_loop3A_325 : vector<16xf32>
        %parallel_loop3A_329 = arith.divf %parallel_loop3A_321, %parallel_loop3A_328 : vector<16xf32>
        %parallel_loop3A_330 = arith.index_cast %parallel_loop3A_180 : i32 to index
        %parallel_loop3A_331 = arith.constant 96 : index
        %parallel_loop3A_332 = tpu.vector_load %arg13[%parallel_loop3A_330, %parallel_loop3A_331] {strides = array<i32>} : memref<80x128xf32, #tpu.memory_space<vmem>>, vector<1x16xf32>,
        %parallel_loop3A_333 = vector.shape_cast %parallel_loop3A_332 : vector<1x16xf32> to vector<16xf32>
        %parallel_loop3A_334 = vector.shape_cast %parallel_loop3A_329 : vector<16xf32> to vector<1x16xf32>
        tpu.vector_store %arg13[%parallel_loop3A_330, %parallel_loop3A_331], %parallel_loop3A_334 {strides = array<i32>} : memref<80x128xf32, #tpu.memory_space<vmem>>, vector<1x16xf32>,
        %parallel_loop3A_335 = arith.index_cast %parallel_loop3A_180 : i32 to index
        %parallel_loop3A_336 = arith.constant 112 : index
        %parallel_loop3A_337 = tpu.vector_load %arg11[%parallel_loop3A_335, %parallel_loop3A_336] {strides = array<i32>} : memref<80x128xf32, #tpu.memory_space<vmem>>, vector<1x16xf32>,
        %parallel_loop3A_338 = vector.shape_cast %parallel_loop3A_337 : vector<1x16xf32> to vector<16xf32>
        %parallel_loop3A_339 = arith.index_cast %parallel_loop3A_180 : i32 to index
        %parallel_loop3A_340 = arith.constant 112 : index
        %parallel_loop3A_341 = tpu.vector_load %arg13[%parallel_loop3A_339, %parallel_loop3A_340] {strides = array<i32>} : memref<80x128xf32, #tpu.memory_space<vmem>>, vector<1x16xf32>,
        %parallel_loop3A_342 = vector.shape_cast %parallel_loop3A_341 : vector<1x16xf32> to vector<16xf32>
        %parallel_loop3A_343 = arith.addf %parallel_loop3A_338, %parallel_loop3A_342 : vector<16xf32>
        %parallel_loop3A_344 = arith.constant 0.000000e+00 : f32
        %parallel_loop3A_345 = vector.broadcast %parallel_loop3A_344 : f32 to vector<16xf32>
        %parallel_loop3A_346 = arith.subf %parallel_loop3A_345, %parallel_loop3A_343 : vector<16xf32>
        %parallel_loop3A_347 = math.exp %parallel_loop3A_346 : vector<16xf32>
        %parallel_loop3A_348 = arith.constant 1.000000e+00 : f32
        %parallel_loop3A_349 = vector.broadcast %parallel_loop3A_348 : f32 to vector<16xf32>
        %parallel_loop3A_350 = arith.addf %parallel_loop3A_349, %parallel_loop3A_347 : vector<16xf32>
        %parallel_loop3A_351 = arith.divf %parallel_loop3A_343, %parallel_loop3A_350 : vector<16xf32>
        %parallel_loop3A_352 = arith.index_cast %parallel_loop3A_180 : i32 to index
        %parallel_loop3A_353 = arith.constant 112 : index
        %parallel_loop3A_354 = tpu.vector_load %arg13[%parallel_loop3A_352, %parallel_loop3A_353] {strides = array<i32>} : memref<80x128xf32, #tpu.memory_space<vmem>>, vector<1x16xf32>,
        %parallel_loop3A_355 = vector.shape_cast %parallel_loop3A_354 : vector<1x16xf32> to vector<16xf32>
        %parallel_loop3A_356 = vector.shape_cast %parallel_loop3A_351 : vector<16xf32> to vector<1x16xf32>
        tpu.vector_store %arg13[%parallel_loop3A_352, %parallel_loop3A_353], %parallel_loop3A_356 {strides = array<i32>} : memref<80x128xf32, #tpu.memory_space<vmem>>, vector<1x16xf32>,
      } {sc.loop_unroll_factor = 2 : i64, sc.parallel_access}
      %dma_wait3A_127 = arith.constant 0 : i32
      %dma_wait3A_128 = tpu.memref_slice %arg5[%dma_wait3A_127] : memref<320000xi32, #tpu.memory_space<hbm>> -> memref<80xi32, #tpu.memory_space<hbm>>
      %dma_wait3A_129 = arith.constant 0 : i32
      %dma_wait3A_130 = tpu.memref_slice %arg5[%dma_wait3A_129] : memref<320000xi32, #tpu.memory_space<hbm>> -> memref<80xi32, #tpu.memory_space<hbm>>
      tpu.wait_dma2 semaphore(%arg24 : memref<!tpu.dma_semaphore, #tpu.memory_space<semaphore_mem>>) src(%dma_wait3A_130 : memref<80xi32, #tpu.memory_space<hbm>>) dst(%arg9 : memref<80xi32, #tpu.memory_space<vmem>>)
      %dma_start3A_131 = arith.constant 0 : i32
      %dma_start3A_132 = arith.constant 0 : i32
      %dma_start3A_133 = tpu.memref_slice %arg15[%dma_start3A_131, %dma_start3A_132] : memref<10000x128xf32, #tpu.memory_space<vmem_shared>> -> memref<10000x128xf32, #tpu.memory_space<vmem_shared>>
      tpu.enqueue_indirect_dma source(%arg13 : memref<80x128xf32, #tpu.memory_space<vmem>>) target(%dma_start3A_133 : memref<10000x128xf32, #tpu.memory_space<vmem_shared>>) offsets(%arg9 : memref<80xi32, #tpu.memory_space<vmem>>) semaphore(%arg20 : memref<!tpu.dma_semaphore, #tpu.memory_space<semaphore_mem>>) {add = true}
      %dma_wait3A_134 = arith.constant 0 : i32
      %dma_wait3A_135 = arith.constant 0 : i32
      %dma_wait3A_136 = tpu.memref_slice %arg2[%dma_wait3A_134, %dma_wait3A_135] : memref<10000x128xf32, #tpu.memory_space<hbm>> -> memref<10000x128xf32, #tpu.memory_space<hbm>>
      tpu.wait_indirect_dma semaphore(%arg17 : memref<!tpu.dma_semaphore, #tpu.memory_space<semaphore_mem>>) src(%dma_wait3A_136 : memref<10000x128xf32, #tpu.memory_space<hbm>>) dst(%arg12 : memref<80x128xf32, #tpu.memory_space<vmem>>)
      %dma_wait3A_137 = arith.constant 0 : i32
      %dma_wait3A_138 = arith.constant 0 : i32
      %dma_wait3A_139 = tpu.memref_slice %arg3[%dma_wait3A_137, %dma_wait3A_138] : memref<320000x128xf32, #tpu.memory_space<hbm>> -> memref<80x128xf32, #tpu.memory_space<hbm>>
      %dma_wait3A_140 = arith.constant 0 : i32
      %dma_wait3A_141 = arith.constant 0 : i32
      %dma_wait3A_142 = tpu.memref_slice %arg3[%dma_wait3A_140, %dma_wait3A_141] : memref<320000x128xf32, #tpu.memory_space<hbm>> -> memref<80x128xf32, #tpu.memory_space<hbm>>
      tpu.wait_dma2 semaphore(%arg19 : memref<!tpu.dma_semaphore, #tpu.memory_space<semaphore_mem>>) src(%dma_wait3A_142 : memref<80x128xf32, #tpu.memory_space<hbm>>) dst(%arg14 : memref<80x128xf32, #tpu.memory_space<vmem>>)
      %add3A_143 = arith.constant 3 : i32
      %add3A_144 = arith.addi %mul3A_107, %add3A_143 : i32
      %lt3A_145 = arith.constant 125 : i32
      %lt3A_146 = arith.cmpi slt, %add3A_144, %lt3A_145 : i32
      %convert_element_type3A_147 = arith.extui %lt3A_146 : i1 to i32
      %cond3A_148 = arith.constant 0 : i32
      %cond3A_149 = arith.cmpi ne, %convert_element_type3A_147, %cond3A_148 : i32
      scf.if %cond3A_149 {
        %add3A_180 = arith.constant 3 : i32
        %add3A_181 = arith.addi %mul3A_107, %add3A_180 : i32
        %mul3A_182 = arith.constant 80 : i32
        %mul3A_183 = arith.muli %add3A_181, %mul3A_182 : i32
        %add3A_184 = arith.addi %mul3A_31, %mul3A_183 : i32
        %dma_start3A_185 = tpu.memref_slice %arg4[%add3A_184] : memref<320000xi32, #tpu.memory_space<hbm>> -> memref<80xi32, #tpu.memory_space<hbm>>
        %dma_start3A_186 = tpu.memref_slice %arg4[%add3A_184] : memref<320000xi32, #tpu.memory_space<hbm>> -> memref<80xi32, #tpu.memory_space<hbm>>
        tpu.enqueue_dma source(%dma_start3A_186 : memref<80xi32, #tpu.memory_space<hbm>>) target(%arg8 : memref<80xi32, #tpu.memory_space<vmem>>) target_semaphore(%arg23 : memref<!tpu.dma_semaphore, #tpu.memory_space<semaphore_mem>>)
      } else {
      }
      %parallel_loop3A_150 = arith.constant 0 : i32
      %parallel_loop3A_151 = arith.constant 80 : i32
      %parallel_loop3A_152 = arith.constant 1 : i32
      scf.for %parallel_loop3A_180 = %parallel_loop3A_150 to %parallel_loop3A_151 step %parallel_loop3A_152  : i32 {
        %parallel_loop3A_181 = arith.index_cast %parallel_loop3A_180 : i32 to index
        %parallel_loop3A_182 = arith.constant 0 : index
        %parallel_loop3A_183 = tpu.vector_load %arg12[%parallel_loop3A_181, %parallel_loop3A_182] {strides = array<i32>} : memref<80x128xf32, #tpu.memory_space<vmem>>, vector<1x16xf32>,
        %parallel_loop3A_184 = vector.shape_cast %parallel_loop3A_183 : vector<1x16xf32> to vector<16xf32>
        %parallel_loop3A_185 = arith.index_cast %parallel_loop3A_180 : i32 to index
        %parallel_loop3A_186 = arith.constant 0 : index
        %parallel_loop3A_187 = tpu.vector_load %arg14[%parallel_loop3A_185, %parallel_loop3A_186] {strides = array<i32>} : memref<80x128xf32, #tpu.memory_space<vmem>>, vector<1x16xf32>,
        %parallel_loop3A_188 = vector.shape_cast %parallel_loop3A_187 : vector<1x16xf32> to vector<16xf32>
        %parallel_loop3A_189 = arith.addf %parallel_loop3A_184, %parallel_loop3A_188 : vector<16xf32>
        %parallel_loop3A_190 = arith.constant 0.000000e+00 : f32
        %parallel_loop3A_191 = vector.broadcast %parallel_loop3A_190 : f32 to vector<16xf32>
        %parallel_loop3A_192 = arith.subf %parallel_loop3A_191, %parallel_loop3A_189 : vector<16xf32>
        %parallel_loop3A_193 = math.exp %parallel_loop3A_192 : vector<16xf32>
        %parallel_loop3A_194 = arith.constant 1.000000e+00 : f32
        %parallel_loop3A_195 = vector.broadcast %parallel_loop3A_194 : f32 to vector<16xf32>
        %parallel_loop3A_196 = arith.addf %parallel_loop3A_195, %parallel_loop3A_193 : vector<16xf32>
        %parallel_loop3A_197 = arith.divf %parallel_loop3A_189, %parallel_loop3A_196 : vector<16xf32>
        %parallel_loop3A_198 = arith.index_cast %parallel_loop3A_180 : i32 to index
        %parallel_loop3A_199 = arith.constant 0 : index
        %parallel_loop3A_200 = tpu.vector_load %arg14[%parallel_loop3A_198, %parallel_loop3A_199] {strides = array<i32>} : memref<80x128xf32, #tpu.memory_space<vmem>>, vector<1x16xf32>,
        %parallel_loop3A_201 = vector.shape_cast %parallel_loop3A_200 : vector<1x16xf32> to vector<16xf32>
        %parallel_loop3A_202 = vector.shape_cast %parallel_loop3A_197 : vector<16xf32> to vector<1x16xf32>
        tpu.vector_store %arg14[%parallel_loop3A_198, %parallel_loop3A_199], %parallel_loop3A_202 {strides = array<i32>} : memref<80x128xf32, #tpu.memory_space<vmem>>, vector<1x16xf32>,
        %parallel_loop3A_203 = arith.index_cast %parallel_loop3A_180 : i32 to index
        %parallel_loop3A_204 = arith.constant 16 : index
        %parallel_loop3A_205 = tpu.vector_load %arg12[%parallel_loop3A_203, %parallel_loop3A_204] {strides = array<i32>} : memref<80x128xf32, #tpu.memory_space<vmem>>, vector<1x16xf32>,
        %parallel_loop3A_206 = vector.shape_cast %parallel_loop3A_205 : vector<1x16xf32> to vector<16xf32>
        %parallel_loop3A_207 = arith.index_cast %parallel_loop3A_180 : i32 to index
        %parallel_loop3A_208 = arith.constant 16 : index
        %parallel_loop3A_209 = tpu.vector_load %arg14[%parallel_loop3A_207, %parallel_loop3A_208] {strides = array<i32>} : memref<80x128xf32, #tpu.memory_space<vmem>>, vector<1x16xf32>,
        %parallel_loop3A_210 = vector.shape_cast %parallel_loop3A_209 : vector<1x16xf32> to vector<16xf32>
        %parallel_loop3A_211 = arith.addf %parallel_loop3A_206, %parallel_loop3A_210 : vector<16xf32>
        %parallel_loop3A_212 = arith.constant 0.000000e+00 : f32
        %parallel_loop3A_213 = vector.broadcast %parallel_loop3A_212 : f32 to vector<16xf32>
        %parallel_loop3A_214 = arith.subf %parallel_loop3A_213, %parallel_loop3A_211 : vector<16xf32>
        %parallel_loop3A_215 = math.exp %parallel_loop3A_214 : vector<16xf32>
        %parallel_loop3A_216 = arith.constant 1.000000e+00 : f32
        %parallel_loop3A_217 = vector.broadcast %parallel_loop3A_216 : f32 to vector<16xf32>
        %parallel_loop3A_218 = arith.addf %parallel_loop3A_217, %parallel_loop3A_215 : vector<16xf32>
        %parallel_loop3A_219 = arith.divf %parallel_loop3A_211, %parallel_loop3A_218 : vector<16xf32>
        %parallel_loop3A_220 = arith.index_cast %parallel_loop3A_180 : i32 to index
        %parallel_loop3A_221 = arith.constant 16 : index
        %parallel_loop3A_222 = tpu.vector_load %arg14[%parallel_loop3A_220, %parallel_loop3A_221] {strides = array<i32>} : memref<80x128xf32, #tpu.memory_space<vmem>>, vector<1x16xf32>,
        %parallel_loop3A_223 = vector.shape_cast %parallel_loop3A_222 : vector<1x16xf32> to vector<16xf32>
        %parallel_loop3A_224 = vector.shape_cast %parallel_loop3A_219 : vector<16xf32> to vector<1x16xf32>
        tpu.vector_store %arg14[%parallel_loop3A_220, %parallel_loop3A_221], %parallel_loop3A_224 {strides = array<i32>} : memref<80x128xf32, #tpu.memory_space<vmem>>, vector<1x16xf32>,
        %parallel_loop3A_225 = arith.index_cast %parallel_loop3A_180 : i32 to index
        %parallel_loop3A_226 = arith.constant 32 : index
        %parallel_loop3A_227 = tpu.vector_load %arg12[%parallel_loop3A_225, %parallel_loop3A_226] {strides = array<i32>} : memref<80x128xf32, #tpu.memory_space<vmem>>, vector<1x16xf32>,
        %parallel_loop3A_228 = vector.shape_cast %parallel_loop3A_227 : vector<1x16xf32> to vector<16xf32>
        %parallel_loop3A_229 = arith.index_cast %parallel_loop3A_180 : i32 to index
        %parallel_loop3A_230 = arith.constant 32 : index
        %parallel_loop3A_231 = tpu.vector_load %arg14[%parallel_loop3A_229, %parallel_loop3A_230] {strides = array<i32>} : memref<80x128xf32, #tpu.memory_space<vmem>>, vector<1x16xf32>,
        %parallel_loop3A_232 = vector.shape_cast %parallel_loop3A_231 : vector<1x16xf32> to vector<16xf32>
        %parallel_loop3A_233 = arith.addf %parallel_loop3A_228, %parallel_loop3A_232 : vector<16xf32>
        %parallel_loop3A_234 = arith.constant 0.000000e+00 : f32
        %parallel_loop3A_235 = vector.broadcast %parallel_loop3A_234 : f32 to vector<16xf32>
        %parallel_loop3A_236 = arith.subf %parallel_loop3A_235, %parallel_loop3A_233 : vector<16xf32>
        %parallel_loop3A_237 = math.exp %parallel_loop3A_236 : vector<16xf32>
        %parallel_loop3A_238 = arith.constant 1.000000e+00 : f32
        %parallel_loop3A_239 = vector.broadcast %parallel_loop3A_238 : f32 to vector<16xf32>
        %parallel_loop3A_240 = arith.addf %parallel_loop3A_239, %parallel_loop3A_237 : vector<16xf32>
        %parallel_loop3A_241 = arith.divf %parallel_loop3A_233, %parallel_loop3A_240 : vector<16xf32>
        %parallel_loop3A_242 = arith.index_cast %parallel_loop3A_180 : i32 to index
        %parallel_loop3A_243 = arith.constant 32 : index
        %parallel_loop3A_244 = tpu.vector_load %arg14[%parallel_loop3A_242, %parallel_loop3A_243] {strides = array<i32>} : memref<80x128xf32, #tpu.memory_space<vmem>>, vector<1x16xf32>,
        %parallel_loop3A_245 = vector.shape_cast %parallel_loop3A_244 : vector<1x16xf32> to vector<16xf32>
        %parallel_loop3A_246 = vector.shape_cast %parallel_loop3A_241 : vector<16xf32> to vector<1x16xf32>
        tpu.vector_store %arg14[%parallel_loop3A_242, %parallel_loop3A_243], %parallel_loop3A_246 {strides = array<i32>} : memref<80x128xf32, #tpu.memory_space<vmem>>, vector<1x16xf32>,
        %parallel_loop3A_247 = arith.index_cast %parallel_loop3A_180 : i32 to index
        %parallel_loop3A_248 = arith.constant 48 : index
        %parallel_loop3A_249 = tpu.vector_load %arg12[%parallel_loop3A_247, %parallel_loop3A_248] {strides = array<i32>} : memref<80x128xf32, #tpu.memory_space<vmem>>, vector<1x16xf32>,
        %parallel_loop3A_250 = vector.shape_cast %parallel_loop3A_249 : vector<1x16xf32> to vector<16xf32>
        %parallel_loop3A_251 = arith.index_cast %parallel_loop3A_180 : i32 to index
        %parallel_loop3A_252 = arith.constant 48 : index
        %parallel_loop3A_253 = tpu.vector_load %arg14[%parallel_loop3A_251, %parallel_loop3A_252] {strides = array<i32>} : memref<80x128xf32, #tpu.memory_space<vmem>>, vector<1x16xf32>,
        %parallel_loop3A_254 = vector.shape_cast %parallel_loop3A_253 : vector<1x16xf32> to vector<16xf32>
        %parallel_loop3A_255 = arith.addf %parallel_loop3A_250, %parallel_loop3A_254 : vector<16xf32>
        %parallel_loop3A_256 = arith.constant 0.000000e+00 : f32
        %parallel_loop3A_257 = vector.broadcast %parallel_loop3A_256 : f32 to vector<16xf32>
        %parallel_loop3A_258 = arith.subf %parallel_loop3A_257, %parallel_loop3A_255 : vector<16xf32>
        %parallel_loop3A_259 = math.exp %parallel_loop3A_258 : vector<16xf32>
        %parallel_loop3A_260 = arith.constant 1.000000e+00 : f32
        %parallel_loop3A_261 = vector.broadcast %parallel_loop3A_260 : f32 to vector<16xf32>
        %parallel_loop3A_262 = arith.addf %parallel_loop3A_261, %parallel_loop3A_259 : vector<16xf32>
        %parallel_loop3A_263 = arith.divf %parallel_loop3A_255, %parallel_loop3A_262 : vector<16xf32>
        %parallel_loop3A_264 = arith.index_cast %parallel_loop3A_180 : i32 to index
        %parallel_loop3A_265 = arith.constant 48 : index
        %parallel_loop3A_266 = tpu.vector_load %arg14[%parallel_loop3A_264, %parallel_loop3A_265] {strides = array<i32>} : memref<80x128xf32, #tpu.memory_space<vmem>>, vector<1x16xf32>,
        %parallel_loop3A_267 = vector.shape_cast %parallel_loop3A_266 : vector<1x16xf32> to vector<16xf32>
        %parallel_loop3A_268 = vector.shape_cast %parallel_loop3A_263 : vector<16xf32> to vector<1x16xf32>
        tpu.vector_store %arg14[%parallel_loop3A_264, %parallel_loop3A_265], %parallel_loop3A_268 {strides = array<i32>} : memref<80x128xf32, #tpu.memory_space<vmem>>, vector<1x16xf32>,
        %parallel_loop3A_269 = arith.index_cast %parallel_loop3A_180 : i32 to index
        %parallel_loop3A_270 = arith.constant 64 : index
        %parallel_loop3A_271 = tpu.vector_load %arg12[%parallel_loop3A_269, %parallel_loop3A_270] {strides = array<i32>} : memref<80x128xf32, #tpu.memory_space<vmem>>, vector<1x16xf32>,
        %parallel_loop3A_272 = vector.shape_cast %parallel_loop3A_271 : vector<1x16xf32> to vector<16xf32>
        %parallel_loop3A_273 = arith.index_cast %parallel_loop3A_180 : i32 to index
        %parallel_loop3A_274 = arith.constant 64 : index
        %parallel_loop3A_275 = tpu.vector_load %arg14[%parallel_loop3A_273, %parallel_loop3A_274] {strides = array<i32>} : memref<80x128xf32, #tpu.memory_space<vmem>>, vector<1x16xf32>,
        %parallel_loop3A_276 = vector.shape_cast %parallel_loop3A_275 : vector<1x16xf32> to vector<16xf32>
        %parallel_loop3A_277 = arith.addf %parallel_loop3A_272, %parallel_loop3A_276 : vector<16xf32>
        %parallel_loop3A_278 = arith.constant 0.000000e+00 : f32
        %parallel_loop3A_279 = vector.broadcast %parallel_loop3A_278 : f32 to vector<16xf32>
        %parallel_loop3A_280 = arith.subf %parallel_loop3A_279, %parallel_loop3A_277 : vector<16xf32>
        %parallel_loop3A_281 = math.exp %parallel_loop3A_280 : vector<16xf32>
        %parallel_loop3A_282 = arith.constant 1.000000e+00 : f32
        %parallel_loop3A_283 = vector.broadcast %parallel_loop3A_282 : f32 to vector<16xf32>
        %parallel_loop3A_284 = arith.addf %parallel_loop3A_283, %parallel_loop3A_281 : vector<16xf32>
        %parallel_loop3A_285 = arith.divf %parallel_loop3A_277, %parallel_loop3A_284 : vector<16xf32>
        %parallel_loop3A_286 = arith.index_cast %parallel_loop3A_180 : i32 to index
        %parallel_loop3A_287 = arith.constant 64 : index
        %parallel_loop3A_288 = tpu.vector_load %arg14[%parallel_loop3A_286, %parallel_loop3A_287] {strides = array<i32>} : memref<80x128xf32, #tpu.memory_space<vmem>>, vector<1x16xf32>,
        %parallel_loop3A_289 = vector.shape_cast %parallel_loop3A_288 : vector<1x16xf32> to vector<16xf32>
        %parallel_loop3A_290 = vector.shape_cast %parallel_loop3A_285 : vector<16xf32> to vector<1x16xf32>
        tpu.vector_store %arg14[%parallel_loop3A_286, %parallel_loop3A_287], %parallel_loop3A_290 {strides = array<i32>} : memref<80x128xf32, #tpu.memory_space<vmem>>, vector<1x16xf32>,
        %parallel_loop3A_291 = arith.index_cast %parallel_loop3A_180 : i32 to index
        %parallel_loop3A_292 = arith.constant 80 : index
        %parallel_loop3A_293 = tpu.vector_load %arg12[%parallel_loop3A_291, %parallel_loop3A_292] {strides = array<i32>} : memref<80x128xf32, #tpu.memory_space<vmem>>, vector<1x16xf32>,
        %parallel_loop3A_294 = vector.shape_cast %parallel_loop3A_293 : vector<1x16xf32> to vector<16xf32>
        %parallel_loop3A_295 = arith.index_cast %parallel_loop3A_180 : i32 to index
        %parallel_loop3A_296 = arith.constant 80 : index
        %parallel_loop3A_297 = tpu.vector_load %arg14[%parallel_loop3A_295, %parallel_loop3A_296] {strides = array<i32>} : memref<80x128xf32, #tpu.memory_space<vmem>>, vector<1x16xf32>,
        %parallel_loop3A_298 = vector.shape_cast %parallel_loop3A_297 : vector<1x16xf32> to vector<16xf32>
        %parallel_loop3A_299 = arith.addf %parallel_loop3A_294, %parallel_loop3A_298 : vector<16xf32>
        %parallel_loop3A_300 = arith.constant 0.000000e+00 : f32
        %parallel_loop3A_301 = vector.broadcast %parallel_loop3A_300 : f32 to vector<16xf32>
        %parallel_loop3A_302 = arith.subf %parallel_loop3A_301, %parallel_loop3A_299 : vector<16xf32>
        %parallel_loop3A_303 = math.exp %parallel_loop3A_302 : vector<16xf32>
        %parallel_loop3A_304 = arith.constant 1.000000e+00 : f32
        %parallel_loop3A_305 = vector.broadcast %parallel_loop3A_304 : f32 to vector<16xf32>
        %parallel_loop3A_306 = arith.addf %parallel_loop3A_305, %parallel_loop3A_303 : vector<16xf32>
        %parallel_loop3A_307 = arith.divf %parallel_loop3A_299, %parallel_loop3A_306 : vector<16xf32>
        %parallel_loop3A_308 = arith.index_cast %parallel_loop3A_180 : i32 to index
        %parallel_loop3A_309 = arith.constant 80 : index
        %parallel_loop3A_310 = tpu.vector_load %arg14[%parallel_loop3A_308, %parallel_loop3A_309] {strides = array<i32>} : memref<80x128xf32, #tpu.memory_space<vmem>>, vector<1x16xf32>,
        %parallel_loop3A_311 = vector.shape_cast %parallel_loop3A_310 : vector<1x16xf32> to vector<16xf32>
        %parallel_loop3A_312 = vector.shape_cast %parallel_loop3A_307 : vector<16xf32> to vector<1x16xf32>
        tpu.vector_store %arg14[%parallel_loop3A_308, %parallel_loop3A_309], %parallel_loop3A_312 {strides = array<i32>} : memref<80x128xf32, #tpu.memory_space<vmem>>, vector<1x16xf32>,
        %parallel_loop3A_313 = arith.index_cast %parallel_loop3A_180 : i32 to index
        %parallel_loop3A_314 = arith.constant 96 : index
        %parallel_loop3A_315 = tpu.vector_load %arg12[%parallel_loop3A_313, %parallel_loop3A_314] {strides = array<i32>} : memref<80x128xf32, #tpu.memory_space<vmem>>, vector<1x16xf32>,
        %parallel_loop3A_316 = vector.shape_cast %parallel_loop3A_315 : vector<1x16xf32> to vector<16xf32>
        %parallel_loop3A_317 = arith.index_cast %parallel_loop3A_180 : i32 to index
        %parallel_loop3A_318 = arith.constant 96 : index
        %parallel_loop3A_319 = tpu.vector_load %arg14[%parallel_loop3A_317, %parallel_loop3A_318] {strides = array<i32>} : memref<80x128xf32, #tpu.memory_space<vmem>>, vector<1x16xf32>,
        %parallel_loop3A_320 = vector.shape_cast %parallel_loop3A_319 : vector<1x16xf32> to vector<16xf32>
        %parallel_loop3A_321 = arith.addf %parallel_loop3A_316, %parallel_loop3A_320 : vector<16xf32>
        %parallel_loop3A_322 = arith.constant 0.000000e+00 : f32
        %parallel_loop3A_323 = vector.broadcast %parallel_loop3A_322 : f32 to vector<16xf32>
        %parallel_loop3A_324 = arith.subf %parallel_loop3A_323, %parallel_loop3A_321 : vector<16xf32>
        %parallel_loop3A_325 = math.exp %parallel_loop3A_324 : vector<16xf32>
        %parallel_loop3A_326 = arith.constant 1.000000e+00 : f32
        %parallel_loop3A_327 = vector.broadcast %parallel_loop3A_326 : f32 to vector<16xf32>
        %parallel_loop3A_328 = arith.addf %parallel_loop3A_327, %parallel_loop3A_325 : vector<16xf32>
        %parallel_loop3A_329 = arith.divf %parallel_loop3A_321, %parallel_loop3A_328 : vector<16xf32>
        %parallel_loop3A_330 = arith.index_cast %parallel_loop3A_180 : i32 to index
        %parallel_loop3A_331 = arith.constant 96 : index
        %parallel_loop3A_332 = tpu.vector_load %arg14[%parallel_loop3A_330, %parallel_loop3A_331] {strides = array<i32>} : memref<80x128xf32, #tpu.memory_space<vmem>>, vector<1x16xf32>,
        %parallel_loop3A_333 = vector.shape_cast %parallel_loop3A_332 : vector<1x16xf32> to vector<16xf32>
        %parallel_loop3A_334 = vector.shape_cast %parallel_loop3A_329 : vector<16xf32> to vector<1x16xf32>
        tpu.vector_store %arg14[%parallel_loop3A_330, %parallel_loop3A_331], %parallel_loop3A_334 {strides = array<i32>} : memref<80x128xf32, #tpu.memory_space<vmem>>, vector<1x16xf32>,
        %parallel_loop3A_335 = arith.index_cast %parallel_loop3A_180 : i32 to index
        %parallel_loop3A_336 = arith.constant 112 : index
        %parallel_loop3A_337 = tpu.vector_load %arg12[%parallel_loop3A_335, %parallel_loop3A_336] {strides = array<i32>} : memref<80x128xf32, #tpu.memory_space<vmem>>, vector<1x16xf32>,
        %parallel_loop3A_338 = vector.shape_cast %parallel_loop3A_337 : vector<1x16xf32> to vector<16xf32>
        %parallel_loop3A_339 = arith.index_cast %parallel_loop3A_180 : i32 to index
        %parallel_loop3A_340 = arith.constant 112 : index
        %parallel_loop3A_341 = tpu.vector_load %arg14[%parallel_loop3A_339, %parallel_loop3A_340] {strides = array<i32>} : memref<80x128xf32, #tpu.memory_space<vmem>>, vector<1x16xf32>,
        %parallel_loop3A_342 = vector.shape_cast %parallel_loop3A_341 : vector<1x16xf32> to vector<16xf32>
        %parallel_loop3A_343 = arith.addf %parallel_loop3A_338, %parallel_loop3A_342 : vector<16xf32>
        %parallel_loop3A_344 = arith.constant 0.000000e+00 : f32
        %parallel_loop3A_345 = vector.broadcast %parallel_loop3A_344 : f32 to vector<16xf32>
        %parallel_loop3A_346 = arith.subf %parallel_loop3A_345, %parallel_loop3A_343 : vector<16xf32>
        %parallel_loop3A_347 = math.exp %parallel_loop3A_346 : vector<16xf32>
        %parallel_loop3A_348 = arith.constant 1.000000e+00 : f32
        %parallel_loop3A_349 = vector.broadcast %parallel_loop3A_348 : f32 to vector<16xf32>
        %parallel_loop3A_350 = arith.addf %parallel_loop3A_349, %parallel_loop3A_347 : vector<16xf32>
        %parallel_loop3A_351 = arith.divf %parallel_loop3A_343, %parallel_loop3A_350 : vector<16xf32>
        %parallel_loop3A_352 = arith.index_cast %parallel_loop3A_180 : i32 to index
        %parallel_loop3A_353 = arith.constant 112 : index
        %parallel_loop3A_354 = tpu.vector_load %arg14[%parallel_loop3A_352, %parallel_loop3A_353] {strides = array<i32>} : memref<80x128xf32, #tpu.memory_space<vmem>>, vector<1x16xf32>,
        %parallel_loop3A_355 = vector.shape_cast %parallel_loop3A_354 : vector<1x16xf32> to vector<16xf32>
        %parallel_loop3A_356 = vector.shape_cast %parallel_loop3A_351 : vector<16xf32> to vector<1x16xf32>
        tpu.vector_store %arg14[%parallel_loop3A_352, %parallel_loop3A_353], %parallel_loop3A_356 {strides = array<i32>} : memref<80x128xf32, #tpu.memory_space<vmem>>, vector<1x16xf32>,
      } {sc.loop_unroll_factor = 2 : i64, sc.parallel_access}
      %dma_wait3A_153 = arith.constant 0 : i32
      %dma_wait3A_154 = arith.constant 0 : i32
      %dma_wait3A_155 = tpu.memref_slice %arg15[%dma_wait3A_153, %dma_wait3A_154] : memref<10000x128xf32, #tpu.memory_space<vmem_shared>> -> memref<10000x128xf32, #tpu.memory_space<vmem_shared>>
      tpu.wait_indirect_dma semaphore(%arg20 : memref<!tpu.dma_semaphore, #tpu.memory_space<semaphore_mem>>) src(%arg13 : memref<80x128xf32, #tpu.memory_space<vmem>>) dst(%dma_wait3A_155 : memref<10000x128xf32, #tpu.memory_space<vmem_shared>>)
      %add3A_156 = arith.constant 2 : i32
      %add3A_157 = arith.addi %mul3A_107, %add3A_156 : i32
      %lt3A_158 = arith.constant 125 : i32
      %lt3A_159 = arith.cmpi slt, %add3A_157, %lt3A_158 : i32
      %convert_element_type3A_160 = arith.extui %lt3A_159 : i1 to i32
      %cond3A_161 = arith.constant 0 : i32
      %cond3A_162 = arith.cmpi ne, %convert_element_type3A_160, %cond3A_161 : i32
      scf.if %cond3A_162 {
        %add3A_180 = arith.constant 2 : i32
        %add3A_181 = arith.addi %mul3A_107, %add3A_180 : i32
        %mul3A_182 = arith.constant 80 : i32
        %mul3A_183 = arith.muli %add3A_181, %mul3A_182 : i32
        %add3A_184 = arith.addi %mul3A_31, %mul3A_183 : i32
        %dma_start3A_185 = tpu.memref_slice %arg5[%add3A_184] : memref<320000xi32, #tpu.memory_space<hbm>> -> memref<80xi32, #tpu.memory_space<hbm>>
        %dma_start3A_186 = tpu.memref_slice %arg5[%add3A_184] : memref<320000xi32, #tpu.memory_space<hbm>> -> memref<80xi32, #tpu.memory_space<hbm>>
        tpu.enqueue_dma source(%dma_start3A_186 : memref<80xi32, #tpu.memory_space<hbm>>) target(%arg9 : memref<80xi32, #tpu.memory_space<vmem>>) target_semaphore(%arg24 : memref<!tpu.dma_semaphore, #tpu.memory_space<semaphore_mem>>)
        %dma_wait3A_187 = arith.constant 0 : i32
        %dma_wait3A_188 = tpu.memref_slice %arg4[%dma_wait3A_187] : memref<320000xi32, #tpu.memory_space<hbm>> -> memref<80xi32, #tpu.memory_space<hbm>>
        %dma_wait3A_189 = arith.constant 0 : i32
        %dma_wait3A_190 = tpu.memref_slice %arg4[%dma_wait3A_189] : memref<320000xi32, #tpu.memory_space<hbm>> -> memref<80xi32, #tpu.memory_space<hbm>>
        tpu.wait_dma2 semaphore(%arg22 : memref<!tpu.dma_semaphore, #tpu.memory_space<semaphore_mem>>) src(%dma_wait3A_190 : memref<80xi32, #tpu.memory_space<hbm>>) dst(%arg7 : memref<80xi32, #tpu.memory_space<vmem>>)
        %add3A_191 = arith.constant 2 : i32
        %add3A_192 = arith.addi %mul3A_107, %add3A_191 : i32
        %dma_start3A_193 = arith.constant 0 : i32
        %dma_start3A_194 = arith.constant 0 : i32
        %dma_start3A_195 = tpu.memref_slice %arg2[%dma_start3A_193, %dma_start3A_194] : memref<10000x128xf32, #tpu.memory_space<hbm>> -> memref<10000x128xf32, #tpu.memory_space<hbm>>
        tpu.enqueue_indirect_dma source(%dma_start3A_195 : memref<10000x128xf32, #tpu.memory_space<hbm>>) target(%arg11 : memref<80x128xf32, #tpu.memory_space<vmem>>) offsets(%arg7 : memref<80xi32, #tpu.memory_space<vmem>>) semaphore(%arg16 : memref<!tpu.dma_semaphore, #tpu.memory_space<semaphore_mem>>)
        %mul3A_196 = arith.constant 80 : i32
        %mul3A_197 = arith.muli %add3A_192, %mul3A_196 : i32
        %add3A_198 = arith.addi %mul3A_31, %mul3A_197 : i32
        %dma_start3A_199 = arith.constant 0 : i32
        %dma_start3A_200 = tpu.memref_slice %arg3[%add3A_198, %dma_start3A_199] : memref<320000x128xf32, #tpu.memory_space<hbm>> -> memref<80x128xf32, #tpu.memory_space<hbm>>
        %dma_start3A_201 = arith.constant 0 : i32
        %dma_start3A_202 = tpu.memref_slice %arg3[%add3A_198, %dma_start3A_201] : memref<320000x128xf32, #tpu.memory_space<hbm>> -> memref<80x128xf32, #tpu.memory_space<hbm>>
        tpu.enqueue_dma source(%dma_start3A_202 : memref<80x128xf32, #tpu.memory_space<hbm>>) target(%arg13 : memref<80x128xf32, #tpu.memory_space<vmem>>) target_semaphore(%arg18 : memref<!tpu.dma_semaphore, #tpu.memory_space<semaphore_mem>>)
      } else {
      }
      %dma_wait3A_163 = arith.constant 0 : i32
      %dma_wait3A_164 = tpu.memref_slice %arg5[%dma_wait3A_163] : memref<320000xi32, #tpu.memory_space<hbm>> -> memref<80xi32, #tpu.memory_space<hbm>>
      %dma_wait3A_165 = arith.constant 0 : i32
      %dma_wait3A_166 = tpu.memref_slice %arg5[%dma_wait3A_165] : memref<320000xi32, #tpu.memory_space<hbm>> -> memref<80xi32, #tpu.memory_space<hbm>>
      tpu.wait_dma2 semaphore(%arg25 : memref<!tpu.dma_semaphore, #tpu.memory_space<semaphore_mem>>) src(%dma_wait3A_166 : memref<80xi32, #tpu.memory_space<hbm>>) dst(%arg10 : memref<80xi32, #tpu.memory_space<vmem>>)
      %dma_start3A_167 = arith.constant 0 : i32
      %dma_start3A_168 = arith.constant 0 : i32
      %dma_start3A_169 = tpu.memref_slice %arg15[%dma_start3A_167, %dma_start3A_168] : memref<10000x128xf32, #tpu.memory_space<vmem_shared>> -> memref<10000x128xf32, #tpu.memory_space<vmem_shared>>
      tpu.enqueue_indirect_dma source(%arg14 : memref<80x128xf32, #tpu.memory_space<vmem>>) target(%dma_start3A_169 : memref<10000x128xf32, #tpu.memory_space<vmem_shared>>) offsets(%arg10 : memref<80xi32, #tpu.memory_space<vmem>>) semaphore(%arg21 : memref<!tpu.dma_semaphore, #tpu.memory_space<semaphore_mem>>) {add = true}
      %dma_wait3A_170 = arith.constant 0 : i32
      %dma_wait3A_171 = arith.constant 0 : i32
      %dma_wait3A_172 = tpu.memref_slice %arg15[%dma_wait3A_170, %dma_wait3A_171] : memref<10000x128xf32, #tpu.memory_space<vmem_shared>> -> memref<10000x128xf32, #tpu.memory_space<vmem_shared>>
      tpu.wait_indirect_dma semaphore(%arg21 : memref<!tpu.dma_semaphore, #tpu.memory_space<semaphore_mem>>) src(%arg14 : memref<80x128xf32, #tpu.memory_space<vmem>>) dst(%dma_wait3A_172 : memref<10000x128xf32, #tpu.memory_space<vmem_shared>>)
      %add3A_173 = arith.constant 3 : i32
      %add3A_174 = arith.addi %mul3A_107, %add3A_173 : i32
      %lt3A_175 = arith.constant 125 : i32
      %lt3A_176 = arith.cmpi slt, %add3A_174, %lt3A_175 : i32
      %convert_element_type3A_177 = arith.extui %lt3A_176 : i1 to i32
      %cond3A_178 = arith.constant 0 : i32
      %cond3A_179 = arith.cmpi ne, %convert_element_type3A_177, %cond3A_178 : i32
      scf.if %cond3A_179 {
        %add3A_180 = arith.constant 3 : i32
        %add3A_181 = arith.addi %mul3A_107, %add3A_180 : i32
        %mul3A_182 = arith.constant 80 : i32
        %mul3A_183 = arith.muli %add3A_181, %mul3A_182 : i32
        %add3A_184 = arith.addi %mul3A_31, %mul3A_183 : i32
        %dma_start3A_185 = tpu.memref_slice %arg5[%add3A_184] : memref<320000xi32, #tpu.memory_space<hbm>> -> memref<80xi32, #tpu.memory_space<hbm>>
        %dma_start3A_186 = tpu.memref_slice %arg5[%add3A_184] : memref<320000xi32, #tpu.memory_space<hbm>> -> memref<80xi32, #tpu.memory_space<hbm>>
        tpu.enqueue_dma source(%dma_start3A_186 : memref<80xi32, #tpu.memory_space<hbm>>) target(%arg10 : memref<80xi32, #tpu.memory_space<vmem>>) target_semaphore(%arg25 : memref<!tpu.dma_semaphore, #tpu.memory_space<semaphore_mem>>)
        %dma_wait3A_187 = arith.constant 0 : i32
        %dma_wait3A_188 = tpu.memref_slice %arg4[%dma_wait3A_187] : memref<320000xi32, #tpu.memory_space<hbm>> -> memref<80xi32, #tpu.memory_space<hbm>>
        %dma_wait3A_189 = arith.constant 0 : i32
        %dma_wait3A_190 = tpu.memref_slice %arg4[%dma_wait3A_189] : memref<320000xi32, #tpu.memory_space<hbm>> -> memref<80xi32, #tpu.memory_space<hbm>>
        tpu.wait_dma2 semaphore(%arg23 : memref<!tpu.dma_semaphore, #tpu.memory_space<semaphore_mem>>) src(%dma_wait3A_190 : memref<80xi32, #tpu.memory_space<hbm>>) dst(%arg8 : memref<80xi32, #tpu.memory_space<vmem>>)
        %add3A_191 = arith.constant 3 : i32
        %add3A_192 = arith.addi %mul3A_107, %add3A_191 : i32
        %dma_start3A_193 = arith.constant 0 : i32
        %dma_start3A_194 = arith.constant 0 : i32
        %dma_start3A_195 = tpu.memref_slice %arg2[%dma_start3A_193, %dma_start3A_194] : memref<10000x128xf32, #tpu.memory_space<hbm>> -> memref<10000x128xf32, #tpu.memory_space<hbm>>
        tpu.enqueue_indirect_dma source(%dma_start3A_195 : memref<10000x128xf32, #tpu.memory_space<hbm>>) target(%arg12 : memref<80x128xf32, #tpu.memory_space<vmem>>) offsets(%arg8 : memref<80xi32, #tpu.memory_space<vmem>>) semaphore(%arg17 : memref<!tpu.dma_semaphore, #tpu.memory_space<semaphore_mem>>)
        %mul3A_196 = arith.constant 80 : i32
        %mul3A_197 = arith.muli %add3A_192, %mul3A_196 : i32
        %add3A_198 = arith.addi %mul3A_31, %mul3A_197 : i32
        %dma_start3A_199 = arith.constant 0 : i32
        %dma_start3A_200 = tpu.memref_slice %arg3[%add3A_198, %dma_start3A_199] : memref<320000x128xf32, #tpu.memory_space<hbm>> -> memref<80x128xf32, #tpu.memory_space<hbm>>
        %dma_start3A_201 = arith.constant 0 : i32
        %dma_start3A_202 = tpu.memref_slice %arg3[%add3A_198, %dma_start3A_201] : memref<320000x128xf32, #tpu.memory_space<hbm>> -> memref<80x128xf32, #tpu.memory_space<hbm>>
        tpu.enqueue_dma source(%dma_start3A_202 : memref<80x128xf32, #tpu.memory_space<hbm>>) target(%arg14 : memref<80x128xf32, #tpu.memory_space<vmem>>) target_semaphore(%arg19 : memref<!tpu.dma_semaphore, #tpu.memory_space<semaphore_mem>>)
      } else {
      }
    }
    %scan3A_77 = arith.constant 62 : i32
    %dma_wait3A_78 = arith.constant 0 : i32
    %dma_wait3A_79 = arith.constant 0 : i32
    %dma_wait3A_80 = tpu.memref_slice %arg2[%dma_wait3A_78, %dma_wait3A_79] : memref<10000x128xf32, #tpu.memory_space<hbm>> -> memref<10000x128xf32, #tpu.memory_space<hbm>>
    tpu.wait_indirect_dma semaphore(%arg16 : memref<!tpu.dma_semaphore, #tpu.memory_space<semaphore_mem>>) src(%dma_wait3A_80 : memref<10000x128xf32, #tpu.memory_space<hbm>>) dst(%arg11 : memref<80x128xf32, #tpu.memory_space<vmem>>)
    %dma_wait3A_81 = arith.constant 0 : i32
    %dma_wait3A_82 = arith.constant 0 : i32
    %dma_wait3A_83 = tpu.memref_slice %arg3[%dma_wait3A_81, %dma_wait3A_82] : memref<320000x128xf32, #tpu.memory_space<hbm>> -> memref<80x128xf32, #tpu.memory_space<hbm>>
    %dma_wait3A_84 = arith.constant 0 : i32
    %dma_wait3A_85 = arith.constant 0 : i32
    %dma_wait3A_86 = tpu.memref_slice %arg3[%dma_wait3A_84, %dma_wait3A_85] : memref<320000x128xf32, #tpu.memory_space<hbm>> -> memref<80x128xf32, #tpu.memory_space<hbm>>
    tpu.wait_dma2 semaphore(%arg18 : memref<!tpu.dma_semaphore, #tpu.memory_space<semaphore_mem>>) src(%dma_wait3A_86 : memref<80x128xf32, #tpu.memory_space<hbm>>) dst(%arg13 : memref<80x128xf32, #tpu.memory_space<vmem>>)
    %parallel_loop3A = arith.constant 0 : i32
    %parallel_loop3A_87 = arith.constant 80 : i32
    %parallel_loop3A_88 = arith.constant 1 : i32
    scf.for %parallel_loop3A_105 = %parallel_loop3A to %parallel_loop3A_87 step %parallel_loop3A_88  : i32 {
      %parallel_loop3A_106 = arith.index_cast %parallel_loop3A_105 : i32 to index
      %parallel_loop3A_107 = arith.constant 0 : index
      %parallel_loop3A_108 = tpu.vector_load %arg11[%parallel_loop3A_106, %parallel_loop3A_107] {strides = array<i32>} : memref<80x128xf32, #tpu.memory_space<vmem>>, vector<1x16xf32>,
      %parallel_loop3A_109 = vector.shape_cast %parallel_loop3A_108 : vector<1x16xf32> to vector<16xf32>
      %parallel_loop3A_110 = arith.index_cast %parallel_loop3A_105 : i32 to index
      %parallel_loop3A_111 = arith.constant 0 : index
      %parallel_loop3A_112 = tpu.vector_load %arg13[%parallel_loop3A_110, %parallel_loop3A_111] {strides = array<i32>} : memref<80x128xf32, #tpu.memory_space<vmem>>, vector<1x16xf32>,
      %parallel_loop3A_113 = vector.shape_cast %parallel_loop3A_112 : vector<1x16xf32> to vector<16xf32>
      %parallel_loop3A_114 = arith.addf %parallel_loop3A_109, %parallel_loop3A_113 : vector<16xf32>
      %parallel_loop3A_115 = arith.constant 0.000000e+00 : f32
      %parallel_loop3A_116 = vector.broadcast %parallel_loop3A_115 : f32 to vector<16xf32>
      %parallel_loop3A_117 = arith.subf %parallel_loop3A_116, %parallel_loop3A_114 : vector<16xf32>
      %parallel_loop3A_118 = math.exp %parallel_loop3A_117 : vector<16xf32>
      %parallel_loop3A_119 = arith.constant 1.000000e+00 : f32
      %parallel_loop3A_120 = vector.broadcast %parallel_loop3A_119 : f32 to vector<16xf32>
      %parallel_loop3A_121 = arith.addf %parallel_loop3A_120, %parallel_loop3A_118 : vector<16xf32>
      %parallel_loop3A_122 = arith.divf %parallel_loop3A_114, %parallel_loop3A_121 : vector<16xf32>
      %parallel_loop3A_123 = arith.index_cast %parallel_loop3A_105 : i32 to index
      %parallel_loop3A_124 = arith.constant 0 : index
      %parallel_loop3A_125 = tpu.vector_load %arg13[%parallel_loop3A_123, %parallel_loop3A_124] {strides = array<i32>} : memref<80x128xf32, #tpu.memory_space<vmem>>, vector<1x16xf32>,
      %parallel_loop3A_126 = vector.shape_cast %parallel_loop3A_125 : vector<1x16xf32> to vector<16xf32>
      %parallel_loop3A_127 = vector.shape_cast %parallel_loop3A_122 : vector<16xf32> to vector<1x16xf32>
      tpu.vector_store %arg13[%parallel_loop3A_123, %parallel_loop3A_124], %parallel_loop3A_127 {strides = array<i32>} : memref<80x128xf32, #tpu.memory_space<vmem>>, vector<1x16xf32>,
      %parallel_loop3A_128 = arith.index_cast %parallel_loop3A_105 : i32 to index
      %parallel_loop3A_129 = arith.constant 16 : index
      %parallel_loop3A_130 = tpu.vector_load %arg11[%parallel_loop3A_128, %parallel_loop3A_129] {strides = array<i32>} : memref<80x128xf32, #tpu.memory_space<vmem>>, vector<1x16xf32>,
      %parallel_loop3A_131 = vector.shape_cast %parallel_loop3A_130 : vector<1x16xf32> to vector<16xf32>
      %parallel_loop3A_132 = arith.index_cast %parallel_loop3A_105 : i32 to index
      %parallel_loop3A_133 = arith.constant 16 : index
      %parallel_loop3A_134 = tpu.vector_load %arg13[%parallel_loop3A_132, %parallel_loop3A_133] {strides = array<i32>} : memref<80x128xf32, #tpu.memory_space<vmem>>, vector<1x16xf32>,
      %parallel_loop3A_135 = vector.shape_cast %parallel_loop3A_134 : vector<1x16xf32> to vector<16xf32>
      %parallel_loop3A_136 = arith.addf %parallel_loop3A_131, %parallel_loop3A_135 : vector<16xf32>
      %parallel_loop3A_137 = arith.constant 0.000000e+00 : f32
      %parallel_loop3A_138 = vector.broadcast %parallel_loop3A_137 : f32 to vector<16xf32>
      %parallel_loop3A_139 = arith.subf %parallel_loop3A_138, %parallel_loop3A_136 : vector<16xf32>
      %parallel_loop3A_140 = math.exp %parallel_loop3A_139 : vector<16xf32>
      %parallel_loop3A_141 = arith.constant 1.000000e+00 : f32
      %parallel_loop3A_142 = vector.broadcast %parallel_loop3A_141 : f32 to vector<16xf32>
      %parallel_loop3A_143 = arith.addf %parallel_loop3A_142, %parallel_loop3A_140 : vector<16xf32>
      %parallel_loop3A_144 = arith.divf %parallel_loop3A_136, %parallel_loop3A_143 : vector<16xf32>
      %parallel_loop3A_145 = arith.index_cast %parallel_loop3A_105 : i32 to index
      %parallel_loop3A_146 = arith.constant 16 : index
      %parallel_loop3A_147 = tpu.vector_load %arg13[%parallel_loop3A_145, %parallel_loop3A_146] {strides = array<i32>} : memref<80x128xf32, #tpu.memory_space<vmem>>, vector<1x16xf32>,
      %parallel_loop3A_148 = vector.shape_cast %parallel_loop3A_147 : vector<1x16xf32> to vector<16xf32>
      %parallel_loop3A_149 = vector.shape_cast %parallel_loop3A_144 : vector<16xf32> to vector<1x16xf32>
      tpu.vector_store %arg13[%parallel_loop3A_145, %parallel_loop3A_146], %parallel_loop3A_149 {strides = array<i32>} : memref<80x128xf32, #tpu.memory_space<vmem>>, vector<1x16xf32>,
      %parallel_loop3A_150 = arith.index_cast %parallel_loop3A_105 : i32 to index
      %parallel_loop3A_151 = arith.constant 32 : index
      %parallel_loop3A_152 = tpu.vector_load %arg11[%parallel_loop3A_150, %parallel_loop3A_151] {strides = array<i32>} : memref<80x128xf32, #tpu.memory_space<vmem>>, vector<1x16xf32>,
      %parallel_loop3A_153 = vector.shape_cast %parallel_loop3A_152 : vector<1x16xf32> to vector<16xf32>
      %parallel_loop3A_154 = arith.index_cast %parallel_loop3A_105 : i32 to index
      %parallel_loop3A_155 = arith.constant 32 : index
      %parallel_loop3A_156 = tpu.vector_load %arg13[%parallel_loop3A_154, %parallel_loop3A_155] {strides = array<i32>} : memref<80x128xf32, #tpu.memory_space<vmem>>, vector<1x16xf32>,
      %parallel_loop3A_157 = vector.shape_cast %parallel_loop3A_156 : vector<1x16xf32> to vector<16xf32>
      %parallel_loop3A_158 = arith.addf %parallel_loop3A_153, %parallel_loop3A_157 : vector<16xf32>
      %parallel_loop3A_159 = arith.constant 0.000000e+00 : f32
      %parallel_loop3A_160 = vector.broadcast %parallel_loop3A_159 : f32 to vector<16xf32>
      %parallel_loop3A_161 = arith.subf %parallel_loop3A_160, %parallel_loop3A_158 : vector<16xf32>
      %parallel_loop3A_162 = math.exp %parallel_loop3A_161 : vector<16xf32>
      %parallel_loop3A_163 = arith.constant 1.000000e+00 : f32
      %parallel_loop3A_164 = vector.broadcast %parallel_loop3A_163 : f32 to vector<16xf32>
      %parallel_loop3A_165 = arith.addf %parallel_loop3A_164, %parallel_loop3A_162 : vector<16xf32>
      %parallel_loop3A_166 = arith.divf %parallel_loop3A_158, %parallel_loop3A_165 : vector<16xf32>
      %parallel_loop3A_167 = arith.index_cast %parallel_loop3A_105 : i32 to index
      %parallel_loop3A_168 = arith.constant 32 : index
      %parallel_loop3A_169 = tpu.vector_load %arg13[%parallel_loop3A_167, %parallel_loop3A_168] {strides = array<i32>} : memref<80x128xf32, #tpu.memory_space<vmem>>, vector<1x16xf32>,
      %parallel_loop3A_170 = vector.shape_cast %parallel_loop3A_169 : vector<1x16xf32> to vector<16xf32>
      %parallel_loop3A_171 = vector.shape_cast %parallel_loop3A_166 : vector<16xf32> to vector<1x16xf32>
      tpu.vector_store %arg13[%parallel_loop3A_167, %parallel_loop3A_168], %parallel_loop3A_171 {strides = array<i32>} : memref<80x128xf32, #tpu.memory_space<vmem>>, vector<1x16xf32>,
      %parallel_loop3A_172 = arith.index_cast %parallel_loop3A_105 : i32 to index
      %parallel_loop3A_173 = arith.constant 48 : index
      %parallel_loop3A_174 = tpu.vector_load %arg11[%parallel_loop3A_172, %parallel_loop3A_173] {strides = array<i32>} : memref<80x128xf32, #tpu.memory_space<vmem>>, vector<1x16xf32>,
      %parallel_loop3A_175 = vector.shape_cast %parallel_loop3A_174 : vector<1x16xf32> to vector<16xf32>
      %parallel_loop3A_176 = arith.index_cast %parallel_loop3A_105 : i32 to index
      %parallel_loop3A_177 = arith.constant 48 : index
      %parallel_loop3A_178 = tpu.vector_load %arg13[%parallel_loop3A_176, %parallel_loop3A_177] {strides = array<i32>} : memref<80x128xf32, #tpu.memory_space<vmem>>, vector<1x16xf32>,
      %parallel_loop3A_179 = vector.shape_cast %parallel_loop3A_178 : vector<1x16xf32> to vector<16xf32>
      %parallel_loop3A_180 = arith.addf %parallel_loop3A_175, %parallel_loop3A_179 : vector<16xf32>
      %parallel_loop3A_181 = arith.constant 0.000000e+00 : f32
      %parallel_loop3A_182 = vector.broadcast %parallel_loop3A_181 : f32 to vector<16xf32>
      %parallel_loop3A_183 = arith.subf %parallel_loop3A_182, %parallel_loop3A_180 : vector<16xf32>
      %parallel_loop3A_184 = math.exp %parallel_loop3A_183 : vector<16xf32>
      %parallel_loop3A_185 = arith.constant 1.000000e+00 : f32
      %parallel_loop3A_186 = vector.broadcast %parallel_loop3A_185 : f32 to vector<16xf32>
      %parallel_loop3A_187 = arith.addf %parallel_loop3A_186, %parallel_loop3A_184 : vector<16xf32>
      %parallel_loop3A_188 = arith.divf %parallel_loop3A_180, %parallel_loop3A_187 : vector<16xf32>
      %parallel_loop3A_189 = arith.index_cast %parallel_loop3A_105 : i32 to index
      %parallel_loop3A_190 = arith.constant 48 : index
      %parallel_loop3A_191 = tpu.vector_load %arg13[%parallel_loop3A_189, %parallel_loop3A_190] {strides = array<i32>} : memref<80x128xf32, #tpu.memory_space<vmem>>, vector<1x16xf32>,
      %parallel_loop3A_192 = vector.shape_cast %parallel_loop3A_191 : vector<1x16xf32> to vector<16xf32>
      %parallel_loop3A_193 = vector.shape_cast %parallel_loop3A_188 : vector<16xf32> to vector<1x16xf32>
      tpu.vector_store %arg13[%parallel_loop3A_189, %parallel_loop3A_190], %parallel_loop3A_193 {strides = array<i32>} : memref<80x128xf32, #tpu.memory_space<vmem>>, vector<1x16xf32>,
      %parallel_loop3A_194 = arith.index_cast %parallel_loop3A_105 : i32 to index
      %parallel_loop3A_195 = arith.constant 64 : index
      %parallel_loop3A_196 = tpu.vector_load %arg11[%parallel_loop3A_194, %parallel_loop3A_195] {strides = array<i32>} : memref<80x128xf32, #tpu.memory_space<vmem>>, vector<1x16xf32>,
      %parallel_loop3A_197 = vector.shape_cast %parallel_loop3A_196 : vector<1x16xf32> to vector<16xf32>
      %parallel_loop3A_198 = arith.index_cast %parallel_loop3A_105 : i32 to index
      %parallel_loop3A_199 = arith.constant 64 : index
      %parallel_loop3A_200 = tpu.vector_load %arg13[%parallel_loop3A_198, %parallel_loop3A_199] {strides = array<i32>} : memref<80x128xf32, #tpu.memory_space<vmem>>, vector<1x16xf32>,
      %parallel_loop3A_201 = vector.shape_cast %parallel_loop3A_200 : vector<1x16xf32> to vector<16xf32>
      %parallel_loop3A_202 = arith.addf %parallel_loop3A_197, %parallel_loop3A_201 : vector<16xf32>
      %parallel_loop3A_203 = arith.constant 0.000000e+00 : f32
      %parallel_loop3A_204 = vector.broadcast %parallel_loop3A_203 : f32 to vector<16xf32>
      %parallel_loop3A_205 = arith.subf %parallel_loop3A_204, %parallel_loop3A_202 : vector<16xf32>
      %parallel_loop3A_206 = math.exp %parallel_loop3A_205 : vector<16xf32>
      %parallel_loop3A_207 = arith.constant 1.000000e+00 : f32
      %parallel_loop3A_208 = vector.broadcast %parallel_loop3A_207 : f32 to vector<16xf32>
      %parallel_loop3A_209 = arith.addf %parallel_loop3A_208, %parallel_loop3A_206 : vector<16xf32>
      %parallel_loop3A_210 = arith.divf %parallel_loop3A_202, %parallel_loop3A_209 : vector<16xf32>
      %parallel_loop3A_211 = arith.index_cast %parallel_loop3A_105 : i32 to index
      %parallel_loop3A_212 = arith.constant 64 : index
      %parallel_loop3A_213 = tpu.vector_load %arg13[%parallel_loop3A_211, %parallel_loop3A_212] {strides = array<i32>} : memref<80x128xf32, #tpu.memory_space<vmem>>, vector<1x16xf32>,
      %parallel_loop3A_214 = vector.shape_cast %parallel_loop3A_213 : vector<1x16xf32> to vector<16xf32>
      %parallel_loop3A_215 = vector.shape_cast %parallel_loop3A_210 : vector<16xf32> to vector<1x16xf32>
      tpu.vector_store %arg13[%parallel_loop3A_211, %parallel_loop3A_212], %parallel_loop3A_215 {strides = array<i32>} : memref<80x128xf32, #tpu.memory_space<vmem>>, vector<1x16xf32>,
      %parallel_loop3A_216 = arith.index_cast %parallel_loop3A_105 : i32 to index
      %parallel_loop3A_217 = arith.constant 80 : index
      %parallel_loop3A_218 = tpu.vector_load %arg11[%parallel_loop3A_216, %parallel_loop3A_217] {strides = array<i32>} : memref<80x128xf32, #tpu.memory_space<vmem>>, vector<1x16xf32>,
      %parallel_loop3A_219 = vector.shape_cast %parallel_loop3A_218 : vector<1x16xf32> to vector<16xf32>
      %parallel_loop3A_220 = arith.index_cast %parallel_loop3A_105 : i32 to index
      %parallel_loop3A_221 = arith.constant 80 : index
      %parallel_loop3A_222 = tpu.vector_load %arg13[%parallel_loop3A_220, %parallel_loop3A_221] {strides = array<i32>} : memref<80x128xf32, #tpu.memory_space<vmem>>, vector<1x16xf32>,
      %parallel_loop3A_223 = vector.shape_cast %parallel_loop3A_222 : vector<1x16xf32> to vector<16xf32>
      %parallel_loop3A_224 = arith.addf %parallel_loop3A_219, %parallel_loop3A_223 : vector<16xf32>
      %parallel_loop3A_225 = arith.constant 0.000000e+00 : f32
      %parallel_loop3A_226 = vector.broadcast %parallel_loop3A_225 : f32 to vector<16xf32>
      %parallel_loop3A_227 = arith.subf %parallel_loop3A_226, %parallel_loop3A_224 : vector<16xf32>
      %parallel_loop3A_228 = math.exp %parallel_loop3A_227 : vector<16xf32>
      %parallel_loop3A_229 = arith.constant 1.000000e+00 : f32
      %parallel_loop3A_230 = vector.broadcast %parallel_loop3A_229 : f32 to vector<16xf32>
      %parallel_loop3A_231 = arith.addf %parallel_loop3A_230, %parallel_loop3A_228 : vector<16xf32>
      %parallel_loop3A_232 = arith.divf %parallel_loop3A_224, %parallel_loop3A_231 : vector<16xf32>
      %parallel_loop3A_233 = arith.index_cast %parallel_loop3A_105 : i32 to index
      %parallel_loop3A_234 = arith.constant 80 : index
      %parallel_loop3A_235 = tpu.vector_load %arg13[%parallel_loop3A_233, %parallel_loop3A_234] {strides = array<i32>} : memref<80x128xf32, #tpu.memory_space<vmem>>, vector<1x16xf32>,
      %parallel_loop3A_236 = vector.shape_cast %parallel_loop3A_235 : vector<1x16xf32> to vector<16xf32>
      %parallel_loop3A_237 = vector.shape_cast %parallel_loop3A_232 : vector<16xf32> to vector<1x16xf32>
      tpu.vector_store %arg13[%parallel_loop3A_233, %parallel_loop3A_234], %parallel_loop3A_237 {strides = array<i32>} : memref<80x128xf32, #tpu.memory_space<vmem>>, vector<1x16xf32>,
      %parallel_loop3A_238 = arith.index_cast %parallel_loop3A_105 : i32 to index
      %parallel_loop3A_239 = arith.constant 96 : index
      %parallel_loop3A_240 = tpu.vector_load %arg11[%parallel_loop3A_238, %parallel_loop3A_239] {strides = array<i32>} : memref<80x128xf32, #tpu.memory_space<vmem>>, vector<1x16xf32>,
      %parallel_loop3A_241 = vector.shape_cast %parallel_loop3A_240 : vector<1x16xf32> to vector<16xf32>
      %parallel_loop3A_242 = arith.index_cast %parallel_loop3A_105 : i32 to index
      %parallel_loop3A_243 = arith.constant 96 : index
      %parallel_loop3A_244 = tpu.vector_load %arg13[%parallel_loop3A_242, %parallel_loop3A_243] {strides = array<i32>} : memref<80x128xf32, #tpu.memory_space<vmem>>, vector<1x16xf32>,
      %parallel_loop3A_245 = vector.shape_cast %parallel_loop3A_244 : vector<1x16xf32> to vector<16xf32>
      %parallel_loop3A_246 = arith.addf %parallel_loop3A_241, %parallel_loop3A_245 : vector<16xf32>
      %parallel_loop3A_247 = arith.constant 0.000000e+00 : f32
      %parallel_loop3A_248 = vector.broadcast %parallel_loop3A_247 : f32 to vector<16xf32>
      %parallel_loop3A_249 = arith.subf %parallel_loop3A_248, %parallel_loop3A_246 : vector<16xf32>
      %parallel_loop3A_250 = math.exp %parallel_loop3A_249 : vector<16xf32>
      %parallel_loop3A_251 = arith.constant 1.000000e+00 : f32
      %parallel_loop3A_252 = vector.broadcast %parallel_loop3A_251 : f32 to vector<16xf32>
      %parallel_loop3A_253 = arith.addf %parallel_loop3A_252, %parallel_loop3A_250 : vector<16xf32>
      %parallel_loop3A_254 = arith.divf %parallel_loop3A_246, %parallel_loop3A_253 : vector<16xf32>
      %parallel_loop3A_255 = arith.index_cast %parallel_loop3A_105 : i32 to index
      %parallel_loop3A_256 = arith.constant 96 : index
      %parallel_loop3A_257 = tpu.vector_load %arg13[%parallel_loop3A_255, %parallel_loop3A_256] {strides = array<i32>} : memref<80x128xf32, #tpu.memory_space<vmem>>, vector<1x16xf32>,
      %parallel_loop3A_258 = vector.shape_cast %parallel_loop3A_257 : vector<1x16xf32> to vector<16xf32>
      %parallel_loop3A_259 = vector.shape_cast %parallel_loop3A_254 : vector<16xf32> to vector<1x16xf32>
      tpu.vector_store %arg13[%parallel_loop3A_255, %parallel_loop3A_256], %parallel_loop3A_259 {strides = array<i32>} : memref<80x128xf32, #tpu.memory_space<vmem>>, vector<1x16xf32>,
      %parallel_loop3A_260 = arith.index_cast %parallel_loop3A_105 : i32 to index
      %parallel_loop3A_261 = arith.constant 112 : index
      %parallel_loop3A_262 = tpu.vector_load %arg11[%parallel_loop3A_260, %parallel_loop3A_261] {strides = array<i32>} : memref<80x128xf32, #tpu.memory_space<vmem>>, vector<1x16xf32>,
      %parallel_loop3A_263 = vector.shape_cast %parallel_loop3A_262 : vector<1x16xf32> to vector<16xf32>
      %parallel_loop3A_264 = arith.index_cast %parallel_loop3A_105 : i32 to index
      %parallel_loop3A_265 = arith.constant 112 : index
      %parallel_loop3A_266 = tpu.vector_load %arg13[%parallel_loop3A_264, %parallel_loop3A_265] {strides = array<i32>} : memref<80x128xf32, #tpu.memory_space<vmem>>, vector<1x16xf32>,
      %parallel_loop3A_267 = vector.shape_cast %parallel_loop3A_266 : vector<1x16xf32> to vector<16xf32>
      %parallel_loop3A_268 = arith.addf %parallel_loop3A_263, %parallel_loop3A_267 : vector<16xf32>
      %parallel_loop3A_269 = arith.constant 0.000000e+00 : f32
      %parallel_loop3A_270 = vector.broadcast %parallel_loop3A_269 : f32 to vector<16xf32>
      %parallel_loop3A_271 = arith.subf %parallel_loop3A_270, %parallel_loop3A_268 : vector<16xf32>
      %parallel_loop3A_272 = math.exp %parallel_loop3A_271 : vector<16xf32>
      %parallel_loop3A_273 = arith.constant 1.000000e+00 : f32
      %parallel_loop3A_274 = vector.broadcast %parallel_loop3A_273 : f32 to vector<16xf32>
      %parallel_loop3A_275 = arith.addf %parallel_loop3A_274, %parallel_loop3A_272 : vector<16xf32>
      %parallel_loop3A_276 = arith.divf %parallel_loop3A_268, %parallel_loop3A_275 : vector<16xf32>
      %parallel_loop3A_277 = arith.index_cast %parallel_loop3A_105 : i32 to index
      %parallel_loop3A_278 = arith.constant 112 : index
      %parallel_loop3A_279 = tpu.vector_load %arg13[%parallel_loop3A_277, %parallel_loop3A_278] {strides = array<i32>} : memref<80x128xf32, #tpu.memory_space<vmem>>, vector<1x16xf32>,
      %parallel_loop3A_280 = vector.shape_cast %parallel_loop3A_279 : vector<1x16xf32> to vector<16xf32>
      %parallel_loop3A_281 = vector.shape_cast %parallel_loop3A_276 : vector<16xf32> to vector<1x16xf32>
      tpu.vector_store %arg13[%parallel_loop3A_277, %parallel_loop3A_278], %parallel_loop3A_281 {strides = array<i32>} : memref<80x128xf32, #tpu.memory_space<vmem>>, vector<1x16xf32>,
    } {sc.loop_unroll_factor = 2 : i64, sc.parallel_access}
    %dma_wait3A_89 = arith.constant 0 : i32
    %dma_wait3A_90 = tpu.memref_slice %arg5[%dma_wait3A_89] : memref<320000xi32, #tpu.memory_space<hbm>> -> memref<80xi32, #tpu.memory_space<hbm>>
    %dma_wait3A_91 = arith.constant 0 : i32
    %dma_wait3A_92 = tpu.memref_slice %arg5[%dma_wait3A_91] : memref<320000xi32, #tpu.memory_space<hbm>> -> memref<80xi32, #tpu.memory_space<hbm>>
    tpu.wait_dma2 semaphore(%arg24 : memref<!tpu.dma_semaphore, #tpu.memory_space<semaphore_mem>>) src(%dma_wait3A_92 : memref<80xi32, #tpu.memory_space<hbm>>) dst(%arg9 : memref<80xi32, #tpu.memory_space<vmem>>)
    %dma_start3A_93 = arith.constant 0 : i32
    %dma_start3A_94 = arith.constant 0 : i32
    %dma_start3A_95 = tpu.memref_slice %arg15[%dma_start3A_93, %dma_start3A_94] : memref<10000x128xf32, #tpu.memory_space<vmem_shared>> -> memref<10000x128xf32, #tpu.memory_space<vmem_shared>>
    tpu.enqueue_indirect_dma source(%arg13 : memref<80x128xf32, #tpu.memory_space<vmem>>) target(%dma_start3A_95 : memref<10000x128xf32, #tpu.memory_space<vmem_shared>>) offsets(%arg9 : memref<80xi32, #tpu.memory_space<vmem>>) semaphore(%arg20 : memref<!tpu.dma_semaphore, #tpu.memory_space<semaphore_mem>>) {add = true}
    %dma_wait3A_96 = arith.constant 0 : i32
    %dma_wait3A_97 = arith.constant 0 : i32
    %dma_wait3A_98 = tpu.memref_slice %arg15[%dma_wait3A_96, %dma_wait3A_97] : memref<10000x128xf32, #tpu.memory_space<vmem_shared>> -> memref<10000x128xf32, #tpu.memory_space<vmem_shared>>
    tpu.wait_indirect_dma semaphore(%arg20 : memref<!tpu.dma_semaphore, #tpu.memory_space<semaphore_mem>>) src(%arg13 : memref<80x128xf32, #tpu.memory_space<vmem>>) dst(%dma_wait3A_98 : memref<10000x128xf32, #tpu.memory_space<vmem_shared>>)
    %barrier3A_99 = arith.constant 0 : index
    tpu.barrier barrier_id(%barrier3A_99)
    "tpu.region"() ({
      %run_scoped3A = tpu.sem_alloc : memref<!tpu.dma_semaphore, #tpu.memory_space<semaphore_mem>>
      %dma_start3A_105 = arith.constant 0 : i32
      %dma_start3A_106 = tpu.memref_slice %arg6[%arg0, %add3A_11, %dma_start3A_105] : memref<2x10000x128xf32, #tpu.memory_space<hbm>> -> memref<1x624x128xf32, #tpu.memory_space<hbm>>
      %dma_start3A_107 = tpu.memref_squeeze %dma_start3A_106 : memref<1x624x128xf32, #tpu.memory_space<hbm>> -> memref<624x128xf32, #tpu.memory_space<hbm>>
      %dma_start3A_108 = arith.constant 0 : i32
      %dma_start3A_109 = tpu.memref_slice %arg15[%add3A_11, %dma_start3A_108] : memref<10000x128xf32, #tpu.memory_space<vmem_shared>> -> memref<624x128xf32, #tpu.memory_space<vmem_shared>>
      tpu.enqueue_dma source(%dma_start3A_109 : memref<624x128xf32, #tpu.memory_space<vmem_shared>>) target(%dma_start3A_107 : memref<624x128xf32, #tpu.memory_space<hbm>>) target_semaphore(%run_scoped3A : memref<!tpu.dma_semaphore, #tpu.memory_space<semaphore_mem>>)
      %dma_wait3A_110 = arith.constant 0 : i32
      %dma_wait3A_111 = tpu.memref_slice %arg6[%arg0, %add3A_11, %dma_wait3A_110] : memref<2x10000x128xf32, #tpu.memory_space<hbm>> -> memref<1x624x128xf32, #tpu.memory_space<hbm>>
      %dma_wait3A_112 = tpu.memref_squeeze %dma_wait3A_111 : memref<1x624x128xf32, #tpu.memory_space<hbm>> -> memref<624x128xf32, #tpu.memory_space<hbm>>
      %dma_wait3A_113 = arith.constant 0 : i32
      %dma_wait3A_114 = tpu.memref_slice %arg15[%add3A_11, %dma_wait3A_113] : memref<10000x128xf32, #tpu.memory_space<vmem_shared>> -> memref<624x128xf32, #tpu.memory_space<vmem_shared>>
      tpu.wait_dma2 semaphore(%run_scoped3A : memref<!tpu.dma_semaphore, #tpu.memory_space<semaphore_mem>>) src(%dma_wait3A_114 : memref<624x128xf32, #tpu.memory_space<vmem_shared>>) dst(%dma_wait3A_112 : memref<624x128xf32, #tpu.memory_space<hbm>>)
      tpu.yield
    }) : () -> ()
    %lt3A_100 = arith.constant 2 : i32
    %lt3A_101 = arith.cmpi slt, %arg1, %lt3A_100 : i32
    %convert_element_type3A_102 = arith.extui %lt3A_101 : i1 to i32
    %cond3A_103 = arith.constant 0 : i32
    %cond3A_104 = arith.cmpi ne, %convert_element_type3A_102, %cond3A_103 : i32
    scf.if %cond3A_104 {
      %add3A_105 = arith.constant 624 : i32
      %add3A_106 = arith.addi %add3A_11, %add3A_105 : i32
      %add3A_107 = arith.constant 624 : i32
      %add3A_108 = arith.addi %add3A_11, %add3A_107 : i32
      "tpu.region"() ({
        %run_scoped3A = tpu.sem_alloc : memref<!tpu.dma_semaphore, #tpu.memory_space<semaphore_mem>>
        %dma_start3A_109 = arith.constant 0 : i32
        %dma_start3A_110 = tpu.memref_slice %arg6[%arg0, %add3A_108, %dma_start3A_109] : memref<2x10000x128xf32, #tpu.memory_space<hbm>> -> memref<1x8x128xf32, #tpu.memory_space<hbm>>
        %dma_start3A_111 = tpu.memref_squeeze %dma_start3A_110 : memref<1x8x128xf32, #tpu.memory_space<hbm>> -> memref<8x128xf32, #tpu.memory_space<hbm>>
        %dma_start3A_112 = arith.constant 0 : i32
        %dma_start3A_113 = tpu.memref_slice %arg15[%add3A_106, %dma_start3A_112] : memref<10000x128xf32, #tpu.memory_space<vmem_shared>> -> memref<8x128xf32, #tpu.memory_space<vmem_shared>>
        tpu.enqueue_dma source(%dma_start3A_113 : memref<8x128xf32, #tpu.memory_space<vmem_shared>>) target(%dma_start3A_111 : memref<8x128xf32, #tpu.memory_space<hbm>>) target_semaphore(%run_scoped3A : memref<!tpu.dma_semaphore, #tpu.memory_space<semaphore_mem>>)
        %dma_wait3A_114 = arith.constant 0 : i32
        %dma_wait3A_115 = tpu.memref_slice %arg6[%arg0, %add3A_108, %dma_wait3A_114] : memref<2x10000x128xf32, #tpu.memory_space<hbm>> -> memref<1x8x128xf32, #tpu.memory_space<hbm>>
        %dma_wait3A_116 = tpu.memref_squeeze %dma_wait3A_115 : memref<1x8x128xf32, #tpu.memory_space<hbm>> -> memref<8x128xf32, #tpu.memory_space<hbm>>
        %dma_wait3A_117 = arith.constant 0 : i32
        %dma_wait3A_118 = tpu.memref_slice %arg15[%add3A_106, %dma_wait3A_117] : memref<10000x128xf32, #tpu.memory_space<vmem_shared>> -> memref<8x128xf32, #tpu.memory_space<vmem_shared>>
        tpu.wait_dma2 semaphore(%run_scoped3A : memref<!tpu.dma_semaphore, #tpu.memory_space<semaphore_mem>>) src(%dma_wait3A_118 : memref<8x128xf32, #tpu.memory_space<vmem_shared>>) dst(%dma_wait3A_116 : memref<8x128xf32, #tpu.memory_space<hbm>>)
        tpu.yield
      }) : () -> ()
    } else {
    }
    return
  }
}

module attributes {stable_mosaic.version = 14 : i64} {
  func.func @_edge_q_body(%arg0: i32, %arg1: memref<1x1x3200xf32, #tpu.memory_space<vmem>>, %arg2: memref<64x128xf32, #tpu.memory_space<vmem>>, %arg3: memref<64x128xf32, #tpu.memory_space<vmem>>, %arg4: memref<3200x128xf32, #tpu.memory_space<vmem>>) attributes {dimension_semantics = [#tpu.dimension_semantics<arbitrary>], iteration_bounds = array<i64: 100>, scalar_prefetch = 0 : i64, scratch_operands = 0 : i64, tpu.core_type = #tpu.core_type<tc>, window_params = [{transform_indices = @transform_0, window_bounds = array<i64: 1, 1, 3200>}, {pipeline_mode = #tpu.pipeline_mode<synchronous>, transform_indices = @transform_1, window_bounds = array<i64: 64, 128>}, {pipeline_mode = #tpu.pipeline_mode<synchronous>, transform_indices = @transform_2, window_bounds = array<i64: 64, 128>}, {transform_indices = @transform_3, window_bounds = array<i64: 3200, 128>}]} {
    %get3A = arith.constant 0 : index
    %get3A_0 = arith.constant 0 : index
    %get3A_1 = arith.constant 0 : index
    %get3A_2 = vector.load %arg1[%get3A, %get3A_0, %get3A_1] : memref<1x1x3200xf32, #tpu.memory_space<vmem>>, vector<1x1x3200xf32>
    %get3A_3 = vector.shape_cast %get3A_2 : vector<1x1x3200xf32> to vector<1x3200xf32>
    %iota3A = tpu.iota {dimensions = array<i32: 0>} : vector<64x1xi32>
    %convert_element_type3A = arith.sitofp %iota3A : vector<64x1xi32> to vector<64x1xf32>
    %mul3A = arith.constant -9.21034049 : f32
    %mul3A_4 = vector.broadcast %mul3A : f32 to vector<64x1xf32>
    %mul3A_5 = arith.mulf %mul3A_4, %convert_element_type3A : vector<64x1xf32>
    %div3A = arith.constant 6.400000e+01 : f32
    %div3A_6 = vector.broadcast %div3A : f32 to vector<64x1xf32>
    %div3A_7 = arith.divf %mul3A_5, %div3A_6 : vector<64x1xf32>
    %exp3A = math.exp %div3A_7 : vector<64x1xf32>
    %mul3A_8 = vector.broadcast %exp3A : vector<64x1xf32> to vector<64x3200xf32>
    %mul3A_9 = vector.broadcast %get3A_3 : vector<1x3200xf32> to vector<64x3200xf32>
    %mul3A_10 = arith.mulf %mul3A_8, %mul3A_9 : vector<64x3200xf32>
    %mul3A_11 = arith.mulf %mul3A_10, %mul3A_10 : vector<64x3200xf32>
    %mul3A_12 = arith.constant -1.98412701E-4 : f32
    %mul3A_13 = vector.broadcast %mul3A_12 : f32 to vector<64x3200xf32>
    %mul3A_14 = arith.mulf %mul3A_11, %mul3A_13 : vector<64x3200xf32>
    %add3A = arith.constant 0.00833333377 : f32
    %add3A_15 = vector.broadcast %add3A : f32 to vector<64x3200xf32>
    %add3A_16 = arith.addf %add3A_15, %mul3A_14 : vector<64x3200xf32>
    %mul3A_17 = arith.mulf %mul3A_11, %add3A_16 : vector<64x3200xf32>
    %add3A_18 = arith.constant -0.166666672 : f32
    %add3A_19 = vector.broadcast %add3A_18 : f32 to vector<64x3200xf32>
    %add3A_20 = arith.addf %add3A_19, %mul3A_17 : vector<64x3200xf32>
    %mul3A_21 = arith.mulf %mul3A_11, %add3A_20 : vector<64x3200xf32>
    %add3A_22 = arith.constant 1.000000e+00 : f32
    %add3A_23 = vector.broadcast %add3A_22 : f32 to vector<64x3200xf32>
    %add3A_24 = arith.addf %add3A_23, %mul3A_21 : vector<64x3200xf32>
    %mul3A_25 = arith.mulf %mul3A_10, %add3A_24 : vector<64x3200xf32>
    %mul3A_26 = arith.constant -0.00138888892 : f32
    %mul3A_27 = vector.broadcast %mul3A_26 : f32 to vector<64x3200xf32>
    %mul3A_28 = arith.mulf %mul3A_11, %mul3A_27 : vector<64x3200xf32>
    %add3A_29 = arith.constant 0.0416666679 : f32
    %add3A_30 = vector.broadcast %add3A_29 : f32 to vector<64x3200xf32>
    %add3A_31 = arith.addf %add3A_30, %mul3A_28 : vector<64x3200xf32>
    %mul3A_32 = arith.mulf %mul3A_11, %add3A_31 : vector<64x3200xf32>
    %add3A_33 = arith.constant -5.000000e-01 : f32
    %add3A_34 = vector.broadcast %add3A_33 : f32 to vector<64x3200xf32>
    %add3A_35 = arith.addf %add3A_34, %mul3A_32 : vector<64x3200xf32>
    %mul3A_36 = arith.mulf %mul3A_11, %add3A_35 : vector<64x3200xf32>
    %add3A_37 = arith.constant 1.000000e+00 : f32
    %add3A_38 = vector.broadcast %add3A_37 : f32 to vector<64x3200xf32>
    %add3A_39 = arith.addf %add3A_38, %mul3A_36 : vector<64x3200xf32>
    %get3A_40 = arith.constant 0 : index
    %get3A_41 = arith.constant 0 : index
    %get3A_42 = vector.load %arg2[%get3A_40, %get3A_41] : memref<64x128xf32, #tpu.memory_space<vmem>>, vector<64x128xf32>
    %dot_general3A = arith.constant dense<0.000000e+00> : vector<3200x128xf32>
    %dot_general3A_43 = tpu.matmul %mul3A_25, %get3A_42, %dot_general3A {dimension_numbers = #tpu.dot_dimension_numbers<[0], [0], [1], [1], [0, 1, 1, 1], [], []>, transpose_lhs_hint = false} : vector<64x3200xf32>, vector<64x128xf32>, vector<3200x128xf32> -> vector<3200x128xf32>
    %get3A_44 = arith.constant 0 : index
    %get3A_45 = arith.constant 0 : index
    %get3A_46 = vector.load %arg3[%get3A_44, %get3A_45] : memref<64x128xf32, #tpu.memory_space<vmem>>, vector<64x128xf32>
    %dot_general3A_47 = arith.constant dense<0.000000e+00> : vector<3200x128xf32>
    %dot_general3A_48 = tpu.matmul %add3A_39, %get3A_46, %dot_general3A_47 {dimension_numbers = #tpu.dot_dimension_numbers<[0], [0], [1], [1], [0, 1, 1, 1], [], []>, transpose_lhs_hint = false} : vector<64x3200xf32>, vector<64x128xf32>, vector<3200x128xf32> -> vector<3200x128xf32>
    %add3A_49 = arith.addf %dot_general3A_43, %dot_general3A_48 : vector<3200x128xf32>
    %swap3A = arith.constant 0 : index
    %swap3A_50 = arith.constant 0 : index
    %swap3A_51 = vector.load %arg4[%swap3A, %swap3A_50] : memref<3200x128xf32, #tpu.memory_space<vmem>>, vector<3200x128xf32>
    tpu.vector_store %arg4[%swap3A, %swap3A_50], %add3A_49 {strides = array<i32>} : memref<3200x128xf32, #tpu.memory_space<vmem>>, vector<3200x128xf32>,
    return
  }
  func.func @transform_0(%arg0: i32) -> (i32, i32, i32) {
    %c0_i32 = arith.constant 0 : i32
    %c0_i32_0 = arith.constant 0 : i32
    %c0_i32_1 = arith.constant 0 : i32
    return %arg0, %c0_i32, %c0_i32_0 : i32, i32, i32
  }
  func.func @transform_1(%arg0: i32) -> (i32, i32) {
    %c0_i32 = arith.constant 0 : i32
    %c0_i32_0 = arith.constant 0 : i32
    %c0_i32_1 = arith.constant 0 : i32
    return %c0_i32, %c0_i32_0 : i32, i32
  }
  func.func @transform_2(%arg0: i32) -> (i32, i32) {
    %c0_i32 = arith.constant 0 : i32
    %c0_i32_0 = arith.constant 0 : i32
    %c0_i32_1 = arith.constant 0 : i32
    return %c0_i32, %c0_i32_0 : i32, i32
  }
  func.func @transform_3(%arg0: i32) -> (i32, i32) {
    %c0_i32 = arith.constant 0 : i32
    %c0_i32_0 = arith.constant 0 : i32
    return %arg0, %c0_i32 : i32, i32
  }
}

module attributes {stable_mosaic.version = 14 : i64} {
  func.func @_node_pre_body(%arg0: i32, %arg1: memref<2000x128xf32, #tpu.memory_space<vmem>>, %arg2: memref<2000x128xf32, #tpu.memory_space<vmem>>, %arg3: memref<128x128xf32, #tpu.memory_space<vmem>>, %arg4: memref<1x128xf32, #tpu.memory_space<vmem>>, %arg5: memref<128x128xf32, #tpu.memory_space<vmem>>, %arg6: memref<1x128xf32, #tpu.memory_space<vmem>>, %arg7: memref<2000x128xf32, #tpu.memory_space<vmem>>, %arg8: memref<2000x128xf32, #tpu.memory_space<vmem>>) attributes {dimension_semantics = [#tpu.dimension_semantics<arbitrary>], iteration_bounds = array<i64: 5>, scalar_prefetch = 0 : i64, scratch_operands = 0 : i64, tpu.core_type = #tpu.core_type<tc>, window_params = [{transform_indices = @transform_0, window_bounds = array<i64: 2000, 128>}, {transform_indices = @transform_1, window_bounds = array<i64: 2000, 128>}, {pipeline_mode = #tpu.pipeline_mode<synchronous>, transform_indices = @transform_2, window_bounds = array<i64: 128, 128>}, {pipeline_mode = #tpu.pipeline_mode<synchronous>, transform_indices = @transform_3, window_bounds = array<i64: 1, 128>}, {pipeline_mode = #tpu.pipeline_mode<synchronous>, transform_indices = @transform_4, window_bounds = array<i64: 128, 128>}, {pipeline_mode = #tpu.pipeline_mode<synchronous>, transform_indices = @transform_5, window_bounds = array<i64: 1, 128>}, {transform_indices = @transform_6, window_bounds = array<i64: 2000, 128>}, {transform_indices = @transform_7, window_bounds = array<i64: 2000, 128>}]} {
    %get3A = arith.constant 0 : index
    %get3A_0 = arith.constant 0 : index
    %get3A_1 = vector.load %arg1[%get3A, %get3A_0] : memref<2000x128xf32, #tpu.memory_space<vmem>>, vector<2000x128xf32>
    %get3A_2 = arith.constant 0 : index
    %get3A_3 = arith.constant 0 : index
    %get3A_4 = vector.load %arg2[%get3A_2, %get3A_3] : memref<2000x128xf32, #tpu.memory_space<vmem>>, vector<2000x128xf32>
    %add3A = arith.addf %get3A_1, %get3A_4 : vector<2000x128xf32>
    %get3A_5 = arith.constant 0 : index
    %get3A_6 = arith.constant 0 : index
    %get3A_7 = vector.load %arg3[%get3A_5, %get3A_6] : memref<128x128xf32, #tpu.memory_space<vmem>>, vector<128x128xf32>
    %dot_general3A = arith.constant dense<0.000000e+00> : vector<2000x128xf32>
    %dot_general3A_8 = tpu.matmul %get3A_1, %get3A_7, %dot_general3A {dimension_numbers = #tpu.dot_dimension_numbers<[1], [0], [0], [1], [0, 0, 1, 1], [], []>, transpose_lhs_hint = false} : vector<2000x128xf32>, vector<128x128xf32>, vector<2000x128xf32> -> vector<2000x128xf32>
    %get3A_9 = arith.constant 0 : index
    %get3A_10 = arith.constant 0 : index
    %get3A_11 = vector.load %arg4[%get3A_9, %get3A_10] : memref<1x128xf32, #tpu.memory_space<vmem>>, vector<1x128xf32>
    %add3A_12 = vector.broadcast %get3A_11 : vector<1x128xf32> to vector<2000x128xf32>
    %add3A_13 = arith.addf %dot_general3A_8, %add3A_12 : vector<2000x128xf32>
    %swap3A = arith.constant 0 : index
    %swap3A_14 = arith.constant 0 : index
    %swap3A_15 = vector.load %arg7[%swap3A, %swap3A_14] : memref<2000x128xf32, #tpu.memory_space<vmem>>, vector<2000x128xf32>
    tpu.vector_store %arg7[%swap3A, %swap3A_14], %add3A_13 {strides = array<i32>} : memref<2000x128xf32, #tpu.memory_space<vmem>>, vector<2000x128xf32>,
    %dot_general3A_16 = arith.constant dense<0.000000e+00> : vector<2000x128xf32>
    %dot_general3A_17 = tpu.matmul %add3A, %get3A_7, %dot_general3A_16 {dimension_numbers = #tpu.dot_dimension_numbers<[1], [0], [0], [1], [0, 0, 1, 1], [], []>, transpose_lhs_hint = false} : vector<2000x128xf32>, vector<128x128xf32>, vector<2000x128xf32> -> vector<2000x128xf32>
    %get3A_18 = arith.constant 0 : index
    %get3A_19 = arith.constant 0 : index
    %get3A_20 = vector.load %arg4[%get3A_18, %get3A_19] : memref<1x128xf32, #tpu.memory_space<vmem>>, vector<1x128xf32>
    %mul3A = arith.constant 2.000000e+00 : f32
    %mul3A_21 = vector.broadcast %mul3A : f32 to vector<1x128xf32>
    %mul3A_22 = arith.mulf %mul3A_21, %get3A_20 : vector<1x128xf32>
    %add3A_23 = vector.broadcast %mul3A_22 : vector<1x128xf32> to vector<2000x128xf32>
    %add3A_24 = arith.addf %dot_general3A_17, %add3A_23 : vector<2000x128xf32>
    %get3A_25 = arith.constant 0 : index
    %get3A_26 = arith.constant 0 : index
    %get3A_27 = vector.load %arg5[%get3A_25, %get3A_26] : memref<128x128xf32, #tpu.memory_space<vmem>>, vector<128x128xf32>
    %dot_general3A_28 = arith.constant dense<0.000000e+00> : vector<2000x128xf32>
    %dot_general3A_29 = tpu.matmul %add3A_24, %get3A_27, %dot_general3A_28 {dimension_numbers = #tpu.dot_dimension_numbers<[1], [0], [0], [1], [0, 0, 1, 1], [], []>, transpose_lhs_hint = false} : vector<2000x128xf32>, vector<128x128xf32>, vector<2000x128xf32> -> vector<2000x128xf32>
    %get3A_30 = arith.constant 0 : index
    %get3A_31 = arith.constant 0 : index
    %get3A_32 = vector.load %arg6[%get3A_30, %get3A_31] : memref<1x128xf32, #tpu.memory_space<vmem>>, vector<1x128xf32>
    %add3A_33 = vector.broadcast %get3A_32 : vector<1x128xf32> to vector<2000x128xf32>
    %add3A_34 = arith.addf %dot_general3A_29, %add3A_33 : vector<2000x128xf32>
    %swap3A_35 = arith.constant 0 : index
    %swap3A_36 = arith.constant 0 : index
    %swap3A_37 = vector.load %arg8[%swap3A_35, %swap3A_36] : memref<2000x128xf32, #tpu.memory_space<vmem>>, vector<2000x128xf32>
    tpu.vector_store %arg8[%swap3A_35, %swap3A_36], %add3A_34 {strides = array<i32>} : memref<2000x128xf32, #tpu.memory_space<vmem>>, vector<2000x128xf32>,
    return
  }
  func.func @transform_0(%arg0: i32) -> (i32, i32) {
    %c0_i32 = arith.constant 0 : i32
    %c0_i32_0 = arith.constant 0 : i32
    return %arg0, %c0_i32 : i32, i32
  }
  func.func @transform_1(%arg0: i32) -> (i32, i32) {
    %c0_i32 = arith.constant 0 : i32
    %c0_i32_0 = arith.constant 0 : i32
    return %arg0, %c0_i32 : i32, i32
  }
  func.func @transform_2(%arg0: i32) -> (i32, i32) {
    %c0_i32 = arith.constant 0 : i32
    %c0_i32_0 = arith.constant 0 : i32
    %c0_i32_1 = arith.constant 0 : i32
    return %c0_i32, %c0_i32_0 : i32, i32
  }
  func.func @transform_3(%arg0: i32) -> (i32, i32) {
    %c0_i32 = arith.constant 0 : i32
    %c0_i32_0 = arith.constant 0 : i32
    %c0_i32_1 = arith.constant 0 : i32
    return %c0_i32, %c0_i32_0 : i32, i32
  }
  func.func @transform_4(%arg0: i32) -> (i32, i32) {
    %c0_i32 = arith.constant 0 : i32
    %c0_i32_0 = arith.constant 0 : i32
    %c0_i32_1 = arith.constant 0 : i32
    return %c0_i32, %c0_i32_0 : i32, i32
  }
  func.func @transform_5(%arg0: i32) -> (i32, i32) {
    %c0_i32 = arith.constant 0 : i32
    %c0_i32_0 = arith.constant 0 : i32
    %c0_i32_1 = arith.constant 0 : i32
    return %c0_i32, %c0_i32_0 : i32, i32
  }
  func.func @transform_6(%arg0: i32) -> (i32, i32) {
    %c0_i32 = arith.constant 0 : i32
    %c0_i32_0 = arith.constant 0 : i32
    return %arg0, %c0_i32 : i32, i32
  }
  func.func @transform_7(%arg0: i32) -> (i32, i32) {
    %c0_i32 = arith.constant 0 : i32
    %c0_i32_0 = arith.constant 0 : i32
    return %arg0, %c0_i32 : i32, i32
  }
}

module attributes {stable_mosaic.version = 14 : i64} {
  func.func @_final_body(%arg0: i32, %arg1: memref<2000x128xf32, #tpu.memory_space<vmem>>, %arg2: memref<2000x128xf32, #tpu.memory_space<vmem>>, %arg3: memref<2000x128xf32, #tpu.memory_space<vmem>>, %arg4: memref<1x1x2000xf32, #tpu.memory_space<vmem>>, %arg5: memref<128x128xf32, #tpu.memory_space<vmem>>, %arg6: memref<64x256xf32, #tpu.memory_space<vmem>>, %arg7: memref<64x256xf32, #tpu.memory_space<vmem>>, %arg8: memref<1x256xf32, #tpu.memory_space<vmem>>, %arg9: memref<128x128xf32, #tpu.memory_space<vmem>>, %arg10: memref<1x128xf32, #tpu.memory_space<vmem>>, %arg11: memref<2000x128xf32, #tpu.memory_space<vmem>>) attributes {dimension_semantics = [#tpu.dimension_semantics<arbitrary>], iteration_bounds = array<i64: 5>, scalar_prefetch = 0 : i64, scratch_operands = 0 : i64, tpu.core_type = #tpu.core_type<tc>, window_params = [{transform_indices = @transform_0, window_bounds = array<i64: 2000, 128>}, {transform_indices = @transform_1, window_bounds = array<i64: 2000, 128>}, {transform_indices = @transform_2, window_bounds = array<i64: 2000, 128>}, {transform_indices = @transform_3, window_bounds = array<i64: 1, 1, 2000>}, {pipeline_mode = #tpu.pipeline_mode<synchronous>, transform_indices = @transform_4, window_bounds = array<i64: 128, 128>}, {pipeline_mode = #tpu.pipeline_mode<synchronous>, transform_indices = @transform_5, window_bounds = array<i64: 64, 256>}, {pipeline_mode = #tpu.pipeline_mode<synchronous>, transform_indices = @transform_6, window_bounds = array<i64: 64, 256>}, {pipeline_mode = #tpu.pipeline_mode<synchronous>, transform_indices = @transform_7, window_bounds = array<i64: 1, 256>}, {pipeline_mode = #tpu.pipeline_mode<synchronous>, transform_indices = @transform_8, window_bounds = array<i64: 128, 128>}, {pipeline_mode = #tpu.pipeline_mode<synchronous>, transform_indices = @transform_9, window_bounds = array<i64: 1, 128>}, {transform_indices = @transform_10, window_bounds = array<i64: 2000, 128>}]} {
    %get3A = arith.constant 0 : index
    %get3A_0 = arith.constant 0 : index
    %get3A_1 = arith.constant 0 : index
    %get3A_2 = vector.load %arg4[%get3A, %get3A_0, %get3A_1] : memref<1x1x2000xf32, #tpu.memory_space<vmem>>, vector<1x1x2000xf32>
    %get3A_3 = vector.shape_cast %get3A_2 : vector<1x1x2000xf32> to vector<1x2000xf32>
    %iota3A = tpu.iota {dimensions = array<i32: 0>} : vector<64x1xi32>
    %convert_element_type3A = arith.sitofp %iota3A : vector<64x1xi32> to vector<64x1xf32>
    %mul3A = arith.constant -9.21034049 : f32
    %mul3A_4 = vector.broadcast %mul3A : f32 to vector<64x1xf32>
    %mul3A_5 = arith.mulf %mul3A_4, %convert_element_type3A : vector<64x1xf32>
    %div3A = arith.constant 6.400000e+01 : f32
    %div3A_6 = vector.broadcast %div3A : f32 to vector<64x1xf32>
    %div3A_7 = arith.divf %mul3A_5, %div3A_6 : vector<64x1xf32>
    %exp3A = math.exp %div3A_7 : vector<64x1xf32>
    %mul3A_8 = vector.broadcast %exp3A : vector<64x1xf32> to vector<64x2000xf32>
    %mul3A_9 = vector.broadcast %get3A_3 : vector<1x2000xf32> to vector<64x2000xf32>
    %mul3A_10 = arith.mulf %mul3A_8, %mul3A_9 : vector<64x2000xf32>
    %mul3A_11 = arith.mulf %mul3A_10, %mul3A_10 : vector<64x2000xf32>
    %mul3A_12 = arith.constant -1.98412701E-4 : f32
    %mul3A_13 = vector.broadcast %mul3A_12 : f32 to vector<64x2000xf32>
    %mul3A_14 = arith.mulf %mul3A_11, %mul3A_13 : vector<64x2000xf32>
    %add3A = arith.constant 0.00833333377 : f32
    %add3A_15 = vector.broadcast %add3A : f32 to vector<64x2000xf32>
    %add3A_16 = arith.addf %add3A_15, %mul3A_14 : vector<64x2000xf32>
    %mul3A_17 = arith.mulf %mul3A_11, %add3A_16 : vector<64x2000xf32>
    %add3A_18 = arith.constant -0.166666672 : f32
    %add3A_19 = vector.broadcast %add3A_18 : f32 to vector<64x2000xf32>
    %add3A_20 = arith.addf %add3A_19, %mul3A_17 : vector<64x2000xf32>
    %mul3A_21 = arith.mulf %mul3A_11, %add3A_20 : vector<64x2000xf32>
    %add3A_22 = arith.constant 1.000000e+00 : f32
    %add3A_23 = vector.broadcast %add3A_22 : f32 to vector<64x2000xf32>
    %add3A_24 = arith.addf %add3A_23, %mul3A_21 : vector<64x2000xf32>
    %mul3A_25 = arith.mulf %mul3A_10, %add3A_24 : vector<64x2000xf32>
    %mul3A_26 = arith.constant -0.00138888892 : f32
    %mul3A_27 = vector.broadcast %mul3A_26 : f32 to vector<64x2000xf32>
    %mul3A_28 = arith.mulf %mul3A_11, %mul3A_27 : vector<64x2000xf32>
    %add3A_29 = arith.constant 0.0416666679 : f32
    %add3A_30 = vector.broadcast %add3A_29 : f32 to vector<64x2000xf32>
    %add3A_31 = arith.addf %add3A_30, %mul3A_28 : vector<64x2000xf32>
    %mul3A_32 = arith.mulf %mul3A_11, %add3A_31 : vector<64x2000xf32>
    %add3A_33 = arith.constant -5.000000e-01 : f32
    %add3A_34 = vector.broadcast %add3A_33 : f32 to vector<64x2000xf32>
    %add3A_35 = arith.addf %add3A_34, %mul3A_32 : vector<64x2000xf32>
    %mul3A_36 = arith.mulf %mul3A_11, %add3A_35 : vector<64x2000xf32>
    %add3A_37 = arith.constant 1.000000e+00 : f32
    %add3A_38 = vector.broadcast %add3A_37 : f32 to vector<64x2000xf32>
    %add3A_39 = arith.addf %add3A_38, %mul3A_36 : vector<64x2000xf32>
    %neg3A = arith.constant 0.000000e+00 : f32
    %neg3A_40 = vector.broadcast %neg3A : f32 to vector<64x2000xf32>
    %neg3A_41 = arith.subf %neg3A_40, %mul3A_25 : vector<64x2000xf32>
    %exp3A_42 = math.exp %neg3A_41 : vector<64x2000xf32>
    %add3A_43 = arith.constant 1.000000e+00 : f32
    %add3A_44 = vector.broadcast %add3A_43 : f32 to vector<64x2000xf32>
    %add3A_45 = arith.addf %add3A_44, %exp3A_42 : vector<64x2000xf32>
    %div3A_46 = arith.divf %mul3A_25, %add3A_45 : vector<64x2000xf32>
    %neg3A_47 = arith.constant 0.000000e+00 : f32
    %neg3A_48 = vector.broadcast %neg3A_47 : f32 to vector<64x2000xf32>
    %neg3A_49 = arith.subf %neg3A_48, %add3A_39 : vector<64x2000xf32>
    %exp3A_50 = math.exp %neg3A_49 : vector<64x2000xf32>
    %add3A_51 = arith.constant 1.000000e+00 : f32
    %add3A_52 = vector.broadcast %add3A_51 : f32 to vector<64x2000xf32>
    %add3A_53 = arith.addf %add3A_52, %exp3A_50 : vector<64x2000xf32>
    %div3A_54 = arith.divf %add3A_39, %add3A_53 : vector<64x2000xf32>
    %get3A_55 = arith.constant 0 : index
    %get3A_56 = arith.constant 0 : index
    %get3A_57 = vector.load %arg6[%get3A_55, %get3A_56] : memref<64x256xf32, #tpu.memory_space<vmem>>, vector<64x256xf32>
    %dot_general3A = arith.constant dense<0.000000e+00> : vector<2000x256xf32>
    %dot_general3A_58 = tpu.matmul %div3A_46, %get3A_57, %dot_general3A {dimension_numbers = #tpu.dot_dimension_numbers<[0], [0], [1], [1], [0, 1, 1, 1], [], []>, transpose_lhs_hint = false} : vector<64x2000xf32>, vector<64x256xf32>, vector<2000x256xf32> -> vector<2000x256xf32>
    %get3A_59 = arith.constant 0 : index
    %get3A_60 = arith.constant 0 : index
    %get3A_61 = vector.load %arg7[%get3A_59, %get3A_60] : memref<64x256xf32, #tpu.memory_space<vmem>>, vector<64x256xf32>
    %dot_general3A_62 = arith.constant dense<0.000000e+00> : vector<2000x256xf32>
    %dot_general3A_63 = tpu.matmul %div3A_54, %get3A_61, %dot_general3A_62 {dimension_numbers = #tpu.dot_dimension_numbers<[0], [0], [1], [1], [0, 1, 1, 1], [], []>, transpose_lhs_hint = false} : vector<64x2000xf32>, vector<64x256xf32>, vector<2000x256xf32> -> vector<2000x256xf32>
    %add3A_64 = arith.addf %dot_general3A_58, %dot_general3A_63 : vector<2000x256xf32>
    %get3A_65 = arith.constant 0 : index
    %get3A_66 = arith.constant 0 : index
    %get3A_67 = vector.load %arg8[%get3A_65, %get3A_66] : memref<1x256xf32, #tpu.memory_space<vmem>>, vector<1x256xf32>
    %add3A_68 = vector.broadcast %get3A_67 : vector<1x256xf32> to vector<2000x256xf32>
    %add3A_69 = arith.addf %add3A_64, %add3A_68 : vector<2000x256xf32>
    %slice3A = vector.extract_strided_slice %add3A_69 {offsets = [0, 0], sizes = [2000, 128], strides = [1, 1]} : vector<2000x256xf32> to vector<2000x128xf32>
    %slice3A_70 = vector.extract_strided_slice %add3A_69 {offsets = [0, 128], sizes = [2000, 128], strides = [1, 1]} : vector<2000x256xf32> to vector<2000x128xf32>
    %get3A_71 = arith.constant 0 : index
    %get3A_72 = arith.constant 0 : index
    %get3A_73 = vector.load %arg2[%get3A_71, %get3A_72] : memref<2000x128xf32, #tpu.memory_space<vmem>>, vector<2000x128xf32>
    %get3A_74 = arith.constant 0 : index
    %get3A_75 = arith.constant 0 : index
    %get3A_76 = vector.load %arg3[%get3A_74, %get3A_75] : memref<2000x128xf32, #tpu.memory_space<vmem>>, vector<2000x128xf32>
    %add3A_77 = arith.addf %get3A_73, %get3A_76 : vector<2000x128xf32>
    %get3A_78 = arith.constant 0 : index
    %get3A_79 = arith.constant 0 : index
    %get3A_80 = vector.load %arg1[%get3A_78, %get3A_79] : memref<2000x128xf32, #tpu.memory_space<vmem>>, vector<2000x128xf32>
    %get3A_81 = arith.constant 0 : index
    %get3A_82 = arith.constant 0 : index
    %get3A_83 = vector.load %arg5[%get3A_81, %get3A_82] : memref<128x128xf32, #tpu.memory_space<vmem>>, vector<128x128xf32>
    %dot_general3A_84 = arith.constant dense<0.000000e+00> : vector<2000x128xf32>
    %dot_general3A_85 = tpu.matmul %add3A_77, %get3A_83, %dot_general3A_84 {dimension_numbers = #tpu.dot_dimension_numbers<[1], [0], [0], [1], [0, 0, 1, 1], [], []>, transpose_lhs_hint = false} : vector<2000x128xf32>, vector<128x128xf32>, vector<2000x128xf32> -> vector<2000x128xf32>
    %add3A_86 = arith.addf %get3A_80, %dot_general3A_85 : vector<2000x128xf32>
    %add3A_87 = arith.constant 1.000000e+00 : f32
    %add3A_88 = vector.broadcast %add3A_87 : f32 to vector<2000x128xf32>
    %add3A_89 = arith.addf %add3A_88, %slice3A : vector<2000x128xf32>
    %mul3A_90 = arith.mulf %add3A_86, %add3A_89 : vector<2000x128xf32>
    %add3A_91 = arith.addf %mul3A_90, %slice3A_70 : vector<2000x128xf32>
    %get3A_92 = arith.constant 0 : index
    %get3A_93 = arith.constant 0 : index
    %get3A_94 = vector.load %arg9[%get3A_92, %get3A_93] : memref<128x128xf32, #tpu.memory_space<vmem>>, vector<128x128xf32>
    %dot_general3A_95 = arith.constant dense<0.000000e+00> : vector<2000x128xf32>
    %dot_general3A_96 = tpu.matmul %add3A_91, %get3A_94, %dot_general3A_95 {dimension_numbers = #tpu.dot_dimension_numbers<[1], [0], [0], [1], [0, 0, 1, 1], [], []>, transpose_lhs_hint = false} : vector<2000x128xf32>, vector<128x128xf32>, vector<2000x128xf32> -> vector<2000x128xf32>
    %get3A_97 = arith.constant 0 : index
    %get3A_98 = arith.constant 0 : index
    %get3A_99 = vector.load %arg10[%get3A_97, %get3A_98] : memref<1x128xf32, #tpu.memory_space<vmem>>, vector<1x128xf32>
    %add3A_100 = vector.broadcast %get3A_99 : vector<1x128xf32> to vector<2000x128xf32>
    %add3A_101 = arith.addf %dot_general3A_96, %add3A_100 : vector<2000x128xf32>
    %swap3A = arith.constant 0 : index
    %swap3A_102 = arith.constant 0 : index
    %swap3A_103 = vector.load %arg11[%swap3A, %swap3A_102] : memref<2000x128xf32, #tpu.memory_space<vmem>>, vector<2000x128xf32>
    tpu.vector_store %arg11[%swap3A, %swap3A_102], %add3A_101 {strides = array<i32>} : memref<2000x128xf32, #tpu.memory_space<vmem>>, vector<2000x128xf32>,
    return
  }
  func.func @transform_0(%arg0: i32) -> (i32, i32) {
    %c0_i32 = arith.constant 0 : i32
    %c0_i32_0 = arith.constant 0 : i32
    return %arg0, %c0_i32 : i32, i32
  }
  func.func @transform_1(%arg0: i32) -> (i32, i32) {
    %c0_i32 = arith.constant 0 : i32
    %c0_i32_0 = arith.constant 0 : i32
    return %arg0, %c0_i32 : i32, i32
  }
  func.func @transform_2(%arg0: i32) -> (i32, i32) {
    %c0_i32 = arith.constant 0 : i32
    %c0_i32_0 = arith.constant 0 : i32
    return %arg0, %c0_i32 : i32, i32
  }
  func.func @transform_3(%arg0: i32) -> (i32, i32, i32) {
    %c0_i32 = arith.constant 0 : i32
    %c0_i32_0 = arith.constant 0 : i32
    %c0_i32_1 = arith.constant 0 : i32
    return %arg0, %c0_i32, %c0_i32_0 : i32, i32, i32
  }
  func.func @transform_4(%arg0: i32) -> (i32, i32) {
    %c0_i32 = arith.constant 0 : i32
    %c0_i32_0 = arith.constant 0 : i32
    %c0_i32_1 = arith.constant 0 : i32
    return %c0_i32, %c0_i32_0 : i32, i32
  }
  func.func @transform_5(%arg0: i32) -> (i32, i32) {
    %c0_i32 = arith.constant 0 : i32
    %c0_i32_0 = arith.constant 0 : i32
    %c0_i32_1 = arith.constant 0 : i32
    return %c0_i32, %c0_i32_0 : i32, i32
  }
  func.func @transform_6(%arg0: i32) -> (i32, i32) {
    %c0_i32 = arith.constant 0 : i32
    %c0_i32_0 = arith.constant 0 : i32
    %c0_i32_1 = arith.constant 0 : i32
    return %c0_i32, %c0_i32_0 : i32, i32
  }
  func.func @transform_7(%arg0: i32) -> (i32, i32) {
    %c0_i32 = arith.constant 0 : i32
    %c0_i32_0 = arith.constant 0 : i32
    %c0_i32_1 = arith.constant 0 : i32
    return %c0_i32, %c0_i32_0 : i32, i32
  }
  func.func @transform_8(%arg0: i32) -> (i32, i32) {
    %c0_i32 = arith.constant 0 : i32
    %c0_i32_0 = arith.constant 0 : i32
    %c0_i32_1 = arith.constant 0 : i32
    return %c0_i32, %c0_i32_0 : i32, i32
  }
  func.func @transform_9(%arg0: i32) -> (i32, i32) {
    %c0_i32 = arith.constant 0 : i32
    %c0_i32_0 = arith.constant 0 : i32
    %c0_i32_1 = arith.constant 0 : i32
    return %c0_i32, %c0_i32_0 : i32, i32
  }
  func.func @transform_10(%arg0: i32) -> (i32, i32) {
    %c0_i32 = arith.constant 0 : i32
    %c0_i32_0 = arith.constant 0 : i32
    return %arg0, %c0_i32 : i32, i32
  }
}

</mosaic_0001>

<sc_bundles>
// kernel: kernel.6.cloned.1.call-start
scs
__scs_entry_jumppad:
0x0: {  	(pc) =	sbr.rel $0x88, $3  }
0x1: {  	(tag) =	ssettag $0x0;
	lr =	simm.s32 $0x1  }
0x2: {  	[smem:$0x3F93] =	sst lr;
	_ =	strace $0xD0000000  }
0x3: {  	_ = 	snop  }
0x4: {  	_ = 	snop  }
0x5: {  	_ = 	snop  }
0x6: {  	_ = 	snop  }
0x7: {  	_ = 	snop  }
__scs_overlays_trampoline_lowered:
0x8: {  	[smem:$0x3FA2] =	sst s0  }
0x9: {  	[smem:$0x3FA3] =	sst s1  }
0xa: {  	[smem:$0x3FA4] =	sst s2  }
0xb: {  	[smem:$0x3FA5] =	sst s3  }
0xc: {  	[smem:$0x3FA6] =	sst s4  }
0xd: {  	[smem:$0x3FA7] =	sst s5  }
0xe: {  	[smem:$0x3FA8] =	sst s6  }
0xf: {  	[smem:$0x3FA9] =	sst s7  }
0x10: {  	[smem:$0x3FAA] =	sst s8  }
0x11: {  	[smem:$0x3FAB] =	sst s9;
	s0 =	simm.s32 @!p0 $0x0  }
0x12: {  	s1 =	sld [smem:$0x3F91];
	s0 =	simm.s32 @p0 $0x1  }
0x13: {  	[smem:$0x3FAC] =	sst s0;
	s0 =	simm.s32 @!p1 $0x0  }
0x14: {  	s2 =	sld [smem:$0x3F90];
	s0 =	simm.s32 @p1 $0x1  }
0x15: {  	[smem:$0x3FAD] =	sst s0;
	s0 =	simm.s32 @!p2 $0x0  }
0x16: {  	s3 =	sld [smem:$0x3FDB];
	s0 =	simm.s32 @p2 $0x1  }
0x17: {  	s4 =	simm.s32 $0x1BF5;
	[smem:$0x3FAF] =	sst s0  }
0x18: {  	s0 =	sld [smem:$0x3F92];
	_ =	swait.ge [sflag:s4], $0x0  }
0x19: {  	s7 =	sld [smem:$0x3F93]  }
0x1a: {  	s8 =	sadd.s32 $0xFFFFE003, lr  }
0x1b: {  	s9 =	sadd.s32 $0xFFFFFEF7, lr;
	s5 =	simm.s32 $0xFFFFFFFF;
	p2 =	slt.u32 s8, $0xFFFFF086  }
0x1c: {  	p1 =	slt.u32 s9, $0xF7A;
	s5 =	simm.s32 @!p2 $0x0  }
0x1d: {  	s5 =	simm.s32 @p1 $0x1;
	p0 =	seq.s32 s7, s2  }
0x1e: {  	s7 =	smul.u32 @!p0 $0xF7A, s2;
	p2 =	seq.s32 @!p0 s5, $0x0  }
0x1f: {  	s9 =	smul.u32 $0xF7A, s1;
	s8 =	simm.s32 @!p0 $0x1BF5;
	p2 =	por !p2, p0  }
0x20: {  	[sflag:s8] =	ssyncset.s32 @!p0 $0xFFFFF086;
	s6 =	sadd.s32 @!p0 s3, s7;
	s7 =	simm.s32 @!p0 $0x108  }
0x21: {  	s3 =	sadd.s32 s3, s9;
	s6 =	sadd.s32 @!p0 $0x88, s6;
	s7 =	simm.s32 @p2 $0x1082  }
0x22: {  	[simem:s7], [sflag:s8] =	dma.local @!p0 [hbm:s6], $0xF7A  }
0x23: {  	s9 =	sor.u32 $0xD0000000, s2;
	s6 =	simm.s32 $0x108;
	_ =	swait.ge @!p0 [sflag:s8], $0x0  }
0x24: {  	s3 =	sadd.s32 $0x88, s3;
	s6 =	simm.s32 @!p1 $0x1082;
	[sflag:s4] =	ssyncset.s32 $0xFFFFF086  }
0x25: {  	[simem:s6], [sflag:s4] =	dma.local [hbm:s3], $0xF7A  }
0x26: {  	[smem:$0x3F93] =	sst s1;
	(tag) =	ssettag s2;
	_ =	strace s9  }
0x27: {  	s1 =	sld [smem:$0x3FA3]  }
0x28: {  	s2 =	sld [smem:$0x3FA4]  }
0x29: {  	s4 =	sld [smem:$0x3FA6]  }
0x2a: {  	p0 =	seq.s32 s5, $0x0;
	s5 =	sld [smem:$0x3FA7]  }
0x2b: {  	s6 =	sld [smem:$0x3FA8]  }
0x2c: {  	s7 =	sld [smem:$0x3FA9]  }
0x2d: {  	s3 =	simm.s32 $0x108;
	s8 =	sld [smem:$0x3FAA]  }
0x2e: {  	s3 =	simm.s32 @!p0 $0x1082;
	s9 =	sld [smem:$0x3FAB]  }
0x2f: {  	lr =	sadd.s32 s0, s3;
	s0 =	sld [smem:$0x3FA2]  }
0x30: {  	s3 =	sld [smem:$0x3FA5]  }
0x31: {  	[smem:$0x3FAE] =	sst s10  }
0x32: {  	s10 =	sld [smem:$0x3FAC];
	_ =	sdelay $0x3  }
0x33: {  	p0 =	seq.s32 s10, $0x1;
	s10 =	sld [smem:$0x3FAE];
	_ =	sdelay $0x3  }
0x34: {  	[smem:$0x3FAE] =	sst s10  }
0x35: {  	s10 =	sld [smem:$0x3FAD];
	_ =	sdelay $0x3  }
0x36: {  	p1 =	seq.s32 s10, $0x1;
	s10 =	sld [smem:$0x3FAE];
	_ =	sdelay $0x3  }
0x37: {  	[smem:$0x3FAE] =	sst s10  }
0x38: {  	s10 =	sld [smem:$0x3FAF]  }
0x39: {  	_ = 	snop;
	(pc) =	sbr.ind lr, $3  }
0x3a: {  	_ = 	snop  }
0x3b: {  	_ = 	snop  }
0x3c: {  	p2 =	seq.s32 s10, $0x1;
	s10 =	sld [smem:$0x3FAE]  }
0x3d: {  	_ =	shalt  }
0x3e: {  	_ =	shalt  }
0x3f: {  	_ =	shalt  }
0x40: {  	_ =	shalt  }
0x41: {  	_ =	shalt  }
0x42: {  	_ =	shalt  }
0x43: {  	_ =	shalt  }
0x44: {  	_ =	shalt  }
0x45: {  	_ =	shalt  }
0x46: {  	_ =	shalt  }
0x47: {  	_ =	shalt  }
0x48: {  	_ =	shalt  }
0x49: {  	_ =	shalt  }
0x4a: {  	_ =	shalt  }
0x4b: {  	_ =	shalt  }
0x4c: {  	_ =	shalt  }
0x4d: {  	_ =	shalt  }
0x4e: {  	_ =	shalt  }
0x4f: {  	_ =	shalt  }
0x50: {  	_ =	shalt  }
0x51: {  	_ =	shalt  }
0x52: {  	_ =	shalt  }
0x53: {  	_ =	shalt  }
0x54: {  	_ =	shalt  }
0x55: {  	_ =	shalt  }
0x56: {  	_ =	shalt  }
0x57: {  	_ =	shalt  }
0x58: {  	_ =	shalt  }
0x59: {  	_ =	shalt  }
0x5a: {  	_ =	shalt  }
0x5b: {  	_ =	shalt  }
0x5c: {  	_ =	shalt  }
0x5d: {  	_ =	shalt  }
0x5e: {  	_ =	shalt  }
0x5f: {  	_ =	shalt  }
0x60: {  	_ =	shalt  }
0x61: {  	_ =	shalt  }
0x62: {  	_ =	shalt  }
0x63: {  	_ =	shalt  }
0x64: {  	_ =	shalt  }
0x65: {  	_ =	shalt  }
0x66: {  	_ =	shalt  }
0x67: {  	_ =	shalt  }
0x68: {  	_ =	shalt  }
0x69: {  	_ =	shalt  }
0x6a: {  	_ =	shalt  }
0x6b: {  	_ =	shalt  }
0x6c: {  	_ =	shalt  }
0x6d: {  	_ =	shalt  }
0x6e: {  	_ =	shalt  }
0x6f: {  	_ =	shalt  }
0x70: {  	_ =	shalt  }
0x71: {  	_ =	shalt  }
0x72: {  	_ =	shalt  }
0x73: {  	_ =	shalt  }
0x74: {  	_ =	shalt  }
0x75: {  	_ =	shalt  }
0x76: {  	_ =	shalt  }
0x77: {  	_ =	shalt  }
0x78: {  	_ =	shalt  }
0x79: {  	_ =	shalt  }
0x7a: {  	_ =	shalt  }
0x7b: {  	_ =	shalt  }
0x7c: {  	_ =	shalt  }
0x7d: {  	_ =	shalt  }
0x7e: {  	_ =	shalt  }
0x7f: {  	_ =	shalt  }
0x80: {  	_ =	shalt  }
0x81: {  	_ =	shalt  }
0x82: {  	_ =	shalt  }
0x83: {  	_ =	shalt  }
0x84: {  	_ =	shalt  }
0x85: {  	_ =	shalt  }
0x86: {  	_ =	shalt  }
0x87: {  	_ =	shalt  }
.Lfunc_end0:
.L_simem_size_0:
called_computation_lowered:
.L_overlay_start_0:
0x88: {  	s2 =	sld [smem:$0x3FD9]  }
0x89: {  	s3 =	sld [smem:$0x3FFE];
	_ =	sdelay $0x1  }
0x8a: {  	s1 =	srdreg.scid  }
0x8b: {  	s0 =	sand.u32 $0x1, s1  }
0x8c: {  	s16 =	sshll.u32 s0, $0xA;
	s2 =	sadd.s32 s3, s2  }
0x8d: {  	s2 =	sadd.s32 s2, s16  }
0x8e: {  	[smem:$0x3FBA] =	sst s2  }
0x8f: {  	_ = 	snop  }
0x90: {  	(tm) =	ssettm $0x1  }
0x91: {  	s17 =	sld [smem:$0x3FFB];
	_ =	sdelay $0x3  }
0x92: {  	_ =	strace s17  }
0x93: {  	s2 =	sld [smem:$0x3FFC];
	_ =	sdelay $0x3  }
0x94: {  	_ =	strace s2  }
0x95: {  	s2 =	sld [smem:$0x3FFD];
	_ =	sdelay $0x3  }
0x96: {  	_ =	strace s2  }
0x97: {  	_ =	strace $0x8FFFFFFF  }
0x98: {  	s18 =	sld [smem:$0x3FDB];
	_ =	sdelay $0x1  }
0x99: {  	s19 =	simm.s32 $_scs_section_size  }
0x9a: {  	s4 =	simm.s32 $_size__tile_overlayer_lowered;
	s5 =	simm.s32 $_tile_overlayer_lowered  }
0x9b: {  	s22 =	simm.s32 $0x1BFF;
	s21 =	sshll.u32 s5, $0x1;
	s2 =	sadd.s32 s19, s18  }
0x9c: {  	s6 =	simm.s32 $0x0;
	s20 =	sshll.u32 s4, $0x1;
	s4 =	sadd.s32 s21, s2  }
0x9d: {  	[timem:s6], [sflag:s22] =	dma.local [hbm:s4], s20  }
0x9e: {  	_ =	swait.ge [sflag:s22], s20  }
0x9f: {  	s3 =	ssub.s32 $0x0, s20;
	[sflag:s22] =	ssyncset.done $0x0  }
0xa0: {  	[sflag:s22] =	ssyncadd.s32 s3;
	_ =	sdelay $0x1  }
0xa1: {  	s23 =	simm.s32 $0x1B8B  }
0xa2: {  	_ =	swait.ge [sflag:s23], $0x1  }
0xa3: {  	[sflag:s23] =	ssyncset.done $0x0  }
0xa4: {  	s25 =	simm.s32 $0x1B8E;
	s24 =	sld [smem:$0x3FFE];
	[sflag:s23] =	ssyncadd.s32 $0xFFFFFFFF  }
0xa5: {  	s26 =	simm.s32 $execute0_lowered;
	[smem:$0x3FD2] =	sst s25  }
0xa6: {  	s4 =	sshll.u32 s26, $0x1;
	_ =	strace $0x80000046;
	[dreg:$0x1] =	wrdreg $0xFFFFFFFF  }
0xa7: {  	s28 =	simm.s32 $_size_execute0_lowered;
	s2 =	sadd.s32 s2, s4;
	[dreg:$0x0] =	wrdreg $0x0  }
0xa8: {  	s4 =	sshll.u32 s28, $0x1;
	[dreg:$0x2] =	wrdreg s2  }
0xa9: {  	[dreg:$0x3] =	wrdreg s4  }
0xaa: {  	[dreg:$0x4] =	wrdreg $0xC0  }
0xab: {  	_ =	task [dreg:s6], $0x5FFFF  }
0xac: {  	[dreg:$0x1] =	wrdreg $0xFFFFFFFF  }
0xad: {  	[dreg:$0x0] =	wrdreg $0x60  }
0xae: {  	[dreg:$0x2] =	wrdreg s24  }
0xaf: {  	[dreg:$0x3] =	wrdreg $0xA2000  }
0xb0: {  	[dreg:$0x4] =	wrdreg $0x9  }
0xb1: {  	_ =	task.clear_ibuf [dreg:s6], $0x5FFFF;
	_ =	strace $0x90000046  }
0xb2: {  	s29 =	simm.s32 $0x9;
	_ =	strace $0x80000048  }
0xb3: {  	_ =	swait.ge [sflag:s29], $0x1  }
0xb4: {  	[sflag:s29] =	ssyncadd.s32 $0xFFFFFFFF  }
0xb5: {  	_ =	strace $0x90000048  }
0xb6: {  	_ =	sfence  }
0xb7: {  	s30 =	sld [smem:$0x0];
	_ =	sdelay $0x2  }
0xb8: {  	s31 =	sshll.u32 s1, $0xD;
	s1 =	sshrl.u32 s1, $0x2  }
0xb9: {  	s3 =	sand.u32 $0x4000, s31;
	s1 =	sadd.s32 s1, s30  }
0xba: {  	s0 =	sor.u32 s3, s0;
	s1 =	sshll.u32 s1, $0x11  }
0xbb: {  	s0 =	sor.u32 s1, s0  }
0xbc: {  	s0 =	sadd.s32 $0x8F2B, s0  }
0xbd: {  	[sflag:s0] =	ssyncadd.remote.s32 $0x1  }
0xbe: {  	_ =	sfence.sel $0xFFFF  }
0xbf: {  	[dreg:$0x0] =	wrdreg $0xFFFFFFFF;
	(pc) =	sbr.abs _section_cstart, $3  }
0xc0: {  	[dreg:$0x1] =	wrdreg $0xFFFFFFFF  }
0xc1: {  	_ =	task.clear_ibuf [dreg:s6], $0x2FFFF;
	_ =	strace $0x9FFFFFFF  }
0xc2: {  	(tm) =	ssettm $0x7FFFFFFF  }
0xc3: {  	_ =	shalt  }
tec
execute0_lowered:
.L_overlay_start_1:
0x0: {  	(tag) =	ssettag $0x1  }
0x1: {  	s0 =	rddreg [dreg:$0x0]  }
0x2: {  	s14 =	rddreg [dreg:$0x1];
	s2 =	simm.s32 $0x0;
	s15 =	stileid.u32  }
0x3: {  	s8 =	srdreg.scid;
	s28 =	simm.s32 $0x180;
	s29 =	simm.s32 $0x7A00  }
0x4: {  	[smem:$0x7FF] =	sst s2;
	s4 =	sadd.s32 $0x4F9000, s0;
	s5 =	sadd.s32 $0x17000, s0  }
0x5: {  	s6 =	sadd.s32 $0xD200, s0;
	s1 =	smul.u32 $0x270, s15;
	s8 =	sand.u32 $0x1, s8  }
0x6: {  	s3 =	smin.u32 s15, $0x2;
	s7 =	sadd.s32 $0x3400, s0;
	s26 =	ssub.s32 $0x2, s8  }
0x7: {  	s0 =	sadd.s32 $0x520200, s0;
	s3 =	sshll.u32 s3, $0x3;
	s10 =	sshrl.u32 s26, $0x1  }
0x8: {  	p0 =	sgt.u32 s15, $0x1;
	s1 =	sadd.s32 s1, s3;
	s3 =	ssub.s32 s26, s10  }
0x9: {  	_ =	strace $0x80000047;
	s1 =	sshll.u32 s1, $0x7;
	s25 =	smax.u32 s3, $0x1  }
0xa: {  	s9 =	sshll.u32 s8, $0x4;
	s16 =	sadd.s32 s1, s14;
	[dreg:$0x12] =	wrdreg s25  }
0xb: {  	s8 =	smul.u32 $0x138800, s8;
	s30 =	sadd.s32 $0x2800, s16;
	[dreg:$0x3] =	wrdreg s16  }
0xc: {  	s9 =	sor.u32 s15, s9;
	s11 =	sadd.s32 $0x5000, s16;
	[dreg:$0x4] =	wrdreg s30  }
0xd: {  	s10 =	smul.u32 $0x2710, s9;
	s31 =	sadd.s32 $0x7800, s16;
	[dreg:$0x5] =	wrdreg s11  }
0xe: {  	s9 =	smul.u32 $0x27100, s9;
	s12 =	sadd.s32 $0xA000, s16;
	[dreg:$0x6] =	wrdreg s31  }
0xf: {  	s20 =	sadd.s32 s8, s1;
	s13 =	sadd.s32 $0xC800, s16;
	[dreg:$0x7] =	wrdreg s12  }
0x10: {  	s1 =	sadd.s32 $0x13800, s1;
	s24 =	sadd.s32 s5, s9;
	[dreg:$0x8] =	wrdreg s13  }
0x11: {  	s3 =	simm.s32 $0x0;
	s26 =	sadd.s32 $0x11800, s16;
	[dreg:$0x10] =	wrdreg s24  }
0x12: {  	s17 =	sshrl.u32 s10, $0x3;
	s12 =	sadd.s32 $0xF000, s16;
	[dreg:$0x14] =	wrdreg s26  }
0x13: {  	s19 =	sadd.s32 $0x50, s10;
	s18 =	sadd.s32 s6, s17;
	[dreg:$0x9] =	wrdreg s12  }
0x14: {  	s8 =	sadd.s32 s8, s1;
	s11 =	sadd.s32 s7, s17;
	[dreg:$0xa] =	wrdreg s18  }
0x15: {  	s13 =	sshrl.u32 s19, $0x3;
	s30 =	sadd.s32 $0x13800, s16;
	[dreg:$0xb] =	wrdreg s11  }
0x16: {  	s8 =	sshrl.u32 s8, $0x3;
	s31 =	sadd.s32 $0xA0, s10;
	[dreg:$0x15] =	wrdreg s30  }
0x17: {  	s22 =	sshll.u32 s19, $0x4;
	s21 =	sadd.s32 s6, s13;
	[dreg:$0x16] =	wrdreg s31  }
0x18: {  	s12 =	sshrl.u32 s20, $0x3;
	s23 =	sadd.s32 s7, s13;
	[dreg:$0xe] =	wrdreg s21  }
0x19: {  	s12 =	sadd.s32 s0, s12;
	s0 =	sadd.s32 s0, s8;
	[dreg:$0xf] =	wrdreg s23  }
0x1a: {  	s19 =	simm.s32 $0x9;
	[dreg:$0xd] =	wrdreg s0;
	s0 =	sadd.s32 s5, s22  }
0x1b: {  	s18 =	simm.s32 $0x5200;
	[dreg:$0x11] =	wrdreg s0;
	s0 =	sadd.s32 s1, s14  }
0x1c: {  	s8 =	simm.s32 $0xB;
	[dreg:$0xc] =	wrdreg s12;
	s0 =	sshrl.u32 @!p0 s0, $0x3  }
0x1d: {  	v0 =	vimm.f32 $0.0e+00;
	s12 =	simm.s32 $0x50;
	s22 =	simm.s32 $0x5;
	[dreg:$0x13] =	wrdreg s0  }
.LBB2_1:
0x1e: {  	[dreg:$0x17] =	wrdreg s3;
	s0 =	simm.s32 $0x0;
	s1 =	simm.s32 $0x200  }
.LBB2_2:
0x1f: {  	p1 =	sne.s32 s1, $0x9E00;
	[tilespmem:s0+$0x5270] =	vst v0  }
0x20: {  	[tilespmem:s0+$0x5200] =	vst v0  }
0x21: {  	[tilespmem:s0+$0x5210] =	vst v0  }
.Ltmp0:
0x22: {  	[tilespmem:s0+$0x5220] =	vst v0;
	(pc) =	sbr.rel @p1 .LBB2_2-.Ltmp0, $4  }
0x23: {  	[tilespmem:s0+$0x5230] =	vst v0  }
0x24: {  	[tilespmem:s0+$0x5240] =	vst v0  }
0x25: {  	[tilespmem:s0+$0x5250] =	vst v0  }
0x26: {  	[tilespmem:s0+$0x5260] =	vst v0;
	s0 =	sshra.s32 s1, $0x2;
	s1 =	sadd.s32 $0x200, s1  }
0x27: {  	[tilespmem:s0+$0x5270] =	vst v0  }
0x28: {  	[tilespmem:s0+$0x5200] =	vst v0  }
0x29: {  	[tilespmem:s0+$0x5210] =	vst v0  }
0x2a: {  	[tilespmem:s0+$0x5220] =	vst v0  }
0x2b: {  	[tilespmem:s0+$0x5230] =	vst v0  }
0x2c: {  	[tilespmem:s0+$0x5240] =	vst v0  }
0x2d: {  	[tilespmem:s0+$0x5250] =	vst v0  }
0x2e: {  	[tilespmem:s0+$0x5260] =	vst v0  }
0x2f: {  	[spmem:s16] =	stream.linear.scatter [tilespmem:s18], [sflag:$0xB], $0x2800, $0x38;
	[tilespmem:$0x1DA80] =	vst v63  }
0x30: {  	_ =	swait.ge [sflag:s8], $0x2800  }
0x31: {  	[sflag:s8] =	ssyncset.done $0x0  }
0x32: {  	s30 =	rddreg [dreg:$0x4];
	[sflag:s8] =	ssyncadd.s32 $0xFFFFD800  }
0x33: {  	[spmem:s30] =	stream.linear.scatter [tilespmem:s18], [sflag:$0xB], $0x2800, $0x38;
	[tilespmem:$0x1DA80] =	vst v63  }
0x34: {  	_ =	swait.ge [sflag:s8], $0x2800  }
0x35: {  	[sflag:s8] =	ssyncset.done $0x0  }
0x36: {  	s31 =	rddreg [dreg:$0x5];
	[sflag:s8] =	ssyncadd.s32 $0xFFFFD800  }
0x37: {  	[spmem:s31] =	stream.linear.scatter [tilespmem:s18], [sflag:$0xB], $0x2800, $0x38;
	[tilespmem:$0x1DA80] =	vst v63  }
0x38: {  	_ =	swait.ge [sflag:s8], $0x2800  }
0x39: {  	[sflag:s8] =	ssyncset.done $0x0  }
0x3a: {  	s1 =	rddreg [dreg:$0x6];
	[sflag:s8] =	ssyncadd.s32 $0xFFFFD800  }
0x3b: {  	[spmem:s1] =	stream.linear.scatter [tilespmem:s18], [sflag:$0xB], $0x2800, $0x38;
	[tilespmem:$0x1DA80] =	vst v63  }
0x3c: {  	_ =	swait.ge [sflag:s8], $0x2800  }
0x3d: {  	[sflag:s8] =	ssyncset.done $0x0  }
0x3e: {  	s3 =	rddreg [dreg:$0x7];
	[sflag:s8] =	ssyncadd.s32 $0xFFFFD800  }
0x3f: {  	[spmem:s3] =	stream.linear.scatter [tilespmem:s18], [sflag:$0xB], $0x2800, $0x38;
	[tilespmem:$0x1DA80] =	vst v63  }
0x40: {  	_ =	swait.ge [sflag:s8], $0x2800  }
0x41: {  	[sflag:s8] =	ssyncset.done $0x0  }
0x42: {  	s9 =	rddreg [dreg:$0x8];
	[sflag:s8] =	ssyncadd.s32 $0xFFFFD800  }
0x43: {  	[spmem:s9] =	stream.linear.scatter [tilespmem:s18], [sflag:$0xB], $0x2800, $0x38;
	[tilespmem:$0x1DA80] =	vst v63  }
0x44: {  	_ =	swait.ge [sflag:s8], $0x2800  }
0x45: {  	[sflag:s8] =	ssyncset.done $0x0  }
0x46: {  	s11 =	rddreg [dreg:$0x9];
	[sflag:s8] =	ssyncadd.s32 $0xFFFFD800  }
0x47: {  	[spmem:s11] =	stream.linear.scatter [tilespmem:s18], [sflag:$0xB], $0x2800, $0x38;
	[tilespmem:$0x1DA80] =	vst v63  }
0x48: {  	_ =	swait.ge [sflag:s8], $0x2800  }
0x49: {  	[sflag:s8] =	ssyncset.done $0x0  }
0x4a: {  	s13 =	rddreg [dreg:$0x14];
	[sflag:s8] =	ssyncadd.s32 $0xFFFFD800  }
0x4b: {  	[spmem:s13] =	stream.linear.scatter [tilespmem:s18], [sflag:$0xB], $0x2000, $0x38;
	[tilespmem:$0x1DA80] =	vst v63  }
0x4c: {  	_ =	swait.ge [sflag:s8], $0x2000  }
0x4d: {  	[sflag:s8] =	ssyncset.done $0x0  }
0x4e: {  	s0 =	simm.s32 @!p0 $0x5200;
	s1 =	rddreg [dreg:$0x15];
	[sflag:s8] =	ssyncadd.s32 $0xFFFFE000  }
0x4f: {  	[spmem:s1] =	stream.linear.scatter @!p0 [tilespmem:s0], [sflag:$0xB], $0x400, $0x38;
	[tilespmem:$0x1DA80] =	vst v63  }
0x50: {  	s0 =	simm.s32 @!p0 $0xB  }
0x51: {  	_ =	swait.ge @!p0 [sflag:s0], $0x400  }
0x52: {  	[sflag:s0] =	ssyncset.done @!p0 $0x0  }
0x53: {  	[sflag:s0] =	ssyncadd.s32 @!p0 $0xFFFFFC00  }
0x54: {  	[bflag:$0x0] =	sbarrier.arrive $0xFFFF  }
0x55: {  	s26 =	simm.s32 $0x0;
	s14 =	rddreg [dreg:$0xa]  }
0x56: {  	[tilespmem:s26], [sflag:$0x7] =	stream.linear.gather [hbm4b:s14+s26], $0x50, $0x38;
	[tilespmem:$0x1DA80] =	vst v63  }
0x57: {  	s16 =	simm.s32 $0x100;
	s15 =	rddreg [dreg:$0xb]  }
0x58: {  	[tilespmem:s16], [sflag:$0x9] =	stream.linear.gather [hbm4b:s15+s26], $0x50, $0x38;
	[tilespmem:$0x1DA80] =	vst v63  }
0x59: {  	s20 =	simm.s32 $0x80;
	s17 =	rddreg [dreg:$0xe]  }
0x5a: {  	[tilespmem:s20], [sflag:$0x8] =	stream.linear.gather [hbm4b:s17+s26], $0x50, $0x38;
	[tilespmem:$0x1DA80] =	vst v63  }
0x5b: {  	s23 =	simm.s32 $0x7;
	s21 =	rddreg [dreg:$0xf]  }
0x5c: {  	[tilespmem:s28], [sflag:$0xA] =	stream.linear.gather [hbm4b:s21+s26], $0x50, $0x38;
	[tilespmem:$0x1DA80] =	vst v63  }
0x5d: {  	_ =	swait.ge [sflag:s23], $0x50  }
0x5e: {  	[sflag:s23] =	ssyncset.done $0x0  }
0x5f: {  	s24 =	simm.s32 $0x200;
	[sflag:s23] =	ssyncadd.s32 $0xFFFFFFB0  }
0x60: {  	[tilespmem:s24], [sflag:$0x1] =	stream.indirect.gather [hbm4b:s4+s12], $0x80, s26, s12, $0xb8;
	[tilespmem:$0x1DA80] =	vst v63  }
0x61: {  	s28 =	simm.s32 $0x8;
	s25 =	rddreg [dreg:$0x10]  }
0x62: {  	[tilespmem:s18], [sflag:$0x3] =	stream.linear.gather [hbm4b:s25+s26], $0x2800, $0x38;
	[tilespmem:$0x1DA80] =	vst v63  }
0x63: {  	_ =	swait.ge [sflag:s28], $0x50  }
0x64: {  	[sflag:s28] =	ssyncset.done $0x0  }
0x65: {  	s30 =	simm.s32 $0x2A00;
	[sflag:s28] =	ssyncadd.s32 $0xFFFFFFB0  }
0x66: {  	[tilespmem:s30], [sflag:$0x2] =	stream.indirect.gather [hbm4b:s4+s12], $0x80, s20, s12, $0xb8;
	[tilespmem:$0x1DA80] =	vst v63  }
0x67: {  	s31 =	rddreg [dreg:$0x11]  }
0x68: {  	[tilespmem:s29], [sflag:$0x4] =	stream.linear.gather [hbm4b:s31+s26], $0x2800, $0x38;
	[tilespmem:$0x1DA80] =	vst v63  }
.LBB2_4:
0x69: {  	s1 =	simm.s32 $0x1  }
0x6a: {  	_ =	swait.ge [sflag:s1], $0x2800  }
0x6b: {  	[sflag:s1] =	ssyncset.done $0x0  }
0x6c: {  	s3 =	simm.s32 $0x3;
	[sflag:s1] =	ssyncadd.s32 $0xFFFFD800  }
0x6d: {  	s0 =	smul.u32 $0xA0, s26;
	_ =	swait.ge [sflag:s3], $0x2800  }
0x6e: {  	s24 =	rddreg [dreg:$0x16]  }
0x6f: {  	s28 =	sadd.s32 s0, s24  }
0x70: {  	[sflag:s3] =	ssyncset.done $0x0;
	s8 =	sshrl.u32 s28, $0x3  }
0x71: {  	[sflag:s3] =	ssyncadd.s32 $0xFFFFD800;
	s25 =	sadd.s32 s6, s8  }
0x72: {  	[tilespmem:s2], [sflag:$0x7] =	stream.linear.gather [hbm4b:s25+s2], $0x50, $0x38;
	[tilespmem:$0x1DA80] =	vst v63  }
0x73: {  	s25 =	simm.s32 $0x5280  }
0x74: {  	s24 =	simm.s32 $0x280;
	v1 =	vld [tilespmem:s25+$0xFFFFFF80]  }
0x75: {  	v2 =	vld [tilespmem:s24+$0xFFFFFF80];
	_ =	sdelay $0x4  }
0x76: {  	v1 =	vadd.f32 v1, v2  }
0x77: {  	v4 =	vld [tilespmem:s25+$0x0]  }
0x78: {  	v2 =	vld [tilespmem:s24+$0x0];
	v3 =	vsub.f32 $0.0e+00, v1;
	_ =	sdelay $0x1  }
0x79: {  	v3 =	vmul.f32 $1.442695020e+00, v3;
	_ =	sdelay $0x1  }
0x7a: {  	(erf) = vpow2.f32 v3  }
0x7b: {  	v2 =	vadd.f32 v4, v2;
	_ =	sdelay $0x1  }
0x7c: {  	v3 =	vsub.f32 $0.0e+00, v2;
	_ =	sdelay $0x1  }
0x7d: {  	v3 =	vmul.f32 $1.442695020e+00, v3;
	_ =	sdelay $0x1  }
0x7e: {  	(erf) = vpow2.f32 v3;
	_ =	sdelay $0x1  }
0x7f: {  	v3 =	vpop (erf)  }
0x80: {  	v3 =	vadd.f32 $1.000000000e+00, v3;
	_ =	sdelay $0x1  }
0x81: {  	(erf) = vrcp.f32 v3;
	_ =	sdelay $0x3  }
0x82: {  	v3 =	vpop (erf)  }
0x83: {  	v3 =	vadd.f32 $1.000000000e+00, v3;
	_ =	sdelay $0x1  }
0x84: {  	(erf) = vrcp.f32 v3;
	_ =	sdelay $0x1  }
0x85: {  	v3 =	vpop (erf)  }
0x86: {  	v1 =	vmul.f32 v3, v1;
	_ =	sdelay $0x1  }
0x87: {  	v3 =	vld [tilespmem:s25+$0xFFFFFF90];
	[tilespmem:s25+$0xFFFFFF80] =	vst v1  }
0x88: {  	v1 =	vld [tilespmem:s24+$0xFFFFFF90]  }
0x89: {  	s20 =	simm.s32 $0x380  }
0x8a: {  	s31 =	simm.s32 $0x5380;
	v6 =	vld [tilespmem:s20+$0xFFFFFF80]  }
0x8b: {  	v4 =	vld [tilespmem:s31+$0xFFFFFF80];
	v5 =	vpop (erf)  }
0x8c: {  	v7 =	vld [tilespmem:s25+$0x10];
	v2 =	vmul.f32 v5, v2  }
0x8d: {  	v5 =	vld [tilespmem:s31+$0x0];
	v1 =	vadd.f32 v3, v1  }
0x8e: {  	[tilespmem:s25+$0x0] =	vst v2;
	v3 =	vld [tilespmem:s20+$0x0]  }
0x8f: {  	v8 =	vld [tilespmem:s24+$0x10];
	v2 =	vsub.f32 $0.0e+00, v1  }
0x90: {  	v4 =	vadd.f32 v4, v6  }
0x91: {  	v2 =	vmul.f32 $1.442695020e+00, v2  }
0x92: {  	v6 =	vsub.f32 $0.0e+00, v4  }
0x93: {  	(erf) = vpow2.f32 v2  }
0x94: {  	v2 =	vadd.f32 v5, v3;
	v3 =	vmul.f32 $1.442695020e+00, v6;
	v5 =	vadd.f32 v7, v8;
	_ =	sdelay $0x1  }
0x95: {  	(erf) = vpow2.f32 v3;
	v3 =	vsub.f32 $0.0e+00, v5  }
0x96: {  	v6 =	vsub.f32 $0.0e+00, v2  }
0x97: {  	v3 =	vmul.f32 $1.442695020e+00, v3  }
0x98: {  	v6 =	vmul.f32 $1.442695020e+00, v6;
	_ =	sdelay $0x1  }
0x99: {  	(erf) = vpow2.f32 v6  }
0x9a: {  	(erf) = vpow2.f32 v3;
	v3 =	vpop (erf)  }
0x9b: {  	v3 =	vadd.f32 $1.000000000e+00, v3;
	_ =	sdelay $0x3  }
0x9c: {  	(erf) = vrcp.f32 v3;
	v3 =	vpop (erf)  }
0x9d: {  	v3 =	vadd.f32 $1.000000000e+00, v3;
	_ =	sdelay $0x1  }
0x9e: {  	(erf) = vrcp.f32 v3;
	_ =	sdelay $0x1  }
0x9f: {  	v3 =	vpop (erf)  }
0xa0: {  	v3 =	vadd.f32 $1.000000000e+00, v3;
	v6 =	vpop (erf)  }
0xa1: {  	v6 =	vadd.f32 $1.000000000e+00, v6  }
0xa2: {  	(erf) = vrcp.f32 v3  }
0xa3: {  	(erf) = vrcp.f32 v6  }
0xa4: {  	v3 =	vpop (erf)  }
0xa5: {  	v1 =	vmul.f32 v3, v1  }
0xa6: {  	v3 =	vpop (erf)  }
0xa7: {  	[tilespmem:s25+$0xFFFFFF90] =	vst v1;
	v1 =	vld [tilespmem:s25+$0xFFFFFFA0];
	v3 =	vmul.f32 v3, v4  }
0xa8: {  	v6 =	vld [tilespmem:s24+$0xFFFFFFA0];
	_ =	sdelay $0x1  }
0xa9: {  	v4 =	vld [tilespmem:s31+$0xFFFFFF90];
	[tilespmem:s31+$0xFFFFFF80] =	vst v3  }
0xaa: {  	s0 =	simm.s32 $0x480;
	v7 =	vld [tilespmem:s20+$0xFFFFFF90];
	v3 =	vpop (erf)  }
0xab: {  	s15 =	simm.s32 $0x5480;
	v10 =	vld [tilespmem:s0+$0x0];
	v9 =	vpop (erf)  }
0xac: {  	v8 =	vld [tilespmem:s15+$0xFFFFFF80];
	v5 =	vmul.f32 v9, v5;
	v1 =	vadd.f32 v1, v6  }
0xad: {  	v2 =	vmul.f32 v3, v2;
	v3 =	vld [tilespmem:s15+$0x0]  }
0xae: {  	v6 =	vld [tilespmem:s0+$0xFFFFFF80];
	[tilespmem:s25+$0x10] =	vst v5;
	v5 =	vsub.f32 $0.0e+00, v1  }
0xaf: {  	[tilespmem:s31+$0x0] =	vst v2;
	v2 =	vadd.f32 v4, v7;
	v4 =	vld [tilespmem:s31+$0x10]  }
0xb0: {  	v7 =	vld [tilespmem:s20+$0x10];
	v5 =	vmul.f32 $1.442695020e+00, v5  }
0xb1: {  	v9 =	vld [tilespmem:s25+$0x20]  }
0xb2: {  	v12 =	vld [tilespmem:s24+$0x20];
	v11 =	vsub.f32 $0.0e+00, v2;
	(erf) = vpow2.f32 v5;
	_ =	sdelay $0x1  }
0xb3: {  	v3 =	vadd.f32 v3, v10;
	v6 =	vadd.f32 v8, v6;
	v5 =	vmul.f32 $1.442695020e+00, v11  }
0xb4: {  	v4 =	vadd.f32 v4, v7  }
0xb5: {  	v7 =	vsub.f32 $0.0e+00, v3;
	(erf) = vpow2.f32 v5;
	v5 =	vsub.f32 $0.0e+00, v6  }
0xb6: {  	v8 =	vadd.f32 v9, v12;
	v9 =	vsub.f32 $0.0e+00, v4  }
0xb7: {  	v5 =	vmul.f32 $1.442695020e+00, v5  }
0xb8: {  	v7 =	vmul.f32 $1.442695020e+00, v7  }
0xb9: {  	(erf) = vpow2.f32 v5;
	v5 =	vmul.f32 $1.442695020e+00, v9  }
0xba: {  	v10 =	vsub.f32 $0.0e+00, v8;
	(erf) = vpow2.f32 v7;
	v9 =	vpop (erf)  }
0xbb: {  	(erf) = vpow2.f32 v5;
	v5 =	vadd.f32 $1.000000000e+00, v9  }
0xbc: {  	v7 =	vmul.f32 $1.442695020e+00, v10;
	_ =	sdelay $0x1  }
0xbd: {  	(erf) = vpow2.f32 v7  }
0xbe: {  	(erf) = vrcp.f32 v5;
	v5 =	vpop (erf)  }
0xbf: {  	v5 =	vadd.f32 $1.000000000e+00, v5;
	_ =	sdelay $0x3  }
0xc0: {  	(erf) = vrcp.f32 v5;
	v5 =	vpop (erf)  }
0xc1: {  	v5 =	vadd.f32 $1.000000000e+00, v5;
	_ =	sdelay $0x1  }
0xc2: {  	v7 =	vpop (erf)  }
0xc3: {  	v9 =	vpop (erf)  }
0xc4: {  	(erf) = vrcp.f32 v5;
	v5 =	vpop (erf)  }
0xc5: {  	v10 =	vpop (erf)  }
0xc6: {  	v1 =	vmul.f32 v10, v1  }
0xc7: {  	v7 =	vadd.f32 $1.000000000e+00, v7  }
0xc8: {  	v9 =	vadd.f32 $1.000000000e+00, v9  }
0xc9: {  	(erf) = vrcp.f32 v7  }
0xca: {  	(erf) = vrcp.f32 v9;
	[tilespmem:s25+$0xFFFFFFA0] =	vst v1;
	v1 =	vpop (erf)  }
0xcb: {  	v7 =	vld [tilespmem:s25+$0xFFFFFFB0];
	v1 =	vmul.f32 v1, v2  }
0xcc: {  	v2 =	vld [tilespmem:s24+$0xFFFFFFB0]  }
0xcd: {  	[tilespmem:s31+$0xFFFFFF90] =	vst v1;
	v1 =	vadd.f32 $1.000000000e+00, v5  }
0xce: {  	v9 =	vpop (erf);
	v5 =	vld [tilespmem:s31+$0xFFFFFFA0]  }
0xcf: {  	v10 =	vld [tilespmem:s20+$0xFFFFFFA0];
	(erf) = vrcp.f32 v1;
	v1 =	vmul.f32 v9, v6  }
0xd0: {  	s9 =	simm.s32 $0x580  }
0xd1: {  	v13 =	vld [tilespmem:s9+$0x0];
	v2 =	vadd.f32 v7, v2  }
0xd2: {  	v6 =	vld [tilespmem:s15+$0xFFFFFF90];
	v7 =	vpop (erf);
	[tilespmem:s15+$0xFFFFFF80] =	vst v1  }
0xd3: {  	s3 =	simm.s32 $0x5580;
	v3 =	vmul.f32 v7, v3;
	v11 =	vsub.f32 $0.0e+00, v2;
	v12 =	vld [tilespmem:s0+$0xFFFFFF90];
	v1 =	vpop (erf)  }
0xd4: {  	v9 =	vld [tilespmem:s3+$0xFFFFFF80];
	v1 =	vmul.f32 v1, v4;
	v4 =	vadd.f32 v5, v10  }
0xd5: {  	[tilespmem:s15+$0x0] =	vst v3;
	v3 =	vld [tilespmem:s15+$0x10];
	v7 =	vmul.f32 $1.442695020e+00, v11  }
0xd6: {  	v10 =	vld [tilespmem:s9+$0xFFFFFF80];
	[tilespmem:s31+$0x10] =	vst v1;
	v1 =	vsub.f32 $0.0e+00, v4  }
0xd7: {  	v5 =	vld [tilespmem:s3+$0x0];
	(erf) = vpow2.f32 v7  }
0xd8: {  	v6 =	vadd.f32 v6, v12;
	v12 =	vld [tilespmem:s0+$0x10];
	v1 =	vmul.f32 $1.442695020e+00, v1  }
0xd9: {  	v11 =	vld [tilespmem:s31+$0x20];
	v7 =	vpop (erf)  }
0xda: {  	v7 =	vmul.f32 v7, v8;
	v8 =	vld [tilespmem:s20+$0x20];
	v14 =	vsub.f32 $0.0e+00, v6;
	(erf) = vpow2.f32 v1  }
0xdb: {  	v1 =	vadd.f32 v9, v10  }
0xdc: {  	v5 =	vadd.f32 v5, v13;
	[tilespmem:s25+$0x20] =	vst v7;
	v7 =	vmul.f32 $1.442695020e+00, v14  }
0xdd: {  	v10 =	vsub.f32 $0.0e+00, v1;
	v3 =	vadd.f32 v3, v12  }
0xde: {  	v9 =	vld [tilespmem:s25+$0x30];
	v13 =	vsub.f32 $0.0e+00, v5;
	(erf) = vpow2.f32 v7  }
0xdf: {  	v14 =	vld [tilespmem:s24+$0x30];
	v7 =	vmul.f32 $1.442695020e+00, v10;
	v8 =	vadd.f32 v11, v8;
	v11 =	vsub.f32 $0.0e+00, v3  }
0xe0: {  	v10 =	vmul.f32 $1.442695020e+00, v13;
	v12 =	vpop (erf)  }
0xe1: {  	(erf) = vpow2.f32 v7;
	v12 =	vadd.f32 $1.000000000e+00, v12  }
0xe2: {  	(erf) = vpow2.f32 v10;
	v10 =	vmul.f32 $1.442695020e+00, v11  }
0xe3: {  	v7 =	vsub.f32 $0.0e+00, v8;
	(erf) = vrcp.f32 v12;
	v11 =	vpop (erf)  }
0xe4: {  	v9 =	vadd.f32 v9, v14;
	(erf) = vpow2.f32 v10;
	v10 =	vadd.f32 $1.000000000e+00, v11  }
0xe5: {  	v7 =	vmul.f32 $1.442695020e+00, v7  }
0xe6: {  	v11 =	vsub.f32 $0.0e+00, v9  }
0xe7: {  	(erf) = vpow2.f32 v7  }
0xe8: {  	(erf) = vrcp.f32 v10;
	v7 =	vmul.f32 $1.442695020e+00, v11;
	v10 =	vpop (erf)  }
0xe9: {  	v10 =	vadd.f32 $1.000000000e+00, v10;
	_ =	sdelay $0x2  }
0xea: {  	(erf) = vpow2.f32 v7;
	v7 =	vpop (erf)  }
0xeb: {  	(erf) = vrcp.f32 v10;
	v10 =	vpop (erf)  }
0xec: {  	v11 =	vpop (erf)  }
0xed: {  	v2 =	vmul.f32 v11, v2  }
0xee: {  	v7 =	vadd.f32 $1.000000000e+00, v7  }
0xef: {  	v11 =	vpop (erf)  }
0xf0: {  	(erf) = vrcp.f32 v7;
	v12 =	vpop (erf)  }
0xf1: {  	v7 =	vadd.f32 $1.000000000e+00, v10;
	[tilespmem:s25+$0xFFFFFFB0] =	vst v2;
	v2 =	vpop (erf)  }
0xf2: {  	v10 =	vld [tilespmem:s25+$0xFFFFFFC0];
	v2 =	vmul.f32 v2, v4;
	v4 =	vadd.f32 $1.000000000e+00, v11  }
0xf3: {  	v11 =	vld [tilespmem:s24+$0xFFFFFFC0]  }
0xf4: {  	(erf) = vrcp.f32 v7;
	[tilespmem:s31+$0xFFFFFFA0] =	vst v2;
	v2 =	vld [tilespmem:s31+$0xFFFFFFB0]  }
0xf5: {  	v7 =	vpop (erf);
	(erf) = vrcp.f32 v4;
	v13 =	vld [tilespmem:s20+$0xFFFFFFB0]  }
0xf6: {  	v12 =	vadd.f32 $1.000000000e+00, v12;
	v4 =	vpop (erf)  }
0xf7: {  	v4 =	vmul.f32 v4, v6;
	v6 =	vadd.f32 $1.000000000e+00, v7  }
0xf8: {  	(erf) = vrcp.f32 v12;
	v7 =	vadd.f32 v10, v11  }
0xf9: {  	v10 =	vpop (erf);
	[tilespmem:s15+$0xFFFFFF90] =	vst v4;
	(erf) = vrcp.f32 v6;
	v4 =	vld [tilespmem:s15+$0xFFFFFFA0]  }
0xfa: {  	s16 =	simm.s32 $0x680;
	v1 =	vmul.f32 v10, v1;
	v6 =	vsub.f32 $0.0e+00, v7;
	v11 =	vld [tilespmem:s0+$0xFFFFFFA0];
	v2 =	vadd.f32 v2, v13  }
0xfb: {  	v15 =	vld [tilespmem:s16+$0x0]  }
0xfc: {  	s13 =	simm.s32 $0x5680;
	v10 =	vld [tilespmem:s3+$0xFFFFFF90];
	[tilespmem:s3+$0xFFFFFF80] =	vst v1;
	v6 =	vmul.f32 $1.442695020e+00, v6;
	v1 =	vsub.f32 $0.0e+00, v2  }
0xfd: {  	v12 =	vpop (erf);
	v13 =	vld [tilespmem:s13+$0xFFFFFF80]  }
0xfe: {  	v14 =	vpop (erf);
	(erf) = vpow2.f32 v6;
	v6 =	vld [tilespmem:s9+$0xFFFFFF90];
	v1 =	vmul.f32 $1.442695020e+00, v1  }
0xff: {  	v3 =	vmul.f32 v14, v3;
	v4 =	vadd.f32 v4, v11;
	v11 =	vld [tilespmem:s16+$0xFFFFFF80]  }
0x100: {  	v5 =	vmul.f32 v12, v5;
	v14 =	vld [tilespmem:s13+$0x0]  }
0x101: {  	v12 =	vpop (erf);
	[tilespmem:s15+$0x10] =	vst v3;
	v3 =	vsub.f32 $0.0e+00, v4  }
0x102: {  	[tilespmem:s3+$0x0] =	vst v5;
	v5 =	vld [tilespmem:s3+$0x10];
	(erf) = vpow2.f32 v1;
	v1 =	vpop (erf)  }
0x103: {  	v6 =	vadd.f32 v10, v6;
	v1 =	vmul.f32 v1, v9;
	v3 =	vmul.f32 $1.442695020e+00, v3;
	v9 =	vld [tilespmem:s9+$0x10]  }
0x104: {  	v16 =	vld [tilespmem:s15+$0x20];
	v8 =	vmul.f32 v12, v8;
	v10 =	vadd.f32 v13, v11  }
0x105: {  	v11 =	vsub.f32 $0.0e+00, v6;
	[tilespmem:s25+$0x30] =	vst v1;
	v1 =	vld [tilespmem:s0+$0x20];
	(erf) = vpow2.f32 v3;
	v3 =	vadd.f32 v14, v15  }
0x106: {  	v12 =	vld [tilespmem:s25+$0x40]  }
0x107: {  	[tilespmem:s31+$0x20] =	vst v8;
	v8 =	vld [tilespmem:s31+$0x30];
	v13 =	vpop (erf);
	v14 =	vsub.f32 $0.0e+00, v10;
	v11 =	vmul.f32 $1.442695020e+00, v11;
	v15 =	vsub.f32 $0.0e+00, v3  }
0x108: {  	v17 =	vld [tilespmem:s20+$0x30];
	v13 =	vadd.f32 $1.000000000e+00, v13;
	v5 =	vadd.f32 v5, v9  }
0x109: {  	v9 =	vld [tilespmem:s24+$0x40];
	v14 =	vmul.f32 $1.442695020e+00, v14;
	(erf) = vpow2.f32 v11  }
0x10a: {  	(erf) = vrcp.f32 v13;
	v1 =	vadd.f32 v16, v1;
	v13 =	vsub.f32 $0.0e+00, v5  }
0x10b: {  	v11 =	vmul.f32 $1.442695020e+00, v15;
	v15 =	vpop (erf)  }
0x10c: {  	(erf) = vpow2.f32 v14;
	v14 =	vadd.f32 $1.000000000e+00, v15;
	v15 =	vsub.f32 $0.0e+00, v1  }
0x10d: {  	v8 =	vadd.f32 v8, v17;
	(erf) = vpow2.f32 v11;
	v11 =	vmul.f32 $1.442695020e+00, v13  }
0x10e: {  	v9 =	vadd.f32 v12, v9;
	(erf) = vrcp.f32 v14;
	v12 =	vmul.f32 $1.442695020e+00, v15;
	v13 =	vpop (erf)  }
0x10f: {  	v14 =	vsub.f32 $0.0e+00, v8;
	(erf) = vpow2.f32 v11;
	v11 =	vadd.f32 $1.000000000e+00, v13  }
0x110: {  	(erf) = vpow2.f32 v12  }
0x111: {  	(erf) = vrcp.f32 v11;
	v11 =	vmul.f32 $1.442695020e+00, v14;
	_ =	sdelay $0x2  }
0x112: {  	v12 =	vpop (erf)  }
0x113: {  	v13 =	vsub.f32 $0.0e+00, v9;
	(erf) = vpow2.f32 v11;
	v11 =	vpop (erf)  }
0x114: {  	v12 =	vadd.f32 $1.000000000e+00, v12;
	v7 =	vmul.f32 v11, v7  }
0x115: {  	v13 =	vmul.f32 $1.442695020e+00, v13;
	v14 =	vpop (erf)  }
0x116: {  	[tilespmem:s25+$0xFFFFFFC0] =	vst v7;
	v7 =	vadd.f32 $1.000000000e+00, v14  }
0x117: {  	(erf) = vpow2.f32 v13;
	v11 =	vpop (erf)  }
0x118: {  	v13 =	vld [tilespmem:s25+$0xFFFFFFD0];
	(erf) = vrcp.f32 v12;
	v12 =	vpop (erf)  }
0x119: {  	v2 =	vmul.f32 v12, v2;
	v12 =	vld [tilespmem:s24+$0xFFFFFFD0];
	v14 =	vpop (erf)  }
0x11a: {  	(erf) = vrcp.f32 v7;
	v7 =	vpop (erf)  }
0x11b: {  	[tilespmem:s31+$0xFFFFFFB0] =	vst v2;
	v2 =	vadd.f32 $1.000000000e+00, v11;
	v15 =	vpop (erf)  }
0x11c: {  	v4 =	vmul.f32 v15, v4  }
0x11d: {  	v14 =	vadd.f32 $1.000000000e+00, v14;
	v11 =	vld [tilespmem:s31+$0xFFFFFFC0]  }
0x11e: {  	v16 =	vld [tilespmem:s20+$0xFFFFFFC0];
	(erf) = vrcp.f32 v2;
	v12 =	vadd.f32 v13, v12  }
0x11f: {  	v7 =	vadd.f32 $1.000000000e+00, v7;
	(erf) = vrcp.f32 v14;
	v2 =	vpop (erf)  }
0x120: {  	[tilespmem:s15+$0xFFFFFFA0] =	vst v4;
	v2 =	vadd.f32 $1.000000000e+00, v2;
	v17 =	vsub.f32 $0.0e+00, v12;
	v4 =	vpop (erf)  }
0x121: {  	v13 =	vld [tilespmem:s15+$0xFFFFFFB0];
	(erf) = vrcp.f32 v7;
	v4 =	vadd.f32 $1.000000000e+00, v4  }
0x122: {  	v15 =	vld [tilespmem:s0+$0xFFFFFFB0];
	(erf) = vrcp.f32 v2;
	v2 =	vmul.f32 $1.442695020e+00, v17;
	v14 =	vpop (erf)  }
0x123: {  	v7 =	vadd.f32 v11, v16;
	v6 =	vmul.f32 v14, v6;
	v11 =	vpop (erf);
	(erf) = vrcp.f32 v4  }
0x124: {  	(erf) = vpow2.f32 v2;
	v2 =	vmul.f32 v11, v10  }
0x125: {  	v4 =	vld [tilespmem:s3+$0xFFFFFFA0];
	[tilespmem:s3+$0xFFFFFF90] =	vst v6;
	v6 =	vsub.f32 $0.0e+00, v7  }
0x126: {  	s1 =	simm.s32 $0x780;
	v14 =	vld [tilespmem:s9+$0xFFFFFFA0]  }
0x127: {  	v17 =	vld [tilespmem:s1+$0x0];
	v11 =	vadd.f32 v13, v15;
	v13 =	vpop (erf);
	v6 =	vmul.f32 $1.442695020e+00, v6  }
0x128: {  	v10 =	vld [tilespmem:s13+$0xFFFFFF90];
	[tilespmem:s13+$0xFFFFFF80] =	vst v2;
	v2 =	vpop (erf)  }
0x129: {  	s29 =	simm.s32 $0x5780;
	v16 =	vsub.f32 $0.0e+00, v11;
	(erf) = vpow2.f32 v6;
	v6 =	vld [tilespmem:s16+$0xFFFFFF90];
	v2 =	vmul.f32 v2, v5  }
0x12a: {  	v3 =	vmul.f32 v13, v3;
	v5 =	vld [tilespmem:s29+$0x0]  }
0x12b: {  	v15 =	vld [tilespmem:s29+$0xFFFFFF80];
	v13 =	vmul.f32 $1.442695020e+00, v16;
	v4 =	vadd.f32 v4, v14  }
0x12c: {  	[tilespmem:s13+$0x0] =	vst v3;
	v16 =	vld [tilespmem:s1+$0xFFFFFF80];
	v14 =	vpop (erf)  }
0x12d: {  	v19 =	vld [tilespmem:s3+$0x20];
	(erf) = vpow2.f32 v13;
	[tilespmem:s3+$0x10] =	vst v2;
	v18 =	vsub.f32 $0.0e+00, v4;
	v2 =	vpop (erf)  }
0x12e: {  	v6 =	vadd.f32 v10, v6;
	v10 =	vld [tilespmem:s16+$0x10];
	v2 =	vmul.f32 v2, v8;
	v3 =	vpop (erf)  }
0x12f: {  	v1 =	vmul.f32 v14, v1;
	v8 =	vld [tilespmem:s13+$0x10];
	v13 =	vmul.f32 $1.442695020e+00, v18;
	v5 =	vadd.f32 v5, v17;
	v14 =	vpop (erf)  }
0x130: {  	v18 =	vsub.f32 $0.0e+00, v6;
	[tilespmem:s31+$0x30] =	vst v2;
	v2 =	vld [tilespmem:s9+$0x20];
	v14 =	vadd.f32 $1.000000000e+00, v14  }
0x131: {  	v15 =	vadd.f32 v15, v16;
	(erf) = vpow2.f32 v13  }
0x132: {  	[tilespmem:s15+$0x20] =	vst v1;
	v1 =	vld [tilespmem:s15+$0x30];
	(erf) = vrcp.f32 v14;
	v14 =	vmul.f32 $1.442695020e+00, v18;
	v18 =	vsub.f32 $0.0e+00, v5  }
0x133: {  	v17 =	vld [tilespmem:s0+$0x30];
	v3 =	vmul.f32 v3, v9;
	v9 =	vsub.f32 $0.0e+00, v15;
	v16 =	vpop (erf)  }
0x134: {  	v13 =	vld [tilespmem:s31+$0x40];
	v16 =	vadd.f32 $1.000000000e+00, v16;
	v8 =	vadd.f32 v8, v10  }
0x135: {  	v9 =	vmul.f32 $1.442695020e+00, v9;
	v10 =	vld [tilespmem:s20+$0x40];
	(erf) = vpow2.f32 v14;
	v2 =	vadd.f32 v19, v2  }
0x136: {  	v14 =	vmul.f32 $1.442695020e+00, v18;
	(erf) = vrcp.f32 v16;
	v16 =	vsub.f32 $0.0e+00, v8;
	v18 =	vpop (erf)  }
0x137: {  	[tilespmem:s25+$0x40] =	vst v3;
	(erf) = vpow2.f32 v9;
	v3 =	vsub.f32 $0.0e+00, v2;
	v9 =	vadd.f32 $1.000000000e+00, v18  }
0x138: {  	v18 =	vld [tilespmem:s25+$0x50];
	(erf) = vpow2.f32 v14;
	v14 =	vadd.f32 v1, v17;
	v1 =	vmul.f32 $1.442695020e+00, v16  }
0x139: {  	v16 =	vld [tilespmem:s24+$0x50];
	(erf) = vrcp.f32 v9;
	v3 =	vmul.f32 $1.442695020e+00, v3  }
0x13a: {  	v9 =	vadd.f32 v13, v10;
	v10 =	vpop (erf);
	v13 =	vsub.f32 $0.0e+00, v14;
	(erf) = vpow2.f32 v1  }
0x13b: {  	v1 =	vadd.f32 $1.000000000e+00, v10;
	v17 =	vpop (erf);
	(erf) = vpow2.f32 v3  }
0x13c: {  	v10 =	vsub.f32 $0.0e+00, v9;
	v3 =	vmul.f32 v17, v12;
	v12 =	vmul.f32 $1.442695020e+00, v13;
	_ =	sdelay $0x1  }
0x13d: {  	(erf) = vrcp.f32 v1;
	v13 =	vadd.f32 v18, v16;
	v10 =	vmul.f32 $1.442695020e+00, v10  }
0x13e: {  	v1 =	vpop (erf);
	(erf) = vpow2.f32 v12  }
0x13f: {  	(erf) = vpow2.f32 v10;
	v10 =	vsub.f32 $0.0e+00, v13;
	v12 =	vpop (erf)  }
0x140: {  	[tilespmem:s25+$0xFFFFFFD0] =	vst v3;
	v1 =	vadd.f32 $1.000000000e+00, v1;
	v3 =	vmul.f32 v12, v7  }
0x141: {  	v12 =	vpop (erf)  }
0x142: {  	v17 =	vld [tilespmem:s31+$0xFFFFFFD0];
	(erf) = vrcp.f32 v1;
	v16 =	vpop (erf);
	[tilespmem:s31+$0xFFFFFFC0] =	vst v3;
	v3 =	vmul.f32 $1.442695020e+00, v10  }
0x143: {  	v7 =	vld [tilespmem:s25+$0xFFFFFFE0];
	v12 =	vadd.f32 $1.000000000e+00, v12;
	v10 =	vpop (erf)  }
0x144: {  	v1 =	vld [tilespmem:s24+$0xFFFFFFE0];
	v10 =	vmul.f32 v10, v11  }
0x145: {  	v11 =	vld [tilespmem:s20+$0xFFFFFFD0]  }
0x146: {  	(erf) = vpow2.f32 v3;
	v3 =	vpop (erf)  }
0x147: {  	v16 =	vadd.f32 $1.000000000e+00, v16;
	(erf) = vrcp.f32 v12;
	v12 =	vpop (erf)  }
0x148: {  	[tilespmem:s15+$0xFFFFFFB0] =	vst v10;
	v3 =	vadd.f32 $1.000000000e+00, v3;
	v10 =	vpop (erf)  }
0x149: {  	v1 =	vadd.f32 v7, v1;
	v7 =	vld [tilespmem:s15+$0xFFFFFFC0];
	(erf) = vrcp.f32 v16;
	v4 =	vmul.f32 v10, v4;
	v10 =	vpop (erf)  }
0x14a: {  	v16 =	vld [tilespmem:s0+$0xFFFFFFC0];
	(erf) = vrcp.f32 v3;
	v3 =	vadd.f32 v17, v11;
	v11 =	vpop (erf)  }
0x14b: {  	v12 =	vadd.f32 $1.000000000e+00, v12;
	[tilespmem:s3+$0xFFFFFFA0] =	vst v4;
	v4 =	vadd.f32 $1.000000000e+00, v10;
	v10 =	vpop (erf)  }
0x14c: {  	v17 =	vsub.f32 $0.0e+00, v1;
	v6 =	vmul.f32 v10, v6  }
0x14d: {  	(erf) = vrcp.f32 v12;
	v12 =	vld [tilespmem:s3+$0xFFFFFFB0];
	v18 =	vsub.f32 $0.0e+00, v3;
	v11 =	vadd.f32 $1.000000000e+00, v11  }
0x14e: {  	v10 =	vmul.f32 $1.442695020e+00, v17;
	v17 =	vld [tilespmem:s9+$0xFFFFFFB0];
	(erf) = vrcp.f32 v4  }
0x14f: {  	v7 =	vadd.f32 v7, v16;
	v4 =	vmul.f32 $1.442695020e+00, v18;
	(erf) = vrcp.f32 v11  }
0x150: {  	[tilespmem:s13+$0xFFFFFF90] =	vst v6;
	v6 =	vpop (erf);
	(erf) = vpow2.f32 v10  }
0x151: {  	v11 =	vld [tilespmem:s13+$0xFFFFFFA0];
	v10 =	vsub.f32 $0.0e+00, v7;
	v16 =	vpop (erf);
	(erf) = vpow2.f32 v4;
	v4 =	vadd.f32 $1.000000000e+00, v6  }
0x152: {  	v18 =	vld [tilespmem:s16+$0xFFFFFFA0];
	v6 =	vmul.f32 v16, v15  }
0x153: {  	v12 =	vadd.f32 v12, v17;
	v10 =	vmul.f32 $1.442695020e+00, v10  }
0x154: {  	v15 =	vld [tilespmem:s29+$0xFFFFFF90];
	v16 =	vpop (erf);
	(erf) = vrcp.f32 v4;
	[tilespmem:s29+$0xFFFFFF80] =	vst v6  }
0x155: {  	s14 =	simm.s32 $0x880;
	v5 =	vmul.f32 v16, v5;
	v6 =	vsub.f32 $0.0e+00, v12;
	v4 =	vpop (erf);
	(erf) = vpow2.f32 v10;
	v10 =	vld [tilespmem:s1+$0xFFFFFF90]  }
0x156: {  	s30 =	simm.s32 $0x5880;
	v20 =	vld [tilespmem:s14+$0xFFFFFF80];
	v4 =	vmul.f32 v4, v8;
	v8 =	vpop (erf)  }
0x157: {  	v17 =	vld [tilespmem:s30+$0xFFFFFF80];
	v11 =	vadd.f32 v11, v18;
	v6 =	vmul.f32 $1.442695020e+00, v6;
	v18 =	vpop (erf)  }
0x158: {  	v19 =	vld [tilespmem:s14+$0x0];
	[tilespmem:s29+$0x0] =	vst v5;
	v21 =	vpop (erf)  }
0x159: {  	v16 =	vld [tilespmem:s30+$0x0];
	[tilespmem:s13+$0x10] =	vst v4;
	v4 =	vsub.f32 $0.0e+00, v11;
	(erf) = vpow2.f32 v6;
	v5 =	vpop (erf)  }
0x15a: {  	v22 =	vld [tilespmem:s13+$0x20];
	v10 =	vadd.f32 v15, v10;
	v15 =	vpop (erf)  }
0x15b: {  	v2 =	vmul.f32 v8, v2;
	v8 =	vld [tilespmem:s1+$0x10];
	v4 =	vmul.f32 $1.442695020e+00, v4;
	v15 =	vadd.f32 $1.000000000e+00, v15  }
0x15c: {  	v17 =	vadd.f32 v17, v20;
	v6 =	vmul.f32 v18, v14;
	v14 =	vld [tilespmem:s29+$0x10]  }
0x15d: {  	v9 =	vmul.f32 v21, v9;
	v18 =	vld [tilespmem:s16+$0x20];
	[tilespmem:s3+$0x20] =	vst v2;
	v21 =	vsub.f32 $0.0e+00, v10;
	(erf) = vpow2.f32 v4  }
0x15e: {  	v2 =	vld [tilespmem:s3+$0x30];
	[tilespmem:s15+$0x30] =	vst v6;
	v6 =	vadd.f32 v16, v19;
	v4 =	vadd.f32 $1.000000000e+00, v5;
	v20 =	vpop (erf);
	(erf) = vrcp.f32 v15  }
0x15f: {  	v19 =	vsub.f32 $0.0e+00, v17;
	v13 =	vmul.f32 v20, v13;
	v20 =	vld [tilespmem:s9+$0x30];
	v16 =	vmul.f32 $1.442695020e+00, v21;
	v15 =	vpop (erf)  }
0x160: {  	v5 =	vld [tilespmem:s15+$0x40];
	(erf) = vrcp.f32 v4;
	v21 =	vsub.f32 $0.0e+00, v6;
	v15 =	vadd.f32 $1.000000000e+00, v15  }
0x161: {  	v8 =	vadd.f32 v14, v8;
	v14 =	vld [tilespmem:s0+$0x40];
	[tilespmem:s25+$0x50] =	vst v13;
	v13 =	vmul.f32 $1.442695020e+00, v19;
	(erf) = vpow2.f32 v16  }
0x162: {  	[tilespmem:s31+$0x40] =	vst v9;
	v4 =	vadd.f32 v22, v18;
	v9 =	vmul.f32 $1.442695020e+00, v21;
	v18 =	vpop (erf);
	(erf) = vrcp.f32 v15  }
0x163: {  	v18 =	vadd.f32 $1.000000000e+00, v18;
	(erf) = vpow2.f32 v13  }
0x164: {  	v13 =	vsub.f32 $0.0e+00, v4;
	(erf) = vpow2.f32 v9;
	v9 =	vadd.f32 v2, v20  }
0x165: {  	v16 =	vsub.f32 $0.0e+00, v8;
	(erf) = vrcp.f32 v18  }
0x166: {  	v19 =	vld [tilespmem:s31+$0x50];
	v18 =	vadd.f32 v5, v14;
	v5 =	vmul.f32 $1.442695020e+00, v13;
	v14 =	vsub.f32 $0.0e+00, v9  }
0x167: {  	v21 =	vld [tilespmem:s20+$0x50];
	v2 =	vmul.f32 $1.442695020e+00, v16  }
0x168: {  	v15 =	vld [tilespmem:s24+$0x60];
	v13 =	vpop (erf);
	v14 =	vmul.f32 $1.442695020e+00, v14  }
0x169: {  	v16 =	vld [tilespmem:s25+$0x60];
	(erf) = vpow2.f32 v2;
	v2 =	vadd.f32 $1.000000000e+00, v13;
	v20 =	vpop (erf)  }
0x16a: {  	(erf) = vpow2.f32 v5;
	v5 =	vpop (erf)  }
0x16b: {  	v13 =	vsub.f32 $0.0e+00, v18;
	v3 =	vmul.f32 v20, v3;
	(erf) = vrcp.f32 v2;
	v20 =	vpop (erf)  }
0x16c: {  	(erf) = vpow2.f32 v14;
	v14 =	vpop (erf)  }
0x16d: {  	v19 =	vadd.f32 v19, v21;
	v13 =	vmul.f32 $1.442695020e+00, v13;
	v7 =	vmul.f32 v14, v7  }
0x16e: {  	v2 =	vadd.f32 v16, v15  }
0x16f: {  	v15 =	vadd.f32 $1.000000000e+00, v20;
	[tilespmem:s31+$0xFFFFFFD0] =	vst v3;
	v3 =	vsub.f32 $0.0e+00, v19;
	(erf) = vpow2.f32 v13;
	v16 =	vpop (erf)  }
0x170: {  	v13 =	vld [tilespmem:s31+$0xFFFFFFE0];
	v14 =	vsub.f32 $0.0e+00, v2;
	v20 =	vpop (erf)  }
0x171: {  	(erf) = vrcp.f32 v15;
	v15 =	vld [tilespmem:s20+$0xFFFFFFE0];
	v3 =	vmul.f32 $1.442695020e+00, v3;
	v16 =	vadd.f32 $1.000000000e+00, v16;
	[tilespmem:s15+$0xFFFFFFC0] =	vst v7;
	v7 =	vpop (erf)  }
0x172: {  	v21 =	vld [tilespmem:s15+$0xFFFFFFD0];
	v14 =	vmul.f32 $1.442695020e+00, v14;
	v7 =	vmul.f32 v7, v12  }
0x173: {  	(erf) = vpow2.f32 v3;
	v12 =	vld [tilespmem:s0+$0xFFFFFFD0];
	v22 =	vpop (erf)  }
0x174: {  	(erf) = vpow2.f32 v14;
	[tilespmem:s3+$0xFFFFFFB0] =	vst v7;
	v7 =	vadd.f32 $1.000000000e+00, v22  }
0x175: {  	v14 =	vadd.f32 $1.000000000e+00, v20;
	(erf) = vrcp.f32 v16;
	v16 =	vpop (erf)  }
0x176: {  	v3 =	vadd.f32 v13, v15;
	v15 =	vpop (erf)  }
0x177: {  	(erf) = vrcp.f32 v14;
	v14 =	vadd.f32 $1.000000000e+00, v16;
	v11 =	vmul.f32 v15, v11;
	v15 =	vpop (erf)  }
0x178: {  	v13 =	vld [tilespmem:s3+$0xFFFFFFC0];
	(erf) = vrcp.f32 v7;
	v20 =	vadd.f32 v21, v12;
	v12 =	vsub.f32 $0.0e+00, v3;
	v7 =	vpop (erf)  }
0x179: {  	v16 =	vld [tilespmem:s9+$0xFFFFFFC0];
	v7 =	vadd.f32 $1.000000000e+00, v7  }
0x17a: {  	[tilespmem:s13+$0xFFFFFFA0] =	vst v11;
	v11 =	vadd.f32 $1.000000000e+00, v15;
	v15 =	vld [tilespmem:s13+$0xFFFFFFB0];
	v12 =	vmul.f32 $1.442695020e+00, v12  }
0x17b: {  	(erf) = vrcp.f32 v14;
	v22 =	vld [tilespmem:s16+$0xFFFFFFB0];
	v14 =	vpop (erf);
	v21 =	vsub.f32 $0.0e+00, v20  }
0x17c: {  	(erf) = vrcp.f32 v11;
	v10 =	vmul.f32 v14, v10  }
0x17d: {  	v11 =	vmul.f32 $1.442695020e+00, v21;
	(erf) = vrcp.f32 v7;
	v7 =	vpop (erf)  }
0x17e: {  	(erf) = vpow2.f32 v12;
	v12 =	vpop (erf)  }
0x17f: {  	v14 =	vadd.f32 v13, v16;
	[tilespmem:s29+$0xFFFFFF90] =	vst v10;
	v10 =	vld [tilespmem:s29+$0xFFFFFFA0];
	v16 =	vpop (erf);
	(erf) = vpow2.f32 v11  }
0x180: {  	v21 =	vld [tilespmem:s1+$0xFFFFFFA0];
	v11 =	vadd.f32 $1.000000000e+00, v7;
	v7 =	vadd.f32 v15, v22;
	v16 =	vmul.f32 v16, v17  }
0x181: {  	v13 =	vsub.f32 $0.0e+00, v14  }
0x182: {  	[tilespmem:s30+$0xFFFFFF80] =	vst v16;
	v16 =	vsub.f32 $0.0e+00, v7  }
0x183: {  	v13 =	vmul.f32 $1.442695020e+00, v13;
	v17 =	vld [tilespmem:s30+$0xFFFFFF90];
	v15 =	vpop (erf)  }
0x184: {  	s23 =	simm.s32 $0x980;
	(erf) = vrcp.f32 v11;
	v6 =	vmul.f32 v15, v6;
	v11 =	vpop (erf);
	v23 =	vld [tilespmem:s14+$0xFFFFFF90]  }
0x185: {  	s21 =	simm.s32 $0x5980;
	v24 =	vld [tilespmem:s23+$0x0];
	(erf) = vpow2.f32 v13;
	v13 =	vadd.f32 v10, v21;
	v8 =	vmul.f32 v11, v8;
	v11 =	vpop (erf)  }
0x186: {  	v10 =	vld [tilespmem:s21+$0x0];
	v15 =	vmul.f32 $1.442695020e+00, v16;
	v16 =	vpop (erf)  }
0x187: {  	v25 =	vsub.f32 $0.0e+00, v13;
	v26 =	vpop (erf)  }
0x188: {  	v22 =	vld [tilespmem:s21+$0xFFFFFF80];
	v12 =	vadd.f32 $1.000000000e+00, v12;
	[tilespmem:s30+$0x0] =	vst v6;
	(erf) = vpow2.f32 v15;
	v6 =	vpop (erf)  }
0x189: {  	v21 =	vld [tilespmem:s23+$0xFFFFFF80];
	v4 =	vmul.f32 v11, v4;
	[tilespmem:s29+$0x10] =	vst v8;
	v15 =	vmul.f32 $1.442695020e+00, v25;
	v8 =	vadd.f32 v17, v23;
	v17 =	vpop (erf)  }
0x18a: {  	(erf) = vrcp.f32 v12;
	v17 =	vadd.f32 $1.000000000e+00, v17  }
0x18b: {  	v11 =	vld [tilespmem:s14+$0x10];
	[tilespmem:s13+$0x20] =	vst v4;
	v4 =	vadd.f32 v10, v24;
	(erf) = vpow2.f32 v15;
	v6 =	vadd.f32 $1.000000000e+00, v6  }
0x18c: {  	v9 =	vmul.f32 v16, v9;
	v16 =	vld [tilespmem:s30+$0x10];
	(erf) = vrcp.f32 v17  }
0x18d: {  	v27 =	vld [tilespmem:s29+$0x20];
	(erf) = vrcp.f32 v6;
	v6 =	vsub.f32 $0.0e+00, v4  }
0x18e: {  	v12 =	vmul.f32 v26, v18;
	[tilespmem:s3+$0x30] =	vst v9;
	v9 =	vld [tilespmem:s1+$0x20];
	v15 =	vadd.f32 v22, v21;
	v18 =	vsub.f32 $0.0e+00, v8  }
0x18f: {  	v1 =	vmul.f32 v5, v1;
	v22 =	vpop (erf)  }
0x190: {  	v10 =	vld [tilespmem:s13+$0x30];
	v19 =	vmul.f32 v22, v19;
	v22 =	vsub.f32 $0.0e+00, v15;
	v18 =	vmul.f32 $1.442695020e+00, v18;
	v17 =	vpop (erf)  }
0x191: {  	v23 =	vld [tilespmem:s16+$0x30];
	v11 =	vadd.f32 v16, v11;
	v17 =	vadd.f32 $1.000000000e+00, v17;
	v5 =	vmul.f32 $1.442695020e+00, v6;
	v6 =	vpop (erf)  }
0x192: {  	v21 =	vld [tilespmem:s3+$0x40];
	[tilespmem:s15+$0x40] =	vst v12;
	v12 =	vmul.f32 $1.442695020e+00, v22;
	(erf) = vpow2.f32 v18;
	v6 =	vadd.f32 $1.000000000e+00, v6  }
0x193: {  	v57 =	vld [tilespmem:s9+$0x40];
	v9 =	vadd.f32 v27, v9;
	(erf) = vrcp.f32 v17  }
0x194: {  	[tilespmem:s31+$0x50] =	vst v19;
	v19 =	vld [tilespmem:s0+$0x50];
	v18 =	vsub.f32 $0.0e+00, v11;
	(erf) = vpow2.f32 v12  }
0x195: {  	v16 =	vld [tilespmem:s20+$0x60];
	v22 =	vsub.f32 $0.0e+00, v9;
	(erf) = vpow2.f32 v5  }
0x196: {  	v17 =	vld [tilespmem:s15+$0x50];
	v12 =	vadd.f32 v10, v23;
	v10 =	vmul.f32 $1.442695020e+00, v18;
	(erf) = vrcp.f32 v6;
	v6 =	vpop (erf)  }
0x197: {  	v23 =	vld [tilespmem:s31+$0x60];
	v2 =	vmul.f32 v6, v2  }
0x198: {  	[tilespmem:s25+$0xFFFFFFE0] =	vst v1;
	v1 =	vmul.f32 $1.442695020e+00, v22;
	v5 =	vadd.f32 v21, v57  }
0x199: {  	v21 =	vsub.f32 $0.0e+00, v12;
	v18 =	vpop (erf);
	(erf) = vpow2.f32 v10  }
0x19a: {  	v58 =	vld [tilespmem:s24+$0xFFFFFFF0];
	v6 =	vadd.f32 $1.000000000e+00, v18;
	v18 =	vsub.f32 $0.0e+00, v5;
	v10 =	vpop (erf);
	(erf) = vpow2.f32 v1  }
0x19b: {  	v22 =	vld [tilespmem:s25+$0xFFFFFFF0];
	v1 =	vmul.f32 v10, v20;
	v10 =	vadd.f32 v17, v19;
	[tilespmem:s25+$0x60] =	vst v2;
	v19 =	vmul.f32 $1.442695020e+00, v21;
	v2 =	vpop (erf)  }
0x19c: {  	v17 =	vld [tilespmem:s25+$0x70];
	(erf) = vrcp.f32 v6;
	v6 =	vadd.f32 v23, v16;
	v18 =	vmul.f32 $1.442695020e+00, v18;
	v16 =	vpop (erf)  }
0x19d: {  	v20 =	vld [tilespmem:s24+$0x70];
	v2 =	vmul.f32 v2, v3;
	(erf) = vpow2.f32 v19;
	v3 =	vpop (erf);
	v16 =	vadd.f32 $1.000000000e+00, v16  }
0x19e: {  	[tilespmem:s15+$0xFFFFFFD0] =	vst v1;
	v1 =	vsub.f32 $0.0e+00, v10;
	(erf) = vpow2.f32 v18;
	v3 =	vmul.f32 v3, v14;
	v23 =	vpop (erf)  }
0x19f: {  	v21 =	vld [tilespmem:s15+$0xFFFFFFE0];
	v19 =	vsub.f32 $0.0e+00, v6;
	v59 =	vpop (erf);
	(erf) = vrcp.f32 v16  }
0x1a0: {  	v18 =	vld [tilespmem:s31+$0xFFFFFFF0];
	v16 =	vmul.f32 $1.442695020e+00, v1;
	v1 =	vadd.f32 v22, v58;
	[tilespmem:s3+$0xFFFFFFC0] =	vst v3;
	v3 =	vadd.f32 $1.000000000e+00, v23;
	v22 =	vpop (erf)  }
0x1a1: {  	v14 =	vld [tilespmem:s0+$0xFFFFFFE0];
	v19 =	vmul.f32 $1.442695020e+00, v19;
	v7 =	vmul.f32 v22, v7;
	v22 =	vadd.f32 $1.000000000e+00, v59  }
0x1a2: {  	[tilespmem:s31+$0xFFFFFFE0] =	vst v2;
	v2 =	vadd.f32 v17, v20;
	v23 =	vld [tilespmem:s3+$0xFFFFFFD0];
	(erf) = vpow2.f32 v16  }
0x1a3: {  	v17 =	vld [tilespmem:s9+$0xFFFFFFD0];
	v60 =	vpop (erf);
	(erf) = vpow2.f32 v19  }
0x1a4: {  	v20 =	vld [tilespmem:s20+$0xFFFFFFF0];
	v19 =	vsub.f32 $0.0e+00, v2;
	(erf) = vrcp.f32 v3;
	v3 =	vpop (erf)  }
0x1a5: {  	v61 =	vld [tilespmem:s13+$0xFFFFFFC0];
	v16 =	vsub.f32 $0.0e+00, v1;
	v24 =	vadd.f32 $1.000000000e+00, v60;
	[tilespmem:s13+$0xFFFFFFB0] =	vst v7;
	(erf) = vrcp.f32 v22;
	v22 =	vpop (erf)  }
0x1a6: {  	v7 =	vadd.f32 v21, v14;
	v21 =	vld [tilespmem:s16+$0xFFFFFFC0];
	v19 =	vmul.f32 $1.442695020e+00, v19;
	v13 =	vmul.f32 v22, v13  }
0x1a7: {  	v16 =	vmul.f32 $1.442695020e+00, v16;
	(erf) = vrcp.f32 v24;
	v22 =	vadd.f32 $1.000000000e+00, v3  }
0x1a8: {  	v62 =	vpop (erf);
	v14 =	vadd.f32 v23, v17;
	v17 =	vsub.f32 $0.0e+00, v7;
	(erf) = vpow2.f32 v19  }
0x1a9: {  	v3 =	vadd.f32 v18, v20;
	v18 =	vadd.f32 $1.000000000e+00, v62;
	(erf) = vrcp.f32 v22  }
0x1aa: {  	v23 =	vld [tilespmem:s29+$0xFFFFFFB0];
	[tilespmem:s29+$0xFFFFFFA0] =	vst v13;
	v20 =	vsub.f32 $0.0e+00, v14;
	v13 =	vpop (erf);
	(erf) = vpow2.f32 v16;
	v16 =	vmul.f32 $1.442695020e+00, v17  }
0x1ab: {  	v63 =	vld [tilespmem:s1+$0xFFFFFFB0];
	v19 =	vpop (erf);
	v22 =	vadd.f32 $1.000000000e+00, v13;
	v13 =	vadd.f32 v61, v21  }
0x1ac: {  	(erf) = vrcp.f32 v18;
	v21 =	vsub.f32 $0.0e+00, v3;
	v8 =	vmul.f32 v19, v8  }
0x1ad: {  	v19 =	vmul.f32 $1.442695020e+00, v20;
	v18 =	vpop (erf);
	(erf) = vrcp.f32 v22  }
0x1ae: {  	v17 =	vld [tilespmem:s30+$0xFFFFFFA0];
	v25 =	vsub.f32 $0.0e+00, v13;
	v20 =	vadd.f32 $1.000000000e+00, v18;
	[tilespmem:s30+$0xFFFFFF90] =	vst v8;
	(erf) = vpow2.f32 v16;
	v16 =	vpop (erf)  }
0x1af: {  	v8 =	vmul.f32 $1.442695020e+00, v21;
	v22 =	vpop (erf);
	v18 =	vld [tilespmem:s14+$0xFFFFFFA0];
	(erf) = vpow2.f32 v19;
	v19 =	vadd.f32 $1.000000000e+00, v16  }
0x1b0: {  	s11 =	simm.s32 $0xE;
	s17 =	simm.s32 $0xA80;
	s24 =	simm.s32 $0x5A80;
	v16 =	vld [tilespmem:s21+$0xFFFFFF90];
	v22 =	vmul.f32 v22, v15;
	v21 =	vpop (erf);
	v15 =	vadd.f32 v23, v63;
	v23 =	vmul.f32 $1.442695020e+00, v25  }
.LBB2_5:
0x1b1: {  	v24 =	vld [tilespmem:s24+$0xFFFFFF80];
	s11 =	sadd.s32 $0x2, s11;
	v25 =	vpop (erf);
	(erf) = vrcp.f32 v20  }
0x1b2: {  	v20 =	vld [tilespmem:s17+$0x0];
	p1 =	slt.u32 s11, $0x4E;
	[tilespmem:s21+$0xFFFFFF80] =	vst v22;
	v22 =	vsub.f32 $0.0e+00, v15;
	(erf) = vpow2.f32 v23;
	v23 =	vpop (erf)  }
0x1b3: {  	v4 =	vmul.f32 v21, v4;
	v27 =	vmul.f32 v25, v11;
	v26 =	vld [tilespmem:s23+$0xFFFFFF90];
	v21 =	vpop (erf);
	v23 =	vadd.f32 $1.000000000e+00, v23  }
0x1b4: {  	v25 =	vld [tilespmem:s24+$0x0];
	v17 =	vadd.f32 v17, v18;
	v18 =	vmul.f32 $1.442695020e+00, v22;
	v9 =	vmul.f32 v21, v9;
	v21 =	vpop (erf)  }
0x1b5: {  	v22 =	vld [tilespmem:s17+$0xFFFFFF80];
	[tilespmem:s30+$0x10] =	vst v27;
	v11 =	vpop (erf);
	v21 =	vadd.f32 $1.000000000e+00, v21;
	(erf) = vrcp.f32 v23  }
0x1b6: {  	v23 =	vsub.f32 $0.0e+00, v17;
	v27 =	vld [tilespmem:s30+$0x20];
	(erf) = vpow2.f32 v18;
	v29 =	vmul.f32 v11, v12;
	v12 =	vpop (erf)  }
0x1b7: {  	[tilespmem:s21+$0x0] =	vst v4;
	v28 =	vld [tilespmem:s21+$0x10];
	v5 =	vmul.f32 v12, v5;
	v4 =	vpop (erf);
	(erf) = vrcp.f32 v21  }
0x1b8: {  	v18 =	vadd.f32 v16, v26;
	v12 =	vld [tilespmem:s23+$0x10];
	v26 =	vmul.f32 $1.442695020e+00, v23;
	[tilespmem:s13+$0x30] =	vst v29;
	v11 =	vpop (erf);
	v23 =	vadd.f32 $1.000000000e+00, v4  }
0x1b9: {  	v4 =	vadd.f32 v25, v20;
	v20 =	vld [tilespmem:s14+$0x20];
	v11 =	vadd.f32 $1.000000000e+00, v11;
	[tilespmem:s3+$0x40] =	vst v5;
	(erf) = vrcp.f32 v19  }
0x1ba: {  	v16 =	vadd.f32 v24, v22;
	v5 =	vsub.f32 $0.0e+00, v18;
	(erf) = vpow2.f32 v26;
	v19 =	vld [tilespmem:s13+$0x40];
	v21 =	vpop (erf)  }
0x1bb: {  	v22 =	vsub.f32 $0.0e+00, v4;
	[tilespmem:s29+$0x20] =	vst v9;
	v24 =	vld [tilespmem:s29+$0x30];
	v9 =	vpop (erf);
	(erf) = vrcp.f32 v11;
	v10 =	vmul.f32 v21, v10  }
0x1bc: {  	v21 =	vsub.f32 $0.0e+00, v16;
	v29 =	vmul.f32 $1.442695020e+00, v5;
	v25 =	vld [tilespmem:s1+$0x30];
	v26 =	vadd.f32 $1.000000000e+00, v9  }
0x1bd: {  	v22 =	vmul.f32 $1.442695020e+00, v22;
	v11 =	vadd.f32 v28, v12;
	v28 =	vld [tilespmem:s16+$0x40];
	[tilespmem:s15+$0x50] =	vst v10;
	(erf) = vrcp.f32 v23  }
0x1be: {  	v10 =	vmul.f32 $1.442695020e+00, v21;
	(erf) = vpow2.f32 v29;
	v9 =	vadd.f32 v27, v20;
	v20 =	vld [tilespmem:s0+$0x60];
	v5 =	vpop (erf)  }
0x1bf: {  	v21 =	vsub.f32 $0.0e+00, v11;
	v12 =	vpop (erf);
	(erf) = vrcp.f32 v26;
	v23 =	vld [tilespmem:s3+$0x50];
	v2 =	vmul.f32 v5, v2  }
0x1c0: {  	(erf) = vpow2.f32 v10;
	v10 =	vsub.f32 $0.0e+00, v9;
	v5 =	vadd.f32 $1.000000000e+00, v12;
	v26 =	vld [tilespmem:s9+$0x50];
	v27 =	vpop (erf)  }
0x1c1: {  	(erf) = vpow2.f32 v22;
	v12 =	vadd.f32 v24, v25;
	v22 =	vld [tilespmem:s15+$0x60];
	v24 =	vmul.f32 v27, v1;
	[tilespmem:s25+$0x70] =	vst v2;
	v1 =	vmovc v3  }
0x1c2: {  	v2 =	vmul.f32 $1.442695020e+00, v21;
	(erf) = vrcp.f32 v5;
	v5 =	vadd.f32 v19, v28;
	v3 =	vpop (erf)  }
0x1c3: {  	v10 =	vmul.f32 $1.442695020e+00, v10;
	v19 =	vpop (erf);
	v21 =	vsub.f32 $0.0e+00, v12;
	v3 =	vmul.f32 v3, v6;
	[tilespmem:s25+$0xFFFFFFF0] =	vst v24;
	s25 =	smov.u32 s31;
	s31 =	smov.u32 s15;
	s15 =	smov.u32 s3  }
0x1c4: {  	s3 =	smov.u32 s13;
	s13 =	smov.u32 s29;
	s29 =	smov.u32 s30;
	(erf) = vpow2.f32 v2;
	v2 =	vadd.f32 $1.000000000e+00, v19;
	v19 =	vsub.f32 $0.0e+00, v5;
	v6 =	vpop (erf)  }
0x1c5: {  	s30 =	smov.u32 s21;
	s21 =	smov.u32 s24;
	(erf) = vpow2.f32 v10;
	v14 =	vmul.f32 v6, v14;
	v10 =	vadd.f32 v23, v26;
	[tilespmem:s25+$0x60] =	vst v3;
	v3 =	vld [tilespmem:s25+$0x70]  }
0x1c6: {  	v24 =	vmul.f32 $1.442695020e+00, v21;
	(erf) = vrcp.f32 v2;
	v6 =	vadd.f32 v22, v20;
	v20 =	vpop (erf);
	v21 =	vld [tilespmem:s20+$0x70];
	s20 =	smov.u32 s0;
	s0 =	smov.u32 s9;
	s9 =	smov.u32 s16  }
0x1c7: {  	v19 =	vmul.f32 $1.442695020e+00, v19;
	s16 =	smov.u32 s1;
	s1 =	smov.u32 s14;
	s14 =	smov.u32 s23;
	v22 =	vpop (erf);
	[tilespmem:s15+$0xFFFFFFD0] =	vst v14;
	v14 =	vld [tilespmem:s15+$0xFFFFFFE0];
	v23 =	vsub.f32 $0.0e+00, v10;
	v26 =	vmul.f32 v20, v7  }
0x1c8: {  	s23 =	smov.u32 s17;
	v20 =	vadd.f32 $1.000000000e+00, v22;
	(erf) = vpow2.f32 v24;
	v2 =	vpop (erf);
	v22 =	vld [tilespmem:s0+$0xFFFFFFE0];
	v24 =	vsub.f32 $0.0e+00, v6  }
0x1c9: {  	v25 =	vpop (erf);
	v2 =	vmul.f32 v2, v13;
	(erf) = vpow2.f32 v19;
	[tilespmem:s31+$0xFFFFFFE0] =	vst v26;
	v13 =	vld [tilespmem:s31+$0xFFFFFFF0]  }
0x1ca: {  	v27 =	vmul.f32 $1.442695020e+00, v23;
	v19 =	vadd.f32 $1.000000000e+00, v25;
	v7 =	vpop (erf);
	(erf) = vrcp.f32 v20;
	v23 =	vld [tilespmem:s20+$0xFFFFFFF0]  }
0x1cb: {  	v24 =	vmul.f32 $1.442695020e+00, v24;
	v25 =	vadd.f32 $1.000000000e+00, v7;
	v7 =	vpop (erf);
	[tilespmem:s3+$0xFFFFFFC0] =	vst v2;
	v26 =	vld [tilespmem:s3+$0xFFFFFFD0];
	v2 =	vadd.f32 v3, v21  }
0x1cc: {  	v28 =	vmul.f32 v7, v15;
	v15 =	vld [tilespmem:s9+$0xFFFFFFD0];
	(erf) = vpow2.f32 v27  }
0x1cd: {  	v20 =	vpop (erf);
	v7 =	vadd.f32 v14, v22;
	(erf) = vpow2.f32 v24;
	v14 =	vsub.f32 $0.0e+00, v2  }
0x1ce: {  	(erf) = vrcp.f32 v19;
	v19 =	vadd.f32 $1.000000000e+00, v20;
	v20 =	vpop (erf);
	[tilespmem:s13+$0xFFFFFFB0] =	vst v28;
	v21 =	vld [tilespmem:s13+$0xFFFFFFC0]  }
0x1cf: {  	(erf) = vrcp.f32 v25;
	v20 =	vadd.f32 $1.000000000e+00, v20;
	v3 =	vpop (erf);
	v22 =	vld [tilespmem:s16+$0xFFFFFFC0];
	v24 =	vmul.f32 $1.442695020e+00, v14  }
0x1d0: {  	(erf) = vrcp.f32 v19;
	v17 =	vmul.f32 v3, v17;
	v19 =	vsub.f32 $0.0e+00, v7  }
0x1d1: {  	v3 =	vadd.f32 v13, v23;
	v25 =	vpop (erf);
	v14 =	vadd.f32 v26, v15;
	(erf) = vpow2.f32 v24  }
0x1d2: {  	[tilespmem:s29+$0xFFFFFFA0] =	vst v17;
	v15 =	vld [tilespmem:s29+$0xFFFFFFB0];
	(erf) = vrcp.f32 v20;
	v17 =	vadd.f32 $1.000000000e+00, v25;
	v13 =	vpop (erf);
	v19 =	vmul.f32 $1.442695020e+00, v19  }
0x1d3: {  	v20 =	vpop (erf);
	v23 =	vld [tilespmem:s1+$0xFFFFFFB0];
	v24 =	vsub.f32 $0.0e+00, v14;
	v25 =	vadd.f32 $1.000000000e+00, v13;
	(erf) = vpow2.f32 v8  }
.Ltmp1:
0x1d4: {  	v8 =	vmul.f32 v20, v18;
	v13 =	vadd.f32 v21, v22;
	(erf) = vrcp.f32 v17;
	(pc) =	sbr.rel @p1 .LBB2_5-.Ltmp1, $4  }
0x1d5: {  	v22 =	vsub.f32 $0.0e+00, v3;
	v26 =	vmul.f32 $1.442695020e+00, v24;
	(erf) = vrcp.f32 v25;
	v18 =	vpop (erf)  }
0x1d6: {  	[tilespmem:s30+$0xFFFFFF90] =	vst v8;
	v17 =	vld [tilespmem:s30+$0xFFFFFFA0];
	v24 =	vsub.f32 $0.0e+00, v13;
	v20 =	vadd.f32 $1.000000000e+00, v18;
	(erf) = vpow2.f32 v19;
	v19 =	vpop (erf)  }
0x1d7: {  	v8 =	vmul.f32 $1.442695020e+00, v22;
	v25 =	vpop (erf);
	v18 =	vld [tilespmem:s14+$0xFFFFFFA0];
	(erf) = vpow2.f32 v26;
	v19 =	vadd.f32 $1.000000000e+00, v19  }
0x1d8: {  	s24 =	sadd.s32 $0x100, s24;
	s17 =	sadd.s32 $0x100, s17;
	v22 =	vmul.f32 v25, v16;
	v16 =	vld [tilespmem:s21+$0xFFFFFF90];
	v21 =	vpop (erf);
	v15 =	vadd.f32 v15, v23;
	v23 =	vmul.f32 $1.442695020e+00, v24  }
0x1d9: {  	_ = 	snop  }
0x1da: {  	v24 =	vpop (erf);
	(erf) = vrcp.f32 v20;
	[tilespmem:s21+$0xFFFFFF80] =	vst v22;
	v20 =	vsub.f32 $0.0e+00, v15  }
0x1db: {  	v11 =	vmul.f32 v24, v11;
	v25 =	vld [tilespmem:s23+$0xFFFFFF90]  }
0x1dc: {  	v22 =	vpop (erf);
	v17 =	vadd.f32 v17, v18;
	v18 =	vmul.f32 $1.442695020e+00, v20  }
0x1dd: {  	(erf) = vpow2.f32 v23;
	v23 =	vpop (erf);
	v22 =	vadd.f32 $1.000000000e+00, v22  }
0x1de: {  	v4 =	vmul.f32 v21, v4;
	v20 =	vpop (erf)  }
0x1df: {  	[tilespmem:s30+$0x10] =	vst v11;
	(erf) = vrcp.f32 v22;
	v11 =	vpop (erf);
	v20 =	vadd.f32 $1.000000000e+00, v20  }
0x1e0: {  	[tilespmem:s21+$0x0] =	vst v4;
	v4 =	vmul.f32 v23, v9;
	(erf) = vpow2.f32 v18;
	v18 =	vpop (erf);
	v16 =	vadd.f32 v16, v25  }
0x1e1: {  	v21 =	vsub.f32 $0.0e+00, v17;
	v9 =	vmul.f32 v11, v12;
	v12 =	vpop (erf);
	(erf) = vrcp.f32 v20  }
0x1e2: {  	v23 =	vpop (erf);
	(erf) = vrcp.f32 v19;
	v19 =	vsub.f32 $0.0e+00, v16  }
0x1e3: {  	v11 =	vld [tilespmem:s21+$0x10];
	v21 =	vmul.f32 $1.442695020e+00, v21;
	v12 =	vadd.f32 $1.000000000e+00, v12  }
0x1e4: {  	[tilespmem:s29+$0x20] =	vst v4;
	v20 =	vld [tilespmem:s23+$0x10];
	v23 =	vadd.f32 $1.000000000e+00, v23;
	v4 =	vmul.f32 $1.442695020e+00, v19  }
0x1e5: {  	v22 =	vld [tilespmem:s30+$0x20];
	(erf) = vpow2.f32 v21  }
0x1e6: {  	[tilespmem:s13+$0x30] =	vst v9;
	v9 =	vld [tilespmem:s14+$0x20];
	(erf) = vrcp.f32 v23;
	v19 =	vpop (erf)  }
0x1e7: {  	v63 =	vld [tilespmem:s29+$0x30];
	(erf) = vrcp.f32 v12;
	v12 =	vpop (erf)  }
0x1e8: {  	v21 =	vld [tilespmem:s13+$0x40];
	(erf) = vpow2.f32 v4;
	v4 =	vpop (erf)  }
0x1e9: {  	v5 =	vmul.f32 v18, v5;
	v23 =	vld [tilespmem:s1+$0x30];
	v10 =	vmul.f32 v19, v10;
	v19 =	vadd.f32 v11, v20;
	v11 =	vpop (erf)  }
0x1ea: {  	v28 =	vld [tilespmem:s16+$0x40];
	v11 =	vadd.f32 $1.000000000e+00, v11  }
0x1eb: {  	v9 =	vadd.f32 v22, v9;
	v12 =	vadd.f32 $1.000000000e+00, v12  }
0x1ec: {  	[tilespmem:s15+$0x50] =	vst v10;
	v10 =	vsub.f32 $0.0e+00, v19  }
0x1ed: {  	[tilespmem:s3+$0x40] =	vst v5;
	v20 =	vsub.f32 $0.0e+00, v9;
	(erf) = vrcp.f32 v12;
	v18 =	vld [tilespmem:s0+$0x60];
	v5 =	vpop (erf)  }
0x1ee: {  	v22 =	vadd.f32 v63, v23;
	v23 =	vld [tilespmem:s3+$0x50];
	v10 =	vmul.f32 $1.442695020e+00, v10;
	(erf) = vrcp.f32 v11;
	v11 =	vpop (erf)  }
0x1ef: {  	v12 =	vadd.f32 v21, v28;
	v6 =	vmul.f32 v11, v6;
	v11 =	vld [tilespmem:s15+$0x60]  }
0x1f0: {  	v21 =	vld [tilespmem:s9+$0x50];
	v20 =	vmul.f32 $1.442695020e+00, v20;
	v30 =	vsub.f32 $0.0e+00, v22;
	v29 =	vpop (erf)  }
0x1f1: {  	v26 =	vsub.f32 $0.0e+00, v12;
	(erf) = vpow2.f32 v10;
	v24 =	vadd.f32 $1.000000000e+00, v29;
	v27 =	vpop (erf)  }
0x1f2: {  	(erf) = vpow2.f32 v20;
	[tilespmem:s31+$0x60] =	vst v6;
	v6 =	vmul.f32 $1.442695020e+00, v30;
	v10 =	vpop (erf)  }
0x1f3: {  	v32 =	vmul.f32 $1.442695020e+00, v26;
	v20 =	vld [tilespmem:s31+$0x70];
	(erf) = vrcp.f32 v24;
	v31 =	vpop (erf)  }
0x1f4: {  	v33 =	vld [tilespmem:s20+$0x70];
	v24 =	vadd.f32 $1.000000000e+00, v31;
	(erf) = vpow2.f32 v6;
	v18 =	vadd.f32 v11, v18  }
0x1f5: {  	v6 =	vmul.f32 v27, v14;
	v14 =	vadd.f32 v23, v21;
	(erf) = vpow2.f32 v32  }
0x1f6: {  	v11 =	vpop (erf);
	(erf) = vrcp.f32 v24;
	v21 =	vsub.f32 $0.0e+00, v18  }
0x1f7: {  	[tilespmem:s3+$0xFFFFFFD0] =	vst v6;
	v6 =	vsub.f32 $0.0e+00, v14;
	v35 =	vpop (erf)  }
0x1f8: {  	v11 =	vmul.f32 v11, v13;
	v13 =	vld [tilespmem:s3+$0xFFFFFFE0];
	v15 =	vmul.f32 v35, v15  }
0x1f9: {  	v23 =	vld [tilespmem:s9+$0xFFFFFFE0];
	v34 =	vmul.f32 $1.442695020e+00, v6;
	v6 =	vadd.f32 v20, v33  }
0x1fa: {  	[tilespmem:s13+$0xFFFFFFC0] =	vst v11;
	v20 =	vld [tilespmem:s13+$0xFFFFFFD0];
	v11 =	vmul.f32 $1.442695020e+00, v21;
	v21 =	vpop (erf)  }
0x1fb: {  	v36 =	vld [tilespmem:s16+$0xFFFFFFD0];
	[tilespmem:s29+$0xFFFFFFB0] =	vst v15;
	(erf) = vpow2.f32 v34;
	v37 =	vsub.f32 $0.0e+00, v6;
	v38 =	vpop (erf)  }
0x1fc: {  	v39 =	vld [tilespmem:s1+$0xFFFFFFC0];
	(erf) = vpow2.f32 v11;
	v11 =	vadd.f32 $1.000000000e+00, v21;
	v15 =	vpop (erf)  }
0x1fd: {  	v21 =	vld [tilespmem:s29+$0xFFFFFFC0];
	v24 =	vmul.f32 $1.442695020e+00, v37;
	v15 =	vmul.f32 v15, v17;
	v17 =	vpop (erf)  }
0x1fe: {  	v26 =	vadd.f32 $1.000000000e+00, v38;
	(erf) = vrcp.f32 v11;
	v28 =	vpop (erf)  }
0x1ff: {  	v11 =	vadd.f32 v13, v23;
	(erf) = vpow2.f32 v24;
	v13 =	vpop (erf)  }
0x200: {  	[tilespmem:s30+$0xFFFFFFA0] =	vst v15;
	v15 =	vadd.f32 v20, v36;
	v20 =	vld [tilespmem:s30+$0xFFFFFFB0];
	(erf) = vrcp.f32 v26;
	v13 =	vmul.f32 v13, v16  }
0x201: {  	v16 =	vsub.f32 $0.0e+00, v11;
	v23 =	vld [tilespmem:s14+$0xFFFFFFB0];
	(erf) = vpow2.f32 v8;
	v8 =	vadd.f32 $1.000000000e+00, v17  }
0x202: {  	v40 =	vld [tilespmem:s21+$0xFFFFFFA0];
	v21 =	vadd.f32 v21, v39;
	[tilespmem:s21+$0xFFFFFF90] =	vst v13;
	v13 =	vadd.f32 $1.000000000e+00, v28  }
0x203: {  	v17 =	vsub.f32 $0.0e+00, v15;
	v16 =	vmul.f32 $1.442695020e+00, v16;
	(erf) = vrcp.f32 v8;
	v8 =	vld [tilespmem:s23+$0xFFFFFFA0];
	_ =	sdelay $0x1  }
0x204: {  	v41 =	vsub.f32 $0.0e+00, v21;
	v17 =	vmul.f32 $1.442695020e+00, v17;
	(erf) = vrcp.f32 v13  }
0x205: {  	v20 =	vadd.f32 v20, v23;
	v13 =	vpop (erf);
	(erf) = vpow2.f32 v16  }
0x206: {  	v13 =	vadd.f32 $1.000000000e+00, v13;
	v16 =	vpop (erf);
	(erf) = vpow2.f32 v17;
	v17 =	vmul.f32 $1.442695020e+00, v41  }
0x207: {  	v23 =	vpop (erf);
	v24 =	vadd.f32 v40, v8  }
0x208: {  	(erf) = vrcp.f32 v13;
	v13 =	vsub.f32 $0.0e+00, v20;
	v42 =	vpop (erf);
	v8 =	vmul.f32 v23, v19  }
0x209: {  	(erf) = vpow2.f32 v17;
	v25 =	vadd.f32 $1.000000000e+00, v42  }
0x20a: {  	v23 =	vsub.f32 $0.0e+00, v24;
	v17 =	vpop (erf);
	v13 =	vmul.f32 $1.442695020e+00, v13  }
0x20b: {  	v16 =	vadd.f32 $1.000000000e+00, v16;
	v19 =	vpop (erf);
	(erf) = vrcp.f32 v25  }
0x20c: {  	[tilespmem:s21+$0x10] =	vst v8;
	v19 =	vadd.f32 $1.000000000e+00, v19;
	(erf) = vpow2.f32 v13;
	v8 =	vpop (erf);
	v13 =	vmul.f32 $1.442695020e+00, v23  }
0x20d: {  	v8 =	vmul.f32 v8, v22  }
0x20e: {  	v9 =	vmul.f32 v17, v9;
	v23 =	vpop (erf);
	(erf) = vrcp.f32 v19  }
0x20f: {  	v43 =	vld [tilespmem:s23+$0x20];
	(erf) = vrcp.f32 v16;
	v16 =	vpop (erf)  }
0x210: {  	v19 =	vld [tilespmem:s21+$0x20];
	(erf) = vpow2.f32 v13;
	v13 =	vpop (erf)  }
0x211: {  	[tilespmem:s29+$0x30] =	vst v8;
	v8 =	vpop (erf)  }
0x212: {  	[tilespmem:s30+$0x20] =	vst v9;
	v16 =	vadd.f32 $1.000000000e+00, v16;
	v13 =	vadd.f32 $1.000000000e+00, v13;
	v9 =	vpop (erf)  }
0x213: {  	v45 =	vld [tilespmem:s13+$0x50];
	v9 =	vadd.f32 $1.000000000e+00, v9  }
0x214: {  	v17 =	vld [tilespmem:s29+$0x40];
	(erf) = vrcp.f32 v13  }
0x215: {  	v22 =	vld [tilespmem:s14+$0x30];
	v14 =	vmul.f32 v8, v14;
	v19 =	vadd.f32 v19, v43;
	v8 =	vpop (erf)  }
0x216: {  	v12 =	vmul.f32 v23, v12;
	v13 =	vld [tilespmem:s30+$0x30];
	(erf) = vrcp.f32 v16;
	v16 =	vpop (erf)  }
0x217: {  	v23 =	vld [tilespmem:s1+$0x40];
	[tilespmem:s3+$0x50] =	vst v14;
	(erf) = vrcp.f32 v9;
	v14 =	vsub.f32 $0.0e+00, v19;
	v9 =	vpop (erf)  }
0x218: {  	v7 =	vmul.f32 v10, v7;
	v10 =	vld [tilespmem:s3+$0x60];
	[tilespmem:s13+$0x40] =	vst v12;
	v16 =	vadd.f32 $1.000000000e+00, v16;
	v44 =	vpop (erf)  }
0x219: {  	v47 =	vld [tilespmem:s16+$0x50];
	v14 =	vmul.f32 $1.442695020e+00, v14;
	v46 =	vpop (erf);
	v18 =	vmul.f32 v44, v18  }
0x21a: {  	v12 =	vld [tilespmem:s9+$0x60];
	(erf) = vrcp.f32 v16;
	v16 =	vadd.f32 $1.000000000e+00, v46  }
0x21b: {  	v13 =	vadd.f32 v13, v22;
	(erf) = vpow2.f32 v14;
	v14 =	vld [tilespmem:s15+$0x70];
	[tilespmem:s15+$0x60] =	vst v18  }
0x21c: {  	[tilespmem:s15+$0xFFFFFFE0] =	vst v7;
	(erf) = vrcp.f32 v16;
	v16 =	vadd.f32 v17, v23;
	v7 =	vld [tilespmem:s0+$0x70]  }
0x21d: {  	v18 =	vsub.f32 $0.0e+00, v13;
	v17 =	vld [tilespmem:s15+$0xFFFFFFF0];
	v22 =	vpop (erf)  }
0x21e: {  	v23 =	vld [tilespmem:s0+$0xFFFFFFF0];
	v15 =	vmul.f32 v22, v15;
	v22 =	vadd.f32 v45, v47;
	v48 =	vsub.f32 $0.0e+00, v16  }
0x21f: {  	v49 =	vpop (erf);
	v18 =	vmul.f32 $1.442695020e+00, v18  }
0x220: {  	v50 =	vadd.f32 v10, v12;
	v10 =	vpop (erf);
	[tilespmem:s13+$0xFFFFFFD0] =	vst v15;
	v15 =	vsub.f32 $0.0e+00, v22;
	v12 =	vmul.f32 $1.442695020e+00, v48  }
0x221: {  	v10 =	vmul.f32 v10, v21;
	(erf) = vpow2.f32 v18  }
0x222: {  	(erf) = vpow2.f32 v12  }
0x223: {  	v21 =	vld [tilespmem:s13+$0xFFFFFFE0];
	v7 =	vadd.f32 v14, v7;
	[tilespmem:s29+$0xFFFFFFC0] =	vst v10;
	v10 =	vadd.f32 v17, v23;
	v12 =	vmul.f32 $1.442695020e+00, v15  }
0x224: {  	v18 =	vsub.f32 $0.0e+00, v50;
	v14 =	vld [tilespmem:s16+$0xFFFFFFE0];
	v15 =	vpop (erf)  }
0x225: {  	v17 =	vld [tilespmem:s29+$0xFFFFFFD0];
	v52 =	vsub.f32 $0.0e+00, v10;
	v15 =	vmul.f32 v15, v20;
	v20 =	vsub.f32 $0.0e+00, v7  }
0x226: {  	v18 =	vmul.f32 $1.442695020e+00, v18;
	v51 =	vld [tilespmem:s1+$0xFFFFFFD0];
	v23 =	vpop (erf);
	(erf) = vpow2.f32 v12  }
0x227: {  	v12 =	vpop (erf);
	[tilespmem:s30+$0xFFFFFFB0] =	vst v15;
	v15 =	vmul.f32 $1.442695020e+00, v20;
	v20 =	vadd.f32 $1.000000000e+00, v23;
	v23 =	vmul.f32 $1.442695020e+00, v52  }
0x228: {  	(erf) = vpow2.f32 v18;
	v18 =	vld [tilespmem:s30+$0xFFFFFFC0];
	v12 =	vmul.f32 v12, v24  }
0x229: {  	v53 =	vld [tilespmem:s14+$0xFFFFFFC0];
	(erf) = vpow2.f32 v15  }
0x22a: {  	v15 =	vadd.f32 v21, v14;
	v21 =	vpop (erf);
	[tilespmem:s21+$0xFFFFFFA0] =	vst v12;
	v12 =	vld [tilespmem:s21+$0xFFFFFFB0];
	(erf) = vrcp.f32 v20  }
0x22b: {  	v14 =	vadd.f32 v17, v51;
	v17 =	vld [tilespmem:s23+$0xFFFFFFB0];
	(erf) = vpow2.f32 v23;
	v23 =	vpop (erf)  }
0x22c: {  	v23 =	vadd.f32 $1.000000000e+00, v23  }
0x22d: {  	v21 =	vadd.f32 $1.000000000e+00, v21;
	v20 =	vsub.f32 $0.0e+00, v15  }
0x22e: {  	v27 =	vsub.f32 $0.0e+00, v14  }
0x22f: {  	(erf) = vrcp.f32 v21;
	v20 =	vmul.f32 $1.442695020e+00, v20;
	v18 =	vadd.f32 v18, v53  }
0x230: {  	(erf) = vrcp.f32 v23;
	v17 =	vadd.f32 v12, v17;
	v23 =	vpop (erf)  }
0x231: {  	v21 =	vmul.f32 $1.442695020e+00, v27;
	v24 =	vsub.f32 $0.0e+00, v18;
	v12 =	vadd.f32 $1.000000000e+00, v23  }
0x232: {  	(erf) = vpow2.f32 v20;
	v23 =	vsub.f32 $0.0e+00, v17  }
0x233: {  	(erf) = vpow2.f32 v21;
	v21 =	vmul.f32 $1.442695020e+00, v24;
	v20 =	vpop (erf)  }
0x234: {  	v54 =	vpop (erf);
	(erf) = vrcp.f32 v12  }
0x235: {  	v24 =	vadd.f32 $1.000000000e+00, v54;
	(erf) = vpow2.f32 v21;
	v21 =	vmul.f32 $1.442695020e+00, v23;
	v12 =	vpop (erf)  }
0x236: {  	v20 =	vadd.f32 $1.000000000e+00, v20;
	v23 =	vpop (erf)  }
0x237: {  	(erf) = vrcp.f32 v24;
	v23 =	vadd.f32 $1.000000000e+00, v23  }
0x238: {  	(erf) = vpow2.f32 v21  }
0x239: {  	v11 =	vmul.f32 v49, v11;
	v21 =	vpop (erf);
	(erf) = vrcp.f32 v23  }
0x23a: {  	v13 =	vmul.f32 v21, v13;
	(erf) = vrcp.f32 v20;
	v20 =	vpop (erf)  }
0x23b: {  	v21 =	vpop (erf)  }
0x23c: {  	[tilespmem:s3+$0xFFFFFFE0] =	vst v11;
	v11 =	vmul.f32 v12, v19;
	v12 =	vpop (erf)  }
0x23d: {  	v12 =	vadd.f32 $1.000000000e+00, v12  }
0x23e: {  	v55 =	vld [tilespmem:s21+$0x30];
	[tilespmem:s30+$0x30] =	vst v13;
	v21 =	vadd.f32 $1.000000000e+00, v21;
	v13 =	vpop (erf)  }
0x23f: {  	[tilespmem:s21+$0x20] =	vst v11;
	v23 =	vld [tilespmem:s30+$0x40];
	(erf) = vrcp.f32 v12;
	v12 =	vmul.f32 v13, v22  }
0x240: {  	v16 =	vmul.f32 v20, v16;
	v20 =	vld [tilespmem:s23+$0x30];
	v11 =	vpop (erf)  }
0x241: {  	v13 =	vadd.f32 $1.000000000e+00, v11;
	v11 =	vpop (erf);
	v22 =	vld [tilespmem:s14+$0x40]  }
0x242: {  	v56 =	vld [tilespmem:s29+$0x50];
	[tilespmem:s29+$0x40] =	vst v16;
	(erf) = vrcp.f32 v21;
	v21 =	vpop (erf)  }
0x243: {  	v57 =	vld [tilespmem:s1+$0x50];
	[tilespmem:s13+$0x50] =	vst v12;
	(erf) = vrcp.f32 v13;
	v16 =	vadd.f32 $1.000000000e+00, v21;
	v12 =	vpop (erf)  }
0x244: {  	v13 =	vld [tilespmem:s16+$0x60];
	v21 =	vpop (erf)  }
0x245: {  	(erf) = vrcp.f32 v16;
	v16 =	vld [tilespmem:s13+$0x60];
	v21 =	vmul.f32 v21, v50  }
0x246: {  	v58 =	vld [tilespmem:s9+$0xFFFFFFF0];
	v20 =	vadd.f32 v55, v20;
	v22 =	vadd.f32 v23, v22  }
0x247: {  	[tilespmem:s3+$0x60] =	vst v21;
	v21 =	vld [tilespmem:s3+$0x70]  }
0x248: {  	v59 =	vsub.f32 $0.0e+00, v20;
	v29 =	vsub.f32 $0.0e+00, v22;
	v23 =	vld [tilespmem:s9+$0x70]  }
0x249: {  	v19 =	vld [tilespmem:s3+$0xFFFFFFF0];
	v25 =	vadd.f32 v56, v57  }
0x24a: {  	v62 =	vmul.f32 $1.442695020e+00, v59;
	v60 =	vpop (erf);
	v30 =	vadd.f32 v16, v13;
	v16 =	vmul.f32 $1.442695020e+00, v29  }
0x24b: {  	v14 =	vmul.f32 v60, v14;
	v61 =	vpop (erf)  }
0x24c: {  	v34 =	vsub.f32 $0.0e+00, v25;
	(erf) = vpow2.f32 v62;
	v63 =	vpop (erf)  }
0x24d: {  	v33 =	vld [tilespmem:s29+$0xFFFFFFE0];
	(erf) = vpow2.f32 v16;
	[tilespmem:s29+$0xFFFFFFD0] =	vst v14;
	v18 =	vmul.f32 v63, v18;
	v14 =	vadd.f32 v21, v23  }
0x24e: {  	v13 =	vadd.f32 v19, v58;
	v19 =	vld [tilespmem:s1+$0xFFFFFFE0];
	v16 =	vpop (erf);
	v21 =	vsub.f32 $0.0e+00, v30  }
0x24f: {  	[tilespmem:s30+$0xFFFFFFC0] =	vst v18;
	v18 =	vmul.f32 $1.442695020e+00, v34;
	v23 =	vld [tilespmem:s30+$0xFFFFFFD0];
	v16 =	vmul.f32 v16, v17;
	v17 =	vsub.f32 $0.0e+00, v14  }
0x250: {  	v24 =	vsub.f32 $0.0e+00, v13;
	v35 =	vld [tilespmem:s14+$0xFFFFFFD0];
	v21 =	vmul.f32 $1.442695020e+00, v21  }
0x251: {  	(erf) = vpow2.f32 v18;
	[tilespmem:s21+$0xFFFFFFB0] =	vst v16;
	v16 =	vmul.f32 $1.442695020e+00, v17  }
0x252: {  	v18 =	vld [tilespmem:s21+$0xFFFFFFC0];
	v17 =	vmul.f32 $1.442695020e+00, v24;
	(erf) = vpow2.f32 v21  }
0x253: {  	v21 =	vld [tilespmem:s23+$0xFFFFFFC0];
	v19 =	vadd.f32 v33, v19;
	(erf) = vpow2.f32 v16  }
0x254: {  	(erf) = vpow2.f32 v17  }
0x255: {  	v16 =	vsub.f32 $0.0e+00, v19;
	v17 =	vadd.f32 v23, v35;
	v23 =	vpop (erf)  }
0x256: {  	v23 =	vadd.f32 $1.000000000e+00, v23;
	v36 =	vpop (erf)  }
0x257: {  	v16 =	vmul.f32 $1.442695020e+00, v16;
	v26 =	vsub.f32 $0.0e+00, v17;
	v24 =	vadd.f32 $1.000000000e+00, v36  }
0x258: {  	v18 =	vadd.f32 v18, v21;
	(erf) = vrcp.f32 v23  }
0x259: {  	v21 =	vmul.f32 $1.442695020e+00, v26;
	(erf) = vrcp.f32 v24  }
0x25a: {  	v37 =	vsub.f32 $0.0e+00, v18;
	v23 =	vpop (erf);
	(erf) = vpow2.f32 v16  }
0x25b: {  	v23 =	vadd.f32 $1.000000000e+00, v23;
	v16 =	vpop (erf);
	(erf) = vpow2.f32 v21  }
0x25c: {  	v21 =	vmul.f32 $1.442695020e+00, v37;
	v38 =	vpop (erf)  }
0x25d: {  	v16 =	vadd.f32 $1.000000000e+00, v16;
	(erf) = vrcp.f32 v23;
	v23 =	vadd.f32 $1.000000000e+00, v38;
	v39 =	vpop (erf)  }
0x25e: {  	(erf) = vpow2.f32 v21;
	v21 =	vadd.f32 $1.000000000e+00, v39  }
0x25f: {  	(erf) = vrcp.f32 v23  }
0x260: {  	(erf) = vrcp.f32 v21  }
0x261: {  	(erf) = vrcp.f32 v16;
	v16 =	vpop (erf)  }
0x262: {  	v21 =	vpop (erf)  }
0x263: {  	v15 =	vmul.f32 v61, v15;
	v23 =	vpop (erf)  }
0x264: {  	v16 =	vmul.f32 v16, v20;
	v20 =	vpop (erf)  }
0x265: {  	[tilespmem:s13+$0xFFFFFFE0] =	vst v15;
	v15 =	vadd.f32 $1.000000000e+00, v20  }
0x266: {  	[tilespmem:s21+$0x30] =	vst v16;
	v16 =	vadd.f32 $1.000000000e+00, v23;
	v20 =	vpop (erf)  }
0x267: {  	v40 =	vld [tilespmem:s13+$0xFFFFFFF0];
	v21 =	vmul.f32 v21, v22;
	v23 =	vpop (erf)  }
0x268: {  	v22 =	vld [tilespmem:s21+$0x40];
	(erf) = vrcp.f32 v15;
	v23 =	vadd.f32 $1.000000000e+00, v23  }
0x269: {  	v41 =	vld [tilespmem:s23+$0x40];
	(erf) = vrcp.f32 v16;
	v15 =	vpop (erf)  }
0x26a: {  	v43 =	vld [tilespmem:s29+$0x60];
	[tilespmem:s30+$0x40] =	vst v21;
	v20 =	vmul.f32 v20, v25;
	(erf) = vrcp.f32 v23;
	v16 =	vpop (erf)  }
0x26b: {  	v42 =	vld [tilespmem:s14+$0x50];
	v21 =	vpop (erf)  }
0x26c: {  	[tilespmem:s29+$0x50] =	vst v20;
	v23 =	vld [tilespmem:s30+$0x50];
	v21 =	vmul.f32 v21, v30  }
0x26d: {  	v20 =	vld [tilespmem:s1+$0x60]  }
0x26e: {  	v22 =	vadd.f32 v22, v41;
	[tilespmem:s13+$0x60] =	vst v21;
	v21 =	vld [tilespmem:s13+$0x70]  }
0x26f: {  	v44 =	vld [tilespmem:s16+$0x70]  }
0x270: {  	v45 =	vld [tilespmem:s16+$0xFFFFFFF0];
	v46 =	vsub.f32 $0.0e+00, v22  }
0x271: {  	v23 =	vadd.f32 v23, v42;
	v47 =	vpop (erf)  }
0x272: {  	v27 =	vadd.f32 v43, v20;
	v20 =	vmul.f32 $1.442695020e+00, v46;
	v17 =	vmul.f32 v47, v17;
	v48 =	vpop (erf)  }
0x273: {  	v50 =	vsub.f32 $0.0e+00, v23;
	v49 =	vpop (erf)  }
0x274: {  	(erf) = vpow2.f32 v20;
	[tilespmem:s30+$0xFFFFFFD0] =	vst v17;
	v29 =	vmul.f32 v49, v18;
	v18 =	vadd.f32 v21, v44;
	v21 =	vld [tilespmem:s30+$0xFFFFFFE0]  }
0x275: {  	v51 =	vsub.f32 $0.0e+00, v27;
	v52 =	vmul.f32 $1.442695020e+00, v50;
	v17 =	vadd.f32 v40, v45;
	v20 =	vld [tilespmem:s14+$0xFFFFFFE0]  }
0x276: {  	v55 =	vld [tilespmem:s21+$0xFFFFFFD0];
	[tilespmem:s21+$0xFFFFFFC0] =	vst v29;
	v53 =	vsub.f32 $0.0e+00, v18  }
0x277: {  	v24 =	vmul.f32 $1.442695020e+00, v51;
	(erf) = vpow2.f32 v52;
	v54 =	vsub.f32 $0.0e+00, v17;
	v31 =	vld [tilespmem:s23+$0xFFFFFFD0]  }
0x278: {  	v56 =	vmul.f32 $1.442695020e+00, v53  }
0x279: {  	(erf) = vpow2.f32 v24;
	v57 =	vmul.f32 $1.442695020e+00, v54  }
0x27a: {  	v21 =	vadd.f32 v21, v20;
	(erf) = vpow2.f32 v56  }
0x27b: {  	(erf) = vpow2.f32 v57  }
0x27c: {  	v58 =	vadd.f32 v55, v31;
	v20 =	vsub.f32 $0.0e+00, v21  }
0x27d: {  	v59 =	vpop (erf)  }
0x27e: {  	v25 =	vadd.f32 $1.000000000e+00, v59;
	v60 =	vsub.f32 $0.0e+00, v58;
	v20 =	vmul.f32 $1.442695020e+00, v20;
	_ =	sdelay $0x1  }
0x27f: {  	(erf) = vrcp.f32 v25;
	v61 =	vpop (erf);
	v28 =	vmul.f32 $1.442695020e+00, v60  }
0x280: {  	v25 =	vadd.f32 $1.000000000e+00, v61;
	(erf) = vpow2.f32 v20  }
0x281: {  	v20 =	vpop (erf);
	(erf) = vpow2.f32 v28  }
0x282: {  	(erf) = vrcp.f32 v25;
	v62 =	vpop (erf)  }
0x283: {  	v63 =	vadd.f32 $1.000000000e+00, v62;
	v32 =	vpop (erf)  }
0x284: {  	v20 =	vadd.f32 $1.000000000e+00, v20;
	v28 =	vadd.f32 $1.000000000e+00, v32  }
0x285: {  	(erf) = vrcp.f32 v63  }
0x286: {  	(erf) = vrcp.f32 v28  }
0x287: {  	(erf) = vrcp.f32 v20  }
0x288: {  	v20 =	vpop (erf)  }
0x289: {  	v33 =	vpop (erf)  }
0x28a: {  	v19 =	vmul.f32 v48, v19;
	v34 =	vpop (erf)  }
0x28b: {  	v35 =	vpop (erf)  }
0x28c: {  	v23 =	vmul.f32 v35, v23  }
0x28d: {  	v22 =	vmul.f32 v20, v22  }
0x28e: {  	v36 =	vld [tilespmem:s29+$0xFFFFFFF0];
	[tilespmem:s29+$0xFFFFFFE0] =	vst v19;
	v19 =	vpop (erf)  }
0x28f: {  	v38 =	vld [tilespmem:s21+$0x50];
	v26 =	vadd.f32 $1.000000000e+00, v34;
	[tilespmem:s21+$0x40] =	vst v22;
	v20 =	vpop (erf)  }
0x290: {  	v40 =	vld [tilespmem:s30+$0x60];
	[tilespmem:s30+$0x50] =	vst v23;
	v23 =	vpop (erf)  }
0x291: {  	v39 =	vld [tilespmem:s23+$0x50];
	(erf) = vrcp.f32 v26;
	v23 =	vmul.f32 v23, v27  }
0x292: {  	v22 =	vld [tilespmem:s14+$0x60]  }
0x293: {  	[tilespmem:s29+$0x60] =	vst v23;
	v23 =	vld [tilespmem:s29+$0x70]  }
0x294: {  	v41 =	vld [tilespmem:s1+$0x70]  }
0x295: {  	v37 =	vld [tilespmem:s1+$0xFFFFFFF0];
	_ =	sdelay $0x1  }
0x296: {  	v26 =	vadd.f32 v38, v39  }
0x297: {  	v25 =	vadd.f32 $1.000000000e+00, v33;
	v22 =	vadd.f32 v40, v22  }
0x298: {  	v43 =	vsub.f32 $0.0e+00, v26;
	v23 =	vadd.f32 v23, v41  }
0x299: {  	v27 =	vadd.f32 v36, v37;
	v42 =	vpop (erf);
	v44 =	vsub.f32 $0.0e+00, v22  }
0x29a: {  	v29 =	vmul.f32 $1.442695020e+00, v43;
	v24 =	vmul.f32 v42, v58;
	v45 =	vsub.f32 $0.0e+00, v23  }
0x29b: {  	(erf) = vrcp.f32 v25;
	v46 =	vsub.f32 $0.0e+00, v27;
	v47 =	vmul.f32 $1.442695020e+00, v44  }
0x29c: {  	v48 =	vld [tilespmem:s21+$0xFFFFFFE0];
	(erf) = vpow2.f32 v29;
	[tilespmem:s21+$0xFFFFFFD0] =	vst v24;
	v49 =	vmul.f32 $1.442695020e+00, v45  }
0x29d: {  	v50 =	vmul.f32 $1.442695020e+00, v46;
	v51 =	vld [tilespmem:s23+$0xFFFFFFE0];
	(erf) = vpow2.f32 v47  }
0x29e: {  	(erf) = vpow2.f32 v49  }
0x29f: {  	(erf) = vpow2.f32 v50;
	_ =	sdelay $0x2  }
0x2a0: {  	v52 =	vadd.f32 v48, v51;
	_ =	sdelay $0x1  }
0x2a1: {  	v53 =	vpop (erf);
	v54 =	vsub.f32 $0.0e+00, v52  }
0x2a2: {  	v55 =	vpop (erf)  }
0x2a3: {  	v28 =	vmul.f32 $1.442695020e+00, v54;
	v56 =	vpop (erf)  }
0x2a4: {  	v29 =	vadd.f32 $1.000000000e+00, v55;
	v57 =	vpop (erf)  }
0x2a5: {  	(erf) = vpow2.f32 v28;
	v58 =	vadd.f32 $1.000000000e+00, v57;
	v59 =	vpop (erf)  }
0x2a6: {  	(erf) = vrcp.f32 v29;
	v60 =	vadd.f32 $1.000000000e+00, v59  }
0x2a7: {  	v30 =	vadd.f32 $1.000000000e+00, v56;
	(erf) = vrcp.f32 v58  }
0x2a8: {  	(erf) = vrcp.f32 v60  }
0x2a9: {  	(erf) = vrcp.f32 v30;
	_ =	sdelay $0x4  }
0x2aa: {  	v21 =	vmul.f32 v53, v21;
	v61 =	vpop (erf)  }
0x2ab: {  	v62 =	vpop (erf)  }
0x2ac: {  	v63 =	vpop (erf)  }
0x2ad: {  	v26 =	vmul.f32 v62, v26;
	v36 =	vpop (erf)  }
0x2ae: {  	v38 =	vld [tilespmem:s21+$0x60];
	[tilespmem:s30+$0xFFFFFFE0] =	vst v21;
	v21 =	vpop (erf)  }
0x2af: {  	v37 =	vld [tilespmem:s30+$0xFFFFFFF0];
	[tilespmem:s21+$0x50] =	vst v26;
	v21 =	vmul.f32 v21, v22  }
0x2b0: {  	v22 =	vld [tilespmem:s23+$0x60]  }
0x2b1: {  	[tilespmem:s30+$0x60] =	vst v21;
	v21 =	vld [tilespmem:s30+$0x70]  }
0x2b2: {  	v39 =	vld [tilespmem:s14+$0x70]  }
0x2b3: {  	v32 =	vld [tilespmem:s14+$0xFFFFFFF0];
	_ =	sdelay $0x2  }
0x2b4: {  	v22 =	vadd.f32 v38, v22  }
0x2b5: {  	v21 =	vadd.f32 v21, v39  }
0x2b6: {  	v40 =	vadd.f32 v37, v32;
	v41 =	vsub.f32 $0.0e+00, v22  }
0x2b7: {  	v28 =	vadd.f32 $1.000000000e+00, v61;
	v31 =	vsub.f32 $0.0e+00, v21  }
0x2b8: {  	v32 =	vsub.f32 $0.0e+00, v40;
	v30 =	vmul.f32 $1.442695020e+00, v41  }
0x2b9: {  	(erf) = vrcp.f32 v28;
	v42 =	vmul.f32 $1.442695020e+00, v31  }
0x2ba: {  	v43 =	vmul.f32 $1.442695020e+00, v32;
	(erf) = vpow2.f32 v30  }
0x2bb: {  	(erf) = vpow2.f32 v42  }
0x2bc: {  	(erf) = vpow2.f32 v43;
	_ =	sdelay $0x5  }
0x2bd: {  	v44 =	vpop (erf)  }
0x2be: {  	v30 =	vpop (erf)  }
0x2bf: {  	v45 =	vpop (erf)  }
0x2c0: {  	v31 =	vadd.f32 $1.000000000e+00, v45;
	v46 =	vpop (erf)  }
0x2c1: {  	v32 =	vadd.f32 $1.000000000e+00, v46  }
0x2c2: {  	v30 =	vadd.f32 $1.000000000e+00, v30;
	(erf) = vrcp.f32 v31  }
0x2c3: {  	(erf) = vrcp.f32 v32  }
0x2c4: {  	(erf) = vrcp.f32 v30;
	_ =	sdelay $0x6  }
0x2c5: {  	v47 =	vpop (erf)  }
0x2c6: {  	v48 =	vpop (erf)  }
0x2c7: {  	v49 =	vpop (erf)  }
0x2c8: {  	v22 =	vmul.f32 v49, v22  }
0x2c9: {  	v50 =	vld [tilespmem:s21+$0xFFFFFFF0];
	v24 =	vmul.f32 v44, v52  }
0x2ca: {  	[tilespmem:s21+$0x60] =	vst v22;
	v22 =	vld [tilespmem:s21+$0x70]  }
0x2cb: {  	[tilespmem:s21+$0xFFFFFFE0] =	vst v24;
	v51 =	vld [tilespmem:s23+$0x70]  }
0x2cc: {  	v52 =	vld [tilespmem:s23+$0xFFFFFFF0];
	_ =	sdelay $0x3  }
0x2cd: {  	v22 =	vadd.f32 v22, v51  }
0x2ce: {  	v24 =	vadd.f32 v50, v52  }
0x2cf: {  	v28 =	vsub.f32 $0.0e+00, v22  }
0x2d0: {  	v32 =	vsub.f32 $0.0e+00, v24  }
0x2d1: {  	v28 =	vmul.f32 $1.442695020e+00, v28  }
0x2d2: {  	v32 =	vmul.f32 $1.442695020e+00, v32  }
0x2d3: {  	(erf) = vpow2.f32 v28  }
0x2d4: {  	(erf) = vpow2.f32 v32;
	_ =	sdelay $0x6  }
0x2d5: {  	v2 =	vmul.f32 v4, v2  }
0x2d6: {  	v1 =	vmul.f32 v5, v1;
	v4 =	vpop (erf)  }
0x2d7: {  	[tilespmem:s25+$0x70] =	vst v2;
	v2 =	vmul.f32 v8, v6;
	v4 =	vadd.f32 $1.000000000e+00, v4;
	v5 =	vpop (erf)  }
0x2d8: {  	[tilespmem:s25+$0xFFFFFFF0] =	vst v1;
	v1 =	vmul.f32 v9, v3;
	v3 =	vadd.f32 $1.000000000e+00, v5  }
0x2d9: {  	[tilespmem:s31+$0x70] =	vst v2;
	v2 =	vmul.f32 v11, v7;
	(erf) = vrcp.f32 v4  }
0x2da: {  	[tilespmem:s31+$0xFFFFFFF0] =	vst v1;
	v1 =	vmul.f32 v12, v10;
	(erf) = vrcp.f32 v3  }
0x2db: {  	[tilespmem:s15+$0x70] =	vst v2;
	v2 =	vmul.f32 v15, v14  }
0x2dc: {  	[tilespmem:s15+$0xFFFFFFF0] =	vst v1;
	v1 =	vmul.f32 v16, v13  }
0x2dd: {  	[tilespmem:s3+$0x70] =	vst v2;
	v2 =	vmul.f32 v19, v18  }
0x2de: {  	[tilespmem:s3+$0xFFFFFFF0] =	vst v1;
	v1 =	vmul.f32 v20, v17  }
0x2df: {  	[tilespmem:s13+$0x70] =	vst v2;
	v2 =	vmul.f32 v63, v23  }
0x2e0: {  	[tilespmem:s13+$0xFFFFFFF0] =	vst v1;
	v1 =	vmul.f32 v36, v27  }
0x2e1: {  	[tilespmem:s29+$0x70] =	vst v2;
	v2 =	vmul.f32 v47, v21  }
0x2e2: {  	[tilespmem:s29+$0xFFFFFFF0] =	vst v1;
	v1 =	vmul.f32 v48, v40;
	v3 =	vpop (erf)  }
0x2e3: {  	[tilespmem:s30+$0x70] =	vst v2;
	v2 =	vmul.f32 v3, v22;
	v3 =	vpop (erf)  }
0x2e4: {  	[tilespmem:s30+$0xFFFFFFF0] =	vst v1;
	v1 =	vmul.f32 v3, v24  }
0x2e5: {  	[tilespmem:s21+$0x70] =	vst v2  }
0x2e6: {  	[tilespmem:s21+$0xFFFFFFF0] =	vst v1  }
0x2e7: {  	_ =	swait.ge [sflag:s19], $0x50  }
0x2e8: {  	[sflag:s19] =	ssyncset.done $0x0  }
0x2e9: {  	s20 =	simm.s32 $0x100;
	[sflag:s19] =	ssyncadd.s32 $0xFFFFFFB0  }
0x2ea: {  	s23 =	simm.s32 $0x2;
	s21 =	sshll.u32 s26, $0x1;
	s17 =	rddreg [dreg:$0x1]  }
0x2eb: {  	[spmem:s17] =	stream.indirect.scatter.add.f32 [tilespmem:s18], [sflag:$0x5], $0x80, s20, s12, $0xb8;
	[tilespmem:$0x1DA80] =	vst v63  }
0x2ec: {  	p1 =	seq.s32 s26, $0x3D;
	s25 =	sadd.s32 $0x3, s21;
	_ =	swait.ge [sflag:s23], $0x2800  }
0x2ed: {  	s0 =	smul.u32 @!p1 $0x50, s25;
	[sflag:s23] =	ssyncset.done $0x0  }
0x2ee: {  	s24 =	simm.s32 $0x4;
	[sflag:s23] =	ssyncadd.s32 $0xFFFFD800  }
0x2ef: {  	s31 =	simm.s32 $0x7A80;
	s0 =	sadd.s32 @!p1 s10, s0;
	_ =	swait.ge [sflag:s24], $0x2800  }
0x2f0: {  	s3 =	simm.s32 @!p1 $0x80;
	s0 =	sshrl.u32 @!p1 s0, $0x3;
	[sflag:s24] =	ssyncset.done $0x0  }
0x2f1: {  	s1 =	simm.s32 @!p1 $0x0;
	s0 =	sadd.s32 @!p1 s6, s0;
	[sflag:s24] =	ssyncadd.s32 $0xFFFFD800  }
0x2f2: {  	[tilespmem:s3], [sflag:$0x8] =	stream.linear.gather @!p1 [hbm4b:s0+s1], $0x50, $0x38;
	[tilespmem:$0x1DA80] =	vst v63  }
0x2f3: {  	s11 =	simm.s32 $0x2A80;
	v1 =	vld [tilespmem:s31+$0xFFFFFF80]  }
0x2f4: {  	v2 =	vld [tilespmem:s11+$0xFFFFFF80];
	_ =	sdelay $0x4  }
0x2f5: {  	v1 =	vadd.f32 v1, v2  }
0x2f6: {  	v4 =	vld [tilespmem:s31+$0x0]  }
0x2f7: {  	v2 =	vld [tilespmem:s11+$0x0];
	v3 =	vsub.f32 $0.0e+00, v1;
	_ =	sdelay $0x1  }
0x2f8: {  	v3 =	vmul.f32 $1.442695020e+00, v3;
	_ =	sdelay $0x1  }
0x2f9: {  	(erf) = vpow2.f32 v3  }
0x2fa: {  	v2 =	vadd.f32 v4, v2;
	_ =	sdelay $0x1  }
0x2fb: {  	v3 =	vsub.f32 $0.0e+00, v2;
	_ =	sdelay $0x1  }
0x2fc: {  	v3 =	vmul.f32 $1.442695020e+00, v3;
	_ =	sdelay $0x1  }
0x2fd: {  	(erf) = vpow2.f32 v3;
	_ =	sdelay $0x1  }
0x2fe: {  	v3 =	vpop (erf)  }
0x2ff: {  	v3 =	vadd.f32 $1.000000000e+00, v3;
	_ =	sdelay $0x1  }
0x300: {  	(erf) = vrcp.f32 v3;
	_ =	sdelay $0x3  }
0x301: {  	v3 =	vpop (erf)  }
0x302: {  	v3 =	vadd.f32 $1.000000000e+00, v3;
	_ =	sdelay $0x1  }
0x303: {  	(erf) = vrcp.f32 v3;
	_ =	sdelay $0x1  }
0x304: {  	v3 =	vpop (erf)  }
0x305: {  	v1 =	vmul.f32 v3, v1;
	_ =	sdelay $0x1  }
0x306: {  	v3 =	vld [tilespmem:s31+$0xFFFFFF90];
	[tilespmem:s31+$0xFFFFFF80] =	vst v1  }
0x307: {  	v1 =	vld [tilespmem:s11+$0xFFFFFF90]  }
0x308: {  	s21 =	simm.s32 $0x2B80  }
0x309: {  	s15 =	simm.s32 $0x7B80;
	v6 =	vld [tilespmem:s21+$0xFFFFFF80]  }
0x30a: {  	v4 =	vld [tilespmem:s15+$0xFFFFFF80];
	v5 =	vpop (erf)  }
0x30b: {  	v7 =	vld [tilespmem:s31+$0x10];
	v2 =	vmul.f32 v5, v2  }
0x30c: {  	v5 =	vld [tilespmem:s15+$0x0];
	v1 =	vadd.f32 v3, v1  }
0x30d: {  	[tilespmem:s31+$0x0] =	vst v2;
	v3 =	vld [tilespmem:s21+$0x0]  }
0x30e: {  	v8 =	vld [tilespmem:s11+$0x10];
	v2 =	vsub.f32 $0.0e+00, v1  }
0x30f: {  	v4 =	vadd.f32 v4, v6  }
0x310: {  	v2 =	vmul.f32 $1.442695020e+00, v2  }
0x311: {  	v6 =	vsub.f32 $0.0e+00, v4  }
0x312: {  	(erf) = vpow2.f32 v2  }
0x313: {  	v2 =	vadd.f32 v5, v3;
	v3 =	vmul.f32 $1.442695020e+00, v6;
	v5 =	vadd.f32 v7, v8;
	_ =	sdelay $0x1  }
0x314: {  	(erf) = vpow2.f32 v3;
	v3 =	vsub.f32 $0.0e+00, v5  }
0x315: {  	v6 =	vsub.f32 $0.0e+00, v2  }
0x316: {  	v3 =	vmul.f32 $1.442695020e+00, v3  }
0x317: {  	v6 =	vmul.f32 $1.442695020e+00, v6;
	_ =	sdelay $0x1  }
0x318: {  	(erf) = vpow2.f32 v6  }
0x319: {  	(erf) = vpow2.f32 v3;
	v3 =	vpop (erf)  }
0x31a: {  	v3 =	vadd.f32 $1.000000000e+00, v3;
	_ =	sdelay $0x3  }
0x31b: {  	(erf) = vrcp.f32 v3;
	v3 =	vpop (erf)  }
0x31c: {  	v3 =	vadd.f32 $1.000000000e+00, v3;
	_ =	sdelay $0x1  }
0x31d: {  	(erf) = vrcp.f32 v3;
	_ =	sdelay $0x1  }
0x31e: {  	v3 =	vpop (erf)  }
0x31f: {  	v3 =	vadd.f32 $1.000000000e+00, v3;
	v6 =	vpop (erf)  }
0x320: {  	v6 =	vadd.f32 $1.000000000e+00, v6  }
0x321: {  	(erf) = vrcp.f32 v3  }
0x322: {  	(erf) = vrcp.f32 v6  }
0x323: {  	v3 =	vpop (erf)  }
0x324: {  	v1 =	vmul.f32 v3, v1  }
0x325: {  	v3 =	vpop (erf)  }
0x326: {  	[tilespmem:s31+$0xFFFFFF90] =	vst v1;
	v1 =	vld [tilespmem:s31+$0xFFFFFFA0];
	v3 =	vmul.f32 v3, v4  }
0x327: {  	v6 =	vld [tilespmem:s11+$0xFFFFFFA0];
	_ =	sdelay $0x1  }
0x328: {  	v4 =	vld [tilespmem:s15+$0xFFFFFF90];
	[tilespmem:s15+$0xFFFFFF80] =	vst v3  }
0x329: {  	s0 =	simm.s32 $0x2C80;
	v7 =	vld [tilespmem:s21+$0xFFFFFF90];
	v3 =	vpop (erf)  }
0x32a: {  	s3 =	simm.s32 $0x7C80;
	v10 =	vld [tilespmem:s0+$0x0];
	v9 =	vpop (erf)  }
0x32b: {  	v8 =	vld [tilespmem:s3+$0xFFFFFF80];
	v5 =	vmul.f32 v9, v5;
	v1 =	vadd.f32 v1, v6  }
0x32c: {  	v2 =	vmul.f32 v3, v2;
	v3 =	vld [tilespmem:s3+$0x0]  }
0x32d: {  	v6 =	vld [tilespmem:s0+$0xFFFFFF80];
	[tilespmem:s31+$0x10] =	vst v5;
	v5 =	vsub.f32 $0.0e+00, v1  }
0x32e: {  	[tilespmem:s15+$0x0] =	vst v2;
	v2 =	vadd.f32 v4, v7;
	v4 =	vld [tilespmem:s15+$0x10]  }
0x32f: {  	v7 =	vld [tilespmem:s21+$0x10];
	v5 =	vmul.f32 $1.442695020e+00, v5  }
0x330: {  	v9 =	vld [tilespmem:s31+$0x20]  }
0x331: {  	v12 =	vld [tilespmem:s11+$0x20];
	v11 =	vsub.f32 $0.0e+00, v2;
	(erf) = vpow2.f32 v5;
	_ =	sdelay $0x1  }
0x332: {  	v3 =	vadd.f32 v3, v10;
	v6 =	vadd.f32 v8, v6;
	v5 =	vmul.f32 $1.442695020e+00, v11  }
0x333: {  	v4 =	vadd.f32 v4, v7  }
0x334: {  	v7 =	vsub.f32 $0.0e+00, v3;
	(erf) = vpow2.f32 v5;
	v5 =	vsub.f32 $0.0e+00, v6  }
0x335: {  	v8 =	vadd.f32 v9, v12;
	v9 =	vsub.f32 $0.0e+00, v4  }
0x336: {  	v5 =	vmul.f32 $1.442695020e+00, v5  }
0x337: {  	v7 =	vmul.f32 $1.442695020e+00, v7  }
0x338: {  	(erf) = vpow2.f32 v5;
	v5 =	vmul.f32 $1.442695020e+00, v9  }
0x339: {  	v10 =	vsub.f32 $0.0e+00, v8;
	(erf) = vpow2.f32 v7;
	v9 =	vpop (erf)  }
0x33a: {  	(erf) = vpow2.f32 v5;
	v5 =	vadd.f32 $1.000000000e+00, v9  }
0x33b: {  	v7 =	vmul.f32 $1.442695020e+00, v10;
	_ =	sdelay $0x1  }
0x33c: {  	(erf) = vpow2.f32 v7  }
0x33d: {  	(erf) = vrcp.f32 v5;
	v5 =	vpop (erf)  }
0x33e: {  	v5 =	vadd.f32 $1.000000000e+00, v5;
	_ =	sdelay $0x3  }
0x33f: {  	(erf) = vrcp.f32 v5;
	v5 =	vpop (erf)  }
0x340: {  	v5 =	vadd.f32 $1.000000000e+00, v5;
	_ =	sdelay $0x1  }
0x341: {  	v7 =	vpop (erf)  }
0x342: {  	v9 =	vpop (erf)  }
0x343: {  	(erf) = vrcp.f32 v5;
	v5 =	vpop (erf)  }
0x344: {  	v10 =	vpop (erf)  }
0x345: {  	v1 =	vmul.f32 v10, v1  }
0x346: {  	v7 =	vadd.f32 $1.000000000e+00, v7  }
0x347: {  	v9 =	vadd.f32 $1.000000000e+00, v9  }
0x348: {  	(erf) = vrcp.f32 v7  }
0x349: {  	(erf) = vrcp.f32 v9;
	[tilespmem:s31+$0xFFFFFFA0] =	vst v1;
	v1 =	vpop (erf)  }
0x34a: {  	v7 =	vld [tilespmem:s31+$0xFFFFFFB0];
	v1 =	vmul.f32 v1, v2  }
0x34b: {  	v2 =	vld [tilespmem:s11+$0xFFFFFFB0]  }
0x34c: {  	[tilespmem:s15+$0xFFFFFF90] =	vst v1;
	v1 =	vadd.f32 $1.000000000e+00, v5  }
0x34d: {  	v9 =	vpop (erf);
	v5 =	vld [tilespmem:s15+$0xFFFFFFA0]  }
0x34e: {  	v10 =	vld [tilespmem:s21+$0xFFFFFFA0];
	(erf) = vrcp.f32 v1;
	v1 =	vmul.f32 v9, v6  }
0x34f: {  	s1 =	simm.s32 $0x2D80  }
0x350: {  	v13 =	vld [tilespmem:s1+$0x0];
	v2 =	vadd.f32 v7, v2  }
0x351: {  	v6 =	vld [tilespmem:s3+$0xFFFFFF90];
	v7 =	vpop (erf);
	[tilespmem:s3+$0xFFFFFF80] =	vst v1  }
0x352: {  	s13 =	simm.s32 $0x7D80;
	v3 =	vmul.f32 v7, v3;
	v11 =	vsub.f32 $0.0e+00, v2;
	v12 =	vld [tilespmem:s0+$0xFFFFFF90];
	v1 =	vpop (erf)  }
0x353: {  	v9 =	vld [tilespmem:s13+$0xFFFFFF80];
	v1 =	vmul.f32 v1, v4;
	v4 =	vadd.f32 v5, v10  }
0x354: {  	[tilespmem:s3+$0x0] =	vst v3;
	v3 =	vld [tilespmem:s3+$0x10];
	v7 =	vmul.f32 $1.442695020e+00, v11  }
0x355: {  	v10 =	vld [tilespmem:s1+$0xFFFFFF80];
	[tilespmem:s15+$0x10] =	vst v1;
	v1 =	vsub.f32 $0.0e+00, v4  }
0x356: {  	v5 =	vld [tilespmem:s13+$0x0];
	(erf) = vpow2.f32 v7  }
0x357: {  	v6 =	vadd.f32 v6, v12;
	v12 =	vld [tilespmem:s0+$0x10];
	v1 =	vmul.f32 $1.442695020e+00, v1  }
0x358: {  	v11 =	vld [tilespmem:s15+$0x20];
	v7 =	vpop (erf)  }
0x359: {  	v7 =	vmul.f32 v7, v8;
	v8 =	vld [tilespmem:s21+$0x20];
	v14 =	vsub.f32 $0.0e+00, v6;
	(erf) = vpow2.f32 v1  }
0x35a: {  	v1 =	vadd.f32 v9, v10  }
0x35b: {  	v5 =	vadd.f32 v5, v13;
	[tilespmem:s31+$0x20] =	vst v7;
	v7 =	vmul.f32 $1.442695020e+00, v14  }
0x35c: {  	v10 =	vsub.f32 $0.0e+00, v1;
	v3 =	vadd.f32 v3, v12  }
0x35d: {  	v9 =	vld [tilespmem:s31+$0x30];
	v13 =	vsub.f32 $0.0e+00, v5;
	(erf) = vpow2.f32 v7  }
0x35e: {  	v14 =	vld [tilespmem:s11+$0x30];
	v7 =	vmul.f32 $1.442695020e+00, v10;
	v8 =	vadd.f32 v11, v8;
	v11 =	vsub.f32 $0.0e+00, v3  }
0x35f: {  	v10 =	vmul.f32 $1.442695020e+00, v13;
	v12 =	vpop (erf)  }
0x360: {  	(erf) = vpow2.f32 v7;
	v12 =	vadd.f32 $1.000000000e+00, v12  }
0x361: {  	(erf) = vpow2.f32 v10;
	v10 =	vmul.f32 $1.442695020e+00, v11  }
0x362: {  	v7 =	vsub.f32 $0.0e+00, v8;
	(erf) = vrcp.f32 v12;
	v11 =	vpop (erf)  }
0x363: {  	v9 =	vadd.f32 v9, v14;
	(erf) = vpow2.f32 v10;
	v10 =	vadd.f32 $1.000000000e+00, v11  }
0x364: {  	v7 =	vmul.f32 $1.442695020e+00, v7  }
0x365: {  	v11 =	vsub.f32 $0.0e+00, v9  }
0x366: {  	(erf) = vpow2.f32 v7  }
0x367: {  	(erf) = vrcp.f32 v10;
	v7 =	vmul.f32 $1.442695020e+00, v11;
	v10 =	vpop (erf)  }
0x368: {  	v10 =	vadd.f32 $1.000000000e+00, v10;
	_ =	sdelay $0x2  }
0x369: {  	(erf) = vpow2.f32 v7;
	v7 =	vpop (erf)  }
0x36a: {  	(erf) = vrcp.f32 v10;
	v10 =	vpop (erf)  }
0x36b: {  	v11 =	vpop (erf)  }
0x36c: {  	v2 =	vmul.f32 v11, v2  }
0x36d: {  	v7 =	vadd.f32 $1.000000000e+00, v7  }
0x36e: {  	v11 =	vpop (erf)  }
0x36f: {  	(erf) = vrcp.f32 v7;
	v12 =	vpop (erf)  }
0x370: {  	v7 =	vadd.f32 $1.000000000e+00, v10;
	[tilespmem:s31+$0xFFFFFFB0] =	vst v2;
	v2 =	vpop (erf)  }
0x371: {  	v10 =	vld [tilespmem:s31+$0xFFFFFFC0];
	v2 =	vmul.f32 v2, v4;
	v4 =	vadd.f32 $1.000000000e+00, v11  }
0x372: {  	v11 =	vld [tilespmem:s11+$0xFFFFFFC0]  }
0x373: {  	(erf) = vrcp.f32 v7;
	[tilespmem:s15+$0xFFFFFFA0] =	vst v2;
	v2 =	vld [tilespmem:s15+$0xFFFFFFB0]  }
0x374: {  	v7 =	vpop (erf);
	(erf) = vrcp.f32 v4;
	v13 =	vld [tilespmem:s21+$0xFFFFFFB0]  }
0x375: {  	v12 =	vadd.f32 $1.000000000e+00, v12;
	v4 =	vpop (erf)  }
0x376: {  	v4 =	vmul.f32 v4, v6;
	v6 =	vadd.f32 $1.000000000e+00, v7  }
0x377: {  	(erf) = vrcp.f32 v12;
	v7 =	vadd.f32 v10, v11  }
0x378: {  	v10 =	vpop (erf);
	[tilespmem:s3+$0xFFFFFF90] =	vst v4;
	(erf) = vrcp.f32 v6;
	v4 =	vld [tilespmem:s3+$0xFFFFFFA0]  }
0x379: {  	s16 =	simm.s32 $0x2E80;
	v1 =	vmul.f32 v10, v1;
	v6 =	vsub.f32 $0.0e+00, v7;
	v11 =	vld [tilespmem:s0+$0xFFFFFFA0];
	v2 =	vadd.f32 v2, v13  }
0x37a: {  	v15 =	vld [tilespmem:s16+$0x0]  }
0x37b: {  	s29 =	simm.s32 $0x7E80;
	v10 =	vld [tilespmem:s13+$0xFFFFFF90];
	[tilespmem:s13+$0xFFFFFF80] =	vst v1;
	v6 =	vmul.f32 $1.442695020e+00, v6;
	v1 =	vsub.f32 $0.0e+00, v2  }
0x37c: {  	v12 =	vpop (erf);
	v13 =	vld [tilespmem:s29+$0xFFFFFF80]  }
0x37d: {  	v14 =	vpop (erf);
	(erf) = vpow2.f32 v6;
	v6 =	vld [tilespmem:s1+$0xFFFFFF90];
	v1 =	vmul.f32 $1.442695020e+00, v1  }
0x37e: {  	v3 =	vmul.f32 v14, v3;
	v4 =	vadd.f32 v4, v11;
	v11 =	vld [tilespmem:s16+$0xFFFFFF80]  }
0x37f: {  	v5 =	vmul.f32 v12, v5;
	v14 =	vld [tilespmem:s29+$0x0]  }
0x380: {  	v12 =	vpop (erf);
	[tilespmem:s3+$0x10] =	vst v3;
	v3 =	vsub.f32 $0.0e+00, v4  }
0x381: {  	[tilespmem:s13+$0x0] =	vst v5;
	v5 =	vld [tilespmem:s13+$0x10];
	(erf) = vpow2.f32 v1;
	v1 =	vpop (erf)  }
0x382: {  	v6 =	vadd.f32 v10, v6;
	v1 =	vmul.f32 v1, v9;
	v3 =	vmul.f32 $1.442695020e+00, v3;
	v9 =	vld [tilespmem:s1+$0x10]  }
0x383: {  	v16 =	vld [tilespmem:s3+$0x20];
	v8 =	vmul.f32 v12, v8;
	v10 =	vadd.f32 v13, v11  }
0x384: {  	v11 =	vsub.f32 $0.0e+00, v6;
	[tilespmem:s31+$0x30] =	vst v1;
	v1 =	vld [tilespmem:s0+$0x20];
	(erf) = vpow2.f32 v3;
	v3 =	vadd.f32 v14, v15  }
0x385: {  	v12 =	vld [tilespmem:s31+$0x40]  }
0x386: {  	[tilespmem:s15+$0x20] =	vst v8;
	v8 =	vld [tilespmem:s15+$0x30];
	v13 =	vpop (erf);
	v14 =	vsub.f32 $0.0e+00, v10;
	v11 =	vmul.f32 $1.442695020e+00, v11;
	v15 =	vsub.f32 $0.0e+00, v3  }
0x387: {  	v17 =	vld [tilespmem:s21+$0x30];
	v13 =	vadd.f32 $1.000000000e+00, v13;
	v5 =	vadd.f32 v5, v9  }
0x388: {  	v9 =	vld [tilespmem:s11+$0x40];
	v14 =	vmul.f32 $1.442695020e+00, v14;
	(erf) = vpow2.f32 v11  }
0x389: {  	(erf) = vrcp.f32 v13;
	v1 =	vadd.f32 v16, v1;
	v13 =	vsub.f32 $0.0e+00, v5  }
0x38a: {  	v11 =	vmul.f32 $1.442695020e+00, v15;
	v15 =	vpop (erf)  }
0x38b: {  	(erf) = vpow2.f32 v14;
	v14 =	vadd.f32 $1.000000000e+00, v15;
	v15 =	vsub.f32 $0.0e+00, v1  }
0x38c: {  	v8 =	vadd.f32 v8, v17;
	(erf) = vpow2.f32 v11;
	v11 =	vmul.f32 $1.442695020e+00, v13  }
0x38d: {  	v9 =	vadd.f32 v12, v9;
	(erf) = vrcp.f32 v14;
	v12 =	vmul.f32 $1.442695020e+00, v15;
	v13 =	vpop (erf)  }
0x38e: {  	v14 =	vsub.f32 $0.0e+00, v8;
	(erf) = vpow2.f32 v11;
	v11 =	vadd.f32 $1.000000000e+00, v13  }
0x38f: {  	(erf) = vpow2.f32 v12  }
0x390: {  	(erf) = vrcp.f32 v11;
	v11 =	vmul.f32 $1.442695020e+00, v14;
	_ =	sdelay $0x2  }
0x391: {  	v12 =	vpop (erf)  }
0x392: {  	v13 =	vsub.f32 $0.0e+00, v9;
	(erf) = vpow2.f32 v11;
	v11 =	vpop (erf)  }
0x393: {  	v12 =	vadd.f32 $1.000000000e+00, v12;
	v7 =	vmul.f32 v11, v7  }
0x394: {  	v13 =	vmul.f32 $1.442695020e+00, v13;
	v14 =	vpop (erf)  }
0x395: {  	[tilespmem:s31+$0xFFFFFFC0] =	vst v7;
	v7 =	vadd.f32 $1.000000000e+00, v14  }
0x396: {  	(erf) = vpow2.f32 v13;
	v11 =	vpop (erf)  }
0x397: {  	v13 =	vld [tilespmem:s31+$0xFFFFFFD0];
	(erf) = vrcp.f32 v12;
	v12 =	vpop (erf)  }
0x398: {  	v2 =	vmul.f32 v12, v2;
	v12 =	vld [tilespmem:s11+$0xFFFFFFD0];
	v14 =	vpop (erf)  }
0x399: {  	(erf) = vrcp.f32 v7;
	v7 =	vpop (erf)  }
0x39a: {  	[tilespmem:s15+$0xFFFFFFB0] =	vst v2;
	v2 =	vadd.f32 $1.000000000e+00, v11;
	v15 =	vpop (erf)  }
0x39b: {  	v4 =	vmul.f32 v15, v4  }
0x39c: {  	v14 =	vadd.f32 $1.000000000e+00, v14;
	v11 =	vld [tilespmem:s15+$0xFFFFFFC0]  }
0x39d: {  	v16 =	vld [tilespmem:s21+$0xFFFFFFC0];
	(erf) = vrcp.f32 v2;
	v12 =	vadd.f32 v13, v12  }
0x39e: {  	v7 =	vadd.f32 $1.000000000e+00, v7;
	(erf) = vrcp.f32 v14;
	v2 =	vpop (erf)  }
0x39f: {  	[tilespmem:s3+$0xFFFFFFA0] =	vst v4;
	v2 =	vadd.f32 $1.000000000e+00, v2;
	v17 =	vsub.f32 $0.0e+00, v12;
	v4 =	vpop (erf)  }
0x3a0: {  	v13 =	vld [tilespmem:s3+$0xFFFFFFB0];
	(erf) = vrcp.f32 v7;
	v4 =	vadd.f32 $1.000000000e+00, v4  }
0x3a1: {  	v15 =	vld [tilespmem:s0+$0xFFFFFFB0];
	(erf) = vrcp.f32 v2;
	v2 =	vmul.f32 $1.442695020e+00, v17;
	v14 =	vpop (erf)  }
0x3a2: {  	v7 =	vadd.f32 v11, v16;
	v6 =	vmul.f32 v14, v6;
	v11 =	vpop (erf);
	(erf) = vrcp.f32 v4  }
0x3a3: {  	(erf) = vpow2.f32 v2;
	v2 =	vmul.f32 v11, v10  }
0x3a4: {  	v4 =	vld [tilespmem:s13+$0xFFFFFFA0];
	[tilespmem:s13+$0xFFFFFF90] =	vst v6;
	v6 =	vsub.f32 $0.0e+00, v7  }
0x3a5: {  	s14 =	simm.s32 $0x2F80;
	v14 =	vld [tilespmem:s1+$0xFFFFFFA0]  }
0x3a6: {  	v17 =	vld [tilespmem:s14+$0x0];
	v11 =	vadd.f32 v13, v15;
	v13 =	vpop (erf);
	v6 =	vmul.f32 $1.442695020e+00, v6  }
0x3a7: {  	v10 =	vld [tilespmem:s29+$0xFFFFFF90];
	[tilespmem:s29+$0xFFFFFF80] =	vst v2;
	v2 =	vpop (erf)  }
0x3a8: {  	s9 =	simm.s32 $0x7F80;
	v16 =	vsub.f32 $0.0e+00, v11;
	(erf) = vpow2.f32 v6;
	v6 =	vld [tilespmem:s16+$0xFFFFFF90];
	v2 =	vmul.f32 v2, v5  }
0x3a9: {  	v3 =	vmul.f32 v13, v3;
	v5 =	vld [tilespmem:s9+$0x0]  }
0x3aa: {  	v15 =	vld [tilespmem:s9+$0xFFFFFF80];
	v13 =	vmul.f32 $1.442695020e+00, v16;
	v4 =	vadd.f32 v4, v14  }
0x3ab: {  	[tilespmem:s29+$0x0] =	vst v3;
	v16 =	vld [tilespmem:s14+$0xFFFFFF80];
	v14 =	vpop (erf)  }
0x3ac: {  	v19 =	vld [tilespmem:s13+$0x20];
	(erf) = vpow2.f32 v13;
	[tilespmem:s13+$0x10] =	vst v2;
	v18 =	vsub.f32 $0.0e+00, v4;
	v2 =	vpop (erf)  }
0x3ad: {  	v6 =	vadd.f32 v10, v6;
	v10 =	vld [tilespmem:s16+$0x10];
	v2 =	vmul.f32 v2, v8;
	v3 =	vpop (erf)  }
0x3ae: {  	v1 =	vmul.f32 v14, v1;
	v8 =	vld [tilespmem:s29+$0x10];
	v13 =	vmul.f32 $1.442695020e+00, v18;
	v5 =	vadd.f32 v5, v17;
	v14 =	vpop (erf)  }
0x3af: {  	v18 =	vsub.f32 $0.0e+00, v6;
	[tilespmem:s15+$0x30] =	vst v2;
	v2 =	vld [tilespmem:s1+$0x20];
	v14 =	vadd.f32 $1.000000000e+00, v14  }
0x3b0: {  	v15 =	vadd.f32 v15, v16;
	(erf) = vpow2.f32 v13  }
0x3b1: {  	[tilespmem:s3+$0x20] =	vst v1;
	v1 =	vld [tilespmem:s3+$0x30];
	(erf) = vrcp.f32 v14;
	v14 =	vmul.f32 $1.442695020e+00, v18;
	v18 =	vsub.f32 $0.0e+00, v5  }
0x3b2: {  	v17 =	vld [tilespmem:s0+$0x30];
	v3 =	vmul.f32 v3, v9;
	v9 =	vsub.f32 $0.0e+00, v15;
	v16 =	vpop (erf)  }
0x3b3: {  	v13 =	vld [tilespmem:s15+$0x40];
	v16 =	vadd.f32 $1.000000000e+00, v16;
	v8 =	vadd.f32 v8, v10  }
0x3b4: {  	v9 =	vmul.f32 $1.442695020e+00, v9;
	v10 =	vld [tilespmem:s21+$0x40];
	(erf) = vpow2.f32 v14;
	v2 =	vadd.f32 v19, v2  }
0x3b5: {  	v14 =	vmul.f32 $1.442695020e+00, v18;
	(erf) = vrcp.f32 v16;
	v16 =	vsub.f32 $0.0e+00, v8;
	v18 =	vpop (erf)  }
0x3b6: {  	[tilespmem:s31+$0x40] =	vst v3;
	(erf) = vpow2.f32 v9;
	v3 =	vsub.f32 $0.0e+00, v2;
	v9 =	vadd.f32 $1.000000000e+00, v18  }
0x3b7: {  	v18 =	vld [tilespmem:s31+$0x50];
	(erf) = vpow2.f32 v14;
	v14 =	vadd.f32 v1, v17;
	v1 =	vmul.f32 $1.442695020e+00, v16  }
0x3b8: {  	v16 =	vld [tilespmem:s11+$0x50];
	(erf) = vrcp.f32 v9;
	v3 =	vmul.f32 $1.442695020e+00, v3  }
0x3b9: {  	v9 =	vadd.f32 v13, v10;
	v10 =	vpop (erf);
	v13 =	vsub.f32 $0.0e+00, v14;
	(erf) = vpow2.f32 v1  }
0x3ba: {  	v1 =	vadd.f32 $1.000000000e+00, v10;
	v17 =	vpop (erf);
	(erf) = vpow2.f32 v3  }
0x3bb: {  	v10 =	vsub.f32 $0.0e+00, v9;
	v3 =	vmul.f32 v17, v12;
	v12 =	vmul.f32 $1.442695020e+00, v13;
	_ =	sdelay $0x1  }
0x3bc: {  	(erf) = vrcp.f32 v1;
	v13 =	vadd.f32 v18, v16;
	v10 =	vmul.f32 $1.442695020e+00, v10  }
0x3bd: {  	v1 =	vpop (erf);
	(erf) = vpow2.f32 v12  }
0x3be: {  	(erf) = vpow2.f32 v10;
	v10 =	vsub.f32 $0.0e+00, v13;
	v12 =	vpop (erf)  }
0x3bf: {  	[tilespmem:s31+$0xFFFFFFD0] =	vst v3;
	v1 =	vadd.f32 $1.000000000e+00, v1;
	v3 =	vmul.f32 v12, v7  }
0x3c0: {  	v12 =	vpop (erf)  }
0x3c1: {  	v17 =	vld [tilespmem:s15+$0xFFFFFFD0];
	(erf) = vrcp.f32 v1;
	v16 =	vpop (erf);
	[tilespmem:s15+$0xFFFFFFC0] =	vst v3;
	v3 =	vmul.f32 $1.442695020e+00, v10  }
0x3c2: {  	v7 =	vld [tilespmem:s31+$0xFFFFFFE0];
	v12 =	vadd.f32 $1.000000000e+00, v12;
	v10 =	vpop (erf)  }
0x3c3: {  	v1 =	vld [tilespmem:s11+$0xFFFFFFE0];
	v10 =	vmul.f32 v10, v11  }
0x3c4: {  	v11 =	vld [tilespmem:s21+$0xFFFFFFD0]  }
0x3c5: {  	(erf) = vpow2.f32 v3;
	v3 =	vpop (erf)  }
0x3c6: {  	v16 =	vadd.f32 $1.000000000e+00, v16;
	(erf) = vrcp.f32 v12;
	v12 =	vpop (erf)  }
0x3c7: {  	[tilespmem:s3+$0xFFFFFFB0] =	vst v10;
	v3 =	vadd.f32 $1.000000000e+00, v3;
	v10 =	vpop (erf)  }
0x3c8: {  	v1 =	vadd.f32 v7, v1;
	v7 =	vld [tilespmem:s3+$0xFFFFFFC0];
	(erf) = vrcp.f32 v16;
	v4 =	vmul.f32 v10, v4;
	v10 =	vpop (erf)  }
0x3c9: {  	v16 =	vld [tilespmem:s0+$0xFFFFFFC0];
	(erf) = vrcp.f32 v3;
	v3 =	vadd.f32 v17, v11;
	v11 =	vpop (erf)  }
0x3ca: {  	v12 =	vadd.f32 $1.000000000e+00, v12;
	[tilespmem:s13+$0xFFFFFFA0] =	vst v4;
	v4 =	vadd.f32 $1.000000000e+00, v10;
	v10 =	vpop (erf)  }
0x3cb: {  	v17 =	vsub.f32 $0.0e+00, v1;
	v6 =	vmul.f32 v10, v6  }
0x3cc: {  	(erf) = vrcp.f32 v12;
	v12 =	vld [tilespmem:s13+$0xFFFFFFB0];
	v18 =	vsub.f32 $0.0e+00, v3;
	v11 =	vadd.f32 $1.000000000e+00, v11  }
0x3cd: {  	v10 =	vmul.f32 $1.442695020e+00, v17;
	v17 =	vld [tilespmem:s1+$0xFFFFFFB0];
	(erf) = vrcp.f32 v4  }
0x3ce: {  	v7 =	vadd.f32 v7, v16;
	v4 =	vmul.f32 $1.442695020e+00, v18;
	(erf) = vrcp.f32 v11  }
0x3cf: {  	[tilespmem:s29+$0xFFFFFF90] =	vst v6;
	v6 =	vpop (erf);
	(erf) = vpow2.f32 v10  }
0x3d0: {  	v11 =	vld [tilespmem:s29+$0xFFFFFFA0];
	v10 =	vsub.f32 $0.0e+00, v7;
	v16 =	vpop (erf);
	(erf) = vpow2.f32 v4;
	v4 =	vadd.f32 $1.000000000e+00, v6  }
0x3d1: {  	v18 =	vld [tilespmem:s16+$0xFFFFFFA0];
	v6 =	vmul.f32 v16, v15  }
0x3d2: {  	v12 =	vadd.f32 v12, v17;
	v10 =	vmul.f32 $1.442695020e+00, v10  }
0x3d3: {  	v15 =	vld [tilespmem:s9+$0xFFFFFF90];
	v16 =	vpop (erf);
	(erf) = vrcp.f32 v4;
	[tilespmem:s9+$0xFFFFFF80] =	vst v6  }
0x3d4: {  	s20 =	simm.s32 $0x3080;
	v5 =	vmul.f32 v16, v5;
	v6 =	vsub.f32 $0.0e+00, v12;
	v4 =	vpop (erf);
	(erf) = vpow2.f32 v10;
	v10 =	vld [tilespmem:s14+$0xFFFFFF90]  }
0x3d5: {  	s30 =	simm.s32 $0x8080;
	v20 =	vld [tilespmem:s20+$0xFFFFFF80];
	v4 =	vmul.f32 v4, v8;
	v8 =	vpop (erf)  }
0x3d6: {  	v17 =	vld [tilespmem:s30+$0xFFFFFF80];
	v11 =	vadd.f32 v11, v18;
	v6 =	vmul.f32 $1.442695020e+00, v6;
	v18 =	vpop (erf)  }
0x3d7: {  	v19 =	vld [tilespmem:s20+$0x0];
	[tilespmem:s9+$0x0] =	vst v5;
	v21 =	vpop (erf)  }
0x3d8: {  	v16 =	vld [tilespmem:s30+$0x0];
	[tilespmem:s29+$0x10] =	vst v4;
	v4 =	vsub.f32 $0.0e+00, v11;
	(erf) = vpow2.f32 v6;
	v5 =	vpop (erf)  }
0x3d9: {  	v22 =	vld [tilespmem:s29+$0x20];
	v10 =	vadd.f32 v15, v10;
	v15 =	vpop (erf)  }
0x3da: {  	v2 =	vmul.f32 v8, v2;
	v8 =	vld [tilespmem:s14+$0x10];
	v4 =	vmul.f32 $1.442695020e+00, v4;
	v15 =	vadd.f32 $1.000000000e+00, v15  }
0x3db: {  	v17 =	vadd.f32 v17, v20;
	v6 =	vmul.f32 v18, v14;
	v14 =	vld [tilespmem:s9+$0x10]  }
0x3dc: {  	v9 =	vmul.f32 v21, v9;
	v18 =	vld [tilespmem:s16+$0x20];
	[tilespmem:s13+$0x20] =	vst v2;
	v21 =	vsub.f32 $0.0e+00, v10;
	(erf) = vpow2.f32 v4  }
0x3dd: {  	v2 =	vld [tilespmem:s13+$0x30];
	[tilespmem:s3+$0x30] =	vst v6;
	v6 =	vadd.f32 v16, v19;
	v4 =	vadd.f32 $1.000000000e+00, v5;
	v20 =	vpop (erf);
	(erf) = vrcp.f32 v15  }
0x3de: {  	v19 =	vsub.f32 $0.0e+00, v17;
	v13 =	vmul.f32 v20, v13;
	v20 =	vld [tilespmem:s1+$0x30];
	v16 =	vmul.f32 $1.442695020e+00, v21;
	v15 =	vpop (erf)  }
0x3df: {  	v5 =	vld [tilespmem:s3+$0x40];
	(erf) = vrcp.f32 v4;
	v21 =	vsub.f32 $0.0e+00, v6;
	v15 =	vadd.f32 $1.000000000e+00, v15  }
0x3e0: {  	v8 =	vadd.f32 v14, v8;
	v14 =	vld [tilespmem:s0+$0x40];
	[tilespmem:s31+$0x50] =	vst v13;
	v13 =	vmul.f32 $1.442695020e+00, v19;
	(erf) = vpow2.f32 v16  }
0x3e1: {  	[tilespmem:s15+$0x40] =	vst v9;
	v4 =	vadd.f32 v22, v18;
	v9 =	vmul.f32 $1.442695020e+00, v21;
	v18 =	vpop (erf);
	(erf) = vrcp.f32 v15  }
0x3e2: {  	v18 =	vadd.f32 $1.000000000e+00, v18;
	(erf) = vpow2.f32 v13  }
0x3e3: {  	v13 =	vsub.f32 $0.0e+00, v4;
	(erf) = vpow2.f32 v9;
	v9 =	vadd.f32 v2, v20  }
0x3e4: {  	v16 =	vsub.f32 $0.0e+00, v8;
	(erf) = vrcp.f32 v18  }
0x3e5: {  	v19 =	vld [tilespmem:s15+$0x50];
	v18 =	vadd.f32 v5, v14;
	v5 =	vmul.f32 $1.442695020e+00, v13;
	v14 =	vsub.f32 $0.0e+00, v9  }
0x3e6: {  	v21 =	vld [tilespmem:s21+$0x50];
	v2 =	vmul.f32 $1.442695020e+00, v16  }
0x3e7: {  	v15 =	vld [tilespmem:s11+$0x60];
	v13 =	vpop (erf);
	v14 =	vmul.f32 $1.442695020e+00, v14  }
0x3e8: {  	v16 =	vld [tilespmem:s31+$0x60];
	(erf) = vpow2.f32 v2;
	v2 =	vadd.f32 $1.000000000e+00, v13;
	v20 =	vpop (erf)  }
0x3e9: {  	(erf) = vpow2.f32 v5;
	v5 =	vpop (erf)  }
0x3ea: {  	v13 =	vsub.f32 $0.0e+00, v18;
	v3 =	vmul.f32 v20, v3;
	(erf) = vrcp.f32 v2;
	v20 =	vpop (erf)  }
0x3eb: {  	(erf) = vpow2.f32 v14;
	v14 =	vpop (erf)  }
0x3ec: {  	v19 =	vadd.f32 v19, v21;
	v13 =	vmul.f32 $1.442695020e+00, v13;
	v7 =	vmul.f32 v14, v7  }
0x3ed: {  	v2 =	vadd.f32 v16, v15  }
0x3ee: {  	v15 =	vadd.f32 $1.000000000e+00, v20;
	[tilespmem:s15+$0xFFFFFFD0] =	vst v3;
	v3 =	vsub.f32 $0.0e+00, v19;
	(erf) = vpow2.f32 v13;
	v16 =	vpop (erf)  }
0x3ef: {  	v13 =	vld [tilespmem:s15+$0xFFFFFFE0];
	v14 =	vsub.f32 $0.0e+00, v2;
	v20 =	vpop (erf)  }
0x3f0: {  	(erf) = vrcp.f32 v15;
	v15 =	vld [tilespmem:s21+$0xFFFFFFE0];
	v3 =	vmul.f32 $1.442695020e+00, v3;
	v16 =	vadd.f32 $1.000000000e+00, v16;
	[tilespmem:s3+$0xFFFFFFC0] =	vst v7;
	v7 =	vpop (erf)  }
0x3f1: {  	v21 =	vld [tilespmem:s3+$0xFFFFFFD0];
	v14 =	vmul.f32 $1.442695020e+00, v14;
	v7 =	vmul.f32 v7, v12  }
0x3f2: {  	(erf) = vpow2.f32 v3;
	v12 =	vld [tilespmem:s0+$0xFFFFFFD0];
	v22 =	vpop (erf)  }
0x3f3: {  	(erf) = vpow2.f32 v14;
	[tilespmem:s13+$0xFFFFFFB0] =	vst v7;
	v7 =	vadd.f32 $1.000000000e+00, v22  }
0x3f4: {  	v14 =	vadd.f32 $1.000000000e+00, v20;
	(erf) = vrcp.f32 v16;
	v16 =	vpop (erf)  }
0x3f5: {  	v3 =	vadd.f32 v13, v15;
	v15 =	vpop (erf)  }
0x3f6: {  	(erf) = vrcp.f32 v14;
	v14 =	vadd.f32 $1.000000000e+00, v16;
	v11 =	vmul.f32 v15, v11;
	v15 =	vpop (erf)  }
0x3f7: {  	v13 =	vld [tilespmem:s13+$0xFFFFFFC0];
	(erf) = vrcp.f32 v7;
	v20 =	vadd.f32 v21, v12;
	v12 =	vsub.f32 $0.0e+00, v3;
	v7 =	vpop (erf)  }
0x3f8: {  	v16 =	vld [tilespmem:s1+$0xFFFFFFC0];
	v7 =	vadd.f32 $1.000000000e+00, v7  }
0x3f9: {  	[tilespmem:s29+$0xFFFFFFA0] =	vst v11;
	v11 =	vadd.f32 $1.000000000e+00, v15;
	v15 =	vld [tilespmem:s29+$0xFFFFFFB0];
	v12 =	vmul.f32 $1.442695020e+00, v12  }
0x3fa: {  	(erf) = vrcp.f32 v14;
	v22 =	vld [tilespmem:s16+$0xFFFFFFB0];
	v14 =	vpop (erf);
	v21 =	vsub.f32 $0.0e+00, v20  }
0x3fb: {  	(erf) = vrcp.f32 v11;
	v10 =	vmul.f32 v14, v10  }
0x3fc: {  	v11 =	vmul.f32 $1.442695020e+00, v21;
	(erf) = vrcp.f32 v7;
	v7 =	vpop (erf)  }
0x3fd: {  	(erf) = vpow2.f32 v12;
	v12 =	vpop (erf)  }
0x3fe: {  	v14 =	vadd.f32 v13, v16;
	[tilespmem:s9+$0xFFFFFF90] =	vst v10;
	v10 =	vld [tilespmem:s9+$0xFFFFFFA0];
	v16 =	vpop (erf);
	(erf) = vpow2.f32 v11  }
0x3ff: {  	v21 =	vld [tilespmem:s14+$0xFFFFFFA0];
	v11 =	vadd.f32 $1.000000000e+00, v7;
	v7 =	vadd.f32 v15, v22;
	v16 =	vmul.f32 v16, v17  }
0x400: {  	v13 =	vsub.f32 $0.0e+00, v14  }
0x401: {  	[tilespmem:s30+$0xFFFFFF80] =	vst v16;
	v16 =	vsub.f32 $0.0e+00, v7  }
0x402: {  	v13 =	vmul.f32 $1.442695020e+00, v13;
	v17 =	vld [tilespmem:s30+$0xFFFFFF90];
	v15 =	vpop (erf)  }
0x403: {  	s24 =	simm.s32 $0x3180;
	(erf) = vrcp.f32 v11;
	v6 =	vmul.f32 v15, v6;
	v11 =	vpop (erf);
	v23 =	vld [tilespmem:s20+$0xFFFFFF90]  }
0x404: {  	s23 =	simm.s32 $0x8180;
	v53 =	vld [tilespmem:s24+$0x0];
	(erf) = vpow2.f32 v13;
	v13 =	vadd.f32 v10, v21;
	v8 =	vmul.f32 v11, v8;
	v11 =	vpop (erf)  }
0x405: {  	v10 =	vld [tilespmem:s23+$0x0];
	v15 =	vmul.f32 $1.442695020e+00, v16;
	v16 =	vpop (erf)  }
0x406: {  	v54 =	vsub.f32 $0.0e+00, v13;
	v55 =	vpop (erf)  }
0x407: {  	v22 =	vld [tilespmem:s23+$0xFFFFFF80];
	v12 =	vadd.f32 $1.000000000e+00, v12;
	[tilespmem:s30+$0x0] =	vst v6;
	(erf) = vpow2.f32 v15;
	v6 =	vpop (erf)  }
0x408: {  	v21 =	vld [tilespmem:s24+$0xFFFFFF80];
	v4 =	vmul.f32 v11, v4;
	[tilespmem:s9+$0x10] =	vst v8;
	v15 =	vmul.f32 $1.442695020e+00, v54;
	v8 =	vadd.f32 v17, v23;
	v17 =	vpop (erf)  }
0x409: {  	(erf) = vrcp.f32 v12;
	v17 =	vadd.f32 $1.000000000e+00, v17  }
0x40a: {  	v11 =	vld [tilespmem:s20+$0x10];
	[tilespmem:s29+$0x20] =	vst v4;
	v4 =	vadd.f32 v10, v53;
	(erf) = vpow2.f32 v15;
	v6 =	vadd.f32 $1.000000000e+00, v6  }
0x40b: {  	v9 =	vmul.f32 v16, v9;
	v16 =	vld [tilespmem:s30+$0x10];
	(erf) = vrcp.f32 v17  }
0x40c: {  	v56 =	vld [tilespmem:s9+$0x20];
	(erf) = vrcp.f32 v6;
	v6 =	vsub.f32 $0.0e+00, v4  }
0x40d: {  	v12 =	vmul.f32 v55, v18;
	[tilespmem:s13+$0x30] =	vst v9;
	v9 =	vld [tilespmem:s14+$0x20];
	v15 =	vadd.f32 v22, v21;
	v18 =	vsub.f32 $0.0e+00, v8  }
0x40e: {  	v1 =	vmul.f32 v5, v1;
	v22 =	vpop (erf)  }
0x40f: {  	v10 =	vld [tilespmem:s29+$0x30];
	v19 =	vmul.f32 v22, v19;
	v22 =	vsub.f32 $0.0e+00, v15;
	v18 =	vmul.f32 $1.442695020e+00, v18;
	v17 =	vpop (erf)  }
0x410: {  	v23 =	vld [tilespmem:s16+$0x30];
	v11 =	vadd.f32 v16, v11;
	v17 =	vadd.f32 $1.000000000e+00, v17;
	v5 =	vmul.f32 $1.442695020e+00, v6;
	v6 =	vpop (erf)  }
0x411: {  	v21 =	vld [tilespmem:s13+$0x40];
	[tilespmem:s3+$0x40] =	vst v12;
	v12 =	vmul.f32 $1.442695020e+00, v22;
	(erf) = vpow2.f32 v18;
	v6 =	vadd.f32 $1.000000000e+00, v6  }
0x412: {  	v57 =	vld [tilespmem:s1+$0x40];
	v9 =	vadd.f32 v56, v9;
	(erf) = vrcp.f32 v17  }
0x413: {  	[tilespmem:s15+$0x50] =	vst v19;
	v19 =	vld [tilespmem:s0+$0x50];
	v18 =	vsub.f32 $0.0e+00, v11;
	(erf) = vpow2.f32 v12  }
0x414: {  	v16 =	vld [tilespmem:s21+$0x60];
	v22 =	vsub.f32 $0.0e+00, v9;
	(erf) = vpow2.f32 v5  }
0x415: {  	v17 =	vld [tilespmem:s3+$0x50];
	v12 =	vadd.f32 v10, v23;
	v10 =	vmul.f32 $1.442695020e+00, v18;
	(erf) = vrcp.f32 v6;
	v6 =	vpop (erf)  }
0x416: {  	v23 =	vld [tilespmem:s15+$0x60];
	v2 =	vmul.f32 v6, v2  }
0x417: {  	[tilespmem:s31+$0xFFFFFFE0] =	vst v1;
	v1 =	vmul.f32 $1.442695020e+00, v22;
	v5 =	vadd.f32 v21, v57  }
0x418: {  	v21 =	vsub.f32 $0.0e+00, v12;
	v18 =	vpop (erf);
	(erf) = vpow2.f32 v10  }
0x419: {  	v58 =	vld [tilespmem:s11+$0xFFFFFFF0];
	v6 =	vadd.f32 $1.000000000e+00, v18;
	v18 =	vsub.f32 $0.0e+00, v5;
	v10 =	vpop (erf);
	(erf) = vpow2.f32 v1  }
0x41a: {  	v22 =	vld [tilespmem:s31+$0xFFFFFFF0];
	v1 =	vmul.f32 v10, v20;
	v10 =	vadd.f32 v17, v19;
	[tilespmem:s31+$0x60] =	vst v2;
	v19 =	vmul.f32 $1.442695020e+00, v21;
	v2 =	vpop (erf)  }
0x41b: {  	v17 =	vld [tilespmem:s31+$0x70];
	(erf) = vrcp.f32 v6;
	v6 =	vadd.f32 v23, v16;
	v18 =	vmul.f32 $1.442695020e+00, v18;
	v16 =	vpop (erf)  }
0x41c: {  	v20 =	vld [tilespmem:s11+$0x70];
	v2 =	vmul.f32 v2, v3;
	(erf) = vpow2.f32 v19;
	v3 =	vpop (erf);
	v16 =	vadd.f32 $1.000000000e+00, v16  }
0x41d: {  	[tilespmem:s3+$0xFFFFFFD0] =	vst v1;
	v1 =	vsub.f32 $0.0e+00, v10;
	(erf) = vpow2.f32 v18;
	v3 =	vmul.f32 v3, v14;
	v23 =	vpop (erf)  }
0x41e: {  	v21 =	vld [tilespmem:s3+$0xFFFFFFE0];
	v19 =	vsub.f32 $0.0e+00, v6;
	v59 =	vpop (erf);
	(erf) = vrcp.f32 v16  }
0x41f: {  	v18 =	vld [tilespmem:s15+$0xFFFFFFF0];
	v16 =	vmul.f32 $1.442695020e+00, v1;
	v1 =	vadd.f32 v22, v58;
	[tilespmem:s13+$0xFFFFFFC0] =	vst v3;
	v3 =	vadd.f32 $1.000000000e+00, v23;
	v22 =	vpop (erf)  }
0x420: {  	v14 =	vld [tilespmem:s0+$0xFFFFFFE0];
	v19 =	vmul.f32 $1.442695020e+00, v19;
	v7 =	vmul.f32 v22, v7;
	v22 =	vadd.f32 $1.000000000e+00, v59  }
0x421: {  	[tilespmem:s15+$0xFFFFFFE0] =	vst v2;
	v2 =	vadd.f32 v17, v20;
	v23 =	vld [tilespmem:s13+$0xFFFFFFD0];
	(erf) = vpow2.f32 v16  }
0x422: {  	v17 =	vld [tilespmem:s1+$0xFFFFFFD0];
	v60 =	vpop (erf);
	(erf) = vpow2.f32 v19  }
0x423: {  	v20 =	vld [tilespmem:s21+$0xFFFFFFF0];
	v19 =	vsub.f32 $0.0e+00, v2;
	(erf) = vrcp.f32 v3;
	v3 =	vpop (erf)  }
0x424: {  	v61 =	vld [tilespmem:s29+$0xFFFFFFC0];
	v16 =	vsub.f32 $0.0e+00, v1;
	v24 =	vadd.f32 $1.000000000e+00, v60;
	[tilespmem:s29+$0xFFFFFFB0] =	vst v7;
	(erf) = vrcp.f32 v22;
	v22 =	vpop (erf)  }
0x425: {  	v7 =	vadd.f32 v21, v14;
	v21 =	vld [tilespmem:s16+$0xFFFFFFC0];
	v19 =	vmul.f32 $1.442695020e+00, v19;
	v13 =	vmul.f32 v22, v13  }
0x426: {  	v16 =	vmul.f32 $1.442695020e+00, v16;
	(erf) = vrcp.f32 v24;
	v22 =	vadd.f32 $1.000000000e+00, v3  }
0x427: {  	v62 =	vpop (erf);
	v14 =	vadd.f32 v23, v17;
	v17 =	vsub.f32 $0.0e+00, v7;
	(erf) = vpow2.f32 v19  }
0x428: {  	v3 =	vadd.f32 v18, v20;
	v18 =	vadd.f32 $1.000000000e+00, v62;
	(erf) = vrcp.f32 v22  }
0x429: {  	v23 =	vld [tilespmem:s9+$0xFFFFFFB0];
	[tilespmem:s9+$0xFFFFFFA0] =	vst v13;
	v20 =	vsub.f32 $0.0e+00, v14;
	v13 =	vpop (erf);
	(erf) = vpow2.f32 v16;
	v16 =	vmul.f32 $1.442695020e+00, v17  }
0x42a: {  	v63 =	vld [tilespmem:s14+$0xFFFFFFB0];
	v19 =	vpop (erf);
	v22 =	vadd.f32 $1.000000000e+00, v13;
	v13 =	vadd.f32 v61, v21  }
0x42b: {  	(erf) = vrcp.f32 v18;
	v21 =	vsub.f32 $0.0e+00, v3;
	v8 =	vmul.f32 v19, v8  }
0x42c: {  	v19 =	vmul.f32 $1.442695020e+00, v20;
	v18 =	vpop (erf);
	(erf) = vrcp.f32 v22  }
0x42d: {  	v17 =	vld [tilespmem:s30+$0xFFFFFFA0];
	v25 =	vsub.f32 $0.0e+00, v13;
	v20 =	vadd.f32 $1.000000000e+00, v18;
	[tilespmem:s30+$0xFFFFFF90] =	vst v8;
	(erf) = vpow2.f32 v16;
	v16 =	vpop (erf)  }
0x42e: {  	v8 =	vmul.f32 $1.442695020e+00, v21;
	v22 =	vpop (erf);
	v18 =	vld [tilespmem:s20+$0xFFFFFFA0];
	(erf) = vpow2.f32 v19;
	v19 =	vadd.f32 $1.000000000e+00, v16  }
0x42f: {  	s17 =	simm.s32 $0x8280;
	s18 =	simm.s32 $0x3280;
	s11 =	simm.s32 $0xE;
	v16 =	vld [tilespmem:s23+$0xFFFFFF90];
	v22 =	vmul.f32 v22, v15;
	v21 =	vpop (erf);
	v15 =	vadd.f32 v23, v63;
	v23 =	vmul.f32 $1.442695020e+00, v25  }
.LBB2_7:
0x430: {  	v24 =	vld [tilespmem:s17+$0xFFFFFF80];
	s11 =	sadd.s32 $0x2, s11;
	v25 =	vpop (erf);
	(erf) = vrcp.f32 v20  }
0x431: {  	v20 =	vld [tilespmem:s18+$0x0];
	p2 =	slt.u32 s11, $0x4E;
	[tilespmem:s23+$0xFFFFFF80] =	vst v22;
	v22 =	vsub.f32 $0.0e+00, v15;
	(erf) = vpow2.f32 v23;
	v23 =	vpop (erf)  }
0x432: {  	v4 =	vmul.f32 v21, v4;
	v27 =	vmul.f32 v25, v11;
	v26 =	vld [tilespmem:s24+$0xFFFFFF90];
	v21 =	vpop (erf);
	v23 =	vadd.f32 $1.000000000e+00, v23  }
0x433: {  	v25 =	vld [tilespmem:s17+$0x0];
	v17 =	vadd.f32 v17, v18;
	v18 =	vmul.f32 $1.442695020e+00, v22;
	v9 =	vmul.f32 v21, v9;
	v21 =	vpop (erf)  }
0x434: {  	v22 =	vld [tilespmem:s18+$0xFFFFFF80];
	[tilespmem:s30+$0x10] =	vst v27;
	v11 =	vpop (erf);
	v21 =	vadd.f32 $1.000000000e+00, v21;
	(erf) = vrcp.f32 v23  }
0x435: {  	v23 =	vsub.f32 $0.0e+00, v17;
	v27 =	vld [tilespmem:s30+$0x20];
	(erf) = vpow2.f32 v18;
	v29 =	vmul.f32 v11, v12;
	v12 =	vpop (erf)  }
0x436: {  	[tilespmem:s23+$0x0] =	vst v4;
	v28 =	vld [tilespmem:s23+$0x10];
	v5 =	vmul.f32 v12, v5;
	v4 =	vpop (erf);
	(erf) = vrcp.f32 v21  }
0x437: {  	v18 =	vadd.f32 v16, v26;
	v12 =	vld [tilespmem:s24+$0x10];
	v26 =	vmul.f32 $1.442695020e+00, v23;
	[tilespmem:s29+$0x30] =	vst v29;
	v11 =	vpop (erf);
	v23 =	vadd.f32 $1.000000000e+00, v4  }
0x438: {  	v4 =	vadd.f32 v25, v20;
	v20 =	vld [tilespmem:s20+$0x20];
	v11 =	vadd.f32 $1.000000000e+00, v11;
	[tilespmem:s13+$0x40] =	vst v5;
	(erf) = vrcp.f32 v19  }
0x439: {  	v16 =	vadd.f32 v24, v22;
	v5 =	vsub.f32 $0.0e+00, v18;
	(erf) = vpow2.f32 v26;
	v19 =	vld [tilespmem:s29+$0x40];
	v21 =	vpop (erf)  }
0x43a: {  	v22 =	vsub.f32 $0.0e+00, v4;
	[tilespmem:s9+$0x20] =	vst v9;
	v24 =	vld [tilespmem:s9+$0x30];
	v9 =	vpop (erf);
	(erf) = vrcp.f32 v11;
	v10 =	vmul.f32 v21, v10  }
0x43b: {  	v21 =	vsub.f32 $0.0e+00, v16;
	v29 =	vmul.f32 $1.442695020e+00, v5;
	v25 =	vld [tilespmem:s14+$0x30];
	v26 =	vadd.f32 $1.000000000e+00, v9  }
0x43c: {  	v22 =	vmul.f32 $1.442695020e+00, v22;
	v11 =	vadd.f32 v28, v12;
	v28 =	vld [tilespmem:s16+$0x40];
	[tilespmem:s3+$0x50] =	vst v10;
	(erf) = vrcp.f32 v23  }
0x43d: {  	v10 =	vmul.f32 $1.442695020e+00, v21;
	(erf) = vpow2.f32 v29;
	v9 =	vadd.f32 v27, v20;
	v20 =	vld [tilespmem:s0+$0x60];
	v5 =	vpop (erf)  }
0x43e: {  	v21 =	vsub.f32 $0.0e+00, v11;
	v12 =	vpop (erf);
	(erf) = vrcp.f32 v26;
	v23 =	vld [tilespmem:s13+$0x50];
	v2 =	vmul.f32 v5, v2  }
0x43f: {  	(erf) = vpow2.f32 v10;
	v10 =	vsub.f32 $0.0e+00, v9;
	v5 =	vadd.f32 $1.000000000e+00, v12;
	v26 =	vld [tilespmem:s1+$0x50];
	v27 =	vpop (erf)  }
0x440: {  	(erf) = vpow2.f32 v22;
	v12 =	vadd.f32 v24, v25;
	v22 =	vld [tilespmem:s3+$0x60];
	v24 =	vmul.f32 v27, v1;
	[tilespmem:s31+$0x70] =	vst v2;
	v1 =	vmovc v3  }
0x441: {  	v2 =	vmul.f32 $1.442695020e+00, v21;
	(erf) = vrcp.f32 v5;
	v5 =	vadd.f32 v19, v28;
	v3 =	vpop (erf)  }
0x442: {  	v10 =	vmul.f32 $1.442695020e+00, v10;
	v19 =	vpop (erf);
	v21 =	vsub.f32 $0.0e+00, v12;
	v3 =	vmul.f32 v3, v6;
	[tilespmem:s31+$0xFFFFFFF0] =	vst v24;
	s31 =	smov.u32 s15;
	s15 =	smov.u32 s3;
	s3 =	smov.u32 s13  }
0x443: {  	s13 =	smov.u32 s29;
	s29 =	smov.u32 s9;
	s9 =	smov.u32 s30;
	(erf) = vpow2.f32 v2;
	v2 =	vadd.f32 $1.000000000e+00, v19;
	v19 =	vsub.f32 $0.0e+00, v5;
	v6 =	vpop (erf)  }
0x444: {  	s30 =	smov.u32 s23;
	s23 =	smov.u32 s17;
	(erf) = vpow2.f32 v10;
	v14 =	vmul.f32 v6, v14;
	v10 =	vadd.f32 v23, v26;
	[tilespmem:s31+$0x60] =	vst v3;
	v3 =	vld [tilespmem:s31+$0x70]  }
0x445: {  	v24 =	vmul.f32 $1.442695020e+00, v21;
	(erf) = vrcp.f32 v2;
	v6 =	vadd.f32 v22, v20;
	v20 =	vpop (erf);
	v21 =	vld [tilespmem:s21+$0x70];
	s21 =	smov.u32 s0;
	s0 =	smov.u32 s1;
	s1 =	smov.u32 s16  }
0x446: {  	v19 =	vmul.f32 $1.442695020e+00, v19;
	s16 =	smov.u32 s14;
	s14 =	smov.u32 s20;
	s20 =	smov.u32 s24;
	v22 =	vpop (erf);
	[tilespmem:s3+$0xFFFFFFD0] =	vst v14;
	v14 =	vld [tilespmem:s3+$0xFFFFFFE0];
	v23 =	vsub.f32 $0.0e+00, v10;
	v26 =	vmul.f32 v20, v7  }
0x447: {  	s24 =	smov.u32 s18;
	v20 =	vadd.f32 $1.000000000e+00, v22;
	(erf) = vpow2.f32 v24;
	v2 =	vpop (erf);
	v22 =	vld [tilespmem:s0+$0xFFFFFFE0];
	v24 =	vsub.f32 $0.0e+00, v6  }
0x448: {  	v25 =	vpop (erf);
	v2 =	vmul.f32 v2, v13;
	(erf) = vpow2.f32 v19;
	[tilespmem:s15+$0xFFFFFFE0] =	vst v26;
	v13 =	vld [tilespmem:s15+$0xFFFFFFF0]  }
0x449: {  	v27 =	vmul.f32 $1.442695020e+00, v23;
	v19 =	vadd.f32 $1.000000000e+00, v25;
	v7 =	vpop (erf);
	(erf) = vrcp.f32 v20;
	v23 =	vld [tilespmem:s21+$0xFFFFFFF0]  }
0x44a: {  	v24 =	vmul.f32 $1.442695020e+00, v24;
	v25 =	vadd.f32 $1.000000000e+00, v7;
	v7 =	vpop (erf);
	[tilespmem:s13+$0xFFFFFFC0] =	vst v2;
	v26 =	vld [tilespmem:s13+$0xFFFFFFD0];
	v2 =	vadd.f32 v3, v21  }
0x44b: {  	v28 =	vmul.f32 v7, v15;
	v15 =	vld [tilespmem:s1+$0xFFFFFFD0];
	(erf) = vpow2.f32 v27  }
0x44c: {  	v20 =	vpop (erf);
	v7 =	vadd.f32 v14, v22;
	(erf) = vpow2.f32 v24;
	v14 =	vsub.f32 $0.0e+00, v2  }
0x44d: {  	(erf) = vrcp.f32 v19;
	v19 =	vadd.f32 $1.000000000e+00, v20;
	v20 =	vpop (erf);
	[tilespmem:s29+$0xFFFFFFB0] =	vst v28;
	v21 =	vld [tilespmem:s29+$0xFFFFFFC0]  }
0x44e: {  	(erf) = vrcp.f32 v25;
	v20 =	vadd.f32 $1.000000000e+00, v20;
	v3 =	vpop (erf);
	v22 =	vld [tilespmem:s16+$0xFFFFFFC0];
	v24 =	vmul.f32 $1.442695020e+00, v14  }
0x44f: {  	(erf) = vrcp.f32 v19;
	v17 =	vmul.f32 v3, v17;
	v19 =	vsub.f32 $0.0e+00, v7  }
0x450: {  	v3 =	vadd.f32 v13, v23;
	v25 =	vpop (erf);
	v14 =	vadd.f32 v26, v15;
	(erf) = vpow2.f32 v24  }
0x451: {  	[tilespmem:s9+$0xFFFFFFA0] =	vst v17;
	v15 =	vld [tilespmem:s9+$0xFFFFFFB0];
	(erf) = vrcp.f32 v20;
	v17 =	vadd.f32 $1.000000000e+00, v25;
	v13 =	vpop (erf);
	v19 =	vmul.f32 $1.442695020e+00, v19  }
0x452: {  	v20 =	vpop (erf);
	v23 =	vld [tilespmem:s14+$0xFFFFFFB0];
	v24 =	vsub.f32 $0.0e+00, v14;
	v25 =	vadd.f32 $1.000000000e+00, v13;
	(erf) = vpow2.f32 v8  }
.Ltmp2:
0x453: {  	v8 =	vmul.f32 v20, v18;
	v13 =	vadd.f32 v21, v22;
	(erf) = vrcp.f32 v17;
	(pc) =	sbr.rel @p2 .LBB2_7-.Ltmp2, $4  }
0x454: {  	v22 =	vsub.f32 $0.0e+00, v3;
	v26 =	vmul.f32 $1.442695020e+00, v24;
	(erf) = vrcp.f32 v25;
	v18 =	vpop (erf)  }
0x455: {  	[tilespmem:s30+$0xFFFFFF90] =	vst v8;
	v17 =	vld [tilespmem:s30+$0xFFFFFFA0];
	v24 =	vsub.f32 $0.0e+00, v13;
	v20 =	vadd.f32 $1.000000000e+00, v18;
	(erf) = vpow2.f32 v19;
	v19 =	vpop (erf)  }
0x456: {  	v8 =	vmul.f32 $1.442695020e+00, v22;
	v25 =	vpop (erf);
	v18 =	vld [tilespmem:s20+$0xFFFFFFA0];
	(erf) = vpow2.f32 v26;
	v19 =	vadd.f32 $1.000000000e+00, v19  }
0x457: {  	s17 =	sadd.s32 $0x100, s17;
	s18 =	sadd.s32 $0x100, s18;
	v22 =	vmul.f32 v25, v16;
	v16 =	vld [tilespmem:s23+$0xFFFFFF90];
	v21 =	vpop (erf);
	v15 =	vadd.f32 v15, v23;
	v23 =	vmul.f32 $1.442695020e+00, v24  }
0x458: {  	_ = 	snop  }
0x459: {  	v24 =	vpop (erf);
	[tilespmem:s23+$0xFFFFFF80] =	vst v22  }
0x45a: {  	v33 =	vsub.f32 $0.0e+00, v15;
	v34 =	vpop (erf);
	v25 =	vld [tilespmem:s24+$0xFFFFFF90]  }
0x45b: {  	(erf) = vrcp.f32 v20;
	v4 =	vmul.f32 v21, v4;
	v35 =	vpop (erf);
	v22 =	vadd.f32 $1.000000000e+00, v34  }
0x45c: {  	(erf) = vpow2.f32 v23;
	v17 =	vadd.f32 v17, v18;
	v36 =	vmul.f32 $1.442695020e+00, v33;
	v37 =	vpop (erf)  }
0x45d: {  	v40 =	vld [tilespmem:s30+$0x20];
	v11 =	vmul.f32 v24, v11;
	v38 =	vpop (erf);
	(erf) = vrcp.f32 v22  }
0x45e: {  	v44 =	vld [tilespmem:s23+$0x10];
	v20 =	vadd.f32 $1.000000000e+00, v37;
	v39 =	vsub.f32 $0.0e+00, v17;
	(erf) = vpow2.f32 v36;
	v41 =	vpop (erf)  }
0x45f: {  	v51 =	vld [tilespmem:s9+$0x30];
	[tilespmem:s23+$0x0] =	vst v4;
	v42 =	vmul.f32 v35, v9;
	v45 =	vpop (erf);
	v16 =	vadd.f32 v16, v25  }
0x460: {  	[tilespmem:s30+$0x10] =	vst v11;
	v46 =	vld [tilespmem:s24+$0x10];
	(erf) = vrcp.f32 v20;
	v21 =	vmul.f32 $1.442695020e+00, v39;
	v47 =	vpop (erf)  }
0x461: {  	v48 =	vld [tilespmem:s20+$0x20];
	[tilespmem:s9+$0x20] =	vst v42;
	(erf) = vrcp.f32 v19;
	v23 =	vadd.f32 $1.000000000e+00, v47;
	v49 =	vsub.f32 $0.0e+00, v16  }
0x462: {  	v43 =	vmul.f32 v38, v12;
	v54 =	vld [tilespmem:s14+$0x30];
	v12 =	vadd.f32 $1.000000000e+00, v45;
	(erf) = vpow2.f32 v21  }
0x463: {  	(erf) = vrcp.f32 v23;
	v52 =	vmul.f32 $1.442695020e+00, v49  }
0x464: {  	v50 =	vld [tilespmem:s29+$0x40];
	[tilespmem:s29+$0x30] =	vst v43;
	v53 =	vpop (erf);
	(erf) = vrcp.f32 v12  }
0x465: {  	v5 =	vmul.f32 v41, v5;
	v56 =	vld [tilespmem:s16+$0x40];
	v19 =	vadd.f32 v44, v46;
	v55 =	vpop (erf);
	(erf) = vpow2.f32 v52  }
0x466: {  	v9 =	vadd.f32 v40, v48;
	v12 =	vadd.f32 $1.000000000e+00, v55;
	v4 =	vpop (erf)  }
0x467: {  	v10 =	vmul.f32 v53, v10;
	v58 =	vsub.f32 $0.0e+00, v19;
	v20 =	vadd.f32 v51, v54;
	v57 =	vpop (erf)  }
0x468: {  	[tilespmem:s13+$0x40] =	vst v5;
	v60 =	vsub.f32 $0.0e+00, v9;
	(erf) = vrcp.f32 v12;
	v11 =	vadd.f32 $1.000000000e+00, v57  }
0x469: {  	v61 =	vld [tilespmem:s13+$0x50];
	[tilespmem:s3+$0x50] =	vst v10;
	v10 =	vmul.f32 $1.442695020e+00, v58;
	v31 =	vsub.f32 $0.0e+00, v20;
	v5 =	vpop (erf)  }
0x46a: {  	v63 =	vld [tilespmem:s1+$0x50];
	v18 =	vmul.f32 $1.442695020e+00, v60;
	v62 =	vpop (erf);
	(erf) = vrcp.f32 v11;
	v11 =	vadd.f32 v50, v56  }
0x46b: {  	v32 =	vld [tilespmem:s3+$0x60];
	v33 =	vmul.f32 $1.442695020e+00, v31;
	v6 =	vmul.f32 v62, v6;
	v30 =	vpop (erf)  }
0x46c: {  	v59 =	vld [tilespmem:s0+$0x60];
	(erf) = vpow2.f32 v10;
	v24 =	vadd.f32 $1.000000000e+00, v30;
	v26 =	vsub.f32 $0.0e+00, v11;
	v27 =	vpop (erf)  }
0x46d: {  	v37 =	vld [tilespmem:s15+$0x70];
	(erf) = vpow2.f32 v18;
	[tilespmem:s15+$0x60] =	vst v6;
	v10 =	vpop (erf);
	v38 =	vmul.f32 v27, v14  }
0x46e: {  	v34 =	vld [tilespmem:s21+$0x70];
	(erf) = vrcp.f32 v24;
	v36 =	vmul.f32 $1.442695020e+00, v26;
	v35 =	vpop (erf)  }
0x46f: {  	v14 =	vadd.f32 v61, v63;
	(erf) = vpow2.f32 v33;
	v24 =	vadd.f32 $1.000000000e+00, v35  }
0x470: {  	(erf) = vpow2.f32 v36  }
0x471: {  	v41 =	vld [tilespmem:s13+$0xFFFFFFE0];
	v12 =	vadd.f32 v32, v59;
	[tilespmem:s13+$0xFFFFFFD0] =	vst v38;
	v40 =	vsub.f32 $0.0e+00, v14;
	v39 =	vpop (erf);
	(erf) = vrcp.f32 v24  }
0x472: {  	v43 =	vld [tilespmem:s1+$0xFFFFFFE0];
	v13 =	vmul.f32 v39, v13  }
0x473: {  	v42 =	vsub.f32 $0.0e+00, v12;
	v44 =	vmul.f32 $1.442695020e+00, v40;
	v6 =	vadd.f32 v37, v34;
	v45 =	vpop (erf)  }
0x474: {  	v46 =	vld [tilespmem:s29+$0xFFFFFFD0];
	[tilespmem:s29+$0xFFFFFFC0] =	vst v13;
	v48 =	vmul.f32 v45, v15  }
0x475: {  	v47 =	vmul.f32 $1.442695020e+00, v42;
	v49 =	vpop (erf);
	v50 =	vld [tilespmem:s16+$0xFFFFFFD0];
	(erf) = vpow2.f32 v44;
	v51 =	vsub.f32 $0.0e+00, v6  }
0x476: {  	v55 =	vld [tilespmem:s9+$0xFFFFFFC0];
	v52 =	vpop (erf);
	v53 =	vadd.f32 $1.000000000e+00, v49;
	[tilespmem:s9+$0xFFFFFFB0] =	vst v48  }
0x477: {  	(erf) = vpow2.f32 v47;
	v13 =	vadd.f32 v41, v43;
	v24 =	vmul.f32 $1.442695020e+00, v51;
	v54 =	vpop (erf);
	v57 =	vld [tilespmem:s14+$0xFFFFFFC0]  }
0x478: {  	v26 =	vadd.f32 $1.000000000e+00, v52;
	(erf) = vrcp.f32 v53;
	v15 =	vmul.f32 v54, v17;
	v56 =	vpop (erf)  }
0x479: {  	v60 =	vsub.f32 $0.0e+00, v13;
	(erf) = vpow2.f32 v24;
	v28 =	vpop (erf)  }
0x47a: {  	v59 =	vld [tilespmem:s30+$0xFFFFFFB0];
	v18 =	vadd.f32 v46, v50;
	(erf) = vrcp.f32 v26;
	v62 =	vadd.f32 $1.000000000e+00, v56;
	[tilespmem:s30+$0xFFFFFFA0] =	vst v15;
	v58 =	vpop (erf)  }
0x47b: {  	(erf) = vpow2.f32 v8;
	v29 =	vadd.f32 $1.000000000e+00, v28;
	v61 =	vld [tilespmem:s20+$0xFFFFFFB0];
	v15 =	vmul.f32 v58, v16  }
0x47c: {  	v63 =	vsub.f32 $0.0e+00, v18;
	v22 =	vadd.f32 v55, v57  }
0x47d: {  	v30 =	vld [tilespmem:s23+$0xFFFFFFA0];
	(erf) = vrcp.f32 v62;
	v16 =	vmul.f32 $1.442695020e+00, v60;
	[tilespmem:s23+$0xFFFFFF90] =	vst v15  }
0x47e: {  	(erf) = vrcp.f32 v29;
	v17 =	vmul.f32 $1.442695020e+00, v63;
	v32 =	vpop (erf);
	v33 =	vsub.f32 $0.0e+00, v22;
	v31 =	vld [tilespmem:s24+$0xFFFFFFA0]  }
0x47f: {  	v15 =	vadd.f32 $1.000000000e+00, v32;
	(erf) = vpow2.f32 v16  }
0x480: {  	v34 =	vpop (erf);
	(erf) = vpow2.f32 v17;
	v21 =	vadd.f32 v59, v61;
	v35 =	vmul.f32 $1.442695020e+00, v33  }
0x481: {  	v36 =	vpop (erf);
	(erf) = vrcp.f32 v15  }
0x482: {  	v38 =	vpop (erf);
	v37 =	vsub.f32 $0.0e+00, v21;
	(erf) = vpow2.f32 v35  }
0x483: {  	v39 =	vpop (erf);
	v25 =	vadd.f32 $1.000000000e+00, v38;
	v24 =	vadd.f32 v30, v31  }
0x484: {  	v40 =	vmul.f32 v36, v19;
	v41 =	vpop (erf);
	v15 =	vmul.f32 $1.442695020e+00, v37  }
0x485: {  	v19 =	vadd.f32 $1.000000000e+00, v41;
	(erf) = vrcp.f32 v25;
	v42 =	vsub.f32 $0.0e+00, v24  }
0x486: {  	v16 =	vadd.f32 $1.000000000e+00, v34;
	v43 =	vpop (erf);
	(erf) = vpow2.f32 v15  }
0x487: {  	v46 =	vpop (erf);
	(erf) = vrcp.f32 v19;
	v44 =	vmul.f32 $1.442695020e+00, v42  }
0x488: {  	v45 =	vld [tilespmem:s23+$0x20];
	[tilespmem:s23+$0x10] =	vst v40;
	v47 =	vpop (erf);
	(erf) = vrcp.f32 v16  }
0x489: {  	v48 =	vld [tilespmem:s24+$0x20];
	v49 =	vpop (erf);
	(erf) = vpow2.f32 v44  }
0x48a: {  	v9 =	vmul.f32 v39, v9;
	v8 =	vmul.f32 v43, v20;
	v50 =	vpop (erf)  }
0x48b: {  	v52 =	vpop (erf)  }
0x48c: {  	v51 =	vld [tilespmem:s9+$0x40];
	[tilespmem:s30+$0x20] =	vst v9;
	v15 =	vadd.f32 $1.000000000e+00, v49;
	v9 =	vadd.f32 $1.000000000e+00, v52  }
0x48d: {  	v53 =	vld [tilespmem:s30+$0x30];
	v16 =	vadd.f32 $1.000000000e+00, v47  }
0x48e: {  	v55 =	vld [tilespmem:s20+$0x30];
	[tilespmem:s9+$0x30] =	vst v8;
	v54 =	vmul.f32 v50, v14;
	v14 =	vadd.f32 v45, v48;
	(erf) = vrcp.f32 v15;
	v8 =	vpop (erf)  }
0x48f: {  	v11 =	vmul.f32 v46, v11;
	v57 =	vld [tilespmem:s14+$0x40];
	(erf) = vrcp.f32 v16;
	v56 =	vpop (erf)  }
0x490: {  	v61 =	vld [tilespmem:s29+$0x50];
	v58 =	vsub.f32 $0.0e+00, v14;
	(erf) = vrcp.f32 v9;
	v9 =	vpop (erf)  }
0x491: {  	v7 =	vmul.f32 v10, v7;
	v30 =	vld [tilespmem:s13+$0x60];
	[tilespmem:s29+$0x40] =	vst v11;
	v16 =	vadd.f32 $1.000000000e+00, v56;
	v60 =	vpop (erf)  }
0x492: {  	v63 =	vld [tilespmem:s16+$0x50];
	[tilespmem:s13+$0x50] =	vst v54;
	v20 =	vmul.f32 $1.442695020e+00, v58;
	v12 =	vmul.f32 v60, v12;
	v62 =	vpop (erf)  }
0x493: {  	v15 =	vadd.f32 v53, v55;
	v59 =	vld [tilespmem:s1+$0x60];
	(erf) = vrcp.f32 v16;
	v29 =	vadd.f32 $1.000000000e+00, v62  }
0x494: {  	v31 =	vld [tilespmem:s3+$0x70];
	v16 =	vadd.f32 v51, v57;
	(erf) = vpow2.f32 v20;
	[tilespmem:s3+$0x60] =	vst v12  }
0x495: {  	[tilespmem:s3+$0xFFFFFFE0] =	vst v7;
	v19 =	vsub.f32 $0.0e+00, v15;
	v32 =	vld [tilespmem:s0+$0x70];
	(erf) = vrcp.f32 v29  }
0x496: {  	v33 =	vld [tilespmem:s0+$0xFFFFFFF0];
	v36 =	vsub.f32 $0.0e+00, v16  }
0x497: {  	v35 =	vld [tilespmem:s3+$0xFFFFFFF0];
	v19 =	vmul.f32 $1.442695020e+00, v19;
	v20 =	vadd.f32 v61, v63;
	v34 =	vpop (erf)  }
0x498: {  	v26 =	vadd.f32 v30, v59;
	v25 =	vpop (erf);
	v38 =	vmul.f32 $1.442695020e+00, v36  }
0x499: {  	v18 =	vmul.f32 v34, v18;
	v39 =	vsub.f32 $0.0e+00, v20;
	(erf) = vpow2.f32 v19;
	v37 =	vpop (erf)  }
0x49a: {  	(erf) = vpow2.f32 v38;
	v10 =	vmul.f32 v37, v22;
	v7 =	vadd.f32 v31, v32  }
0x49b: {  	v40 =	vld [tilespmem:s29+$0xFFFFFFE0];
	v42 =	vsub.f32 $0.0e+00, v26;
	[tilespmem:s29+$0xFFFFFFD0] =	vst v18  }
0x49c: {  	v45 =	vld [tilespmem:s9+$0xFFFFFFD0];
	v43 =	vmul.f32 $1.442695020e+00, v39;
	v44 =	vpop (erf);
	[tilespmem:s9+$0xFFFFFFC0] =	vst v10;
	v10 =	vadd.f32 v35, v33;
	v47 =	vsub.f32 $0.0e+00, v7  }
0x49d: {  	v19 =	vmul.f32 $1.442695020e+00, v42;
	v41 =	vld [tilespmem:s16+$0xFFFFFFE0];
	v46 =	vmul.f32 v44, v21;
	v48 =	vpop (erf)  }
0x49e: {  	(erf) = vpow2.f32 v43;
	v49 =	vld [tilespmem:s14+$0xFFFFFFD0];
	v51 =	vsub.f32 $0.0e+00, v10;
	v52 =	vmul.f32 $1.442695020e+00, v47;
	v50 =	vpop (erf)  }
0x49f: {  	v53 =	vld [tilespmem:s30+$0xFFFFFFC0];
	(erf) = vpow2.f32 v19;
	v54 =	vadd.f32 $1.000000000e+00, v48;
	[tilespmem:s30+$0xFFFFFFB0] =	vst v46;
	v11 =	vmul.f32 v50, v24  }
0x4a0: {  	v55 =	vmul.f32 $1.442695020e+00, v51;
	v56 =	vld [tilespmem:s20+$0xFFFFFFC0];
	(erf) = vpow2.f32 v52  }
0x4a1: {  	v57 =	vld [tilespmem:s23+$0xFFFFFFB0];
	(erf) = vrcp.f32 v54;
	[tilespmem:s23+$0xFFFFFFA0] =	vst v11  }
0x4a2: {  	v17 =	vadd.f32 v40, v41;
	v60 =	vpop (erf);
	(erf) = vpow2.f32 v55;
	v58 =	vld [tilespmem:s24+$0xFFFFFFB0]  }
0x4a3: {  	v19 =	vadd.f32 v45, v49;
	v22 =	vadd.f32 $1.000000000e+00, v60;
	v61 =	vpop (erf)  }
0x4a4: {  	v59 =	vsub.f32 $0.0e+00, v17;
	v23 =	vadd.f32 $1.000000000e+00, v61  }
0x4a5: {  	v27 =	vsub.f32 $0.0e+00, v19;
	(erf) = vrcp.f32 v22;
	v18 =	vadd.f32 v53, v56  }
0x4a6: {  	v21 =	vmul.f32 $1.442695020e+00, v59;
	(erf) = vrcp.f32 v23  }
0x4a7: {  	v63 =	vpop (erf);
	v62 =	vmul.f32 $1.442695020e+00, v27;
	v24 =	vsub.f32 $0.0e+00, v18;
	v27 =	vadd.f32 v57, v58  }
0x4a8: {  	v30 =	vadd.f32 $1.000000000e+00, v63;
	v31 =	vpop (erf);
	(erf) = vpow2.f32 v21  }
0x4a9: {  	(erf) = vpow2.f32 v62;
	v32 =	vmul.f32 $1.442695020e+00, v24;
	v34 =	vpop (erf);
	v33 =	vsub.f32 $0.0e+00, v27  }
0x4aa: {  	(erf) = vrcp.f32 v30;
	v35 =	vpop (erf);
	v36 =	vadd.f32 $1.000000000e+00, v34  }
0x4ab: {  	(erf) = vpow2.f32 v32;
	v38 =	vpop (erf);
	v37 =	vmul.f32 $1.442695020e+00, v33  }
0x4ac: {  	v22 =	vadd.f32 $1.000000000e+00, v38;
	(erf) = vrcp.f32 v36  }
0x4ad: {  	v39 =	vadd.f32 $1.000000000e+00, v31;
	(erf) = vpow2.f32 v37  }
0x4ae: {  	(erf) = vrcp.f32 v22  }
0x4af: {  	v13 =	vmul.f32 v25, v13;
	v40 =	vpop (erf);
	(erf) = vrcp.f32 v39  }
0x4b0: {  	v41 =	vpop (erf)  }
0x4b1: {  	[tilespmem:s13+$0xFFFFFFE0] =	vst v13;
	v42 =	vpop (erf)  }
0x4b2: {  	v46 =	vld [tilespmem:s1+$0xFFFFFFF0];
	v14 =	vmul.f32 v35, v14;
	v43 =	vpop (erf)  }
0x4b3: {  	v50 =	vld [tilespmem:s30+$0x40];
	v45 =	vmul.f32 v40, v15;
	v29 =	vpop (erf)  }
0x4b4: {  	v52 =	vld [tilespmem:s23+$0x30];
	[tilespmem:s23+$0x20] =	vst v14;
	v47 =	vadd.f32 $1.000000000e+00, v43;
	v30 =	vpop (erf)  }
0x4b5: {  	v54 =	vld [tilespmem:s24+$0x30];
	[tilespmem:s30+$0x30] =	vst v45;
	v49 =	vadd.f32 $1.000000000e+00, v42;
	v12 =	vpop (erf)  }
0x4b6: {  	v53 =	vmul.f32 v41, v16;
	v55 =	vld [tilespmem:s20+$0x40];
	(erf) = vrcp.f32 v47;
	v51 =	vadd.f32 $1.000000000e+00, v30;
	v31 =	vpop (erf)  }
0x4b7: {  	v60 =	vld [tilespmem:s29+$0x60];
	(erf) = vrcp.f32 v49;
	v11 =	vpop (erf)  }
0x4b8: {  	v58 =	vld [tilespmem:s9+$0x50];
	[tilespmem:s9+$0x40] =	vst v53;
	v20 =	vmul.f32 v29, v20;
	(erf) = vrcp.f32 v51;
	v56 =	vadd.f32 $1.000000000e+00, v31;
	v44 =	vpop (erf)  }
0x4b9: {  	v59 =	vld [tilespmem:s14+$0x50];
	v25 =	vmul.f32 v44, v26  }
0x4ba: {  	v61 =	vld [tilespmem:s13+$0x70];
	v21 =	vadd.f32 v52, v54;
	[tilespmem:s29+$0x50] =	vst v20;
	(erf) = vrcp.f32 v56  }
0x4bb: {  	v57 =	vld [tilespmem:s16+$0x60];
	v23 =	vadd.f32 v50, v55;
	[tilespmem:s13+$0x60] =	vst v25  }
0x4bc: {  	v63 =	vsub.f32 $0.0e+00, v21;
	v48 =	vld [tilespmem:s1+$0x70]  }
0x4bd: {  	v62 =	vld [tilespmem:s13+$0xFFFFFFF0];
	v33 =	vsub.f32 $0.0e+00, v23  }
0x4be: {  	v20 =	vadd.f32 v58, v59;
	v34 =	vmul.f32 $1.442695020e+00, v63  }
0x4bf: {  	v36 =	vmul.f32 $1.442695020e+00, v33;
	v32 =	vpop (erf)  }
0x4c0: {  	v38 =	vsub.f32 $0.0e+00, v20;
	v30 =	vadd.f32 v60, v57;
	(erf) = vpow2.f32 v34;
	v28 =	vpop (erf)  }
0x4c1: {  	(erf) = vpow2.f32 v36;
	v19 =	vmul.f32 v32, v19;
	v35 =	vpop (erf);
	v14 =	vadd.f32 v61, v48  }
0x4c2: {  	v13 =	vadd.f32 v62, v46;
	v37 =	vld [tilespmem:s9+$0xFFFFFFE0];
	v40 =	vsub.f32 $0.0e+00, v30;
	v18 =	vmul.f32 v35, v18  }
0x4c3: {  	v43 =	vld [tilespmem:s30+$0xFFFFFFD0];
	v42 =	vmul.f32 $1.442695020e+00, v38;
	[tilespmem:s9+$0xFFFFFFD0] =	vst v19;
	v41 =	vpop (erf);
	v44 =	vsub.f32 $0.0e+00, v14  }
0x4c4: {  	v45 =	vsub.f32 $0.0e+00, v13;
	v22 =	vmul.f32 $1.442695020e+00, v40;
	v39 =	vld [tilespmem:s14+$0xFFFFFFE0];
	[tilespmem:s30+$0xFFFFFFC0] =	vst v18;
	v16 =	vmul.f32 v41, v27  }
0x4c5: {  	(erf) = vpow2.f32 v42;
	v46 =	vld [tilespmem:s20+$0xFFFFFFD0];
	v47 =	vmul.f32 $1.442695020e+00, v44  }
0x4c6: {  	v49 =	vld [tilespmem:s23+$0xFFFFFFC0];
	(erf) = vpow2.f32 v22;
	v48 =	vmul.f32 $1.442695020e+00, v45;
	[tilespmem:s23+$0xFFFFFFB0] =	vst v16  }
0x4c7: {  	v50 =	vld [tilespmem:s24+$0xFFFFFFC0];
	(erf) = vpow2.f32 v47  }
0x4c8: {  	(erf) = vpow2.f32 v48  }
0x4c9: {  	v51 =	vpop (erf);
	v26 =	vadd.f32 v37, v39  }
0x4ca: {  	v52 =	vpop (erf);
	v16 =	vadd.f32 $1.000000000e+00, v51;
	v18 =	vadd.f32 v43, v46  }
0x4cb: {  	v19 =	vadd.f32 $1.000000000e+00, v52;
	v15 =	vsub.f32 $0.0e+00, v26  }
0x4cc: {  	v24 =	vsub.f32 $0.0e+00, v18;
	v22 =	vadd.f32 v49, v50  }
0x4cd: {  	v15 =	vmul.f32 $1.442695020e+00, v15;
	(erf) = vrcp.f32 v16  }
0x4ce: {  	v54 =	vpop (erf);
	(erf) = vrcp.f32 v19;
	v53 =	vmul.f32 $1.442695020e+00, v24;
	v55 =	vsub.f32 $0.0e+00, v22  }
0x4cf: {  	v56 =	vpop (erf);
	v19 =	vadd.f32 $1.000000000e+00, v54;
	(erf) = vpow2.f32 v15  }
0x4d0: {  	(erf) = vpow2.f32 v53;
	v57 =	vmul.f32 $1.442695020e+00, v55;
	v58 =	vpop (erf)  }
0x4d1: {  	(erf) = vrcp.f32 v19;
	v59 =	vadd.f32 $1.000000000e+00, v58;
	v60 =	vpop (erf)  }
0x4d2: {  	(erf) = vpow2.f32 v57;
	v61 =	vadd.f32 $1.000000000e+00, v60  }
0x4d3: {  	v15 =	vadd.f32 $1.000000000e+00, v56;
	(erf) = vrcp.f32 v59  }
0x4d4: {  	(erf) = vrcp.f32 v61  }
0x4d5: {  	(erf) = vrcp.f32 v15  }
0x4d6: {  	v62 =	vpop (erf)  }
0x4d7: {  	v17 =	vmul.f32 v28, v17;
	v63 =	vpop (erf)  }
0x4d8: {  	v33 =	vpop (erf)  }
0x4d9: {  	[tilespmem:s29+$0xFFFFFFE0] =	vst v17;
	v34 =	vpop (erf)  }
0x4da: {  	v39 =	vld [tilespmem:s16+$0xFFFFFFF0];
	v35 =	vpop (erf)  }
0x4db: {  	v47 =	vld [tilespmem:s30+$0x50];
	v38 =	vmul.f32 v62, v21;
	v40 =	vadd.f32 $1.000000000e+00, v34;
	v36 =	vpop (erf)  }
0x4dc: {  	v43 =	vld [tilespmem:s23+$0x40];
	v23 =	vmul.f32 v63, v23;
	v42 =	vadd.f32 $1.000000000e+00, v33;
	v16 =	vpop (erf)  }
0x4dd: {  	v49 =	vld [tilespmem:s9+$0x60];
	[tilespmem:s23+$0x30] =	vst v38;
	(erf) = vrcp.f32 v40;
	v44 =	vadd.f32 $1.000000000e+00, v36;
	v15 =	vpop (erf)  }
0x4de: {  	v45 =	vld [tilespmem:s24+$0x40];
	[tilespmem:s30+$0x40] =	vst v23;
	v20 =	vmul.f32 v35, v20;
	(erf) = vrcp.f32 v42;
	v37 =	vpop (erf)  }
0x4df: {  	v48 =	vld [tilespmem:s20+$0x50];
	(erf) = vrcp.f32 v44;
	v28 =	vmul.f32 v37, v30  }
0x4e0: {  	v50 =	vld [tilespmem:s29+$0x70];
	[tilespmem:s9+$0x50] =	vst v20  }
0x4e1: {  	v46 =	vld [tilespmem:s14+$0x60];
	[tilespmem:s29+$0x60] =	vst v28  }
0x4e2: {  	v41 =	vld [tilespmem:s16+$0x70]  }
0x4e3: {  	v51 =	vld [tilespmem:s29+$0xFFFFFFF0];
	v24 =	vadd.f32 v43, v45  }
0x4e4: {  	v21 =	vadd.f32 v47, v48  }
0x4e5: {  	v25 =	vsub.f32 $0.0e+00, v24  }
0x4e6: {  	v55 =	vsub.f32 $0.0e+00, v21;
	v23 =	vadd.f32 v49, v46;
	v52 =	vpop (erf)  }
0x4e7: {  	v25 =	vmul.f32 $1.442695020e+00, v25;
	v53 =	vmul.f32 v52, v18;
	v54 =	vpop (erf);
	v18 =	vadd.f32 v50, v41  }
0x4e8: {  	v17 =	vadd.f32 v51, v39;
	v59 =	vmul.f32 $1.442695020e+00, v55;
	v56 =	vsub.f32 $0.0e+00, v23;
	v32 =	vpop (erf)  }
0x4e9: {  	v58 =	vld [tilespmem:s30+$0xFFFFFFE0];
	(erf) = vpow2.f32 v25;
	v57 =	vmul.f32 v32, v22;
	v27 =	vsub.f32 $0.0e+00, v18  }
0x4ea: {  	v60 =	vsub.f32 $0.0e+00, v17;
	v62 =	vld [tilespmem:s23+$0xFFFFFFD0];
	v19 =	vmul.f32 $1.442695020e+00, v56;
	[tilespmem:s30+$0xFFFFFFD0] =	vst v53  }
0x4eb: {  	(erf) = vpow2.f32 v59;
	v61 =	vld [tilespmem:s20+$0xFFFFFFE0];
	[tilespmem:s23+$0xFFFFFFC0] =	vst v57;
	v63 =	vmul.f32 $1.442695020e+00, v27  }
0x4ec: {  	v32 =	vmul.f32 $1.442695020e+00, v60;
	(erf) = vpow2.f32 v19;
	v33 =	vld [tilespmem:s24+$0xFFFFFFD0]  }
0x4ed: {  	(erf) = vpow2.f32 v63  }
0x4ee: {  	(erf) = vpow2.f32 v32;
	_ =	sdelay $0x1  }
0x4ef: {  	v22 =	vadd.f32 v58, v61  }
0x4f0: {  	v34 =	vadd.f32 v62, v33  }
0x4f1: {  	v36 =	vpop (erf);
	v35 =	vsub.f32 $0.0e+00, v22  }
0x4f2: {  	v20 =	vadd.f32 $1.000000000e+00, v36;
	v37 =	vsub.f32 $0.0e+00, v34  }
0x4f3: {  	v38 =	vpop (erf);
	v19 =	vmul.f32 $1.442695020e+00, v35  }
0x4f4: {  	(erf) = vrcp.f32 v20;
	v39 =	vpop (erf);
	v27 =	vmul.f32 $1.442695020e+00, v37  }
0x4f5: {  	v28 =	vadd.f32 $1.000000000e+00, v38;
	(erf) = vpow2.f32 v19;
	v40 =	vpop (erf)  }
0x4f6: {  	(erf) = vpow2.f32 v27;
	v19 =	vadd.f32 $1.000000000e+00, v40;
	v41 =	vpop (erf)  }
0x4f7: {  	(erf) = vrcp.f32 v28;
	v27 =	vadd.f32 $1.000000000e+00, v41  }
0x4f8: {  	v20 =	vadd.f32 $1.000000000e+00, v39;
	(erf) = vrcp.f32 v19  }
0x4f9: {  	(erf) = vrcp.f32 v27  }
0x4fa: {  	(erf) = vrcp.f32 v20;
	_ =	sdelay $0x2  }
0x4fb: {  	v42 =	vpop (erf)  }
0x4fc: {  	v43 =	vpop (erf)  }
0x4fd: {  	v44 =	vpop (erf)  }
0x4fe: {  	v51 =	vld [tilespmem:s30+$0x60];
	v45 =	vpop (erf)  }
0x4ff: {  	v48 =	vld [tilespmem:s9+$0xFFFFFFF0];
	v26 =	vmul.f32 v54, v26;
	v20 =	vpop (erf)  }
0x500: {  	v49 =	vld [tilespmem:s23+$0x50];
	v24 =	vmul.f32 v42, v24;
	v47 =	vadd.f32 $1.000000000e+00, v44;
	v19 =	vpop (erf)  }
0x501: {  	v52 =	vld [tilespmem:s9+$0x70];
	[tilespmem:s9+$0xFFFFFFE0] =	vst v26;
	v21 =	vmul.f32 v45, v21;
	v46 =	vpop (erf)  }
0x502: {  	v26 =	vld [tilespmem:s14+$0xFFFFFFF0];
	[tilespmem:s23+$0x40] =	vst v24;
	(erf) = vrcp.f32 v47;
	v23 =	vmul.f32 v46, v23  }
0x503: {  	v50 =	vld [tilespmem:s24+$0x50];
	[tilespmem:s30+$0x50] =	vst v21  }
0x504: {  	v21 =	vld [tilespmem:s20+$0x60];
	[tilespmem:s9+$0x60] =	vst v23  }
0x505: {  	v23 =	vld [tilespmem:s14+$0x70];
	_ =	sdelay $0x2  }
0x506: {  	v24 =	vadd.f32 v49, v50  }
0x507: {  	v26 =	vadd.f32 v48, v26;
	v21 =	vadd.f32 v51, v21  }
0x508: {  	v54 =	vsub.f32 $0.0e+00, v24;
	v23 =	vadd.f32 v52, v23  }
0x509: {  	v28 =	vadd.f32 $1.000000000e+00, v43;
	v55 =	vsub.f32 $0.0e+00, v21;
	v53 =	vpop (erf)  }
0x50a: {  	v29 =	vmul.f32 $1.442695020e+00, v54;
	v25 =	vmul.f32 v53, v34;
	v56 =	vsub.f32 $0.0e+00, v23  }
0x50b: {  	v57 =	vsub.f32 $0.0e+00, v26;
	(erf) = vrcp.f32 v28;
	v58 =	vmul.f32 $1.442695020e+00, v55  }
0x50c: {  	v59 =	vld [tilespmem:s23+$0xFFFFFFE0];
	(erf) = vpow2.f32 v29;
	[tilespmem:s23+$0xFFFFFFD0] =	vst v25;
	v60 =	vmul.f32 $1.442695020e+00, v56  }
0x50d: {  	v61 =	vmul.f32 $1.442695020e+00, v57;
	(erf) = vpow2.f32 v58;
	v62 =	vld [tilespmem:s24+$0xFFFFFFE0]  }
0x50e: {  	(erf) = vpow2.f32 v60  }
0x50f: {  	(erf) = vpow2.f32 v61;
	_ =	sdelay $0x2  }
0x510: {  	v63 =	vadd.f32 v59, v62;
	_ =	sdelay $0x1  }
0x511: {  	v33 =	vpop (erf);
	v34 =	vsub.f32 $0.0e+00, v63  }
0x512: {  	v35 =	vpop (erf)  }
0x513: {  	v36 =	vpop (erf);
	v28 =	vmul.f32 $1.442695020e+00, v34  }
0x514: {  	v29 =	vadd.f32 $1.000000000e+00, v35;
	v37 =	vpop (erf)  }
0x515: {  	(erf) = vpow2.f32 v28;
	v38 =	vadd.f32 $1.000000000e+00, v37;
	v39 =	vpop (erf)  }
0x516: {  	(erf) = vrcp.f32 v29;
	v40 =	vadd.f32 $1.000000000e+00, v39  }
0x517: {  	v30 =	vadd.f32 $1.000000000e+00, v36;
	(erf) = vrcp.f32 v38  }
0x518: {  	(erf) = vrcp.f32 v40  }
0x519: {  	(erf) = vrcp.f32 v30;
	_ =	sdelay $0x4  }
0x51a: {  	v41 =	vpop (erf)  }
0x51b: {  	v42 =	vpop (erf)  }
0x51c: {  	v43 =	vpop (erf)  }
0x51d: {  	v22 =	vmul.f32 v33, v22;
	v44 =	vpop (erf)  }
0x51e: {  	v48 =	vld [tilespmem:s23+$0x60];
	v46 =	vmul.f32 v42, v24;
	v45 =	vpop (erf)  }
0x51f: {  	v49 =	vld [tilespmem:s30+$0x70];
	[tilespmem:s30+$0xFFFFFFE0] =	vst v22;
	v21 =	vmul.f32 v45, v21  }
0x520: {  	v50 =	vld [tilespmem:s30+$0xFFFFFFF0];
	[tilespmem:s23+$0x50] =	vst v46  }
0x521: {  	v22 =	vld [tilespmem:s24+$0x60];
	[tilespmem:s30+$0x60] =	vst v21  }
0x522: {  	v21 =	vld [tilespmem:s20+$0x70]  }
0x523: {  	v47 =	vld [tilespmem:s20+$0xFFFFFFF0];
	_ =	sdelay $0x2  }
0x524: {  	v22 =	vadd.f32 v48, v22  }
0x525: {  	v21 =	vadd.f32 v49, v21  }
0x526: {  	v24 =	vadd.f32 v50, v47;
	v27 =	vsub.f32 $0.0e+00, v22  }
0x527: {  	v28 =	vadd.f32 $1.000000000e+00, v41;
	v29 =	vsub.f32 $0.0e+00, v21  }
0x528: {  	v32 =	vsub.f32 $0.0e+00, v24;
	v27 =	vmul.f32 $1.442695020e+00, v27  }
0x529: {  	(erf) = vrcp.f32 v28;
	v51 =	vmul.f32 $1.442695020e+00, v29  }
0x52a: {  	v52 =	vmul.f32 $1.442695020e+00, v32;
	(erf) = vpow2.f32 v27  }
0x52b: {  	(erf) = vpow2.f32 v51  }
0x52c: {  	(erf) = vpow2.f32 v52;
	_ =	sdelay $0x5  }
0x52d: {  	v53 =	vpop (erf)  }
0x52e: {  	v54 =	vpop (erf)  }
0x52f: {  	v55 =	vpop (erf)  }
0x530: {  	v29 =	vadd.f32 $1.000000000e+00, v55;
	v56 =	vpop (erf)  }
0x531: {  	v32 =	vadd.f32 $1.000000000e+00, v56  }
0x532: {  	v28 =	vadd.f32 $1.000000000e+00, v54;
	(erf) = vrcp.f32 v29  }
0x533: {  	(erf) = vrcp.f32 v32  }
0x534: {  	(erf) = vrcp.f32 v28;
	_ =	sdelay $0x6  }
0x535: {  	v57 =	vpop (erf)  }
0x536: {  	v58 =	vpop (erf)  }
0x537: {  	v59 =	vpop (erf)  }
0x538: {  	v22 =	vmul.f32 v59, v22  }
0x539: {  	v60 =	vld [tilespmem:s23+$0x70];
	v25 =	vmul.f32 v53, v63  }
0x53a: {  	v61 =	vld [tilespmem:s23+$0xFFFFFFF0];
	[tilespmem:s23+$0x60] =	vst v22  }
0x53b: {  	[tilespmem:s23+$0xFFFFFFE0] =	vst v25;
	v22 =	vld [tilespmem:s24+$0x70]  }
0x53c: {  	v25 =	vld [tilespmem:s24+$0xFFFFFFF0];
	_ =	sdelay $0x3  }
0x53d: {  	v22 =	vadd.f32 v60, v22  }
0x53e: {  	v25 =	vadd.f32 v61, v25  }
0x53f: {  	v27 =	vsub.f32 $0.0e+00, v22  }
0x540: {  	v32 =	vsub.f32 $0.0e+00, v25  }
0x541: {  	v27 =	vmul.f32 $1.442695020e+00, v27  }
0x542: {  	v32 =	vmul.f32 $1.442695020e+00, v32  }
0x543: {  	(erf) = vpow2.f32 v27  }
0x544: {  	(erf) = vpow2.f32 v32;
	_ =	sdelay $0x6  }
0x545: {  	v2 =	vmul.f32 v4, v2  }
0x546: {  	v1 =	vmul.f32 v5, v1;
	v62 =	vpop (erf)  }
0x547: {  	[tilespmem:s31+$0x70] =	vst v2;
	v2 =	vmul.f32 v8, v6;
	v4 =	vadd.f32 $1.000000000e+00, v62;
	v63 =	vpop (erf)  }
0x548: {  	[tilespmem:s31+$0xFFFFFFF0] =	vst v1;
	v1 =	vmul.f32 v9, v3;
	v3 =	vadd.f32 $1.000000000e+00, v63  }
0x549: {  	[tilespmem:s15+$0x70] =	vst v2;
	v2 =	vmul.f32 v12, v7;
	(erf) = vrcp.f32 v4  }
0x54a: {  	[tilespmem:s15+$0xFFFFFFF0] =	vst v1;
	v1 =	vmul.f32 v11, v10;
	(erf) = vrcp.f32 v3  }
0x54b: {  	[tilespmem:s3+$0x70] =	vst v2;
	v2 =	vmul.f32 v16, v14  }
0x54c: {  	[tilespmem:s3+$0xFFFFFFF0] =	vst v1;
	v1 =	vmul.f32 v15, v13  }
0x54d: {  	[tilespmem:s13+$0x70] =	vst v2;
	v2 =	vmul.f32 v20, v18  }
0x54e: {  	[tilespmem:s13+$0xFFFFFFF0] =	vst v1;
	v1 =	vmul.f32 v19, v17  }
0x54f: {  	[tilespmem:s29+$0x70] =	vst v2;
	v2 =	vmul.f32 v43, v23  }
0x550: {  	[tilespmem:s29+$0xFFFFFFF0] =	vst v1;
	v1 =	vmul.f32 v44, v26  }
0x551: {  	[tilespmem:s9+$0x70] =	vst v2;
	v2 =	vmul.f32 v57, v21  }
0x552: {  	[tilespmem:s9+$0xFFFFFFF0] =	vst v1;
	v1 =	vmul.f32 v58, v24;
	v3 =	vpop (erf)  }
0x553: {  	[tilespmem:s30+$0x70] =	vst v2;
	v2 =	vmul.f32 v3, v22;
	v3 =	vpop (erf)  }
0x554: {  	[tilespmem:s30+$0xFFFFFFF0] =	vst v1;
	v1 =	vmul.f32 v3, v25  }
0x555: {  	[tilespmem:s23+$0x70] =	vst v2  }
0x556: {  	[tilespmem:s23+$0xFFFFFFF0] =	vst v1  }
0x557: {  	_ =	swait.ge [sflag:s22], $0x2800  }
0x558: {  	s18 =	sadd.s32 s7, s8;
	[sflag:s22] =	ssyncset.done $0x0  }
0x559: {  	s21 =	simm.s32 $0x7;
	s20 =	simm.s32 $0x100;
	[sflag:s22] =	ssyncadd.s32 $0xFFFFD800  }
0x55a: {  	[tilespmem:s20], [sflag:$0x9] =	stream.linear.gather [hbm4b:s18+s2], $0x50, $0x38;
	[tilespmem:$0x1DA80] =	vst v63  }
0x55b: {  	_ =	swait.ge [sflag:s21], $0x50  }
0x55c: {  	[sflag:s21] =	ssyncset.done $0x0  }
0x55d: {  	s24 =	sshll.u32 s28, $0x4;
	s23 =	simm.s32 $0x200;
	[sflag:s21] =	ssyncadd.s32 $0xFFFFFFB0  }
0x55e: {  	[tilespmem:s23], [sflag:$0x1] =	stream.indirect.gather [hbm4b:s4+s12], $0x80, s2, s12, $0xb8;
	[tilespmem:$0x1DA80] =	vst v63  }
0x55f: {  	s30 =	simm.s32 $0xA;
	s0 =	sadd.s32 s5, s24;
	s18 =	simm.s32 $0x5200  }
0x560: {  	[tilespmem:s18], [sflag:$0x3] =	stream.linear.gather [hbm4b:s0+s2], $0x2800, $0x38;
	[tilespmem:$0x1DA80] =	vst v63  }
0x561: {  	_ =	swait.ge [sflag:s30], $0x50  }
0x562: {  	[sflag:s30] =	ssyncset.done $0x0  }
0x563: {  	s31 =	simm.s32 $0x6;
	s29 =	simm.s32 $0x7A00;
	[sflag:s30] =	ssyncadd.s32 $0xFFFFFFB0  }
.Ltmp3:
0x564: {  	s28 =	simm.s32 $0x180;
	s0 =	rddreg [dreg:$0x1];
	(pc) =	sbr.rel @p1 .LBB2_10-.Ltmp3, $4  }
0x565: {  	[spmem:s0] =	stream.indirect.scatter.add.f32 [tilespmem:s29], [sflag:$0x6], $0x80, s28, s12, $0xb8;
	[tilespmem:$0x1DA80] =	vst v63  }
0x566: {  	_ =	swait.ge [sflag:s31], $0x2800  }
0x567: {  	[sflag:s31] =	ssyncset.done $0x0  }
0x568: {  	[sflag:s31] =	ssyncadd.s32 $0xFFFFD800  }
0x569: {  	s0 =	smul.u32 $0x50, s25;
	_ =	sdelay $0x1  }
0x56a: {  	s0 =	sadd.s32 s10, s0  }
0x56b: {  	s1 =	sshrl.u32 s0, $0x3  }
0x56c: {  	s30 =	simm.s32 $0x8;
	s1 =	sadd.s32 s7, s1  }
0x56d: {  	[tilespmem:s28], [sflag:$0xA] =	stream.linear.gather [hbm4b:s1+s2], $0x50, $0x38;
	[tilespmem:$0x1DA80] =	vst v63  }
0x56e: {  	_ =	swait.ge [sflag:s30], $0x50  }
.Ltmp4:
0x56f: {  	s31 =	simm.s32 $0x80;
	[sflag:s30] =	ssyncset.done $0x0;
	(pc) =	sbr.rel .LBB2_4-.Ltmp4, $4  }
0x570: {  	s3 =	simm.s32 $0x2A00;
	s0 =	sshll.u32 s0, $0x4;
	[sflag:s30] =	ssyncadd.s32 $0xFFFFFFB0  }
0x571: {  	[tilespmem:s3], [sflag:$0x2] =	stream.indirect.gather [hbm4b:s4+s12], $0x80, s31, s12, $0xb8;
	[tilespmem:$0x1DA80] =	vst v63  }
0x572: {  	s26 =	sadd.s32 $0x1, s26;
	s0 =	sadd.s32 s5, s0  }
0x573: {  	[tilespmem:s29], [sflag:$0x4] =	stream.linear.gather [hbm4b:s0+s2], $0x2800, $0x38;
	[tilespmem:$0x1DA80] =	vst v63  }
.LBB2_10:
0x574: {  	s0 =	simm.s32 $0x1  }
0x575: {  	_ =	swait.ge [sflag:s0], $0x2800  }
0x576: {  	[sflag:s0] =	ssyncset.done $0x0  }
0x577: {  	s31 =	simm.s32 $0x3;
	[sflag:s0] =	ssyncadd.s32 $0xFFFFD800  }
0x578: {  	_ =	swait.ge [sflag:s31], $0x2800  }
0x579: {  	[sflag:s31] =	ssyncset.done $0x0  }
0x57a: {  	s8 =	simm.s32 $0x5280;
	[sflag:s31] =	ssyncadd.s32 $0xFFFFD800  }
0x57b: {  	s11 =	simm.s32 $0x280;
	v1 =	vld [tilespmem:s8+$0xFFFFFF80]  }
0x57c: {  	v2 =	vld [tilespmem:s11+$0xFFFFFF80];
	_ =	sdelay $0x4  }
0x57d: {  	v1 =	vadd.f32 v1, v2  }
0x57e: {  	v4 =	vld [tilespmem:s8+$0x0]  }
0x57f: {  	v2 =	vld [tilespmem:s11+$0x0];
	v3 =	vsub.f32 $0.0e+00, v1;
	_ =	sdelay $0x1  }
0x580: {  	v3 =	vmul.f32 $1.442695020e+00, v3;
	_ =	sdelay $0x1  }
0x581: {  	(erf) = vpow2.f32 v3  }
0x582: {  	v2 =	vadd.f32 v4, v2;
	_ =	sdelay $0x1  }
0x583: {  	v3 =	vsub.f32 $0.0e+00, v2;
	_ =	sdelay $0x1  }
0x584: {  	v3 =	vmul.f32 $1.442695020e+00, v3;
	_ =	sdelay $0x1  }
0x585: {  	(erf) = vpow2.f32 v3;
	_ =	sdelay $0x1  }
0x586: {  	v3 =	vpop (erf)  }
0x587: {  	v3 =	vadd.f32 $1.000000000e+00, v3;
	_ =	sdelay $0x1  }
0x588: {  	(erf) = vrcp.f32 v3;
	_ =	sdelay $0x3  }
0x589: {  	v3 =	vpop (erf)  }
0x58a: {  	v3 =	vadd.f32 $1.000000000e+00, v3;
	_ =	sdelay $0x1  }
0x58b: {  	(erf) = vrcp.f32 v3;
	_ =	sdelay $0x1  }
0x58c: {  	v3 =	vpop (erf)  }
0x58d: {  	v1 =	vmul.f32 v3, v1;
	_ =	sdelay $0x1  }
0x58e: {  	v3 =	vld [tilespmem:s8+$0xFFFFFF90];
	[tilespmem:s8+$0xFFFFFF80] =	vst v1  }
0x58f: {  	v1 =	vld [tilespmem:s11+$0xFFFFFF90]  }
0x590: {  	s21 =	simm.s32 $0x380  }
0x591: {  	s15 =	simm.s32 $0x5380;
	v6 =	vld [tilespmem:s21+$0xFFFFFF80]  }
0x592: {  	v4 =	vld [tilespmem:s15+$0xFFFFFF80];
	v5 =	vpop (erf)  }
0x593: {  	v7 =	vld [tilespmem:s8+$0x10];
	v2 =	vmul.f32 v5, v2  }
0x594: {  	v5 =	vld [tilespmem:s15+$0x0];
	v1 =	vadd.f32 v3, v1  }
0x595: {  	[tilespmem:s8+$0x0] =	vst v2;
	v3 =	vld [tilespmem:s21+$0x0]  }
0x596: {  	v8 =	vld [tilespmem:s11+$0x10];
	v2 =	vsub.f32 $0.0e+00, v1  }
0x597: {  	v4 =	vadd.f32 v4, v6  }
0x598: {  	v2 =	vmul.f32 $1.442695020e+00, v2  }
0x599: {  	v6 =	vsub.f32 $0.0e+00, v4  }
0x59a: {  	(erf) = vpow2.f32 v2  }
0x59b: {  	v2 =	vadd.f32 v5, v3;
	v3 =	vmul.f32 $1.442695020e+00, v6;
	v5 =	vadd.f32 v7, v8;
	_ =	sdelay $0x1  }
0x59c: {  	(erf) = vpow2.f32 v3;
	v3 =	vsub.f32 $0.0e+00, v5  }
0x59d: {  	v6 =	vsub.f32 $0.0e+00, v2  }
0x59e: {  	v3 =	vmul.f32 $1.442695020e+00, v3  }
0x59f: {  	v6 =	vmul.f32 $1.442695020e+00, v6;
	_ =	sdelay $0x1  }
0x5a0: {  	(erf) = vpow2.f32 v6  }
0x5a1: {  	(erf) = vpow2.f32 v3;
	v3 =	vpop (erf)  }
0x5a2: {  	v3 =	vadd.f32 $1.000000000e+00, v3;
	_ =	sdelay $0x3  }
0x5a3: {  	(erf) = vrcp.f32 v3;
	v3 =	vpop (erf)  }
0x5a4: {  	v3 =	vadd.f32 $1.000000000e+00, v3;
	_ =	sdelay $0x1  }
0x5a5: {  	(erf) = vrcp.f32 v3;
	_ =	sdelay $0x1  }
0x5a6: {  	v3 =	vpop (erf)  }
0x5a7: {  	v3 =	vadd.f32 $1.000000000e+00, v3;
	v6 =	vpop (erf)  }
0x5a8: {  	v6 =	vadd.f32 $1.000000000e+00, v6  }
0x5a9: {  	(erf) = vrcp.f32 v3  }
0x5aa: {  	(erf) = vrcp.f32 v6  }
0x5ab: {  	v3 =	vpop (erf)  }
0x5ac: {  	v1 =	vmul.f32 v3, v1  }
0x5ad: {  	v3 =	vpop (erf)  }
0x5ae: {  	[tilespmem:s8+$0xFFFFFF90] =	vst v1;
	v1 =	vld [tilespmem:s8+$0xFFFFFFA0];
	v3 =	vmul.f32 v3, v4  }
0x5af: {  	v6 =	vld [tilespmem:s11+$0xFFFFFFA0];
	_ =	sdelay $0x1  }
0x5b0: {  	v4 =	vld [tilespmem:s15+$0xFFFFFF90];
	[tilespmem:s15+$0xFFFFFF80] =	vst v3  }
0x5b1: {  	s0 =	simm.s32 $0x480;
	v7 =	vld [tilespmem:s21+$0xFFFFFF90];
	v3 =	vpop (erf)  }
0x5b2: {  	s3 =	simm.s32 $0x5480;
	v10 =	vld [tilespmem:s0+$0x0];
	v9 =	vpop (erf)  }
0x5b3: {  	v8 =	vld [tilespmem:s3+$0xFFFFFF80];
	v5 =	vmul.f32 v9, v5;
	v1 =	vadd.f32 v1, v6  }
0x5b4: {  	v2 =	vmul.f32 v3, v2;
	v3 =	vld [tilespmem:s3+$0x0]  }
0x5b5: {  	v6 =	vld [tilespmem:s0+$0xFFFFFF80];
	[tilespmem:s8+$0x10] =	vst v5;
	v5 =	vsub.f32 $0.0e+00, v1  }
0x5b6: {  	[tilespmem:s15+$0x0] =	vst v2;
	v2 =	vadd.f32 v4, v7;
	v4 =	vld [tilespmem:s15+$0x10]  }
0x5b7: {  	v7 =	vld [tilespmem:s21+$0x10];
	v5 =	vmul.f32 $1.442695020e+00, v5  }
0x5b8: {  	v9 =	vld [tilespmem:s8+$0x20]  }
0x5b9: {  	v12 =	vld [tilespmem:s11+$0x20];
	v11 =	vsub.f32 $0.0e+00, v2;
	(erf) = vpow2.f32 v5;
	_ =	sdelay $0x1  }
0x5ba: {  	v3 =	vadd.f32 v3, v10;
	v6 =	vadd.f32 v8, v6;
	v5 =	vmul.f32 $1.442695020e+00, v11  }
0x5bb: {  	v4 =	vadd.f32 v4, v7  }
0x5bc: {  	v7 =	vsub.f32 $0.0e+00, v3;
	(erf) = vpow2.f32 v5;
	v5 =	vsub.f32 $0.0e+00, v6  }
0x5bd: {  	v8 =	vadd.f32 v9, v12;
	v9 =	vsub.f32 $0.0e+00, v4  }
0x5be: {  	v5 =	vmul.f32 $1.442695020e+00, v5  }
0x5bf: {  	v7 =	vmul.f32 $1.442695020e+00, v7  }
0x5c0: {  	(erf) = vpow2.f32 v5;
	v5 =	vmul.f32 $1.442695020e+00, v9  }
0x5c1: {  	v10 =	vsub.f32 $0.0e+00, v8;
	(erf) = vpow2.f32 v7;
	v9 =	vpop (erf)  }
0x5c2: {  	(erf) = vpow2.f32 v5;
	v5 =	vadd.f32 $1.000000000e+00, v9  }
0x5c3: {  	v7 =	vmul.f32 $1.442695020e+00, v10;
	_ =	sdelay $0x1  }
0x5c4: {  	(erf) = vpow2.f32 v7  }
0x5c5: {  	(erf) = vrcp.f32 v5;
	v5 =	vpop (erf)  }
0x5c6: {  	v5 =	vadd.f32 $1.000000000e+00, v5;
	_ =	sdelay $0x3  }
0x5c7: {  	(erf) = vrcp.f32 v5;
	v5 =	vpop (erf)  }
0x5c8: {  	v5 =	vadd.f32 $1.000000000e+00, v5;
	_ =	sdelay $0x1  }
0x5c9: {  	v7 =	vpop (erf)  }
0x5ca: {  	v9 =	vpop (erf)  }
0x5cb: {  	(erf) = vrcp.f32 v5;
	v5 =	vpop (erf)  }
0x5cc: {  	v10 =	vpop (erf)  }
0x5cd: {  	v1 =	vmul.f32 v10, v1  }
0x5ce: {  	v7 =	vadd.f32 $1.000000000e+00, v7  }
0x5cf: {  	v9 =	vadd.f32 $1.000000000e+00, v9  }
0x5d0: {  	(erf) = vrcp.f32 v7  }
0x5d1: {  	(erf) = vrcp.f32 v9;
	[tilespmem:s8+$0xFFFFFFA0] =	vst v1;
	v1 =	vpop (erf)  }
0x5d2: {  	v7 =	vld [tilespmem:s8+$0xFFFFFFB0];
	v1 =	vmul.f32 v1, v2  }
0x5d3: {  	v2 =	vld [tilespmem:s11+$0xFFFFFFB0]  }
0x5d4: {  	[tilespmem:s15+$0xFFFFFF90] =	vst v1;
	v1 =	vadd.f32 $1.000000000e+00, v5  }
0x5d5: {  	v9 =	vpop (erf);
	v5 =	vld [tilespmem:s15+$0xFFFFFFA0]  }
0x5d6: {  	v10 =	vld [tilespmem:s21+$0xFFFFFFA0];
	(erf) = vrcp.f32 v1;
	v1 =	vmul.f32 v9, v6  }
0x5d7: {  	s1 =	simm.s32 $0x580  }
0x5d8: {  	v13 =	vld [tilespmem:s1+$0x0];
	v2 =	vadd.f32 v7, v2  }
0x5d9: {  	v6 =	vld [tilespmem:s3+$0xFFFFFF90];
	v7 =	vpop (erf);
	[tilespmem:s3+$0xFFFFFF80] =	vst v1  }
0x5da: {  	s13 =	simm.s32 $0x5580;
	v3 =	vmul.f32 v7, v3;
	v11 =	vsub.f32 $0.0e+00, v2;
	v12 =	vld [tilespmem:s0+$0xFFFFFF90];
	v1 =	vpop (erf)  }
0x5db: {  	v9 =	vld [tilespmem:s13+$0xFFFFFF80];
	v1 =	vmul.f32 v1, v4;
	v4 =	vadd.f32 v5, v10  }
0x5dc: {  	[tilespmem:s3+$0x0] =	vst v3;
	v3 =	vld [tilespmem:s3+$0x10];
	v7 =	vmul.f32 $1.442695020e+00, v11  }
0x5dd: {  	v10 =	vld [tilespmem:s1+$0xFFFFFF80];
	[tilespmem:s15+$0x10] =	vst v1;
	v1 =	vsub.f32 $0.0e+00, v4  }
0x5de: {  	v5 =	vld [tilespmem:s13+$0x0];
	(erf) = vpow2.f32 v7  }
0x5df: {  	v6 =	vadd.f32 v6, v12;
	v12 =	vld [tilespmem:s0+$0x10];
	v1 =	vmul.f32 $1.442695020e+00, v1  }
0x5e0: {  	v11 =	vld [tilespmem:s15+$0x20];
	v7 =	vpop (erf)  }
0x5e1: {  	v7 =	vmul.f32 v7, v8;
	v8 =	vld [tilespmem:s21+$0x20];
	v14 =	vsub.f32 $0.0e+00, v6;
	(erf) = vpow2.f32 v1  }
0x5e2: {  	v1 =	vadd.f32 v9, v10  }
0x5e3: {  	v5 =	vadd.f32 v5, v13;
	[tilespmem:s8+$0x20] =	vst v7;
	v7 =	vmul.f32 $1.442695020e+00, v14  }
0x5e4: {  	v10 =	vsub.f32 $0.0e+00, v1;
	v3 =	vadd.f32 v3, v12  }
0x5e5: {  	v9 =	vld [tilespmem:s8+$0x30];
	v13 =	vsub.f32 $0.0e+00, v5;
	(erf) = vpow2.f32 v7  }
0x5e6: {  	v14 =	vld [tilespmem:s11+$0x30];
	v7 =	vmul.f32 $1.442695020e+00, v10;
	v8 =	vadd.f32 v11, v8;
	v11 =	vsub.f32 $0.0e+00, v3  }
0x5e7: {  	v10 =	vmul.f32 $1.442695020e+00, v13;
	v12 =	vpop (erf)  }
0x5e8: {  	(erf) = vpow2.f32 v7;
	v12 =	vadd.f32 $1.000000000e+00, v12  }
0x5e9: {  	(erf) = vpow2.f32 v10;
	v10 =	vmul.f32 $1.442695020e+00, v11  }
0x5ea: {  	v7 =	vsub.f32 $0.0e+00, v8;
	(erf) = vrcp.f32 v12;
	v11 =	vpop (erf)  }
0x5eb: {  	v9 =	vadd.f32 v9, v14;
	(erf) = vpow2.f32 v10;
	v10 =	vadd.f32 $1.000000000e+00, v11  }
0x5ec: {  	v7 =	vmul.f32 $1.442695020e+00, v7  }
0x5ed: {  	v11 =	vsub.f32 $0.0e+00, v9  }
0x5ee: {  	(erf) = vpow2.f32 v7  }
0x5ef: {  	(erf) = vrcp.f32 v10;
	v7 =	vmul.f32 $1.442695020e+00, v11;
	v10 =	vpop (erf)  }
0x5f0: {  	v10 =	vadd.f32 $1.000000000e+00, v10;
	_ =	sdelay $0x2  }
0x5f1: {  	(erf) = vpow2.f32 v7;
	v7 =	vpop (erf)  }
0x5f2: {  	(erf) = vrcp.f32 v10;
	v10 =	vpop (erf)  }
0x5f3: {  	v11 =	vpop (erf)  }
0x5f4: {  	v2 =	vmul.f32 v11, v2  }
0x5f5: {  	v7 =	vadd.f32 $1.000000000e+00, v7  }
0x5f6: {  	v11 =	vpop (erf)  }
0x5f7: {  	(erf) = vrcp.f32 v7;
	v12 =	vpop (erf)  }
0x5f8: {  	v7 =	vadd.f32 $1.000000000e+00, v10;
	[tilespmem:s8+$0xFFFFFFB0] =	vst v2;
	v2 =	vpop (erf)  }
0x5f9: {  	v10 =	vld [tilespmem:s8+$0xFFFFFFC0];
	v2 =	vmul.f32 v2, v4;
	v4 =	vadd.f32 $1.000000000e+00, v11  }
0x5fa: {  	v11 =	vld [tilespmem:s11+$0xFFFFFFC0]  }
0x5fb: {  	(erf) = vrcp.f32 v7;
	[tilespmem:s15+$0xFFFFFFA0] =	vst v2;
	v2 =	vld [tilespmem:s15+$0xFFFFFFB0]  }
0x5fc: {  	v7 =	vpop (erf);
	(erf) = vrcp.f32 v4;
	v13 =	vld [tilespmem:s21+$0xFFFFFFB0]  }
0x5fd: {  	v12 =	vadd.f32 $1.000000000e+00, v12;
	v4 =	vpop (erf)  }
0x5fe: {  	v4 =	vmul.f32 v4, v6;
	v6 =	vadd.f32 $1.000000000e+00, v7  }
0x5ff: {  	(erf) = vrcp.f32 v12;
	v7 =	vadd.f32 v10, v11  }
0x600: {  	v10 =	vpop (erf);
	[tilespmem:s3+$0xFFFFFF90] =	vst v4;
	(erf) = vrcp.f32 v6;
	v4 =	vld [tilespmem:s3+$0xFFFFFFA0]  }
0x601: {  	s16 =	simm.s32 $0x680;
	v1 =	vmul.f32 v10, v1;
	v6 =	vsub.f32 $0.0e+00, v7;
	v11 =	vld [tilespmem:s0+$0xFFFFFFA0];
	v2 =	vadd.f32 v2, v13  }
0x602: {  	v15 =	vld [tilespmem:s16+$0x0]  }
0x603: {  	s25 =	simm.s32 $0x5680;
	v10 =	vld [tilespmem:s13+$0xFFFFFF90];
	[tilespmem:s13+$0xFFFFFF80] =	vst v1;
	v6 =	vmul.f32 $1.442695020e+00, v6;
	v1 =	vsub.f32 $0.0e+00, v2  }
0x604: {  	v12 =	vpop (erf);
	v13 =	vld [tilespmem:s25+$0xFFFFFF80]  }
0x605: {  	v14 =	vpop (erf);
	(erf) = vpow2.f32 v6;
	v6 =	vld [tilespmem:s1+$0xFFFFFF90];
	v1 =	vmul.f32 $1.442695020e+00, v1  }
0x606: {  	v3 =	vmul.f32 v14, v3;
	v4 =	vadd.f32 v4, v11;
	v11 =	vld [tilespmem:s16+$0xFFFFFF80]  }
0x607: {  	v5 =	vmul.f32 v12, v5;
	v14 =	vld [tilespmem:s25+$0x0]  }
0x608: {  	v12 =	vpop (erf);
	[tilespmem:s3+$0x10] =	vst v3;
	v3 =	vsub.f32 $0.0e+00, v4  }
0x609: {  	[tilespmem:s13+$0x0] =	vst v5;
	v5 =	vld [tilespmem:s13+$0x10];
	(erf) = vpow2.f32 v1;
	v1 =	vpop (erf)  }
0x60a: {  	v6 =	vadd.f32 v10, v6;
	v1 =	vmul.f32 v1, v9;
	v3 =	vmul.f32 $1.442695020e+00, v3;
	v9 =	vld [tilespmem:s1+$0x10]  }
0x60b: {  	v16 =	vld [tilespmem:s3+$0x20];
	v8 =	vmul.f32 v12, v8;
	v10 =	vadd.f32 v13, v11  }
0x60c: {  	v11 =	vsub.f32 $0.0e+00, v6;
	[tilespmem:s8+$0x30] =	vst v1;
	v1 =	vld [tilespmem:s0+$0x20];
	(erf) = vpow2.f32 v3;
	v3 =	vadd.f32 v14, v15  }
0x60d: {  	v12 =	vld [tilespmem:s8+$0x40]  }
0x60e: {  	[tilespmem:s15+$0x20] =	vst v8;
	v8 =	vld [tilespmem:s15+$0x30];
	v13 =	vpop (erf);
	v14 =	vsub.f32 $0.0e+00, v10;
	v11 =	vmul.f32 $1.442695020e+00, v11;
	v15 =	vsub.f32 $0.0e+00, v3  }
0x60f: {  	v17 =	vld [tilespmem:s21+$0x30];
	v13 =	vadd.f32 $1.000000000e+00, v13;
	v5 =	vadd.f32 v5, v9  }
0x610: {  	v9 =	vld [tilespmem:s11+$0x40];
	v14 =	vmul.f32 $1.442695020e+00, v14;
	(erf) = vpow2.f32 v11  }
0x611: {  	(erf) = vrcp.f32 v13;
	v1 =	vadd.f32 v16, v1;
	v13 =	vsub.f32 $0.0e+00, v5  }
0x612: {  	v11 =	vmul.f32 $1.442695020e+00, v15;
	v15 =	vpop (erf)  }
0x613: {  	(erf) = vpow2.f32 v14;
	v14 =	vadd.f32 $1.000000000e+00, v15;
	v15 =	vsub.f32 $0.0e+00, v1  }
0x614: {  	v8 =	vadd.f32 v8, v17;
	(erf) = vpow2.f32 v11;
	v11 =	vmul.f32 $1.442695020e+00, v13  }
0x615: {  	v9 =	vadd.f32 v12, v9;
	(erf) = vrcp.f32 v14;
	v12 =	vmul.f32 $1.442695020e+00, v15;
	v13 =	vpop (erf)  }
0x616: {  	v14 =	vsub.f32 $0.0e+00, v8;
	(erf) = vpow2.f32 v11;
	v11 =	vadd.f32 $1.000000000e+00, v13  }
0x617: {  	(erf) = vpow2.f32 v12  }
0x618: {  	(erf) = vrcp.f32 v11;
	v11 =	vmul.f32 $1.442695020e+00, v14;
	_ =	sdelay $0x2  }
0x619: {  	v12 =	vpop (erf)  }
0x61a: {  	v13 =	vsub.f32 $0.0e+00, v9;
	(erf) = vpow2.f32 v11;
	v11 =	vpop (erf)  }
0x61b: {  	v12 =	vadd.f32 $1.000000000e+00, v12;
	v7 =	vmul.f32 v11, v7  }
0x61c: {  	v13 =	vmul.f32 $1.442695020e+00, v13;
	v14 =	vpop (erf)  }
0x61d: {  	[tilespmem:s8+$0xFFFFFFC0] =	vst v7;
	v7 =	vadd.f32 $1.000000000e+00, v14  }
0x61e: {  	(erf) = vpow2.f32 v13;
	v11 =	vpop (erf)  }
0x61f: {  	v13 =	vld [tilespmem:s8+$0xFFFFFFD0];
	(erf) = vrcp.f32 v12;
	v12 =	vpop (erf)  }
0x620: {  	v2 =	vmul.f32 v12, v2;
	v12 =	vld [tilespmem:s11+$0xFFFFFFD0];
	v14 =	vpop (erf)  }
0x621: {  	(erf) = vrcp.f32 v7;
	v7 =	vpop (erf)  }
0x622: {  	[tilespmem:s15+$0xFFFFFFB0] =	vst v2;
	v2 =	vadd.f32 $1.000000000e+00, v11;
	v15 =	vpop (erf)  }
0x623: {  	v4 =	vmul.f32 v15, v4  }
0x624: {  	v14 =	vadd.f32 $1.000000000e+00, v14;
	v11 =	vld [tilespmem:s15+$0xFFFFFFC0]  }
0x625: {  	v16 =	vld [tilespmem:s21+$0xFFFFFFC0];
	(erf) = vrcp.f32 v2;
	v12 =	vadd.f32 v13, v12  }
0x626: {  	v7 =	vadd.f32 $1.000000000e+00, v7;
	(erf) = vrcp.f32 v14;
	v2 =	vpop (erf)  }
0x627: {  	[tilespmem:s3+$0xFFFFFFA0] =	vst v4;
	v2 =	vadd.f32 $1.000000000e+00, v2;
	v17 =	vsub.f32 $0.0e+00, v12;
	v4 =	vpop (erf)  }
0x628: {  	v13 =	vld [tilespmem:s3+$0xFFFFFFB0];
	(erf) = vrcp.f32 v7;
	v4 =	vadd.f32 $1.000000000e+00, v4  }
0x629: {  	v15 =	vld [tilespmem:s0+$0xFFFFFFB0];
	(erf) = vrcp.f32 v2;
	v2 =	vmul.f32 $1.442695020e+00, v17;
	v14 =	vpop (erf)  }
0x62a: {  	v7 =	vadd.f32 v11, v16;
	v6 =	vmul.f32 v14, v6;
	v11 =	vpop (erf);
	(erf) = vrcp.f32 v4  }
0x62b: {  	(erf) = vpow2.f32 v2;
	v2 =	vmul.f32 v11, v10  }
0x62c: {  	v4 =	vld [tilespmem:s13+$0xFFFFFFA0];
	[tilespmem:s13+$0xFFFFFF90] =	vst v6;
	v6 =	vsub.f32 $0.0e+00, v7  }
0x62d: {  	s26 =	simm.s32 $0x780;
	v14 =	vld [tilespmem:s1+$0xFFFFFFA0]  }
0x62e: {  	v17 =	vld [tilespmem:s26+$0x0];
	v11 =	vadd.f32 v13, v15;
	v13 =	vpop (erf);
	v6 =	vmul.f32 $1.442695020e+00, v6  }
0x62f: {  	v10 =	vld [tilespmem:s25+$0xFFFFFF90];
	[tilespmem:s25+$0xFFFFFF80] =	vst v2;
	v2 =	vpop (erf)  }
0x630: {  	s9 =	simm.s32 $0x5780;
	v16 =	vsub.f32 $0.0e+00, v11;
	(erf) = vpow2.f32 v6;
	v6 =	vld [tilespmem:s16+$0xFFFFFF90];
	v2 =	vmul.f32 v2, v5  }
0x631: {  	v3 =	vmul.f32 v13, v3;
	v5 =	vld [tilespmem:s9+$0x0]  }
0x632: {  	v15 =	vld [tilespmem:s9+$0xFFFFFF80];
	v13 =	vmul.f32 $1.442695020e+00, v16;
	v4 =	vadd.f32 v4, v14  }
0x633: {  	[tilespmem:s25+$0x0] =	vst v3;
	v16 =	vld [tilespmem:s26+$0xFFFFFF80];
	v14 =	vpop (erf)  }
0x634: {  	v19 =	vld [tilespmem:s13+$0x20];
	(erf) = vpow2.f32 v13;
	[tilespmem:s13+$0x10] =	vst v2;
	v18 =	vsub.f32 $0.0e+00, v4;
	v2 =	vpop (erf)  }
0x635: {  	v6 =	vadd.f32 v10, v6;
	v10 =	vld [tilespmem:s16+$0x10];
	v2 =	vmul.f32 v2, v8;
	v3 =	vpop (erf)  }
0x636: {  	v1 =	vmul.f32 v14, v1;
	v8 =	vld [tilespmem:s25+$0x10];
	v13 =	vmul.f32 $1.442695020e+00, v18;
	v5 =	vadd.f32 v5, v17;
	v14 =	vpop (erf)  }
0x637: {  	v18 =	vsub.f32 $0.0e+00, v6;
	[tilespmem:s15+$0x30] =	vst v2;
	v2 =	vld [tilespmem:s1+$0x20];
	v14 =	vadd.f32 $1.000000000e+00, v14  }
0x638: {  	v15 =	vadd.f32 v15, v16;
	(erf) = vpow2.f32 v13  }
0x639: {  	[tilespmem:s3+$0x20] =	vst v1;
	v1 =	vld [tilespmem:s3+$0x30];
	(erf) = vrcp.f32 v14;
	v14 =	vmul.f32 $1.442695020e+00, v18;
	v18 =	vsub.f32 $0.0e+00, v5  }
0x63a: {  	v17 =	vld [tilespmem:s0+$0x30];
	v3 =	vmul.f32 v3, v9;
	v9 =	vsub.f32 $0.0e+00, v15;
	v16 =	vpop (erf)  }
0x63b: {  	v13 =	vld [tilespmem:s15+$0x40];
	v16 =	vadd.f32 $1.000000000e+00, v16;
	v8 =	vadd.f32 v8, v10  }
0x63c: {  	v9 =	vmul.f32 $1.442695020e+00, v9;
	v10 =	vld [tilespmem:s21+$0x40];
	(erf) = vpow2.f32 v14;
	v2 =	vadd.f32 v19, v2  }
0x63d: {  	v14 =	vmul.f32 $1.442695020e+00, v18;
	(erf) = vrcp.f32 v16;
	v16 =	vsub.f32 $0.0e+00, v8;
	v18 =	vpop (erf)  }
0x63e: {  	[tilespmem:s8+$0x40] =	vst v3;
	(erf) = vpow2.f32 v9;
	v3 =	vsub.f32 $0.0e+00, v2;
	v9 =	vadd.f32 $1.000000000e+00, v18  }
0x63f: {  	v18 =	vld [tilespmem:s8+$0x50];
	(erf) = vpow2.f32 v14;
	v14 =	vadd.f32 v1, v17;
	v1 =	vmul.f32 $1.442695020e+00, v16  }
0x640: {  	v16 =	vld [tilespmem:s11+$0x50];
	(erf) = vrcp.f32 v9;
	v3 =	vmul.f32 $1.442695020e+00, v3  }
0x641: {  	v9 =	vadd.f32 v13, v10;
	v10 =	vpop (erf);
	v13 =	vsub.f32 $0.0e+00, v14;
	(erf) = vpow2.f32 v1  }
0x642: {  	v1 =	vadd.f32 $1.000000000e+00, v10;
	v17 =	vpop (erf);
	(erf) = vpow2.f32 v3  }
0x643: {  	v10 =	vsub.f32 $0.0e+00, v9;
	v3 =	vmul.f32 v17, v12;
	v12 =	vmul.f32 $1.442695020e+00, v13;
	_ =	sdelay $0x1  }
0x644: {  	(erf) = vrcp.f32 v1;
	v13 =	vadd.f32 v18, v16;
	v10 =	vmul.f32 $1.442695020e+00, v10  }
0x645: {  	v1 =	vpop (erf);
	(erf) = vpow2.f32 v12  }
0x646: {  	(erf) = vpow2.f32 v10;
	v10 =	vsub.f32 $0.0e+00, v13;
	v12 =	vpop (erf)  }
0x647: {  	[tilespmem:s8+$0xFFFFFFD0] =	vst v3;
	v1 =	vadd.f32 $1.000000000e+00, v1;
	v3 =	vmul.f32 v12, v7  }
0x648: {  	v12 =	vpop (erf)  }
0x649: {  	v17 =	vld [tilespmem:s15+$0xFFFFFFD0];
	(erf) = vrcp.f32 v1;
	v16 =	vpop (erf);
	[tilespmem:s15+$0xFFFFFFC0] =	vst v3;
	v3 =	vmul.f32 $1.442695020e+00, v10  }
0x64a: {  	v7 =	vld [tilespmem:s8+$0xFFFFFFE0];
	v12 =	vadd.f32 $1.000000000e+00, v12;
	v10 =	vpop (erf)  }
0x64b: {  	v1 =	vld [tilespmem:s11+$0xFFFFFFE0];
	v10 =	vmul.f32 v10, v11  }
0x64c: {  	v11 =	vld [tilespmem:s21+$0xFFFFFFD0]  }
0x64d: {  	(erf) = vpow2.f32 v3;
	v3 =	vpop (erf)  }
0x64e: {  	v16 =	vadd.f32 $1.000000000e+00, v16;
	(erf) = vrcp.f32 v12;
	v12 =	vpop (erf)  }
0x64f: {  	[tilespmem:s3+$0xFFFFFFB0] =	vst v10;
	v3 =	vadd.f32 $1.000000000e+00, v3;
	v10 =	vpop (erf)  }
0x650: {  	v1 =	vadd.f32 v7, v1;
	v7 =	vld [tilespmem:s3+$0xFFFFFFC0];
	(erf) = vrcp.f32 v16;
	v4 =	vmul.f32 v10, v4;
	v10 =	vpop (erf)  }
0x651: {  	v16 =	vld [tilespmem:s0+$0xFFFFFFC0];
	(erf) = vrcp.f32 v3;
	v3 =	vadd.f32 v17, v11;
	v11 =	vpop (erf)  }
0x652: {  	v12 =	vadd.f32 $1.000000000e+00, v12;
	[tilespmem:s13+$0xFFFFFFA0] =	vst v4;
	v4 =	vadd.f32 $1.000000000e+00, v10;
	v10 =	vpop (erf)  }
0x653: {  	v17 =	vsub.f32 $0.0e+00, v1;
	v6 =	vmul.f32 v10, v6  }
0x654: {  	(erf) = vrcp.f32 v12;
	v12 =	vld [tilespmem:s13+$0xFFFFFFB0];
	v18 =	vsub.f32 $0.0e+00, v3;
	v11 =	vadd.f32 $1.000000000e+00, v11  }
0x655: {  	v10 =	vmul.f32 $1.442695020e+00, v17;
	v17 =	vld [tilespmem:s1+$0xFFFFFFB0];
	(erf) = vrcp.f32 v4  }
0x656: {  	v7 =	vadd.f32 v7, v16;
	v4 =	vmul.f32 $1.442695020e+00, v18;
	(erf) = vrcp.f32 v11  }
0x657: {  	[tilespmem:s25+$0xFFFFFF90] =	vst v6;
	v6 =	vpop (erf);
	(erf) = vpow2.f32 v10  }
0x658: {  	v11 =	vld [tilespmem:s25+$0xFFFFFFA0];
	v10 =	vsub.f32 $0.0e+00, v7;
	v16 =	vpop (erf);
	(erf) = vpow2.f32 v4;
	v4 =	vadd.f32 $1.000000000e+00, v6  }
0x659: {  	v18 =	vld [tilespmem:s16+$0xFFFFFFA0];
	v6 =	vmul.f32 v16, v15  }
0x65a: {  	v12 =	vadd.f32 v12, v17;
	v10 =	vmul.f32 $1.442695020e+00, v10  }
0x65b: {  	v15 =	vld [tilespmem:s9+$0xFFFFFF90];
	v16 =	vpop (erf);
	(erf) = vrcp.f32 v4;
	[tilespmem:s9+$0xFFFFFF80] =	vst v6  }
0x65c: {  	s20 =	simm.s32 $0x880;
	v5 =	vmul.f32 v16, v5;
	v6 =	vsub.f32 $0.0e+00, v12;
	v4 =	vpop (erf);
	(erf) = vpow2.f32 v10;
	v10 =	vld [tilespmem:s26+$0xFFFFFF90]  }
0x65d: {  	s14 =	simm.s32 $0x5880;
	v20 =	vld [tilespmem:s20+$0xFFFFFF80];
	v4 =	vmul.f32 v4, v8;
	v8 =	vpop (erf)  }
0x65e: {  	v17 =	vld [tilespmem:s14+$0xFFFFFF80];
	v11 =	vadd.f32 v11, v18;
	v6 =	vmul.f32 $1.442695020e+00, v6;
	v18 =	vpop (erf)  }
0x65f: {  	v19 =	vld [tilespmem:s20+$0x0];
	[tilespmem:s9+$0x0] =	vst v5;
	v21 =	vpop (erf)  }
0x660: {  	v16 =	vld [tilespmem:s14+$0x0];
	[tilespmem:s25+$0x10] =	vst v4;
	v4 =	vsub.f32 $0.0e+00, v11;
	(erf) = vpow2.f32 v6;
	v5 =	vpop (erf)  }
0x661: {  	v22 =	vld [tilespmem:s25+$0x20];
	v10 =	vadd.f32 v15, v10;
	v15 =	vpop (erf)  }
0x662: {  	v2 =	vmul.f32 v8, v2;
	v8 =	vld [tilespmem:s26+$0x10];
	v4 =	vmul.f32 $1.442695020e+00, v4;
	v15 =	vadd.f32 $1.000000000e+00, v15  }
0x663: {  	v17 =	vadd.f32 v17, v20;
	v6 =	vmul.f32 v18, v14;
	v14 =	vld [tilespmem:s9+$0x10]  }
0x664: {  	v9 =	vmul.f32 v21, v9;
	v18 =	vld [tilespmem:s16+$0x20];
	[tilespmem:s13+$0x20] =	vst v2;
	v21 =	vsub.f32 $0.0e+00, v10;
	(erf) = vpow2.f32 v4  }
0x665: {  	v2 =	vld [tilespmem:s13+$0x30];
	[tilespmem:s3+$0x30] =	vst v6;
	v6 =	vadd.f32 v16, v19;
	v4 =	vadd.f32 $1.000000000e+00, v5;
	v20 =	vpop (erf);
	(erf) = vrcp.f32 v15  }
0x666: {  	v19 =	vsub.f32 $0.0e+00, v17;
	v13 =	vmul.f32 v20, v13;
	v20 =	vld [tilespmem:s1+$0x30];
	v16 =	vmul.f32 $1.442695020e+00, v21;
	v15 =	vpop (erf)  }
0x667: {  	v5 =	vld [tilespmem:s3+$0x40];
	(erf) = vrcp.f32 v4;
	v21 =	vsub.f32 $0.0e+00, v6;
	v15 =	vadd.f32 $1.000000000e+00, v15  }
0x668: {  	v8 =	vadd.f32 v14, v8;
	v14 =	vld [tilespmem:s0+$0x40];
	[tilespmem:s8+$0x50] =	vst v13;
	v13 =	vmul.f32 $1.442695020e+00, v19;
	(erf) = vpow2.f32 v16  }
0x669: {  	[tilespmem:s15+$0x40] =	vst v9;
	v4 =	vadd.f32 v22, v18;
	v9 =	vmul.f32 $1.442695020e+00, v21;
	v18 =	vpop (erf);
	(erf) = vrcp.f32 v15  }
0x66a: {  	v18 =	vadd.f32 $1.000000000e+00, v18;
	(erf) = vpow2.f32 v13  }
0x66b: {  	v13 =	vsub.f32 $0.0e+00, v4;
	(erf) = vpow2.f32 v9;
	v9 =	vadd.f32 v2, v20  }
0x66c: {  	v16 =	vsub.f32 $0.0e+00, v8;
	(erf) = vrcp.f32 v18  }
0x66d: {  	v19 =	vld [tilespmem:s15+$0x50];
	v18 =	vadd.f32 v5, v14;
	v5 =	vmul.f32 $1.442695020e+00, v13;
	v14 =	vsub.f32 $0.0e+00, v9  }
0x66e: {  	v21 =	vld [tilespmem:s21+$0x50];
	v2 =	vmul.f32 $1.442695020e+00, v16  }
0x66f: {  	v15 =	vld [tilespmem:s11+$0x60];
	v13 =	vpop (erf);
	v14 =	vmul.f32 $1.442695020e+00, v14  }
0x670: {  	v16 =	vld [tilespmem:s8+$0x60];
	(erf) = vpow2.f32 v2;
	v2 =	vadd.f32 $1.000000000e+00, v13;
	v20 =	vpop (erf)  }
0x671: {  	(erf) = vpow2.f32 v5;
	v5 =	vpop (erf)  }
0x672: {  	v13 =	vsub.f32 $0.0e+00, v18;
	v3 =	vmul.f32 v20, v3;
	(erf) = vrcp.f32 v2;
	v20 =	vpop (erf)  }
0x673: {  	(erf) = vpow2.f32 v14;
	v14 =	vpop (erf)  }
0x674: {  	v19 =	vadd.f32 v19, v21;
	v13 =	vmul.f32 $1.442695020e+00, v13;
	v7 =	vmul.f32 v14, v7  }
0x675: {  	v2 =	vadd.f32 v16, v15  }
0x676: {  	v15 =	vadd.f32 $1.000000000e+00, v20;
	[tilespmem:s15+$0xFFFFFFD0] =	vst v3;
	v3 =	vsub.f32 $0.0e+00, v19;
	(erf) = vpow2.f32 v13;
	v16 =	vpop (erf)  }
0x677: {  	v13 =	vld [tilespmem:s15+$0xFFFFFFE0];
	v14 =	vsub.f32 $0.0e+00, v2;
	v20 =	vpop (erf)  }
0x678: {  	(erf) = vrcp.f32 v15;
	v15 =	vld [tilespmem:s21+$0xFFFFFFE0];
	v3 =	vmul.f32 $1.442695020e+00, v3;
	v16 =	vadd.f32 $1.000000000e+00, v16;
	[tilespmem:s3+$0xFFFFFFC0] =	vst v7;
	v7 =	vpop (erf)  }
0x679: {  	v21 =	vld [tilespmem:s3+$0xFFFFFFD0];
	v14 =	vmul.f32 $1.442695020e+00, v14;
	v7 =	vmul.f32 v7, v12  }
0x67a: {  	(erf) = vpow2.f32 v3;
	v12 =	vld [tilespmem:s0+$0xFFFFFFD0];
	v22 =	vpop (erf)  }
0x67b: {  	(erf) = vpow2.f32 v14;
	[tilespmem:s13+$0xFFFFFFB0] =	vst v7;
	v7 =	vadd.f32 $1.000000000e+00, v22  }
0x67c: {  	v14 =	vadd.f32 $1.000000000e+00, v20;
	(erf) = vrcp.f32 v16;
	v16 =	vpop (erf)  }
0x67d: {  	v3 =	vadd.f32 v13, v15;
	v15 =	vpop (erf)  }
0x67e: {  	(erf) = vrcp.f32 v14;
	v14 =	vadd.f32 $1.000000000e+00, v16;
	v11 =	vmul.f32 v15, v11;
	v15 =	vpop (erf)  }
0x67f: {  	v13 =	vld [tilespmem:s13+$0xFFFFFFC0];
	(erf) = vrcp.f32 v7;
	v20 =	vadd.f32 v21, v12;
	v12 =	vsub.f32 $0.0e+00, v3;
	v7 =	vpop (erf)  }
0x680: {  	v16 =	vld [tilespmem:s1+$0xFFFFFFC0];
	v7 =	vadd.f32 $1.000000000e+00, v7  }
0x681: {  	[tilespmem:s25+$0xFFFFFFA0] =	vst v11;
	v11 =	vadd.f32 $1.000000000e+00, v15;
	v15 =	vld [tilespmem:s25+$0xFFFFFFB0];
	v12 =	vmul.f32 $1.442695020e+00, v12  }
0x682: {  	(erf) = vrcp.f32 v14;
	v22 =	vld [tilespmem:s16+$0xFFFFFFB0];
	v14 =	vpop (erf);
	v21 =	vsub.f32 $0.0e+00, v20  }
0x683: {  	(erf) = vrcp.f32 v11;
	v10 =	vmul.f32 v14, v10  }
0x684: {  	v11 =	vmul.f32 $1.442695020e+00, v21;
	(erf) = vrcp.f32 v7;
	v7 =	vpop (erf)  }
0x685: {  	(erf) = vpow2.f32 v12;
	v12 =	vpop (erf)  }
0x686: {  	v14 =	vadd.f32 v13, v16;
	[tilespmem:s9+$0xFFFFFF90] =	vst v10;
	v10 =	vld [tilespmem:s9+$0xFFFFFFA0];
	v16 =	vpop (erf);
	(erf) = vpow2.f32 v11  }
0x687: {  	v21 =	vld [tilespmem:s26+$0xFFFFFFA0];
	v11 =	vadd.f32 $1.000000000e+00, v7;
	v7 =	vadd.f32 v15, v22;
	v16 =	vmul.f32 v16, v17  }
0x688: {  	v13 =	vsub.f32 $0.0e+00, v14  }
0x689: {  	[tilespmem:s14+$0xFFFFFF80] =	vst v16;
	v16 =	vsub.f32 $0.0e+00, v7  }
0x68a: {  	v13 =	vmul.f32 $1.442695020e+00, v13;
	v17 =	vld [tilespmem:s14+$0xFFFFFF90];
	v15 =	vpop (erf)  }
0x68b: {  	s24 =	simm.s32 $0x980;
	(erf) = vrcp.f32 v11;
	v6 =	vmul.f32 v15, v6;
	v11 =	vpop (erf);
	v23 =	vld [tilespmem:s20+$0xFFFFFF90]  }
0x68c: {  	s23 =	simm.s32 $0x5980;
	v24 =	vld [tilespmem:s24+$0x0];
	(erf) = vpow2.f32 v13;
	v13 =	vadd.f32 v10, v21;
	v8 =	vmul.f32 v11, v8;
	v11 =	vpop (erf)  }
0x68d: {  	v10 =	vld [tilespmem:s23+$0x0];
	v15 =	vmul.f32 $1.442695020e+00, v16;
	v16 =	vpop (erf)  }
0x68e: {  	v25 =	vsub.f32 $0.0e+00, v13;
	v26 =	vpop (erf)  }
0x68f: {  	v22 =	vld [tilespmem:s23+$0xFFFFFF80];
	v12 =	vadd.f32 $1.000000000e+00, v12;
	[tilespmem:s14+$0x0] =	vst v6;
	(erf) = vpow2.f32 v15;
	v6 =	vpop (erf)  }
0x690: {  	v21 =	vld [tilespmem:s24+$0xFFFFFF80];
	v4 =	vmul.f32 v11, v4;
	[tilespmem:s9+$0x10] =	vst v8;
	v15 =	vmul.f32 $1.442695020e+00, v25;
	v8 =	vadd.f32 v17, v23;
	v17 =	vpop (erf)  }
0x691: {  	(erf) = vrcp.f32 v12;
	v17 =	vadd.f32 $1.000000000e+00, v17  }
0x692: {  	v11 =	vld [tilespmem:s20+$0x10];
	[tilespmem:s25+$0x20] =	vst v4;
	v4 =	vadd.f32 v10, v24;
	(erf) = vpow2.f32 v15;
	v6 =	vadd.f32 $1.000000000e+00, v6  }
0x693: {  	v9 =	vmul.f32 v16, v9;
	v16 =	vld [tilespmem:s14+$0x10];
	(erf) = vrcp.f32 v17  }
0x694: {  	v27 =	vld [tilespmem:s9+$0x20];
	(erf) = vrcp.f32 v6;
	v6 =	vsub.f32 $0.0e+00, v4  }
0x695: {  	v12 =	vmul.f32 v26, v18;
	[tilespmem:s13+$0x30] =	vst v9;
	v9 =	vld [tilespmem:s26+$0x20];
	v15 =	vadd.f32 v22, v21;
	v18 =	vsub.f32 $0.0e+00, v8  }
0x696: {  	v1 =	vmul.f32 v5, v1;
	v22 =	vpop (erf)  }
0x697: {  	v10 =	vld [tilespmem:s25+$0x30];
	v19 =	vmul.f32 v22, v19;
	v22 =	vsub.f32 $0.0e+00, v15;
	v18 =	vmul.f32 $1.442695020e+00, v18;
	v17 =	vpop (erf)  }
0x698: {  	v23 =	vld [tilespmem:s16+$0x30];
	v11 =	vadd.f32 v16, v11;
	v17 =	vadd.f32 $1.000000000e+00, v17;
	v5 =	vmul.f32 $1.442695020e+00, v6;
	v6 =	vpop (erf)  }
0x699: {  	v21 =	vld [tilespmem:s13+$0x40];
	[tilespmem:s3+$0x40] =	vst v12;
	v12 =	vmul.f32 $1.442695020e+00, v22;
	(erf) = vpow2.f32 v18;
	v6 =	vadd.f32 $1.000000000e+00, v6  }
0x69a: {  	v57 =	vld [tilespmem:s1+$0x40];
	v9 =	vadd.f32 v27, v9;
	(erf) = vrcp.f32 v17  }
0x69b: {  	[tilespmem:s15+$0x50] =	vst v19;
	v19 =	vld [tilespmem:s0+$0x50];
	v18 =	vsub.f32 $0.0e+00, v11;
	(erf) = vpow2.f32 v12  }
0x69c: {  	v16 =	vld [tilespmem:s21+$0x60];
	v22 =	vsub.f32 $0.0e+00, v9;
	(erf) = vpow2.f32 v5  }
0x69d: {  	v17 =	vld [tilespmem:s3+$0x50];
	v12 =	vadd.f32 v10, v23;
	v10 =	vmul.f32 $1.442695020e+00, v18;
	(erf) = vrcp.f32 v6;
	v6 =	vpop (erf)  }
0x69e: {  	v23 =	vld [tilespmem:s15+$0x60];
	v2 =	vmul.f32 v6, v2  }
0x69f: {  	[tilespmem:s8+$0xFFFFFFE0] =	vst v1;
	v1 =	vmul.f32 $1.442695020e+00, v22;
	v5 =	vadd.f32 v21, v57  }
0x6a0: {  	v21 =	vsub.f32 $0.0e+00, v12;
	v18 =	vpop (erf);
	(erf) = vpow2.f32 v10  }
0x6a1: {  	v58 =	vld [tilespmem:s11+$0xFFFFFFF0];
	v6 =	vadd.f32 $1.000000000e+00, v18;
	v18 =	vsub.f32 $0.0e+00, v5;
	v10 =	vpop (erf);
	(erf) = vpow2.f32 v1  }
0x6a2: {  	v22 =	vld [tilespmem:s8+$0xFFFFFFF0];
	v1 =	vmul.f32 v10, v20;
	v10 =	vadd.f32 v17, v19;
	[tilespmem:s8+$0x60] =	vst v2;
	v19 =	vmul.f32 $1.442695020e+00, v21;
	v2 =	vpop (erf)  }
0x6a3: {  	v17 =	vld [tilespmem:s8+$0x70];
	(erf) = vrcp.f32 v6;
	v6 =	vadd.f32 v23, v16;
	v18 =	vmul.f32 $1.442695020e+00, v18;
	v16 =	vpop (erf)  }
0x6a4: {  	v20 =	vld [tilespmem:s11+$0x70];
	v2 =	vmul.f32 v2, v3;
	(erf) = vpow2.f32 v19;
	v3 =	vpop (erf);
	v16 =	vadd.f32 $1.000000000e+00, v16  }
0x6a5: {  	[tilespmem:s3+$0xFFFFFFD0] =	vst v1;
	v1 =	vsub.f32 $0.0e+00, v10;
	(erf) = vpow2.f32 v18;
	v3 =	vmul.f32 v3, v14;
	v23 =	vpop (erf)  }
0x6a6: {  	v21 =	vld [tilespmem:s3+$0xFFFFFFE0];
	v19 =	vsub.f32 $0.0e+00, v6;
	v59 =	vpop (erf);
	(erf) = vrcp.f32 v16  }
0x6a7: {  	v18 =	vld [tilespmem:s15+$0xFFFFFFF0];
	v16 =	vmul.f32 $1.442695020e+00, v1;
	v1 =	vadd.f32 v22, v58;
	[tilespmem:s13+$0xFFFFFFC0] =	vst v3;
	v3 =	vadd.f32 $1.000000000e+00, v23;
	v22 =	vpop (erf)  }
0x6a8: {  	v14 =	vld [tilespmem:s0+$0xFFFFFFE0];
	v19 =	vmul.f32 $1.442695020e+00, v19;
	v7 =	vmul.f32 v22, v7;
	v22 =	vadd.f32 $1.000000000e+00, v59  }
0x6a9: {  	[tilespmem:s15+$0xFFFFFFE0] =	vst v2;
	v2 =	vadd.f32 v17, v20;
	v23 =	vld [tilespmem:s13+$0xFFFFFFD0];
	(erf) = vpow2.f32 v16  }
0x6aa: {  	v17 =	vld [tilespmem:s1+$0xFFFFFFD0];
	v60 =	vpop (erf);
	(erf) = vpow2.f32 v19  }
0x6ab: {  	v20 =	vld [tilespmem:s21+$0xFFFFFFF0];
	v19 =	vsub.f32 $0.0e+00, v2;
	(erf) = vrcp.f32 v3;
	v3 =	vpop (erf)  }
0x6ac: {  	v61 =	vld [tilespmem:s25+$0xFFFFFFC0];
	v16 =	vsub.f32 $0.0e+00, v1;
	v24 =	vadd.f32 $1.000000000e+00, v60;
	[tilespmem:s25+$0xFFFFFFB0] =	vst v7;
	(erf) = vrcp.f32 v22;
	v22 =	vpop (erf)  }
0x6ad: {  	v7 =	vadd.f32 v21, v14;
	v21 =	vld [tilespmem:s16+$0xFFFFFFC0];
	v19 =	vmul.f32 $1.442695020e+00, v19;
	v13 =	vmul.f32 v22, v13  }
0x6ae: {  	v16 =	vmul.f32 $1.442695020e+00, v16;
	(erf) = vrcp.f32 v24;
	v22 =	vadd.f32 $1.000000000e+00, v3  }
0x6af: {  	v62 =	vpop (erf);
	v14 =	vadd.f32 v23, v17;
	v17 =	vsub.f32 $0.0e+00, v7;
	(erf) = vpow2.f32 v19  }
0x6b0: {  	v3 =	vadd.f32 v18, v20;
	v18 =	vadd.f32 $1.000000000e+00, v62;
	(erf) = vrcp.f32 v22  }
0x6b1: {  	v23 =	vld [tilespmem:s9+$0xFFFFFFB0];
	[tilespmem:s9+$0xFFFFFFA0] =	vst v13;
	v20 =	vsub.f32 $0.0e+00, v14;
	v13 =	vpop (erf);
	(erf) = vpow2.f32 v16;
	v16 =	vmul.f32 $1.442695020e+00, v17  }
0x6b2: {  	v63 =	vld [tilespmem:s26+$0xFFFFFFB0];
	v19 =	vpop (erf);
	v22 =	vadd.f32 $1.000000000e+00, v13;
	v13 =	vadd.f32 v61, v21  }
0x6b3: {  	(erf) = vrcp.f32 v18;
	v21 =	vsub.f32 $0.0e+00, v3;
	v8 =	vmul.f32 v19, v8  }
0x6b4: {  	v19 =	vmul.f32 $1.442695020e+00, v20;
	v18 =	vpop (erf);
	(erf) = vrcp.f32 v22  }
0x6b5: {  	v17 =	vld [tilespmem:s14+$0xFFFFFFA0];
	v25 =	vsub.f32 $0.0e+00, v13;
	v20 =	vadd.f32 $1.000000000e+00, v18;
	[tilespmem:s14+$0xFFFFFF90] =	vst v8;
	(erf) = vpow2.f32 v16;
	v16 =	vpop (erf)  }
0x6b6: {  	v8 =	vmul.f32 $1.442695020e+00, v21;
	v22 =	vpop (erf);
	v18 =	vld [tilespmem:s20+$0xFFFFFFA0];
	(erf) = vpow2.f32 v19;
	v19 =	vadd.f32 $1.000000000e+00, v16  }
0x6b7: {  	s17 =	simm.s32 $0x5A80;
	s18 =	simm.s32 $0xA80;
	s11 =	simm.s32 $0xE;
	v16 =	vld [tilespmem:s23+$0xFFFFFF90];
	v22 =	vmul.f32 v22, v15;
	v21 =	vpop (erf);
	v15 =	vadd.f32 v23, v63;
	v23 =	vmul.f32 $1.442695020e+00, v25  }
.LBB2_11:
0x6b8: {  	v24 =	vld [tilespmem:s17+$0xFFFFFF80];
	s11 =	sadd.s32 $0x2, s11;
	v25 =	vpop (erf);
	(erf) = vrcp.f32 v20  }
0x6b9: {  	v20 =	vld [tilespmem:s18+$0x0];
	p1 =	slt.u32 s11, $0x4E;
	[tilespmem:s23+$0xFFFFFF80] =	vst v22;
	v22 =	vsub.f32 $0.0e+00, v15;
	(erf) = vpow2.f32 v23;
	v23 =	vpop (erf)  }
0x6ba: {  	v4 =	vmul.f32 v21, v4;
	v27 =	vmul.f32 v25, v11;
	v26 =	vld [tilespmem:s24+$0xFFFFFF90];
	v21 =	vpop (erf);
	v23 =	vadd.f32 $1.000000000e+00, v23  }
0x6bb: {  	v25 =	vld [tilespmem:s17+$0x0];
	v17 =	vadd.f32 v17, v18;
	v18 =	vmul.f32 $1.442695020e+00, v22;
	v9 =	vmul.f32 v21, v9;
	v21 =	vpop (erf)  }
0x6bc: {  	v22 =	vld [tilespmem:s18+$0xFFFFFF80];
	[tilespmem:s14+$0x10] =	vst v27;
	v11 =	vpop (erf);
	v21 =	vadd.f32 $1.000000000e+00, v21;
	(erf) = vrcp.f32 v23  }
0x6bd: {  	v23 =	vsub.f32 $0.0e+00, v17;
	v27 =	vld [tilespmem:s14+$0x20];
	(erf) = vpow2.f32 v18;
	v29 =	vmul.f32 v11, v12;
	v12 =	vpop (erf)  }
0x6be: {  	[tilespmem:s23+$0x0] =	vst v4;
	v28 =	vld [tilespmem:s23+$0x10];
	v5 =	vmul.f32 v12, v5;
	v4 =	vpop (erf);
	(erf) = vrcp.f32 v21  }
0x6bf: {  	v18 =	vadd.f32 v16, v26;
	v12 =	vld [tilespmem:s24+$0x10];
	v26 =	vmul.f32 $1.442695020e+00, v23;
	[tilespmem:s25+$0x30] =	vst v29;
	v11 =	vpop (erf);
	v23 =	vadd.f32 $1.000000000e+00, v4  }
0x6c0: {  	v4 =	vadd.f32 v25, v20;
	v20 =	vld [tilespmem:s20+$0x20];
	v11 =	vadd.f32 $1.000000000e+00, v11;
	[tilespmem:s13+$0x40] =	vst v5;
	(erf) = vrcp.f32 v19  }
0x6c1: {  	v16 =	vadd.f32 v24, v22;
	v5 =	vsub.f32 $0.0e+00, v18;
	(erf) = vpow2.f32 v26;
	v19 =	vld [tilespmem:s25+$0x40];
	v21 =	vpop (erf)  }
0x6c2: {  	v22 =	vsub.f32 $0.0e+00, v4;
	[tilespmem:s9+$0x20] =	vst v9;
	v24 =	vld [tilespmem:s9+$0x30];
	v9 =	vpop (erf);
	(erf) = vrcp.f32 v11;
	v10 =	vmul.f32 v21, v10  }
0x6c3: {  	v21 =	vsub.f32 $0.0e+00, v16;
	v29 =	vmul.f32 $1.442695020e+00, v5;
	v25 =	vld [tilespmem:s26+$0x30];
	v26 =	vadd.f32 $1.000000000e+00, v9  }
0x6c4: {  	v22 =	vmul.f32 $1.442695020e+00, v22;
	v11 =	vadd.f32 v28, v12;
	v28 =	vld [tilespmem:s16+$0x40];
	[tilespmem:s3+$0x50] =	vst v10;
	(erf) = vrcp.f32 v23  }
0x6c5: {  	v10 =	vmul.f32 $1.442695020e+00, v21;
	(erf) = vpow2.f32 v29;
	v9 =	vadd.f32 v27, v20;
	v20 =	vld [tilespmem:s0+$0x60];
	v5 =	vpop (erf)  }
0x6c6: {  	v21 =	vsub.f32 $0.0e+00, v11;
	v12 =	vpop (erf);
	(erf) = vrcp.f32 v26;
	v23 =	vld [tilespmem:s13+$0x50];
	v2 =	vmul.f32 v5, v2  }
0x6c7: {  	(erf) = vpow2.f32 v10;
	v10 =	vsub.f32 $0.0e+00, v9;
	v5 =	vadd.f32 $1.000000000e+00, v12;
	v26 =	vld [tilespmem:s1+$0x50];
	v27 =	vpop (erf)  }
0x6c8: {  	(erf) = vpow2.f32 v22;
	v12 =	vadd.f32 v24, v25;
	v22 =	vld [tilespmem:s3+$0x60];
	v24 =	vmul.f32 v27, v1;
	[tilespmem:s8+$0x70] =	vst v2;
	v1 =	vmovc v3  }
0x6c9: {  	v2 =	vmul.f32 $1.442695020e+00, v21;
	(erf) = vrcp.f32 v5;
	v5 =	vadd.f32 v19, v28;
	v3 =	vpop (erf)  }
0x6ca: {  	v10 =	vmul.f32 $1.442695020e+00, v10;
	v19 =	vpop (erf);
	v21 =	vsub.f32 $0.0e+00, v12;
	v3 =	vmul.f32 v3, v6;
	[tilespmem:s8+$0xFFFFFFF0] =	vst v24;
	s8 =	smov.u32 s15;
	s15 =	smov.u32 s3;
	s3 =	smov.u32 s13  }
0x6cb: {  	s13 =	smov.u32 s25;
	s25 =	smov.u32 s9;
	s9 =	smov.u32 s14;
	(erf) = vpow2.f32 v2;
	v2 =	vadd.f32 $1.000000000e+00, v19;
	v19 =	vsub.f32 $0.0e+00, v5;
	v6 =	vpop (erf)  }
0x6cc: {  	s14 =	smov.u32 s23;
	s23 =	smov.u32 s17;
	(erf) = vpow2.f32 v10;
	v14 =	vmul.f32 v6, v14;
	v10 =	vadd.f32 v23, v26;
	[tilespmem:s8+$0x60] =	vst v3;
	v3 =	vld [tilespmem:s8+$0x70]  }
0x6cd: {  	v24 =	vmul.f32 $1.442695020e+00, v21;
	(erf) = vrcp.f32 v2;
	v6 =	vadd.f32 v22, v20;
	v20 =	vpop (erf);
	v21 =	vld [tilespmem:s21+$0x70];
	s21 =	smov.u32 s0;
	s0 =	smov.u32 s1;
	s1 =	smov.u32 s16  }
0x6ce: {  	v19 =	vmul.f32 $1.442695020e+00, v19;
	s16 =	smov.u32 s26;
	s26 =	smov.u32 s20;
	s20 =	smov.u32 s24;
	v22 =	vpop (erf);
	[tilespmem:s3+$0xFFFFFFD0] =	vst v14;
	v14 =	vld [tilespmem:s3+$0xFFFFFFE0];
	v23 =	vsub.f32 $0.0e+00, v10;
	v26 =	vmul.f32 v20, v7  }
0x6cf: {  	s24 =	smov.u32 s18;
	v20 =	vadd.f32 $1.000000000e+00, v22;
	(erf) = vpow2.f32 v24;
	v2 =	vpop (erf);
	v22 =	vld [tilespmem:s0+$0xFFFFFFE0];
	v24 =	vsub.f32 $0.0e+00, v6  }
0x6d0: {  	v25 =	vpop (erf);
	v2 =	vmul.f32 v2, v13;
	(erf) = vpow2.f32 v19;
	[tilespmem:s15+$0xFFFFFFE0] =	vst v26;
	v13 =	vld [tilespmem:s15+$0xFFFFFFF0]  }
0x6d1: {  	v27 =	vmul.f32 $1.442695020e+00, v23;
	v19 =	vadd.f32 $1.000000000e+00, v25;
	v7 =	vpop (erf);
	(erf) = vrcp.f32 v20;
	v23 =	vld [tilespmem:s21+$0xFFFFFFF0]  }
0x6d2: {  	v24 =	vmul.f32 $1.442695020e+00, v24;
	v25 =	vadd.f32 $1.000000000e+00, v7;
	v7 =	vpop (erf);
	[tilespmem:s13+$0xFFFFFFC0] =	vst v2;
	v26 =	vld [tilespmem:s13+$0xFFFFFFD0];
	v2 =	vadd.f32 v3, v21  }
0x6d3: {  	v28 =	vmul.f32 v7, v15;
	v15 =	vld [tilespmem:s1+$0xFFFFFFD0];
	(erf) = vpow2.f32 v27  }
0x6d4: {  	v20 =	vpop (erf);
	v7 =	vadd.f32 v14, v22;
	(erf) = vpow2.f32 v24;
	v14 =	vsub.f32 $0.0e+00, v2  }
0x6d5: {  	(erf) = vrcp.f32 v19;
	v19 =	vadd.f32 $1.000000000e+00, v20;
	v20 =	vpop (erf);
	[tilespmem:s25+$0xFFFFFFB0] =	vst v28;
	v21 =	vld [tilespmem:s25+$0xFFFFFFC0]  }
0x6d6: {  	(erf) = vrcp.f32 v25;
	v20 =	vadd.f32 $1.000000000e+00, v20;
	v3 =	vpop (erf);
	v22 =	vld [tilespmem:s16+$0xFFFFFFC0];
	v24 =	vmul.f32 $1.442695020e+00, v14  }
0x6d7: {  	(erf) = vrcp.f32 v19;
	v17 =	vmul.f32 v3, v17;
	v19 =	vsub.f32 $0.0e+00, v7  }
0x6d8: {  	v3 =	vadd.f32 v13, v23;
	v25 =	vpop (erf);
	v14 =	vadd.f32 v26, v15;
	(erf) = vpow2.f32 v24  }
0x6d9: {  	[tilespmem:s9+$0xFFFFFFA0] =	vst v17;
	v15 =	vld [tilespmem:s9+$0xFFFFFFB0];
	(erf) = vrcp.f32 v20;
	v17 =	vadd.f32 $1.000000000e+00, v25;
	v13 =	vpop (erf);
	v19 =	vmul.f32 $1.442695020e+00, v19  }
0x6da: {  	v20 =	vpop (erf);
	v23 =	vld [tilespmem:s26+$0xFFFFFFB0];
	v24 =	vsub.f32 $0.0e+00, v14;
	v25 =	vadd.f32 $1.000000000e+00, v13;
	(erf) = vpow2.f32 v8  }
.Ltmp5:
0x6db: {  	v8 =	vmul.f32 v20, v18;
	v13 =	vadd.f32 v21, v22;
	(erf) = vrcp.f32 v17;
	(pc) =	sbr.rel @p1 .LBB2_11-.Ltmp5, $4  }
0x6dc: {  	v22 =	vsub.f32 $0.0e+00, v3;
	v26 =	vmul.f32 $1.442695020e+00, v24;
	(erf) = vrcp.f32 v25;
	v18 =	vpop (erf)  }
0x6dd: {  	[tilespmem:s14+$0xFFFFFF90] =	vst v8;
	v17 =	vld [tilespmem:s14+$0xFFFFFFA0];
	v24 =	vsub.f32 $0.0e+00, v13;
	v20 =	vadd.f32 $1.000000000e+00, v18;
	(erf) = vpow2.f32 v19;
	v19 =	vpop (erf)  }
0x6de: {  	v8 =	vmul.f32 $1.442695020e+00, v22;
	v25 =	vpop (erf);
	v18 =	vld [tilespmem:s20+$0xFFFFFFA0];
	(erf) = vpow2.f32 v26;
	v19 =	vadd.f32 $1.000000000e+00, v19  }
0x6df: {  	s17 =	sadd.s32 $0x100, s17;
	s18 =	sadd.s32 $0x100, s18;
	v22 =	vmul.f32 v25, v16;
	v16 =	vld [tilespmem:s23+$0xFFFFFF90];
	v21 =	vpop (erf);
	v15 =	vadd.f32 v15, v23;
	v23 =	vmul.f32 $1.442695020e+00, v24  }
0x6e0: {  	_ = 	snop  }
0x6e1: {  	v24 =	vpop (erf);
	[tilespmem:s23+$0xFFFFFF80] =	vst v22  }
0x6e2: {  	v33 =	vsub.f32 $0.0e+00, v15;
	v34 =	vpop (erf);
	v25 =	vld [tilespmem:s24+$0xFFFFFF90]  }
0x6e3: {  	(erf) = vrcp.f32 v20;
	v4 =	vmul.f32 v21, v4;
	v35 =	vpop (erf);
	v22 =	vadd.f32 $1.000000000e+00, v34  }
0x6e4: {  	(erf) = vpow2.f32 v23;
	v17 =	vadd.f32 v17, v18;
	v36 =	vmul.f32 $1.442695020e+00, v33;
	v37 =	vpop (erf)  }
0x6e5: {  	v40 =	vld [tilespmem:s14+$0x20];
	v11 =	vmul.f32 v24, v11;
	v38 =	vpop (erf);
	(erf) = vrcp.f32 v22  }
0x6e6: {  	v44 =	vld [tilespmem:s23+$0x10];
	v20 =	vadd.f32 $1.000000000e+00, v37;
	v39 =	vsub.f32 $0.0e+00, v17;
	(erf) = vpow2.f32 v36;
	v41 =	vpop (erf)  }
0x6e7: {  	v51 =	vld [tilespmem:s9+$0x30];
	[tilespmem:s23+$0x0] =	vst v4;
	v42 =	vmul.f32 v35, v9;
	v45 =	vpop (erf);
	v16 =	vadd.f32 v16, v25  }
0x6e8: {  	[tilespmem:s14+$0x10] =	vst v11;
	v46 =	vld [tilespmem:s24+$0x10];
	(erf) = vrcp.f32 v20;
	v21 =	vmul.f32 $1.442695020e+00, v39;
	v47 =	vpop (erf)  }
0x6e9: {  	v48 =	vld [tilespmem:s20+$0x20];
	[tilespmem:s9+$0x20] =	vst v42;
	(erf) = vrcp.f32 v19;
	v23 =	vadd.f32 $1.000000000e+00, v47;
	v49 =	vsub.f32 $0.0e+00, v16  }
0x6ea: {  	v43 =	vmul.f32 v38, v12;
	v54 =	vld [tilespmem:s26+$0x30];
	v12 =	vadd.f32 $1.000000000e+00, v45;
	(erf) = vpow2.f32 v21  }
0x6eb: {  	(erf) = vrcp.f32 v23;
	v52 =	vmul.f32 $1.442695020e+00, v49  }
0x6ec: {  	v50 =	vld [tilespmem:s25+$0x40];
	[tilespmem:s25+$0x30] =	vst v43;
	v53 =	vpop (erf);
	(erf) = vrcp.f32 v12  }
0x6ed: {  	v5 =	vmul.f32 v41, v5;
	v56 =	vld [tilespmem:s16+$0x40];
	v19 =	vadd.f32 v44, v46;
	v55 =	vpop (erf);
	(erf) = vpow2.f32 v52  }
0x6ee: {  	v9 =	vadd.f32 v40, v48;
	v12 =	vadd.f32 $1.000000000e+00, v55;
	v4 =	vpop (erf)  }
0x6ef: {  	v10 =	vmul.f32 v53, v10;
	v58 =	vsub.f32 $0.0e+00, v19;
	v20 =	vadd.f32 v51, v54;
	v57 =	vpop (erf)  }
0x6f0: {  	[tilespmem:s13+$0x40] =	vst v5;
	v60 =	vsub.f32 $0.0e+00, v9;
	(erf) = vrcp.f32 v12;
	v11 =	vadd.f32 $1.000000000e+00, v57  }
0x6f1: {  	v61 =	vld [tilespmem:s13+$0x50];
	[tilespmem:s3+$0x50] =	vst v10;
	v10 =	vmul.f32 $1.442695020e+00, v58;
	v31 =	vsub.f32 $0.0e+00, v20;
	v5 =	vpop (erf)  }
0x6f2: {  	v63 =	vld [tilespmem:s1+$0x50];
	v18 =	vmul.f32 $1.442695020e+00, v60;
	v62 =	vpop (erf);
	(erf) = vrcp.f32 v11;
	v11 =	vadd.f32 v50, v56  }
0x6f3: {  	v32 =	vld [tilespmem:s3+$0x60];
	v33 =	vmul.f32 $1.442695020e+00, v31;
	v6 =	vmul.f32 v62, v6;
	v30 =	vpop (erf)  }
0x6f4: {  	v59 =	vld [tilespmem:s0+$0x60];
	(erf) = vpow2.f32 v10;
	v24 =	vadd.f32 $1.000000000e+00, v30;
	v26 =	vsub.f32 $0.0e+00, v11;
	v27 =	vpop (erf)  }
0x6f5: {  	v37 =	vld [tilespmem:s15+$0x70];
	(erf) = vpow2.f32 v18;
	[tilespmem:s15+$0x60] =	vst v6;
	v10 =	vpop (erf);
	v38 =	vmul.f32 v27, v14  }
0x6f6: {  	v34 =	vld [tilespmem:s21+$0x70];
	(erf) = vrcp.f32 v24;
	v36 =	vmul.f32 $1.442695020e+00, v26;
	v35 =	vpop (erf)  }
0x6f7: {  	v14 =	vadd.f32 v61, v63;
	(erf) = vpow2.f32 v33;
	v24 =	vadd.f32 $1.000000000e+00, v35  }
0x6f8: {  	(erf) = vpow2.f32 v36  }
0x6f9: {  	v41 =	vld [tilespmem:s13+$0xFFFFFFE0];
	v12 =	vadd.f32 v32, v59;
	[tilespmem:s13+$0xFFFFFFD0] =	vst v38;
	v40 =	vsub.f32 $0.0e+00, v14;
	v39 =	vpop (erf);
	(erf) = vrcp.f32 v24  }
0x6fa: {  	v43 =	vld [tilespmem:s1+$0xFFFFFFE0];
	v13 =	vmul.f32 v39, v13  }
0x6fb: {  	v42 =	vsub.f32 $0.0e+00, v12;
	v44 =	vmul.f32 $1.442695020e+00, v40;
	v6 =	vadd.f32 v37, v34;
	v45 =	vpop (erf)  }
0x6fc: {  	v46 =	vld [tilespmem:s25+$0xFFFFFFD0];
	[tilespmem:s25+$0xFFFFFFC0] =	vst v13;
	v48 =	vmul.f32 v45, v15  }
0x6fd: {  	v47 =	vmul.f32 $1.442695020e+00, v42;
	v49 =	vpop (erf);
	v50 =	vld [tilespmem:s16+$0xFFFFFFD0];
	(erf) = vpow2.f32 v44;
	v51 =	vsub.f32 $0.0e+00, v6  }
0x6fe: {  	v55 =	vld [tilespmem:s9+$0xFFFFFFC0];
	v52 =	vpop (erf);
	v53 =	vadd.f32 $1.000000000e+00, v49;
	[tilespmem:s9+$0xFFFFFFB0] =	vst v48  }
0x6ff: {  	(erf) = vpow2.f32 v47;
	v13 =	vadd.f32 v41, v43;
	v24 =	vmul.f32 $1.442695020e+00, v51;
	v54 =	vpop (erf);
	v57 =	vld [tilespmem:s26+$0xFFFFFFC0]  }
0x700: {  	v26 =	vadd.f32 $1.000000000e+00, v52;
	(erf) = vrcp.f32 v53;
	v15 =	vmul.f32 v54, v17;
	v56 =	vpop (erf)  }
0x701: {  	v60 =	vsub.f32 $0.0e+00, v13;
	(erf) = vpow2.f32 v24;
	v28 =	vpop (erf)  }
0x702: {  	v59 =	vld [tilespmem:s14+$0xFFFFFFB0];
	v18 =	vadd.f32 v46, v50;
	(erf) = vrcp.f32 v26;
	v62 =	vadd.f32 $1.000000000e+00, v56;
	[tilespmem:s14+$0xFFFFFFA0] =	vst v15;
	v58 =	vpop (erf)  }
0x703: {  	(erf) = vpow2.f32 v8;
	v29 =	vadd.f32 $1.000000000e+00, v28;
	v61 =	vld [tilespmem:s20+$0xFFFFFFB0];
	v15 =	vmul.f32 v58, v16  }
0x704: {  	v63 =	vsub.f32 $0.0e+00, v18;
	v22 =	vadd.f32 v55, v57  }
0x705: {  	v30 =	vld [tilespmem:s23+$0xFFFFFFA0];
	(erf) = vrcp.f32 v62;
	v16 =	vmul.f32 $1.442695020e+00, v60;
	[tilespmem:s23+$0xFFFFFF90] =	vst v15  }
0x706: {  	(erf) = vrcp.f32 v29;
	v17 =	vmul.f32 $1.442695020e+00, v63;
	v32 =	vpop (erf);
	v33 =	vsub.f32 $0.0e+00, v22;
	v31 =	vld [tilespmem:s24+$0xFFFFFFA0]  }
0x707: {  	v15 =	vadd.f32 $1.000000000e+00, v32;
	(erf) = vpow2.f32 v16  }
0x708: {  	v34 =	vpop (erf);
	(erf) = vpow2.f32 v17;
	v21 =	vadd.f32 v59, v61;
	v35 =	vmul.f32 $1.442695020e+00, v33  }
0x709: {  	v36 =	vpop (erf);
	(erf) = vrcp.f32 v15  }
0x70a: {  	v38 =	vpop (erf);
	v37 =	vsub.f32 $0.0e+00, v21;
	(erf) = vpow2.f32 v35  }
0x70b: {  	v39 =	vpop (erf);
	v25 =	vadd.f32 $1.000000000e+00, v38;
	v24 =	vadd.f32 v30, v31  }
0x70c: {  	v40 =	vmul.f32 v36, v19;
	v41 =	vpop (erf);
	v15 =	vmul.f32 $1.442695020e+00, v37  }
0x70d: {  	v19 =	vadd.f32 $1.000000000e+00, v41;
	(erf) = vrcp.f32 v25;
	v42 =	vsub.f32 $0.0e+00, v24  }
0x70e: {  	v16 =	vadd.f32 $1.000000000e+00, v34;
	v43 =	vpop (erf);
	(erf) = vpow2.f32 v15  }
0x70f: {  	v46 =	vpop (erf);
	(erf) = vrcp.f32 v19;
	v44 =	vmul.f32 $1.442695020e+00, v42  }
0x710: {  	v45 =	vld [tilespmem:s23+$0x20];
	[tilespmem:s23+$0x10] =	vst v40;
	v47 =	vpop (erf);
	(erf) = vrcp.f32 v16  }
0x711: {  	v48 =	vld [tilespmem:s24+$0x20];
	v49 =	vpop (erf);
	(erf) = vpow2.f32 v44  }
0x712: {  	v9 =	vmul.f32 v39, v9;
	v8 =	vmul.f32 v43, v20;
	v50 =	vpop (erf)  }
0x713: {  	v52 =	vpop (erf)  }
0x714: {  	v51 =	vld [tilespmem:s9+$0x40];
	[tilespmem:s14+$0x20] =	vst v9;
	v15 =	vadd.f32 $1.000000000e+00, v49;
	v9 =	vadd.f32 $1.000000000e+00, v52  }
0x715: {  	v53 =	vld [tilespmem:s14+$0x30];
	v16 =	vadd.f32 $1.000000000e+00, v47  }
0x716: {  	v55 =	vld [tilespmem:s20+$0x30];
	[tilespmem:s9+$0x30] =	vst v8;
	v54 =	vmul.f32 v50, v14;
	v14 =	vadd.f32 v45, v48;
	(erf) = vrcp.f32 v15;
	v8 =	vpop (erf)  }
0x717: {  	v11 =	vmul.f32 v46, v11;
	v57 =	vld [tilespmem:s26+$0x40];
	(erf) = vrcp.f32 v16;
	v56 =	vpop (erf)  }
0x718: {  	v61 =	vld [tilespmem:s25+$0x50];
	v58 =	vsub.f32 $0.0e+00, v14;
	(erf) = vrcp.f32 v9;
	v9 =	vpop (erf)  }
0x719: {  	v7 =	vmul.f32 v10, v7;
	v30 =	vld [tilespmem:s13+$0x60];
	[tilespmem:s25+$0x40] =	vst v11;
	v16 =	vadd.f32 $1.000000000e+00, v56;
	v60 =	vpop (erf)  }
0x71a: {  	v63 =	vld [tilespmem:s16+$0x50];
	[tilespmem:s13+$0x50] =	vst v54;
	v20 =	vmul.f32 $1.442695020e+00, v58;
	v12 =	vmul.f32 v60, v12;
	v62 =	vpop (erf)  }
0x71b: {  	v15 =	vadd.f32 v53, v55;
	v59 =	vld [tilespmem:s1+$0x60];
	(erf) = vrcp.f32 v16;
	v29 =	vadd.f32 $1.000000000e+00, v62  }
0x71c: {  	v31 =	vld [tilespmem:s3+$0x70];
	v16 =	vadd.f32 v51, v57;
	(erf) = vpow2.f32 v20;
	[tilespmem:s3+$0x60] =	vst v12  }
0x71d: {  	[tilespmem:s3+$0xFFFFFFE0] =	vst v7;
	v19 =	vsub.f32 $0.0e+00, v15;
	v32 =	vld [tilespmem:s0+$0x70];
	(erf) = vrcp.f32 v29  }
0x71e: {  	v33 =	vld [tilespmem:s0+$0xFFFFFFF0];
	v36 =	vsub.f32 $0.0e+00, v16  }
0x71f: {  	v35 =	vld [tilespmem:s3+$0xFFFFFFF0];
	v19 =	vmul.f32 $1.442695020e+00, v19;
	v20 =	vadd.f32 v61, v63;
	v34 =	vpop (erf)  }
0x720: {  	v26 =	vadd.f32 v30, v59;
	v25 =	vpop (erf);
	v38 =	vmul.f32 $1.442695020e+00, v36  }
0x721: {  	v18 =	vmul.f32 v34, v18;
	v39 =	vsub.f32 $0.0e+00, v20;
	(erf) = vpow2.f32 v19;
	v37 =	vpop (erf)  }
0x722: {  	(erf) = vpow2.f32 v38;
	v10 =	vmul.f32 v37, v22;
	v7 =	vadd.f32 v31, v32  }
0x723: {  	v40 =	vld [tilespmem:s25+$0xFFFFFFE0];
	v42 =	vsub.f32 $0.0e+00, v26;
	[tilespmem:s25+$0xFFFFFFD0] =	vst v18  }
0x724: {  	v45 =	vld [tilespmem:s9+$0xFFFFFFD0];
	v43 =	vmul.f32 $1.442695020e+00, v39;
	v44 =	vpop (erf);
	[tilespmem:s9+$0xFFFFFFC0] =	vst v10;
	v10 =	vadd.f32 v35, v33;
	v47 =	vsub.f32 $0.0e+00, v7  }
0x725: {  	v19 =	vmul.f32 $1.442695020e+00, v42;
	v41 =	vld [tilespmem:s16+$0xFFFFFFE0];
	v46 =	vmul.f32 v44, v21;
	v48 =	vpop (erf)  }
0x726: {  	(erf) = vpow2.f32 v43;
	v49 =	vld [tilespmem:s26+$0xFFFFFFD0];
	v51 =	vsub.f32 $0.0e+00, v10;
	v52 =	vmul.f32 $1.442695020e+00, v47;
	v50 =	vpop (erf)  }
0x727: {  	v53 =	vld [tilespmem:s14+$0xFFFFFFC0];
	(erf) = vpow2.f32 v19;
	v54 =	vadd.f32 $1.000000000e+00, v48;
	[tilespmem:s14+$0xFFFFFFB0] =	vst v46;
	v11 =	vmul.f32 v50, v24  }
0x728: {  	v55 =	vmul.f32 $1.442695020e+00, v51;
	v56 =	vld [tilespmem:s20+$0xFFFFFFC0];
	(erf) = vpow2.f32 v52  }
0x729: {  	v57 =	vld [tilespmem:s23+$0xFFFFFFB0];
	(erf) = vrcp.f32 v54;
	[tilespmem:s23+$0xFFFFFFA0] =	vst v11  }
0x72a: {  	v17 =	vadd.f32 v40, v41;
	v60 =	vpop (erf);
	(erf) = vpow2.f32 v55;
	v58 =	vld [tilespmem:s24+$0xFFFFFFB0]  }
0x72b: {  	v19 =	vadd.f32 v45, v49;
	v22 =	vadd.f32 $1.000000000e+00, v60;
	v61 =	vpop (erf)  }
0x72c: {  	v59 =	vsub.f32 $0.0e+00, v17;
	v23 =	vadd.f32 $1.000000000e+00, v61  }
0x72d: {  	v27 =	vsub.f32 $0.0e+00, v19;
	(erf) = vrcp.f32 v22;
	v18 =	vadd.f32 v53, v56  }
0x72e: {  	v21 =	vmul.f32 $1.442695020e+00, v59;
	(erf) = vrcp.f32 v23  }
0x72f: {  	v63 =	vpop (erf);
	v62 =	vmul.f32 $1.442695020e+00, v27;
	v24 =	vsub.f32 $0.0e+00, v18;
	v27 =	vadd.f32 v57, v58  }
0x730: {  	v30 =	vadd.f32 $1.000000000e+00, v63;
	v31 =	vpop (erf);
	(erf) = vpow2.f32 v21  }
0x731: {  	(erf) = vpow2.f32 v62;
	v32 =	vmul.f32 $1.442695020e+00, v24;
	v34 =	vpop (erf);
	v33 =	vsub.f32 $0.0e+00, v27  }
0x732: {  	(erf) = vrcp.f32 v30;
	v35 =	vpop (erf);
	v36 =	vadd.f32 $1.000000000e+00, v34  }
0x733: {  	(erf) = vpow2.f32 v32;
	v38 =	vpop (erf);
	v37 =	vmul.f32 $1.442695020e+00, v33  }
0x734: {  	v22 =	vadd.f32 $1.000000000e+00, v38;
	(erf) = vrcp.f32 v36  }
0x735: {  	v39 =	vadd.f32 $1.000000000e+00, v31;
	(erf) = vpow2.f32 v37  }
0x736: {  	(erf) = vrcp.f32 v22  }
0x737: {  	v13 =	vmul.f32 v25, v13;
	v40 =	vpop (erf);
	(erf) = vrcp.f32 v39  }
0x738: {  	v41 =	vpop (erf)  }
0x739: {  	[tilespmem:s13+$0xFFFFFFE0] =	vst v13;
	v42 =	vpop (erf)  }
0x73a: {  	v46 =	vld [tilespmem:s1+$0xFFFFFFF0];
	v14 =	vmul.f32 v35, v14;
	v43 =	vpop (erf)  }
0x73b: {  	v50 =	vld [tilespmem:s14+$0x40];
	v45 =	vmul.f32 v40, v15;
	v29 =	vpop (erf)  }
0x73c: {  	v52 =	vld [tilespmem:s23+$0x30];
	[tilespmem:s23+$0x20] =	vst v14;
	v47 =	vadd.f32 $1.000000000e+00, v43;
	v30 =	vpop (erf)  }
0x73d: {  	v54 =	vld [tilespmem:s24+$0x30];
	[tilespmem:s14+$0x30] =	vst v45;
	v49 =	vadd.f32 $1.000000000e+00, v42;
	v12 =	vpop (erf)  }
0x73e: {  	v53 =	vmul.f32 v41, v16;
	v55 =	vld [tilespmem:s20+$0x40];
	(erf) = vrcp.f32 v47;
	v51 =	vadd.f32 $1.000000000e+00, v30;
	v31 =	vpop (erf)  }
0x73f: {  	v60 =	vld [tilespmem:s25+$0x60];
	(erf) = vrcp.f32 v49;
	v11 =	vpop (erf)  }
0x740: {  	v58 =	vld [tilespmem:s9+$0x50];
	[tilespmem:s9+$0x40] =	vst v53;
	v20 =	vmul.f32 v29, v20;
	(erf) = vrcp.f32 v51;
	v56 =	vadd.f32 $1.000000000e+00, v31;
	v44 =	vpop (erf)  }
0x741: {  	v59 =	vld [tilespmem:s26+$0x50];
	v25 =	vmul.f32 v44, v26  }
0x742: {  	v61 =	vld [tilespmem:s13+$0x70];
	v21 =	vadd.f32 v52, v54;
	[tilespmem:s25+$0x50] =	vst v20;
	(erf) = vrcp.f32 v56  }
0x743: {  	v57 =	vld [tilespmem:s16+$0x60];
	v23 =	vadd.f32 v50, v55;
	[tilespmem:s13+$0x60] =	vst v25  }
0x744: {  	v63 =	vsub.f32 $0.0e+00, v21;
	v48 =	vld [tilespmem:s1+$0x70]  }
0x745: {  	v62 =	vld [tilespmem:s13+$0xFFFFFFF0];
	v33 =	vsub.f32 $0.0e+00, v23  }
0x746: {  	v20 =	vadd.f32 v58, v59;
	v34 =	vmul.f32 $1.442695020e+00, v63  }
0x747: {  	v36 =	vmul.f32 $1.442695020e+00, v33;
	v32 =	vpop (erf)  }
0x748: {  	v38 =	vsub.f32 $0.0e+00, v20;
	v30 =	vadd.f32 v60, v57;
	(erf) = vpow2.f32 v34;
	v28 =	vpop (erf)  }
0x749: {  	(erf) = vpow2.f32 v36;
	v19 =	vmul.f32 v32, v19;
	v35 =	vpop (erf);
	v14 =	vadd.f32 v61, v48  }
0x74a: {  	v13 =	vadd.f32 v62, v46;
	v37 =	vld [tilespmem:s9+$0xFFFFFFE0];
	v40 =	vsub.f32 $0.0e+00, v30;
	v18 =	vmul.f32 v35, v18  }
0x74b: {  	v43 =	vld [tilespmem:s14+$0xFFFFFFD0];
	v42 =	vmul.f32 $1.442695020e+00, v38;
	[tilespmem:s9+$0xFFFFFFD0] =	vst v19;
	v41 =	vpop (erf);
	v44 =	vsub.f32 $0.0e+00, v14  }
0x74c: {  	v45 =	vsub.f32 $0.0e+00, v13;
	v22 =	vmul.f32 $1.442695020e+00, v40;
	v39 =	vld [tilespmem:s26+$0xFFFFFFE0];
	[tilespmem:s14+$0xFFFFFFC0] =	vst v18;
	v16 =	vmul.f32 v41, v27  }
0x74d: {  	(erf) = vpow2.f32 v42;
	v46 =	vld [tilespmem:s20+$0xFFFFFFD0];
	v47 =	vmul.f32 $1.442695020e+00, v44  }
0x74e: {  	v49 =	vld [tilespmem:s23+$0xFFFFFFC0];
	(erf) = vpow2.f32 v22;
	v48 =	vmul.f32 $1.442695020e+00, v45;
	[tilespmem:s23+$0xFFFFFFB0] =	vst v16  }
0x74f: {  	v50 =	vld [tilespmem:s24+$0xFFFFFFC0];
	(erf) = vpow2.f32 v47  }
0x750: {  	(erf) = vpow2.f32 v48  }
0x751: {  	v51 =	vpop (erf);
	v26 =	vadd.f32 v37, v39  }
0x752: {  	v52 =	vpop (erf);
	v16 =	vadd.f32 $1.000000000e+00, v51;
	v18 =	vadd.f32 v43, v46  }
0x753: {  	v19 =	vadd.f32 $1.000000000e+00, v52;
	v15 =	vsub.f32 $0.0e+00, v26  }
0x754: {  	v24 =	vsub.f32 $0.0e+00, v18;
	v22 =	vadd.f32 v49, v50  }
0x755: {  	v15 =	vmul.f32 $1.442695020e+00, v15;
	(erf) = vrcp.f32 v16  }
0x756: {  	v54 =	vpop (erf);
	(erf) = vrcp.f32 v19;
	v53 =	vmul.f32 $1.442695020e+00, v24;
	v55 =	vsub.f32 $0.0e+00, v22  }
0x757: {  	v56 =	vpop (erf);
	v19 =	vadd.f32 $1.000000000e+00, v54;
	(erf) = vpow2.f32 v15  }
0x758: {  	(erf) = vpow2.f32 v53;
	v57 =	vmul.f32 $1.442695020e+00, v55;
	v58 =	vpop (erf)  }
0x759: {  	(erf) = vrcp.f32 v19;
	v59 =	vadd.f32 $1.000000000e+00, v58;
	v60 =	vpop (erf)  }
0x75a: {  	(erf) = vpow2.f32 v57;
	v61 =	vadd.f32 $1.000000000e+00, v60  }
0x75b: {  	v15 =	vadd.f32 $1.000000000e+00, v56;
	(erf) = vrcp.f32 v59  }
0x75c: {  	(erf) = vrcp.f32 v61  }
0x75d: {  	(erf) = vrcp.f32 v15  }
0x75e: {  	v62 =	vpop (erf)  }
0x75f: {  	v17 =	vmul.f32 v28, v17;
	v63 =	vpop (erf)  }
0x760: {  	v33 =	vpop (erf)  }
0x761: {  	[tilespmem:s25+$0xFFFFFFE0] =	vst v17;
	v34 =	vpop (erf)  }
0x762: {  	v39 =	vld [tilespmem:s16+$0xFFFFFFF0];
	v35 =	vpop (erf)  }
0x763: {  	v47 =	vld [tilespmem:s14+$0x50];
	v38 =	vmul.f32 v62, v21;
	v40 =	vadd.f32 $1.000000000e+00, v34;
	v36 =	vpop (erf)  }
0x764: {  	v43 =	vld [tilespmem:s23+$0x40];
	v23 =	vmul.f32 v63, v23;
	v42 =	vadd.f32 $1.000000000e+00, v33;
	v16 =	vpop (erf)  }
0x765: {  	v49 =	vld [tilespmem:s9+$0x60];
	[tilespmem:s23+$0x30] =	vst v38;
	(erf) = vrcp.f32 v40;
	v44 =	vadd.f32 $1.000000000e+00, v36;
	v15 =	vpop (erf)  }
0x766: {  	v45 =	vld [tilespmem:s24+$0x40];
	[tilespmem:s14+$0x40] =	vst v23;
	v20 =	vmul.f32 v35, v20;
	(erf) = vrcp.f32 v42;
	v37 =	vpop (erf)  }
0x767: {  	v48 =	vld [tilespmem:s20+$0x50];
	(erf) = vrcp.f32 v44;
	v28 =	vmul.f32 v37, v30  }
0x768: {  	v50 =	vld [tilespmem:s25+$0x70];
	[tilespmem:s9+$0x50] =	vst v20  }
0x769: {  	v46 =	vld [tilespmem:s26+$0x60];
	[tilespmem:s25+$0x60] =	vst v28  }
0x76a: {  	v41 =	vld [tilespmem:s16+$0x70]  }
0x76b: {  	v51 =	vld [tilespmem:s25+$0xFFFFFFF0];
	v24 =	vadd.f32 v43, v45  }
0x76c: {  	v21 =	vadd.f32 v47, v48  }
0x76d: {  	v25 =	vsub.f32 $0.0e+00, v24  }
0x76e: {  	v55 =	vsub.f32 $0.0e+00, v21;
	v23 =	vadd.f32 v49, v46;
	v52 =	vpop (erf)  }
0x76f: {  	v25 =	vmul.f32 $1.442695020e+00, v25;
	v53 =	vmul.f32 v52, v18;
	v54 =	vpop (erf);
	v18 =	vadd.f32 v50, v41  }
0x770: {  	v17 =	vadd.f32 v51, v39;
	v59 =	vmul.f32 $1.442695020e+00, v55;
	v56 =	vsub.f32 $0.0e+00, v23;
	v32 =	vpop (erf)  }
0x771: {  	v58 =	vld [tilespmem:s14+$0xFFFFFFE0];
	(erf) = vpow2.f32 v25;
	v57 =	vmul.f32 v32, v22;
	v27 =	vsub.f32 $0.0e+00, v18  }
0x772: {  	v60 =	vsub.f32 $0.0e+00, v17;
	v62 =	vld [tilespmem:s23+$0xFFFFFFD0];
	v19 =	vmul.f32 $1.442695020e+00, v56;
	[tilespmem:s14+$0xFFFFFFD0] =	vst v53  }
0x773: {  	(erf) = vpow2.f32 v59;
	v61 =	vld [tilespmem:s20+$0xFFFFFFE0];
	[tilespmem:s23+$0xFFFFFFC0] =	vst v57;
	v63 =	vmul.f32 $1.442695020e+00, v27  }
0x774: {  	v32 =	vmul.f32 $1.442695020e+00, v60;
	(erf) = vpow2.f32 v19;
	v33 =	vld [tilespmem:s24+$0xFFFFFFD0]  }
0x775: {  	(erf) = vpow2.f32 v63  }
0x776: {  	(erf) = vpow2.f32 v32;
	_ =	sdelay $0x1  }
0x777: {  	v22 =	vadd.f32 v58, v61  }
0x778: {  	v34 =	vadd.f32 v62, v33  }
0x779: {  	v36 =	vpop (erf);
	v35 =	vsub.f32 $0.0e+00, v22  }
0x77a: {  	v20 =	vadd.f32 $1.000000000e+00, v36;
	v37 =	vsub.f32 $0.0e+00, v34  }
0x77b: {  	v38 =	vpop (erf);
	v19 =	vmul.f32 $1.442695020e+00, v35  }
0x77c: {  	(erf) = vrcp.f32 v20;
	v39 =	vpop (erf);
	v27 =	vmul.f32 $1.442695020e+00, v37  }
0x77d: {  	v28 =	vadd.f32 $1.000000000e+00, v38;
	(erf) = vpow2.f32 v19;
	v40 =	vpop (erf)  }
0x77e: {  	(erf) = vpow2.f32 v27;
	v19 =	vadd.f32 $1.000000000e+00, v40;
	v41 =	vpop (erf)  }
0x77f: {  	(erf) = vrcp.f32 v28;
	v27 =	vadd.f32 $1.000000000e+00, v41  }
0x780: {  	v20 =	vadd.f32 $1.000000000e+00, v39;
	(erf) = vrcp.f32 v19  }
0x781: {  	(erf) = vrcp.f32 v27  }
0x782: {  	(erf) = vrcp.f32 v20;
	_ =	sdelay $0x2  }
0x783: {  	v42 =	vpop (erf)  }
0x784: {  	v43 =	vpop (erf)  }
0x785: {  	v44 =	vpop (erf)  }
0x786: {  	v51 =	vld [tilespmem:s14+$0x60];
	v45 =	vpop (erf)  }
0x787: {  	v48 =	vld [tilespmem:s9+$0xFFFFFFF0];
	v26 =	vmul.f32 v54, v26;
	v20 =	vpop (erf)  }
0x788: {  	v49 =	vld [tilespmem:s23+$0x50];
	v24 =	vmul.f32 v42, v24;
	v47 =	vadd.f32 $1.000000000e+00, v44;
	v19 =	vpop (erf)  }
0x789: {  	v52 =	vld [tilespmem:s9+$0x70];
	[tilespmem:s9+$0xFFFFFFE0] =	vst v26;
	v21 =	vmul.f32 v45, v21;
	v46 =	vpop (erf)  }
0x78a: {  	v26 =	vld [tilespmem:s26+$0xFFFFFFF0];
	[tilespmem:s23+$0x40] =	vst v24;
	(erf) = vrcp.f32 v47;
	v23 =	vmul.f32 v46, v23  }
0x78b: {  	v50 =	vld [tilespmem:s24+$0x50];
	[tilespmem:s14+$0x50] =	vst v21  }
0x78c: {  	v21 =	vld [tilespmem:s20+$0x60];
	[tilespmem:s9+$0x60] =	vst v23  }
0x78d: {  	v23 =	vld [tilespmem:s26+$0x70];
	_ =	sdelay $0x2  }
0x78e: {  	v24 =	vadd.f32 v49, v50  }
0x78f: {  	v26 =	vadd.f32 v48, v26;
	v21 =	vadd.f32 v51, v21  }
0x790: {  	v54 =	vsub.f32 $0.0e+00, v24;
	v23 =	vadd.f32 v52, v23  }
0x791: {  	v28 =	vadd.f32 $1.000000000e+00, v43;
	v55 =	vsub.f32 $0.0e+00, v21;
	v53 =	vpop (erf)  }
0x792: {  	v29 =	vmul.f32 $1.442695020e+00, v54;
	v25 =	vmul.f32 v53, v34;
	v56 =	vsub.f32 $0.0e+00, v23  }
0x793: {  	v57 =	vsub.f32 $0.0e+00, v26;
	(erf) = vrcp.f32 v28;
	v58 =	vmul.f32 $1.442695020e+00, v55  }
0x794: {  	v59 =	vld [tilespmem:s23+$0xFFFFFFE0];
	(erf) = vpow2.f32 v29;
	[tilespmem:s23+$0xFFFFFFD0] =	vst v25;
	v60 =	vmul.f32 $1.442695020e+00, v56  }
0x795: {  	v61 =	vmul.f32 $1.442695020e+00, v57;
	(erf) = vpow2.f32 v58;
	v62 =	vld [tilespmem:s24+$0xFFFFFFE0]  }
0x796: {  	(erf) = vpow2.f32 v60  }
0x797: {  	(erf) = vpow2.f32 v61;
	_ =	sdelay $0x2  }
0x798: {  	v63 =	vadd.f32 v59, v62;
	_ =	sdelay $0x1  }
0x799: {  	v33 =	vpop (erf);
	v34 =	vsub.f32 $0.0e+00, v63  }
0x79a: {  	v35 =	vpop (erf)  }
0x79b: {  	v36 =	vpop (erf);
	v28 =	vmul.f32 $1.442695020e+00, v34  }
0x79c: {  	v29 =	vadd.f32 $1.000000000e+00, v35;
	v37 =	vpop (erf)  }
0x79d: {  	(erf) = vpow2.f32 v28;
	v38 =	vadd.f32 $1.000000000e+00, v37;
	v39 =	vpop (erf)  }
0x79e: {  	(erf) = vrcp.f32 v29;
	v40 =	vadd.f32 $1.000000000e+00, v39  }
0x79f: {  	v30 =	vadd.f32 $1.000000000e+00, v36;
	(erf) = vrcp.f32 v38  }
0x7a0: {  	(erf) = vrcp.f32 v40  }
0x7a1: {  	(erf) = vrcp.f32 v30;
	_ =	sdelay $0x4  }
0x7a2: {  	v41 =	vpop (erf)  }
0x7a3: {  	v42 =	vpop (erf)  }
0x7a4: {  	v43 =	vpop (erf)  }
0x7a5: {  	v22 =	vmul.f32 v33, v22;
	v44 =	vpop (erf)  }
0x7a6: {  	v48 =	vld [tilespmem:s23+$0x60];
	v46 =	vmul.f32 v42, v24;
	v45 =	vpop (erf)  }
0x7a7: {  	v49 =	vld [tilespmem:s14+$0x70];
	[tilespmem:s14+$0xFFFFFFE0] =	vst v22;
	v21 =	vmul.f32 v45, v21  }
0x7a8: {  	v50 =	vld [tilespmem:s14+$0xFFFFFFF0];
	[tilespmem:s23+$0x50] =	vst v46  }
0x7a9: {  	v22 =	vld [tilespmem:s24+$0x60];
	[tilespmem:s14+$0x60] =	vst v21  }
0x7aa: {  	v21 =	vld [tilespmem:s20+$0x70]  }
0x7ab: {  	v47 =	vld [tilespmem:s20+$0xFFFFFFF0];
	_ =	sdelay $0x2  }
0x7ac: {  	v22 =	vadd.f32 v48, v22  }
0x7ad: {  	v21 =	vadd.f32 v49, v21  }
0x7ae: {  	v24 =	vadd.f32 v50, v47;
	v27 =	vsub.f32 $0.0e+00, v22  }
0x7af: {  	v28 =	vadd.f32 $1.000000000e+00, v41;
	v29 =	vsub.f32 $0.0e+00, v21  }
0x7b0: {  	v32 =	vsub.f32 $0.0e+00, v24;
	v27 =	vmul.f32 $1.442695020e+00, v27  }
0x7b1: {  	(erf) = vrcp.f32 v28;
	v51 =	vmul.f32 $1.442695020e+00, v29  }
0x7b2: {  	v52 =	vmul.f32 $1.442695020e+00, v32;
	(erf) = vpow2.f32 v27  }
0x7b3: {  	(erf) = vpow2.f32 v51  }
0x7b4: {  	(erf) = vpow2.f32 v52;
	_ =	sdelay $0x5  }
0x7b5: {  	v53 =	vpop (erf)  }
0x7b6: {  	v54 =	vpop (erf)  }
0x7b7: {  	v55 =	vpop (erf)  }
0x7b8: {  	v29 =	vadd.f32 $1.000000000e+00, v55;
	v56 =	vpop (erf)  }
0x7b9: {  	v32 =	vadd.f32 $1.000000000e+00, v56  }
0x7ba: {  	v28 =	vadd.f32 $1.000000000e+00, v54;
	(erf) = vrcp.f32 v29  }
0x7bb: {  	(erf) = vrcp.f32 v32  }
0x7bc: {  	(erf) = vrcp.f32 v28;
	_ =	sdelay $0x6  }
0x7bd: {  	v57 =	vpop (erf)  }
0x7be: {  	v58 =	vpop (erf)  }
0x7bf: {  	v59 =	vpop (erf)  }
0x7c0: {  	v22 =	vmul.f32 v59, v22  }
0x7c1: {  	v60 =	vld [tilespmem:s23+$0x70];
	v25 =	vmul.f32 v53, v63  }
0x7c2: {  	v61 =	vld [tilespmem:s23+$0xFFFFFFF0];
	[tilespmem:s23+$0x60] =	vst v22  }
0x7c3: {  	[tilespmem:s23+$0xFFFFFFE0] =	vst v25;
	v22 =	vld [tilespmem:s24+$0x70]  }
0x7c4: {  	v25 =	vld [tilespmem:s24+$0xFFFFFFF0];
	_ =	sdelay $0x3  }
0x7c5: {  	v22 =	vadd.f32 v60, v22  }
0x7c6: {  	v25 =	vadd.f32 v61, v25  }
0x7c7: {  	v27 =	vsub.f32 $0.0e+00, v22  }
0x7c8: {  	v32 =	vsub.f32 $0.0e+00, v25  }
0x7c9: {  	v27 =	vmul.f32 $1.442695020e+00, v27  }
0x7ca: {  	v32 =	vmul.f32 $1.442695020e+00, v32  }
0x7cb: {  	(erf) = vpow2.f32 v27  }
0x7cc: {  	(erf) = vpow2.f32 v32;
	_ =	sdelay $0x6  }
0x7cd: {  	v2 =	vmul.f32 v4, v2  }
0x7ce: {  	v1 =	vmul.f32 v5, v1;
	v62 =	vpop (erf)  }
0x7cf: {  	[tilespmem:s8+$0x70] =	vst v2;
	v2 =	vmul.f32 v8, v6;
	v4 =	vadd.f32 $1.000000000e+00, v62;
	v63 =	vpop (erf)  }
0x7d0: {  	[tilespmem:s8+$0xFFFFFFF0] =	vst v1;
	v1 =	vmul.f32 v9, v3;
	v3 =	vadd.f32 $1.000000000e+00, v63  }
0x7d1: {  	[tilespmem:s15+$0x70] =	vst v2;
	v2 =	vmul.f32 v12, v7;
	(erf) = vrcp.f32 v4  }
0x7d2: {  	[tilespmem:s15+$0xFFFFFFF0] =	vst v1;
	v1 =	vmul.f32 v11, v10;
	(erf) = vrcp.f32 v3  }
0x7d3: {  	[tilespmem:s3+$0x70] =	vst v2;
	v2 =	vmul.f32 v16, v14  }
0x7d4: {  	[tilespmem:s3+$0xFFFFFFF0] =	vst v1;
	v1 =	vmul.f32 v15, v13  }
0x7d5: {  	[tilespmem:s13+$0x70] =	vst v2;
	v2 =	vmul.f32 v20, v18  }
0x7d6: {  	[tilespmem:s13+$0xFFFFFFF0] =	vst v1;
	v1 =	vmul.f32 v19, v17  }
0x7d7: {  	[tilespmem:s25+$0x70] =	vst v2;
	v2 =	vmul.f32 v43, v23  }
0x7d8: {  	[tilespmem:s25+$0xFFFFFFF0] =	vst v1;
	v1 =	vmul.f32 v44, v26  }
0x7d9: {  	[tilespmem:s9+$0x70] =	vst v2;
	v2 =	vmul.f32 v57, v21  }
0x7da: {  	[tilespmem:s9+$0xFFFFFFF0] =	vst v1;
	v1 =	vmul.f32 v58, v24;
	v3 =	vpop (erf)  }
0x7db: {  	[tilespmem:s14+$0x70] =	vst v2;
	v2 =	vmul.f32 v3, v22;
	v3 =	vpop (erf)  }
0x7dc: {  	[tilespmem:s14+$0xFFFFFFF0] =	vst v1;
	v1 =	vmul.f32 v3, v25  }
0x7dd: {  	[tilespmem:s23+$0x70] =	vst v2  }
0x7de: {  	[tilespmem:s23+$0xFFFFFFF0] =	vst v1  }
0x7df: {  	_ =	swait.ge [sflag:s19], $0x50  }
0x7e0: {  	[sflag:s19] =	ssyncset.done $0x0  }
0x7e1: {  	[sflag:s19] =	ssyncadd.s32 $0xFFFFFFB0  }
0x7e2: {  	s18 =	simm.s32 $0x5200;
	s23 =	simm.s32 $0x100;
	s21 =	rddreg [dreg:$0x1]  }
0x7e3: {  	[spmem:s21] =	stream.indirect.scatter.add.f32 [tilespmem:s18], [sflag:$0x5], $0x80, s23, s12, $0xb8;
	[tilespmem:$0x1DA80] =	vst v63  }
0x7e4: {  	_ =	swait.ge [sflag:s22], $0x2800  }
0x7e5: {  	[sflag:s22] =	ssyncset.done $0x0  }
0x7e6: {  	[sflag:s22] =	ssyncadd.s32 $0xFFFFD800  }
0x7e7: {  	s24 =	stileid.u32;
	[bflag:$0x0] =	sbarrier.arrive $0xFFFF  }
0x7e8: {  	s8 =	simm.s32 $0xB;
	s0 =	sshll.u32 s24, $0x6;
	s16 =	rddreg [dreg:$0x3]  }
0x7e9: {  	s0 =	sor.u32 $0x1C0B, s0;
	s26 =	rddreg [dreg:$0xc];
	s25 =	sshrl.u32 s16, $0x3  }
0x7ea: {  	[hbm:s26], [sflag:s0] =	dma.local [spmem:s25], $0x2700  }
0x7eb: {  	_ =	swait.ge [sflag:s8], $0x2700  }
0x7ec: {  	[sflag:s8] =	ssyncset.done $0x0;
	s1 =	rddreg [dreg:$0xd]  }
0x7ed: {  	s3 =	rddreg [dreg:$0x13];
	[sflag:s8] =	ssyncadd.s32 $0xFFFFD900  }
0x7ee: {  	[hbm:s1], [sflag:s0] =	dma.local @!p0 [spmem:s3], $0x80  }
0x7ef: {  	s0 =	simm.s32 @!p0 $0xB  }
0x7f0: {  	_ =	swait.ge @!p0 [sflag:s0], $0x80  }
0x7f1: {  	s30 =	rddreg [dreg:$0x17]  }
0x7f2: {  	s31 =	rddreg [dreg:$0x12];
	s3 =	sadd.s32 $0x1, s30  }
0x7f3: {  	p1 =	sne.s32 s3, s31  }
.Ltmp6:
0x7f4: {  	_ = 	snop;
	(pc) =	sbr.rel @p1 .LBB2_1-.Ltmp6, $3  }
0x7f5: {  	_ =	sdelay $0x1  }
0x7f6: {  	[sflag:s0] =	ssyncset.done @!p0 $0x0  }
0x7f7: {  	[sflag:s0] =	ssyncadd.s32 @!p0 $0xFFFFFF80  }
0x7f8: {  	_ =	sfence.sel $0x180000  }
0x7f9: {  	[bflag:$0x0] =	sbarrier.arrive $0xFFFF  }
0x7fa: {  	_ =	strace $0x90000047  }
0x7fb: {  	s0 =	stileid.u32;
	[bflag:$0x2] =	sbarrier.arrive $0xFFFF  }
0x7fc: {  	p0 =	sne.s32 s0, $0x0;
	s0 =	rddreg [dreg:$0x2]  }
0x7fd: {  	s0 =	sadd.s32 @!p0 $0x100000, s0  }
0x7fe: {  	[sflag:s0] =	ssyncadd.tile.s32 @!p0 $0x1;
	_ =	shalt  }
.Lfunc_end2:
_tile_overlayer_lowered:
.L_overlay_start_2:
0x7ff: {  	(tag) =	ssettag $0x2  }
0x800: {  	s0 =	rddreg [dreg:$0x0];
	s2 =	stileid.u32  }
0x801: {  	s1 =	rddreg [dreg:$0x1];
	p0 =	sne.s32 s2, $0x0  }
0x802: {  	s3 =	rddreg [dreg:$0x2];
	[bflag:$0x3] =	sbarrier.arrive $0xFFFF;
	s2 =	simm.s32 @!p0 $0x1C0B  }
0x803: {  	[timem:s3], [sflag:s2] =	dma.local @!p0 [hbm:s0], s1  }
0x804: {  	s0 =	simm.s32 @!p0 $0xB  }
0x805: {  	_ =	swait.ge @!p0 [sflag:s0], s1  }
0x806: {  	s1 =	ssub.s32 @!p0 $0x0, s1;
	[sflag:s0] =	ssyncset.done @!p0 $0x0  }
0x807: {  	[sflag:s0] =	ssyncadd.s32 @!p0 s1  }
0x808: {  	[bflag:$0x3] =	sbarrier.arrive $0xFFFF  }
0x809: {  	_ =	shalt  }

</sc_bundles>
